<compile_context>
chip_gen: v7x
topology: tpu7x:2x2x1
jax: 0.10.2.dev20260603
libtpu: 0.0.44.dev20260713+nightly
codegen_flags: <defaults>
</compile_context>

<pallas_src>
import jax
import jax.numpy as jnp
from jax import lax
from jax.experimental import pallas as pl
from jax.experimental.pallas import tpu as pltpu
from jax.experimental.pallas import tpu_sc as plsc

B, F, D = 1024, 26, 128
P = F * (F - 1) // 2
NW = 32
BPW = B // NW
NL = 16
NCH = D // NL
OUTW = BPW * P
OUTPAD = OUTW + NL
G = 4

_BLOCKS = [(i0, min(G, F - i0)) for i0 in range(0, F, G)]


def _off(i):
    return i * (F - 1) - i * (i - 1) // 2


def _dot8(xa, xb):
    p = [xa[k] * xb[k] for k in range(NCH)]
    while len(p) > 1:
        q = [p[2 * t] + p[2 * t + 1] for t in range(len(p) // 2)]
        if len(p) % 2:
            q.append(p[-1])
        p = q
    return p[0]


def _sc_body(x_hbm, out_hbm, in_buf, out_buf):
    wid = lax.axis_index("s") * 2 + lax.axis_index("c")
    pltpu.sync_copy(x_hbm.at[pl.ds(wid * BPW, BPW)], in_buf)
    lane0 = lax.iota(jnp.int32, NL) == 0

    def store_at(pos, v):
        plsc.store_compressed(
            out_buf.at[pl.ds(pos, NL)], jnp.full((NL,), v), mask=lane0
        )

    def body_b(b, _):
        rowbase = b * P
        for i0, g in _BLOCKS:
            held = [
                [in_buf[b, i0 + t, pl.ds(k * NL, NL)] for k in range(NCH)]
                for t in range(g)
            ]
            for ta in range(g):
                for tb in range(ta + 1, g):
                    i, j = i0 + ta, i0 + tb
                    store_at(rowbase + _off(i) + (j - i - 1),
                             jnp.sum(_dot8(held[ta], held[tb])))
            jlo = i0 + g
            if jlo >= F:
                continue

            def body_j(jo, _, i0=i0, g=g, jlo=jlo, held=held, rowbase=rowbase):
                j = jo + jlo
                xj = [in_buf[b, j, pl.ds(k * NL, NL)] for k in range(NCH)]
                for t in range(g):
                    i = i0 + t
                    store_at(rowbase + _off(i) + (jlo - i - 1) + jo,
                             jnp.sum(_dot8(held[t], xj)))
                return 0

            lax.fori_loop(0, F - jlo, body_j, 0, unroll=2)
        return 0

    lax.fori_loop(0, BPW, body_b, 0)
    pltpu.sync_copy(out_buf.at[pl.ds(0, OUTW)], out_hbm.at[pl.ds(wid * OUTW, OUTW)])


def kernel(x):
    mesh = plsc.VectorSubcoreMesh(core_axis_name="c", subcore_axis_name="s")
    out_flat = pl.kernel(
        _sc_body,
        mesh=mesh,
        compiler_params=pltpu.CompilerParams(
            needs_layout_passes=False, use_tc_tiling_on_sc=False
        ),
        out_type=jax.ShapeDtypeStruct((B * P,), jnp.float32),
        scratch_types=[
            pltpu.VMEM((BPW, F, D), jnp.float32),
            pltpu.VMEM((OUTPAD,), jnp.float32),
        ],
    )(x)
    return out_flat.reshape(B, P)

# --- scband reference (transcript-rebuilt; emitter-appended) ---
"""Pipeline reference for scband-inner-product-network-3126736191878 (READ-ONLY COPY).

The authoritative reference and input builder live on the scoring server;
editing this copy changes nothing except your own understanding.
"""

import jax, jax.numpy as jnp
import numpy as np


def setup_inputs(seed: int = 0) -> dict:
    key = jax.random.key(seed)
    x = jax.random.normal(key, (1024, 26, 128), dtype=jnp.float32)
    return {"x": x}


def reference(x):
    # x: (batch_size, num_fields, embed_dim)
    num_fields = x.shape[1]
    row, col = np.triu_indices(num_fields, k=1)
    row = jnp.asarray(row, dtype=jnp.int32)
    col = jnp.asarray(col, dtype=jnp.int32)
    x_row = jnp.take(x, row, axis=1)  # (B, P, D)
    x_col = jnp.take(x, col, axis=1)  # (B, P, D)
    return jnp.sum(x_row * x_col, axis=2)  # (B, P)

if __name__ == "__main__":
    import jax
    _d = setup_inputs()
    print(jax.jit(kernel)(*tuple(_d.values())))

</pallas_src>

<mosaic_0001>
#map = affine_map<(d0, d1) -> (0, 0, 0)>
#map1 = affine_map<(d0, d1) -> (0)>
module attributes {stable_mosaic.version = 14 : i64} {
  func.func @_sc_body(%arg0: i32, %arg1: i32, %arg2: memref<1024x26x128xf32, #tpu.memory_space<hbm>>, %arg3: memref<332800xf32, #tpu.memory_space<hbm>>, %arg4: memref<32x26x128xf32, #tpu.memory_space<vmem>>, %arg5: memref<10416xf32, #tpu.memory_space<vmem>>) attributes {dimension_semantics = [#tpu.dimension_semantics<core_parallel>, #tpu.dimension_semantics<subcore_parallel>], iteration_bounds = array<i64: 2, 16>, scalar_prefetch = 0 : i64, scratch_operands = 2 : i64, tpu.core_type = #tpu.core_type<sc_vector_subcore>, window_params = [{transform_indices = #map}, {transform_indices = #map1}]} {
    %mul3A = arith.constant 2 : i32
    %mul3A_0 = arith.muli %arg1, %mul3A : i32
    %add3A = arith.addi %mul3A_0, %arg0 : i32
    %mul3A_1 = arith.constant 32 : i32
    %mul3A_2 = arith.muli %add3A, %mul3A_1 : i32
    "tpu.region"() ({
      %run_scoped3A = tpu.sem_alloc : memref<!tpu.dma_semaphore, #tpu.memory_space<semaphore_mem>>
      %dma_start3A = arith.constant 0 : i32
      %dma_start3A_13 = arith.constant 0 : i32
      %dma_start3A_14 = tpu.memref_slice %arg2[%mul3A_2, %dma_start3A, %dma_start3A_13] : memref<1024x26x128xf32, #tpu.memory_space<hbm>> -> memref<32x26x128xf32, #tpu.memory_space<hbm>>
      %dma_start3A_15 = arith.constant 0 : i32
      %dma_start3A_16 = arith.constant 0 : i32
      %dma_start3A_17 = tpu.memref_slice %arg2[%mul3A_2, %dma_start3A_15, %dma_start3A_16] : memref<1024x26x128xf32, #tpu.memory_space<hbm>> -> memref<32x26x128xf32, #tpu.memory_space<hbm>>
      tpu.enqueue_dma source(%dma_start3A_17 : memref<32x26x128xf32, #tpu.memory_space<hbm>>) target(%arg4 : memref<32x26x128xf32, #tpu.memory_space<vmem>>) target_semaphore(%run_scoped3A : memref<!tpu.dma_semaphore, #tpu.memory_space<semaphore_mem>>)
      %dma_wait3A = arith.constant 0 : i32
      %dma_wait3A_18 = arith.constant 0 : i32
      %dma_wait3A_19 = tpu.memref_slice %arg2[%mul3A_2, %dma_wait3A, %dma_wait3A_18] : memref<1024x26x128xf32, #tpu.memory_space<hbm>> -> memref<32x26x128xf32, #tpu.memory_space<hbm>>
      %dma_wait3A_20 = arith.constant 0 : i32
      %dma_wait3A_21 = arith.constant 0 : i32
      %dma_wait3A_22 = tpu.memref_slice %arg2[%mul3A_2, %dma_wait3A_20, %dma_wait3A_21] : memref<1024x26x128xf32, #tpu.memory_space<hbm>> -> memref<32x26x128xf32, #tpu.memory_space<hbm>>
      tpu.wait_dma2 semaphore(%run_scoped3A : memref<!tpu.dma_semaphore, #tpu.memory_space<semaphore_mem>>) src(%dma_wait3A_22 : memref<32x26x128xf32, #tpu.memory_space<hbm>>) dst(%arg4 : memref<32x26x128xf32, #tpu.memory_space<vmem>>)
      tpu.yield
    }) : () -> ()
    %iota3A = tpu.iota {dimensions = array<i32: 0>} : vector<16xi32>
    %eq3A = arith.constant 0 : i32
    %eq3A_3 = vector.broadcast %eq3A : i32 to vector<16xi32>
    %eq3A_4 = arith.cmpi eq, %iota3A, %eq3A_3 : vector<16xi32>
    %scan3A = arith.constant 0 : i32
    %scan3A_5 = arith.constant 0 : i32
    %scan3A_6 = arith.constant 32 : i32
    %scan3A_7 = arith.addi %scan3A_5, %scan3A_6 : i32
    %scan3A_8 = arith.constant 1 : i32
    %scan3A_9 = scf.for %scan3A_13 = %scan3A_5 to %scan3A_7 step %scan3A_8 iter_args(%scan3A_14 = %scan3A) -> (i32)  : i32 {
      %mul3A_15 = arith.constant 325 : i32
      %mul3A_16 = arith.muli %scan3A_13, %mul3A_15 : i32
      %get3A = arith.constant 0 : i32
      %get3A_17 = arith.index_cast %scan3A_13 : i32 to index
      %get3A_18 = arith.index_cast %get3A : i32 to index
      %get3A_19 = arith.constant 0 : index
      %get3A_20 = tpu.vector_load %arg4[%get3A_17, %get3A_18, %get3A_19] {strides = array<i32>} : memref<32x26x128xf32, #tpu.memory_space<vmem>>, vector<16xf32>,
      %get3A_21 = arith.constant 0 : i32
      %get3A_22 = arith.index_cast %scan3A_13 : i32 to index
      %get3A_23 = arith.index_cast %get3A_21 : i32 to index
      %get3A_24 = arith.constant 16 : index
      %get3A_25 = tpu.vector_load %arg4[%get3A_22, %get3A_23, %get3A_24] {strides = array<i32>} : memref<32x26x128xf32, #tpu.memory_space<vmem>>, vector<16xf32>,
      %get3A_26 = arith.constant 0 : i32
      %get3A_27 = arith.index_cast %scan3A_13 : i32 to index
      %get3A_28 = arith.index_cast %get3A_26 : i32 to index
      %get3A_29 = arith.constant 32 : index
      %get3A_30 = tpu.vector_load %arg4[%get3A_27, %get3A_28, %get3A_29] {strides = array<i32>} : memref<32x26x128xf32, #tpu.memory_space<vmem>>, vector<16xf32>,
      %get3A_31 = arith.constant 0 : i32
      %get3A_32 = arith.index_cast %scan3A_13 : i32 to index
      %get3A_33 = arith.index_cast %get3A_31 : i32 to index
      %get3A_34 = arith.constant 48 : index
      %get3A_35 = tpu.vector_load %arg4[%get3A_32, %get3A_33, %get3A_34] {strides = array<i32>} : memref<32x26x128xf32, #tpu.memory_space<vmem>>, vector<16xf32>,
      %get3A_36 = arith.constant 0 : i32
      %get3A_37 = arith.index_cast %scan3A_13 : i32 to index
      %get3A_38 = arith.index_cast %get3A_36 : i32 to index
      %get3A_39 = arith.constant 64 : index
      %get3A_40 = tpu.vector_load %arg4[%get3A_37, %get3A_38, %get3A_39] {strides = array<i32>} : memref<32x26x128xf32, #tpu.memory_space<vmem>>, vector<16xf32>,
      %get3A_41 = arith.constant 0 : i32
      %get3A_42 = arith.index_cast %scan3A_13 : i32 to index
      %get3A_43 = arith.index_cast %get3A_41 : i32 to index
      %get3A_44 = arith.constant 80 : index
      %get3A_45 = tpu.vector_load %arg4[%get3A_42, %get3A_43, %get3A_44] {strides = array<i32>} : memref<32x26x128xf32, #tpu.memory_space<vmem>>, vector<16xf32>,
      %get3A_46 = arith.constant 0 : i32
      %get3A_47 = arith.index_cast %scan3A_13 : i32 to index
      %get3A_48 = arith.index_cast %get3A_46 : i32 to index
      %get3A_49 = arith.constant 96 : index
      %get3A_50 = tpu.vector_load %arg4[%get3A_47, %get3A_48, %get3A_49] {strides = array<i32>} : memref<32x26x128xf32, #tpu.memory_space<vmem>>, vector<16xf32>,
      %get3A_51 = arith.constant 0 : i32
      %get3A_52 = arith.index_cast %scan3A_13 : i32 to index
      %get3A_53 = arith.index_cast %get3A_51 : i32 to index
      %get3A_54 = arith.constant 112 : index
      %get3A_55 = tpu.vector_load %arg4[%get3A_52, %get3A_53, %get3A_54] {strides = array<i32>} : memref<32x26x128xf32, #tpu.memory_space<vmem>>, vector<16xf32>,
      %get3A_56 = arith.constant 1 : i32
      %get3A_57 = arith.index_cast %scan3A_13 : i32 to index
      %get3A_58 = arith.index_cast %get3A_56 : i32 to index
      %get3A_59 = arith.constant 0 : index
      %get3A_60 = tpu.vector_load %arg4[%get3A_57, %get3A_58, %get3A_59] {strides = array<i32>} : memref<32x26x128xf32, #tpu.memory_space<vmem>>, vector<16xf32>,
      %get3A_61 = arith.constant 1 : i32
      %get3A_62 = arith.index_cast %scan3A_13 : i32 to index
      %get3A_63 = arith.index_cast %get3A_61 : i32 to index
      %get3A_64 = arith.constant 16 : index
      %get3A_65 = tpu.vector_load %arg4[%get3A_62, %get3A_63, %get3A_64] {strides = array<i32>} : memref<32x26x128xf32, #tpu.memory_space<vmem>>, vector<16xf32>,
      %get3A_66 = arith.constant 1 : i32
      %get3A_67 = arith.index_cast %scan3A_13 : i32 to index
      %get3A_68 = arith.index_cast %get3A_66 : i32 to index
      %get3A_69 = arith.constant 32 : index
      %get3A_70 = tpu.vector_load %arg4[%get3A_67, %get3A_68, %get3A_69] {strides = array<i32>} : memref<32x26x128xf32, #tpu.memory_space<vmem>>, vector<16xf32>,
      %get3A_71 = arith.constant 1 : i32
      %get3A_72 = arith.index_cast %scan3A_13 : i32 to index
      %get3A_73 = arith.index_cast %get3A_71 : i32 to index
      %get3A_74 = arith.constant 48 : index
      %get3A_75 = tpu.vector_load %arg4[%get3A_72, %get3A_73, %get3A_74] {strides = array<i32>} : memref<32x26x128xf32, #tpu.memory_space<vmem>>, vector<16xf32>,
      %get3A_76 = arith.constant 1 : i32
      %get3A_77 = arith.index_cast %scan3A_13 : i32 to index
      %get3A_78 = arith.index_cast %get3A_76 : i32 to index
      %get3A_79 = arith.constant 64 : index
      %get3A_80 = tpu.vector_load %arg4[%get3A_77, %get3A_78, %get3A_79] {strides = array<i32>} : memref<32x26x128xf32, #tpu.memory_space<vmem>>, vector<16xf32>,
      %get3A_81 = arith.constant 1 : i32
      %get3A_82 = arith.index_cast %scan3A_13 : i32 to index
      %get3A_83 = arith.index_cast %get3A_81 : i32 to index
      %get3A_84 = arith.constant 80 : index
      %get3A_85 = tpu.vector_load %arg4[%get3A_82, %get3A_83, %get3A_84] {strides = array<i32>} : memref<32x26x128xf32, #tpu.memory_space<vmem>>, vector<16xf32>,
      %get3A_86 = arith.constant 1 : i32
      %get3A_87 = arith.index_cast %scan3A_13 : i32 to index
      %get3A_88 = arith.index_cast %get3A_86 : i32 to index
      %get3A_89 = arith.constant 96 : index
      %get3A_90 = tpu.vector_load %arg4[%get3A_87, %get3A_88, %get3A_89] {strides = array<i32>} : memref<32x26x128xf32, #tpu.memory_space<vmem>>, vector<16xf32>,
      %get3A_91 = arith.constant 1 : i32
      %get3A_92 = arith.index_cast %scan3A_13 : i32 to index
      %get3A_93 = arith.index_cast %get3A_91 : i32 to index
      %get3A_94 = arith.constant 112 : index
      %get3A_95 = tpu.vector_load %arg4[%get3A_92, %get3A_93, %get3A_94] {strides = array<i32>} : memref<32x26x128xf32, #tpu.memory_space<vmem>>, vector<16xf32>,
      %get3A_96 = arith.constant 2 : i32
      %get3A_97 = arith.index_cast %scan3A_13 : i32 to index
      %get3A_98 = arith.index_cast %get3A_96 : i32 to index
      %get3A_99 = arith.constant 0 : index
      %get3A_100 = tpu.vector_load %arg4[%get3A_97, %get3A_98, %get3A_99] {strides = array<i32>} : memref<32x26x128xf32, #tpu.memory_space<vmem>>, vector<16xf32>,
      %get3A_101 = arith.constant 2 : i32
      %get3A_102 = arith.index_cast %scan3A_13 : i32 to index
      %get3A_103 = arith.index_cast %get3A_101 : i32 to index
      %get3A_104 = arith.constant 16 : index
      %get3A_105 = tpu.vector_load %arg4[%get3A_102, %get3A_103, %get3A_104] {strides = array<i32>} : memref<32x26x128xf32, #tpu.memory_space<vmem>>, vector<16xf32>,
      %get3A_106 = arith.constant 2 : i32
      %get3A_107 = arith.index_cast %scan3A_13 : i32 to index
      %get3A_108 = arith.index_cast %get3A_106 : i32 to index
      %get3A_109 = arith.constant 32 : index
      %get3A_110 = tpu.vector_load %arg4[%get3A_107, %get3A_108, %get3A_109] {strides = array<i32>} : memref<32x26x128xf32, #tpu.memory_space<vmem>>, vector<16xf32>,
      %get3A_111 = arith.constant 2 : i32
      %get3A_112 = arith.index_cast %scan3A_13 : i32 to index
      %get3A_113 = arith.index_cast %get3A_111 : i32 to index
      %get3A_114 = arith.constant 48 : index
      %get3A_115 = tpu.vector_load %arg4[%get3A_112, %get3A_113, %get3A_114] {strides = array<i32>} : memref<32x26x128xf32, #tpu.memory_space<vmem>>, vector<16xf32>,
      %get3A_116 = arith.constant 2 : i32
      %get3A_117 = arith.index_cast %scan3A_13 : i32 to index
      %get3A_118 = arith.index_cast %get3A_116 : i32 to index
      %get3A_119 = arith.constant 64 : index
      %get3A_120 = tpu.vector_load %arg4[%get3A_117, %get3A_118, %get3A_119] {strides = array<i32>} : memref<32x26x128xf32, #tpu.memory_space<vmem>>, vector<16xf32>,
      %get3A_121 = arith.constant 2 : i32
      %get3A_122 = arith.index_cast %scan3A_13 : i32 to index
      %get3A_123 = arith.index_cast %get3A_121 : i32 to index
      %get3A_124 = arith.constant 80 : index
      %get3A_125 = tpu.vector_load %arg4[%get3A_122, %get3A_123, %get3A_124] {strides = array<i32>} : memref<32x26x128xf32, #tpu.memory_space<vmem>>, vector<16xf32>,
      %get3A_126 = arith.constant 2 : i32
      %get3A_127 = arith.index_cast %scan3A_13 : i32 to index
      %get3A_128 = arith.index_cast %get3A_126 : i32 to index
      %get3A_129 = arith.constant 96 : index
      %get3A_130 = tpu.vector_load %arg4[%get3A_127, %get3A_128, %get3A_129] {strides = array<i32>} : memref<32x26x128xf32, #tpu.memory_space<vmem>>, vector<16xf32>,
      %get3A_131 = arith.constant 2 : i32
      %get3A_132 = arith.index_cast %scan3A_13 : i32 to index
      %get3A_133 = arith.index_cast %get3A_131 : i32 to index
      %get3A_134 = arith.constant 112 : index
      %get3A_135 = tpu.vector_load %arg4[%get3A_132, %get3A_133, %get3A_134] {strides = array<i32>} : memref<32x26x128xf32, #tpu.memory_space<vmem>>, vector<16xf32>,
      %get3A_136 = arith.constant 3 : i32
      %get3A_137 = arith.index_cast %scan3A_13 : i32 to index
      %get3A_138 = arith.index_cast %get3A_136 : i32 to index
      %get3A_139 = arith.constant 0 : index
      %get3A_140 = tpu.vector_load %arg4[%get3A_137, %get3A_138, %get3A_139] {strides = array<i32>} : memref<32x26x128xf32, #tpu.memory_space<vmem>>, vector<16xf32>,
      %get3A_141 = arith.constant 3 : i32
      %get3A_142 = arith.index_cast %scan3A_13 : i32 to index
      %get3A_143 = arith.index_cast %get3A_141 : i32 to index
      %get3A_144 = arith.constant 16 : index
      %get3A_145 = tpu.vector_load %arg4[%get3A_142, %get3A_143, %get3A_144] {strides = array<i32>} : memref<32x26x128xf32, #tpu.memory_space<vmem>>, vector<16xf32>,
      %get3A_146 = arith.constant 3 : i32
      %get3A_147 = arith.index_cast %scan3A_13 : i32 to index
      %get3A_148 = arith.index_cast %get3A_146 : i32 to index
      %get3A_149 = arith.constant 32 : index
      %get3A_150 = tpu.vector_load %arg4[%get3A_147, %get3A_148, %get3A_149] {strides = array<i32>} : memref<32x26x128xf32, #tpu.memory_space<vmem>>, vector<16xf32>,
      %get3A_151 = arith.constant 3 : i32
      %get3A_152 = arith.index_cast %scan3A_13 : i32 to index
      %get3A_153 = arith.index_cast %get3A_151 : i32 to index
      %get3A_154 = arith.constant 48 : index
      %get3A_155 = tpu.vector_load %arg4[%get3A_152, %get3A_153, %get3A_154] {strides = array<i32>} : memref<32x26x128xf32, #tpu.memory_space<vmem>>, vector<16xf32>,
      %get3A_156 = arith.constant 3 : i32
      %get3A_157 = arith.index_cast %scan3A_13 : i32 to index
      %get3A_158 = arith.index_cast %get3A_156 : i32 to index
      %get3A_159 = arith.constant 64 : index
      %get3A_160 = tpu.vector_load %arg4[%get3A_157, %get3A_158, %get3A_159] {strides = array<i32>} : memref<32x26x128xf32, #tpu.memory_space<vmem>>, vector<16xf32>,
      %get3A_161 = arith.constant 3 : i32
      %get3A_162 = arith.index_cast %scan3A_13 : i32 to index
      %get3A_163 = arith.index_cast %get3A_161 : i32 to index
      %get3A_164 = arith.constant 80 : index
      %get3A_165 = tpu.vector_load %arg4[%get3A_162, %get3A_163, %get3A_164] {strides = array<i32>} : memref<32x26x128xf32, #tpu.memory_space<vmem>>, vector<16xf32>,
      %get3A_166 = arith.constant 3 : i32
      %get3A_167 = arith.index_cast %scan3A_13 : i32 to index
      %get3A_168 = arith.index_cast %get3A_166 : i32 to index
      %get3A_169 = arith.constant 96 : index
      %get3A_170 = tpu.vector_load %arg4[%get3A_167, %get3A_168, %get3A_169] {strides = array<i32>} : memref<32x26x128xf32, #tpu.memory_space<vmem>>, vector<16xf32>,
      %get3A_171 = arith.constant 3 : i32
      %get3A_172 = arith.index_cast %scan3A_13 : i32 to index
      %get3A_173 = arith.index_cast %get3A_171 : i32 to index
      %get3A_174 = arith.constant 112 : index
      %get3A_175 = tpu.vector_load %arg4[%get3A_172, %get3A_173, %get3A_174] {strides = array<i32>} : memref<32x26x128xf32, #tpu.memory_space<vmem>>, vector<16xf32>,
      %add3A_176 = arith.constant 0 : i32
      %add3A_177 = arith.addi %mul3A_16, %add3A_176 : i32
      %add3A_178 = arith.constant 0 : i32
      %add3A_179 = arith.addi %add3A_177, %add3A_178 : i32
      %mul3A_180 = arith.mulf %get3A_20, %get3A_60 : vector<16xf32>
      %mul3A_181 = arith.mulf %get3A_25, %get3A_65 : vector<16xf32>
      %mul3A_182 = arith.mulf %get3A_30, %get3A_70 : vector<16xf32>
      %mul3A_183 = arith.mulf %get3A_35, %get3A_75 : vector<16xf32>
      %mul3A_184 = arith.mulf %get3A_40, %get3A_80 : vector<16xf32>
      %mul3A_185 = arith.mulf %get3A_45, %get3A_85 : vector<16xf32>
      %mul3A_186 = arith.mulf %get3A_50, %get3A_90 : vector<16xf32>
      %mul3A_187 = arith.mulf %get3A_55, %get3A_95 : vector<16xf32>
      %add3A_188 = arith.addf %mul3A_180, %mul3A_181 : vector<16xf32>
      %add3A_189 = arith.addf %mul3A_182, %mul3A_183 : vector<16xf32>
      %add3A_190 = arith.addf %mul3A_184, %mul3A_185 : vector<16xf32>
      %add3A_191 = arith.addf %mul3A_186, %mul3A_187 : vector<16xf32>
      %add3A_192 = arith.addf %add3A_188, %add3A_189 : vector<16xf32>
      %add3A_193 = arith.addf %add3A_190, %add3A_191 : vector<16xf32>
      %add3A_194 = arith.addf %add3A_192, %add3A_193 : vector<16xf32>
      %reduce_sum3A = arith.constant true
      %reduce_sum3A_195 = vector.broadcast %reduce_sum3A : i1 to vector<16xi1>
      %reduce_sum3A_196 = tpu.scan <sum>, %add3A_194 masked %reduce_sum3A_195 : vector<16xf32>, vector<16xi1> -> vector<16xf32>
      %reduce_sum3A_197 = vector.extract %reduce_sum3A_196[15] : f32 from vector<16xf32>
      %broadcast_in_dim3A = vector.broadcast %reduce_sum3A_197 : f32 to vector<16xf32>
      %swap3A = arith.index_cast %add3A_179 : i32 to index
      %swap3A_198 = tpu.vector_load %arg5[%swap3A] masked %eq3A_4 {strides = array<i32>} : memref<10416xf32, #tpu.memory_space<vmem>>, vector<16xf32>, vector<16xi1>
      tpu.vector_store %arg5[%swap3A], %broadcast_in_dim3A masked %eq3A_4 {strides = array<i32>} : memref<10416xf32, #tpu.memory_space<vmem>>, vector<16xf32>, vector<16xi1>
      %add3A_199 = arith.constant 0 : i32
      %add3A_200 = arith.addi %mul3A_16, %add3A_199 : i32
      %add3A_201 = arith.constant 1 : i32
      %add3A_202 = arith.addi %add3A_200, %add3A_201 : i32
      %mul3A_203 = arith.mulf %get3A_20, %get3A_100 : vector<16xf32>
      %mul3A_204 = arith.mulf %get3A_25, %get3A_105 : vector<16xf32>
      %mul3A_205 = arith.mulf %get3A_30, %get3A_110 : vector<16xf32>
      %mul3A_206 = arith.mulf %get3A_35, %get3A_115 : vector<16xf32>
      %mul3A_207 = arith.mulf %get3A_40, %get3A_120 : vector<16xf32>
      %mul3A_208 = arith.mulf %get3A_45, %get3A_125 : vector<16xf32>
      %mul3A_209 = arith.mulf %get3A_50, %get3A_130 : vector<16xf32>
      %mul3A_210 = arith.mulf %get3A_55, %get3A_135 : vector<16xf32>
      %add3A_211 = arith.addf %mul3A_203, %mul3A_204 : vector<16xf32>
      %add3A_212 = arith.addf %mul3A_205, %mul3A_206 : vector<16xf32>
      %add3A_213 = arith.addf %mul3A_207, %mul3A_208 : vector<16xf32>
      %add3A_214 = arith.addf %mul3A_209, %mul3A_210 : vector<16xf32>
      %add3A_215 = arith.addf %add3A_211, %add3A_212 : vector<16xf32>
      %add3A_216 = arith.addf %add3A_213, %add3A_214 : vector<16xf32>
      %add3A_217 = arith.addf %add3A_215, %add3A_216 : vector<16xf32>
      %reduce_sum3A_218 = arith.constant true
      %reduce_sum3A_219 = vector.broadcast %reduce_sum3A_218 : i1 to vector<16xi1>
      %reduce_sum3A_220 = tpu.scan <sum>, %add3A_217 masked %reduce_sum3A_219 : vector<16xf32>, vector<16xi1> -> vector<16xf32>
      %reduce_sum3A_221 = vector.extract %reduce_sum3A_220[15] : f32 from vector<16xf32>
      %broadcast_in_dim3A_222 = vector.broadcast %reduce_sum3A_221 : f32 to vector<16xf32>
      %swap3A_223 = arith.index_cast %add3A_202 : i32 to index
      %swap3A_224 = tpu.vector_load %arg5[%swap3A_223] masked %eq3A_4 {strides = array<i32>} : memref<10416xf32, #tpu.memory_space<vmem>>, vector<16xf32>, vector<16xi1>
      tpu.vector_store %arg5[%swap3A_223], %broadcast_in_dim3A_222 masked %eq3A_4 {strides = array<i32>} : memref<10416xf32, #tpu.memory_space<vmem>>, vector<16xf32>, vector<16xi1>
      %add3A_225 = arith.constant 0 : i32
      %add3A_226 = arith.addi %mul3A_16, %add3A_225 : i32
      %add3A_227 = arith.constant 2 : i32
      %add3A_228 = arith.addi %add3A_226, %add3A_227 : i32
      %mul3A_229 = arith.mulf %get3A_20, %get3A_140 : vector<16xf32>
      %mul3A_230 = arith.mulf %get3A_25, %get3A_145 : vector<16xf32>
      %mul3A_231 = arith.mulf %get3A_30, %get3A_150 : vector<16xf32>
      %mul3A_232 = arith.mulf %get3A_35, %get3A_155 : vector<16xf32>
      %mul3A_233 = arith.mulf %get3A_40, %get3A_160 : vector<16xf32>
      %mul3A_234 = arith.mulf %get3A_45, %get3A_165 : vector<16xf32>
      %mul3A_235 = arith.mulf %get3A_50, %get3A_170 : vector<16xf32>
      %mul3A_236 = arith.mulf %get3A_55, %get3A_175 : vector<16xf32>
      %add3A_237 = arith.addf %mul3A_229, %mul3A_230 : vector<16xf32>
      %add3A_238 = arith.addf %mul3A_231, %mul3A_232 : vector<16xf32>
      %add3A_239 = arith.addf %mul3A_233, %mul3A_234 : vector<16xf32>
      %add3A_240 = arith.addf %mul3A_235, %mul3A_236 : vector<16xf32>
      %add3A_241 = arith.addf %add3A_237, %add3A_238 : vector<16xf32>
      %add3A_242 = arith.addf %add3A_239, %add3A_240 : vector<16xf32>
      %add3A_243 = arith.addf %add3A_241, %add3A_242 : vector<16xf32>
      %reduce_sum3A_244 = arith.constant true
      %reduce_sum3A_245 = vector.broadcast %reduce_sum3A_244 : i1 to vector<16xi1>
      %reduce_sum3A_246 = tpu.scan <sum>, %add3A_243 masked %reduce_sum3A_245 : vector<16xf32>, vector<16xi1> -> vector<16xf32>
      %reduce_sum3A_247 = vector.extract %reduce_sum3A_246[15] : f32 from vector<16xf32>
      %broadcast_in_dim3A_248 = vector.broadcast %reduce_sum3A_247 : f32 to vector<16xf32>
      %swap3A_249 = arith.index_cast %add3A_228 : i32 to index
      %swap3A_250 = tpu.vector_load %arg5[%swap3A_249] masked %eq3A_4 {strides = array<i32>} : memref<10416xf32, #tpu.memory_space<vmem>>, vector<16xf32>, vector<16xi1>
      tpu.vector_store %arg5[%swap3A_249], %broadcast_in_dim3A_248 masked %eq3A_4 {strides = array<i32>} : memref<10416xf32, #tpu.memory_space<vmem>>, vector<16xf32>, vector<16xi1>
      %add3A_251 = arith.constant 25 : i32
      %add3A_252 = arith.addi %mul3A_16, %add3A_251 : i32
      %add3A_253 = arith.constant 0 : i32
      %add3A_254 = arith.addi %add3A_252, %add3A_253 : i32
      %mul3A_255 = arith.mulf %get3A_60, %get3A_100 : vector<16xf32>
      %mul3A_256 = arith.mulf %get3A_65, %get3A_105 : vector<16xf32>
      %mul3A_257 = arith.mulf %get3A_70, %get3A_110 : vector<16xf32>
      %mul3A_258 = arith.mulf %get3A_75, %get3A_115 : vector<16xf32>
      %mul3A_259 = arith.mulf %get3A_80, %get3A_120 : vector<16xf32>
      %mul3A_260 = arith.mulf %get3A_85, %get3A_125 : vector<16xf32>
      %mul3A_261 = arith.mulf %get3A_90, %get3A_130 : vector<16xf32>
      %mul3A_262 = arith.mulf %get3A_95, %get3A_135 : vector<16xf32>
      %add3A_263 = arith.addf %mul3A_255, %mul3A_256 : vector<16xf32>
      %add3A_264 = arith.addf %mul3A_257, %mul3A_258 : vector<16xf32>
      %add3A_265 = arith.addf %mul3A_259, %mul3A_260 : vector<16xf32>
      %add3A_266 = arith.addf %mul3A_261, %mul3A_262 : vector<16xf32>
      %add3A_267 = arith.addf %add3A_263, %add3A_264 : vector<16xf32>
      %add3A_268 = arith.addf %add3A_265, %add3A_266 : vector<16xf32>
      %add3A_269 = arith.addf %add3A_267, %add3A_268 : vector<16xf32>
      %reduce_sum3A_270 = arith.constant true
      %reduce_sum3A_271 = vector.broadcast %reduce_sum3A_270 : i1 to vector<16xi1>
      %reduce_sum3A_272 = tpu.scan <sum>, %add3A_269 masked %reduce_sum3A_271 : vector<16xf32>, vector<16xi1> -> vector<16xf32>
      %reduce_sum3A_273 = vector.extract %reduce_sum3A_272[15] : f32 from vector<16xf32>
      %broadcast_in_dim3A_274 = vector.broadcast %reduce_sum3A_273 : f32 to vector<16xf32>
      %swap3A_275 = arith.index_cast %add3A_254 : i32 to index
      %swap3A_276 = tpu.vector_load %arg5[%swap3A_275] masked %eq3A_4 {strides = array<i32>} : memref<10416xf32, #tpu.memory_space<vmem>>, vector<16xf32>, vector<16xi1>
      tpu.vector_store %arg5[%swap3A_275], %broadcast_in_dim3A_274 masked %eq3A_4 {strides = array<i32>} : memref<10416xf32, #tpu.memory_space<vmem>>, vector<16xf32>, vector<16xi1>
      %add3A_277 = arith.constant 25 : i32
      %add3A_278 = arith.addi %mul3A_16, %add3A_277 : i32
      %add3A_279 = arith.constant 1 : i32
      %add3A_280 = arith.addi %add3A_278, %add3A_279 : i32
      %mul3A_281 = arith.mulf %get3A_60, %get3A_140 : vector<16xf32>
      %mul3A_282 = arith.mulf %get3A_65, %get3A_145 : vector<16xf32>
      %mul3A_283 = arith.mulf %get3A_70, %get3A_150 : vector<16xf32>
      %mul3A_284 = arith.mulf %get3A_75, %get3A_155 : vector<16xf32>
      %mul3A_285 = arith.mulf %get3A_80, %get3A_160 : vector<16xf32>
      %mul3A_286 = arith.mulf %get3A_85, %get3A_165 : vector<16xf32>
      %mul3A_287 = arith.mulf %get3A_90, %get3A_170 : vector<16xf32>
      %mul3A_288 = arith.mulf %get3A_95, %get3A_175 : vector<16xf32>
      %add3A_289 = arith.addf %mul3A_281, %mul3A_282 : vector<16xf32>
      %add3A_290 = arith.addf %mul3A_283, %mul3A_284 : vector<16xf32>
      %add3A_291 = arith.addf %mul3A_285, %mul3A_286 : vector<16xf32>
      %add3A_292 = arith.addf %mul3A_287, %mul3A_288 : vector<16xf32>
      %add3A_293 = arith.addf %add3A_289, %add3A_290 : vector<16xf32>
      %add3A_294 = arith.addf %add3A_291, %add3A_292 : vector<16xf32>
      %add3A_295 = arith.addf %add3A_293, %add3A_294 : vector<16xf32>
      %reduce_sum3A_296 = arith.constant true
      %reduce_sum3A_297 = vector.broadcast %reduce_sum3A_296 : i1 to vector<16xi1>
      %reduce_sum3A_298 = tpu.scan <sum>, %add3A_295 masked %reduce_sum3A_297 : vector<16xf32>, vector<16xi1> -> vector<16xf32>
      %reduce_sum3A_299 = vector.extract %reduce_sum3A_298[15] : f32 from vector<16xf32>
      %broadcast_in_dim3A_300 = vector.broadcast %reduce_sum3A_299 : f32 to vector<16xf32>
      %swap3A_301 = arith.index_cast %add3A_280 : i32 to index
      %swap3A_302 = tpu.vector_load %arg5[%swap3A_301] masked %eq3A_4 {strides = array<i32>} : memref<10416xf32, #tpu.memory_space<vmem>>, vector<16xf32>, vector<16xi1>
      tpu.vector_store %arg5[%swap3A_301], %broadcast_in_dim3A_300 masked %eq3A_4 {strides = array<i32>} : memref<10416xf32, #tpu.memory_space<vmem>>, vector<16xf32>, vector<16xi1>
      %add3A_303 = arith.constant 49 : i32
      %add3A_304 = arith.addi %mul3A_16, %add3A_303 : i32
      %add3A_305 = arith.constant 0 : i32
      %add3A_306 = arith.addi %add3A_304, %add3A_305 : i32
      %mul3A_307 = arith.mulf %get3A_100, %get3A_140 : vector<16xf32>
      %mul3A_308 = arith.mulf %get3A_105, %get3A_145 : vector<16xf32>
      %mul3A_309 = arith.mulf %get3A_110, %get3A_150 : vector<16xf32>
      %mul3A_310 = arith.mulf %get3A_115, %get3A_155 : vector<16xf32>
      %mul3A_311 = arith.mulf %get3A_120, %get3A_160 : vector<16xf32>
      %mul3A_312 = arith.mulf %get3A_125, %get3A_165 : vector<16xf32>
      %mul3A_313 = arith.mulf %get3A_130, %get3A_170 : vector<16xf32>
      %mul3A_314 = arith.mulf %get3A_135, %get3A_175 : vector<16xf32>
      %add3A_315 = arith.addf %mul3A_307, %mul3A_308 : vector<16xf32>
      %add3A_316 = arith.addf %mul3A_309, %mul3A_310 : vector<16xf32>
      %add3A_317 = arith.addf %mul3A_311, %mul3A_312 : vector<16xf32>
      %add3A_318 = arith.addf %mul3A_313, %mul3A_314 : vector<16xf32>
      %add3A_319 = arith.addf %add3A_315, %add3A_316 : vector<16xf32>
      %add3A_320 = arith.addf %add3A_317, %add3A_318 : vector<16xf32>
      %add3A_321 = arith.addf %add3A_319, %add3A_320 : vector<16xf32>
      %reduce_sum3A_322 = arith.constant true
      %reduce_sum3A_323 = vector.broadcast %reduce_sum3A_322 : i1 to vector<16xi1>
      %reduce_sum3A_324 = tpu.scan <sum>, %add3A_321 masked %reduce_sum3A_323 : vector<16xf32>, vector<16xi1> -> vector<16xf32>
      %reduce_sum3A_325 = vector.extract %reduce_sum3A_324[15] : f32 from vector<16xf32>
      %broadcast_in_dim3A_326 = vector.broadcast %reduce_sum3A_325 : f32 to vector<16xf32>
      %swap3A_327 = arith.index_cast %add3A_306 : i32 to index
      %swap3A_328 = tpu.vector_load %arg5[%swap3A_327] masked %eq3A_4 {strides = array<i32>} : memref<10416xf32, #tpu.memory_space<vmem>>, vector<16xf32>, vector<16xi1>
      tpu.vector_store %arg5[%swap3A_327], %broadcast_in_dim3A_326 masked %eq3A_4 {strides = array<i32>} : memref<10416xf32, #tpu.memory_space<vmem>>, vector<16xf32>, vector<16xi1>
      %scan3A_329 = arith.constant 0 : i32
      %scan3A_330 = arith.constant 0 : i32
      %scan3A_331 = arith.constant 22 : i32
      %scan3A_332 = arith.addi %scan3A_330, %scan3A_331 : i32
      %scan3A_333 = arith.constant 2 : i32
      %scan3A_334 = scf.for %scan3A_2341 = %scan3A_330 to %scan3A_332 step %scan3A_333 iter_args(%scan3A_2342 = %scan3A_329) -> (i32)  : i32 {
        %add3A_2343 = arith.constant 4 : i32
        %add3A_2344 = arith.addi %scan3A_2341, %add3A_2343 : i32
        %get3A_2345 = arith.index_cast %scan3A_13 : i32 to index
        %get3A_2346 = arith.index_cast %add3A_2344 : i32 to index
        %get3A_2347 = arith.constant 0 : index
        %get3A_2348 = tpu.vector_load %arg4[%get3A_2345, %get3A_2346, %get3A_2347] {strides = array<i32>} : memref<32x26x128xf32, #tpu.memory_space<vmem>>, vector<16xf32>,
        %get3A_2349 = arith.index_cast %scan3A_13 : i32 to index
        %get3A_2350 = arith.index_cast %add3A_2344 : i32 to index
        %get3A_2351 = arith.constant 16 : index
        %get3A_2352 = tpu.vector_load %arg4[%get3A_2349, %get3A_2350, %get3A_2351] {strides = array<i32>} : memref<32x26x128xf32, #tpu.memory_space<vmem>>, vector<16xf32>,
        %get3A_2353 = arith.index_cast %scan3A_13 : i32 to index
        %get3A_2354 = arith.index_cast %add3A_2344 : i32 to index
        %get3A_2355 = arith.constant 32 : index
        %get3A_2356 = tpu.vector_load %arg4[%get3A_2353, %get3A_2354, %get3A_2355] {strides = array<i32>} : memref<32x26x128xf32, #tpu.memory_space<vmem>>, vector<16xf32>,
        %get3A_2357 = arith.index_cast %scan3A_13 : i32 to index
        %get3A_2358 = arith.index_cast %add3A_2344 : i32 to index
        %get3A_2359 = arith.constant 48 : index
        %get3A_2360 = tpu.vector_load %arg4[%get3A_2357, %get3A_2358, %get3A_2359] {strides = array<i32>} : memref<32x26x128xf32, #tpu.memory_space<vmem>>, vector<16xf32>,
        %get3A_2361 = arith.index_cast %scan3A_13 : i32 to index
        %get3A_2362 = arith.index_cast %add3A_2344 : i32 to index
        %get3A_2363 = arith.constant 64 : index
        %get3A_2364 = tpu.vector_load %arg4[%get3A_2361, %get3A_2362, %get3A_2363] {strides = array<i32>} : memref<32x26x128xf32, #tpu.memory_space<vmem>>, vector<16xf32>,
        %get3A_2365 = arith.index_cast %scan3A_13 : i32 to index
        %get3A_2366 = arith.index_cast %add3A_2344 : i32 to index
        %get3A_2367 = arith.constant 80 : index
        %get3A_2368 = tpu.vector_load %arg4[%get3A_2365, %get3A_2366, %get3A_2367] {strides = array<i32>} : memref<32x26x128xf32, #tpu.memory_space<vmem>>, vector<16xf32>,
        %get3A_2369 = arith.index_cast %scan3A_13 : i32 to index
        %get3A_2370 = arith.index_cast %add3A_2344 : i32 to index
        %get3A_2371 = arith.constant 96 : index
        %get3A_2372 = tpu.vector_load %arg4[%get3A_2369, %get3A_2370, %get3A_2371] {strides = array<i32>} : memref<32x26x128xf32, #tpu.memory_space<vmem>>, vector<16xf32>,
        %get3A_2373 = arith.index_cast %scan3A_13 : i32 to index
        %get3A_2374 = arith.index_cast %add3A_2344 : i32 to index
        %get3A_2375 = arith.constant 112 : index
        %get3A_2376 = tpu.vector_load %arg4[%get3A_2373, %get3A_2374, %get3A_2375] {strides = array<i32>} : memref<32x26x128xf32, #tpu.memory_space<vmem>>, vector<16xf32>,
        %add3A_2377 = arith.constant 0 : i32
        %add3A_2378 = arith.addi %mul3A_16, %add3A_2377 : i32
        %add3A_2379 = arith.constant 3 : i32
        %add3A_2380 = arith.addi %add3A_2378, %add3A_2379 : i32
        %add3A_2381 = arith.addi %add3A_2380, %scan3A_2341 : i32
        %mul3A_2382 = arith.mulf %get3A_20, %get3A_2348 : vector<16xf32>
        %mul3A_2383 = arith.mulf %get3A_25, %get3A_2352 : vector<16xf32>
        %mul3A_2384 = arith.mulf %get3A_30, %get3A_2356 : vector<16xf32>
        %mul3A_2385 = arith.mulf %get3A_35, %get3A_2360 : vector<16xf32>
        %mul3A_2386 = arith.mulf %get3A_40, %get3A_2364 : vector<16xf32>
        %mul3A_2387 = arith.mulf %get3A_45, %get3A_2368 : vector<16xf32>
        %mul3A_2388 = arith.mulf %get3A_50, %get3A_2372 : vector<16xf32>
        %mul3A_2389 = arith.mulf %get3A_55, %get3A_2376 : vector<16xf32>
        %add3A_2390 = arith.addf %mul3A_2382, %mul3A_2383 : vector<16xf32>
        %add3A_2391 = arith.addf %mul3A_2384, %mul3A_2385 : vector<16xf32>
        %add3A_2392 = arith.addf %mul3A_2386, %mul3A_2387 : vector<16xf32>
        %add3A_2393 = arith.addf %mul3A_2388, %mul3A_2389 : vector<16xf32>
        %add3A_2394 = arith.addf %add3A_2390, %add3A_2391 : vector<16xf32>
        %add3A_2395 = arith.addf %add3A_2392, %add3A_2393 : vector<16xf32>
        %add3A_2396 = arith.addf %add3A_2394, %add3A_2395 : vector<16xf32>
        %reduce_sum3A_2397 = arith.constant true
        %reduce_sum3A_2398 = vector.broadcast %reduce_sum3A_2397 : i1 to vector<16xi1>
        %reduce_sum3A_2399 = tpu.scan <sum>, %add3A_2396 masked %reduce_sum3A_2398 : vector<16xf32>, vector<16xi1> -> vector<16xf32>
        %reduce_sum3A_2400 = vector.extract %reduce_sum3A_2399[15] : f32 from vector<16xf32>
        %broadcast_in_dim3A_2401 = vector.broadcast %reduce_sum3A_2400 : f32 to vector<16xf32>
        %swap3A_2402 = arith.index_cast %add3A_2381 : i32 to index
        %swap3A_2403 = tpu.vector_load %arg5[%swap3A_2402] masked %eq3A_4 {strides = array<i32>} : memref<10416xf32, #tpu.memory_space<vmem>>, vector<16xf32>, vector<16xi1>
        tpu.vector_store %arg5[%swap3A_2402], %broadcast_in_dim3A_2401 masked %eq3A_4 {strides = array<i32>} : memref<10416xf32, #tpu.memory_space<vmem>>, vector<16xf32>, vector<16xi1>
        %add3A_2404 = arith.constant 25 : i32
        %add3A_2405 = arith.addi %mul3A_16, %add3A_2404 : i32
        %add3A_2406 = arith.constant 2 : i32
        %add3A_2407 = arith.addi %add3A_2405, %add3A_2406 : i32
        %add3A_2408 = arith.addi %add3A_2407, %scan3A_2341 : i32
        %mul3A_2409 = arith.mulf %get3A_60, %get3A_2348 : vector<16xf32>
        %mul3A_2410 = arith.mulf %get3A_65, %get3A_2352 : vector<16xf32>
        %mul3A_2411 = arith.mulf %get3A_70, %get3A_2356 : vector<16xf32>
        %mul3A_2412 = arith.mulf %get3A_75, %get3A_2360 : vector<16xf32>
        %mul3A_2413 = arith.mulf %get3A_80, %get3A_2364 : vector<16xf32>
        %mul3A_2414 = arith.mulf %get3A_85, %get3A_2368 : vector<16xf32>
        %mul3A_2415 = arith.mulf %get3A_90, %get3A_2372 : vector<16xf32>
        %mul3A_2416 = arith.mulf %get3A_95, %get3A_2376 : vector<16xf32>
        %add3A_2417 = arith.addf %mul3A_2409, %mul3A_2410 : vector<16xf32>
        %add3A_2418 = arith.addf %mul3A_2411, %mul3A_2412 : vector<16xf32>
        %add3A_2419 = arith.addf %mul3A_2413, %mul3A_2414 : vector<16xf32>
        %add3A_2420 = arith.addf %mul3A_2415, %mul3A_2416 : vector<16xf32>
        %add3A_2421 = arith.addf %add3A_2417, %add3A_2418 : vector<16xf32>
        %add3A_2422 = arith.addf %add3A_2419, %add3A_2420 : vector<16xf32>
        %add3A_2423 = arith.addf %add3A_2421, %add3A_2422 : vector<16xf32>
        %reduce_sum3A_2424 = arith.constant true
        %reduce_sum3A_2425 = vector.broadcast %reduce_sum3A_2424 : i1 to vector<16xi1>
        %reduce_sum3A_2426 = tpu.scan <sum>, %add3A_2423 masked %reduce_sum3A_2425 : vector<16xf32>, vector<16xi1> -> vector<16xf32>
        %reduce_sum3A_2427 = vector.extract %reduce_sum3A_2426[15] : f32 from vector<16xf32>
        %broadcast_in_dim3A_2428 = vector.broadcast %reduce_sum3A_2427 : f32 to vector<16xf32>
        %swap3A_2429 = arith.index_cast %add3A_2408 : i32 to index
        %swap3A_2430 = tpu.vector_load %arg5[%swap3A_2429] masked %eq3A_4 {strides = array<i32>} : memref<10416xf32, #tpu.memory_space<vmem>>, vector<16xf32>, vector<16xi1>
        tpu.vector_store %arg5[%swap3A_2429], %broadcast_in_dim3A_2428 masked %eq3A_4 {strides = array<i32>} : memref<10416xf32, #tpu.memory_space<vmem>>, vector<16xf32>, vector<16xi1>
        %add3A_2431 = arith.constant 49 : i32
        %add3A_2432 = arith.addi %mul3A_16, %add3A_2431 : i32
        %add3A_2433 = arith.constant 1 : i32
        %add3A_2434 = arith.addi %add3A_2432, %add3A_2433 : i32
        %add3A_2435 = arith.addi %add3A_2434, %scan3A_2341 : i32
        %mul3A_2436 = arith.mulf %get3A_100, %get3A_2348 : vector<16xf32>
        %mul3A_2437 = arith.mulf %get3A_105, %get3A_2352 : vector<16xf32>
        %mul3A_2438 = arith.mulf %get3A_110, %get3A_2356 : vector<16xf32>
        %mul3A_2439 = arith.mulf %get3A_115, %get3A_2360 : vector<16xf32>
        %mul3A_2440 = arith.mulf %get3A_120, %get3A_2364 : vector<16xf32>
        %mul3A_2441 = arith.mulf %get3A_125, %get3A_2368 : vector<16xf32>
        %mul3A_2442 = arith.mulf %get3A_130, %get3A_2372 : vector<16xf32>
        %mul3A_2443 = arith.mulf %get3A_135, %get3A_2376 : vector<16xf32>
        %add3A_2444 = arith.addf %mul3A_2436, %mul3A_2437 : vector<16xf32>
        %add3A_2445 = arith.addf %mul3A_2438, %mul3A_2439 : vector<16xf32>
        %add3A_2446 = arith.addf %mul3A_2440, %mul3A_2441 : vector<16xf32>
        %add3A_2447 = arith.addf %mul3A_2442, %mul3A_2443 : vector<16xf32>
        %add3A_2448 = arith.addf %add3A_2444, %add3A_2445 : vector<16xf32>
        %add3A_2449 = arith.addf %add3A_2446, %add3A_2447 : vector<16xf32>
        %add3A_2450 = arith.addf %add3A_2448, %add3A_2449 : vector<16xf32>
        %reduce_sum3A_2451 = arith.constant true
        %reduce_sum3A_2452 = vector.broadcast %reduce_sum3A_2451 : i1 to vector<16xi1>
        %reduce_sum3A_2453 = tpu.scan <sum>, %add3A_2450 masked %reduce_sum3A_2452 : vector<16xf32>, vector<16xi1> -> vector<16xf32>
        %reduce_sum3A_2454 = vector.extract %reduce_sum3A_2453[15] : f32 from vector<16xf32>
        %broadcast_in_dim3A_2455 = vector.broadcast %reduce_sum3A_2454 : f32 to vector<16xf32>
        %swap3A_2456 = arith.index_cast %add3A_2435 : i32 to index
        %swap3A_2457 = tpu.vector_load %arg5[%swap3A_2456] masked %eq3A_4 {strides = array<i32>} : memref<10416xf32, #tpu.memory_space<vmem>>, vector<16xf32>, vector<16xi1>
        tpu.vector_store %arg5[%swap3A_2456], %broadcast_in_dim3A_2455 masked %eq3A_4 {strides = array<i32>} : memref<10416xf32, #tpu.memory_space<vmem>>, vector<16xf32>, vector<16xi1>
        %add3A_2458 = arith.constant 72 : i32
        %add3A_2459 = arith.addi %mul3A_16, %add3A_2458 : i32
        %add3A_2460 = arith.constant 0 : i32
        %add3A_2461 = arith.addi %add3A_2459, %add3A_2460 : i32
        %add3A_2462 = arith.addi %add3A_2461, %scan3A_2341 : i32
        %mul3A_2463 = arith.mulf %get3A_140, %get3A_2348 : vector<16xf32>
        %mul3A_2464 = arith.mulf %get3A_145, %get3A_2352 : vector<16xf32>
        %mul3A_2465 = arith.mulf %get3A_150, %get3A_2356 : vector<16xf32>
        %mul3A_2466 = arith.mulf %get3A_155, %get3A_2360 : vector<16xf32>
        %mul3A_2467 = arith.mulf %get3A_160, %get3A_2364 : vector<16xf32>
        %mul3A_2468 = arith.mulf %get3A_165, %get3A_2368 : vector<16xf32>
        %mul3A_2469 = arith.mulf %get3A_170, %get3A_2372 : vector<16xf32>
        %mul3A_2470 = arith.mulf %get3A_175, %get3A_2376 : vector<16xf32>
        %add3A_2471 = arith.addf %mul3A_2463, %mul3A_2464 : vector<16xf32>
        %add3A_2472 = arith.addf %mul3A_2465, %mul3A_2466 : vector<16xf32>
        %add3A_2473 = arith.addf %mul3A_2467, %mul3A_2468 : vector<16xf32>
        %add3A_2474 = arith.addf %mul3A_2469, %mul3A_2470 : vector<16xf32>
        %add3A_2475 = arith.addf %add3A_2471, %add3A_2472 : vector<16xf32>
        %add3A_2476 = arith.addf %add3A_2473, %add3A_2474 : vector<16xf32>
        %add3A_2477 = arith.addf %add3A_2475, %add3A_2476 : vector<16xf32>
        %reduce_sum3A_2478 = arith.constant true
        %reduce_sum3A_2479 = vector.broadcast %reduce_sum3A_2478 : i1 to vector<16xi1>
        %reduce_sum3A_2480 = tpu.scan <sum>, %add3A_2477 masked %reduce_sum3A_2479 : vector<16xf32>, vector<16xi1> -> vector<16xf32>
        %reduce_sum3A_2481 = vector.extract %reduce_sum3A_2480[15] : f32 from vector<16xf32>
        %broadcast_in_dim3A_2482 = vector.broadcast %reduce_sum3A_2481 : f32 to vector<16xf32>
        %swap3A_2483 = arith.index_cast %add3A_2462 : i32 to index
        %swap3A_2484 = tpu.vector_load %arg5[%swap3A_2483] masked %eq3A_4 {strides = array<i32>} : memref<10416xf32, #tpu.memory_space<vmem>>, vector<16xf32>, vector<16xi1>
        tpu.vector_store %arg5[%swap3A_2483], %broadcast_in_dim3A_2482 masked %eq3A_4 {strides = array<i32>} : memref<10416xf32, #tpu.memory_space<vmem>>, vector<16xf32>, vector<16xi1>
        %scan3A_2485 = arith.constant 0 : i32
        %scan3A_2486 = arith.constant 1 : i32
        %scan3A_2487 = arith.addi %scan3A_2341, %scan3A_2486 : i32
        %add3A_2488 = arith.constant 4 : i32
        %add3A_2489 = arith.addi %scan3A_2487, %add3A_2488 : i32
        %get3A_2490 = arith.index_cast %scan3A_13 : i32 to index
        %get3A_2491 = arith.index_cast %add3A_2489 : i32 to index
        %get3A_2492 = arith.constant 0 : index
        %get3A_2493 = tpu.vector_load %arg4[%get3A_2490, %get3A_2491, %get3A_2492] {strides = array<i32>} : memref<32x26x128xf32, #tpu.memory_space<vmem>>, vector<16xf32>,
        %get3A_2494 = arith.index_cast %scan3A_13 : i32 to index
        %get3A_2495 = arith.index_cast %add3A_2489 : i32 to index
        %get3A_2496 = arith.constant 16 : index
        %get3A_2497 = tpu.vector_load %arg4[%get3A_2494, %get3A_2495, %get3A_2496] {strides = array<i32>} : memref<32x26x128xf32, #tpu.memory_space<vmem>>, vector<16xf32>,
        %get3A_2498 = arith.index_cast %scan3A_13 : i32 to index
        %get3A_2499 = arith.index_cast %add3A_2489 : i32 to index
        %get3A_2500 = arith.constant 32 : index
        %get3A_2501 = tpu.vector_load %arg4[%get3A_2498, %get3A_2499, %get3A_2500] {strides = array<i32>} : memref<32x26x128xf32, #tpu.memory_space<vmem>>, vector<16xf32>,
        %get3A_2502 = arith.index_cast %scan3A_13 : i32 to index
        %get3A_2503 = arith.index_cast %add3A_2489 : i32 to index
        %get3A_2504 = arith.constant 48 : index
        %get3A_2505 = tpu.vector_load %arg4[%get3A_2502, %get3A_2503, %get3A_2504] {strides = array<i32>} : memref<32x26x128xf32, #tpu.memory_space<vmem>>, vector<16xf32>,
        %get3A_2506 = arith.index_cast %scan3A_13 : i32 to index
        %get3A_2507 = arith.index_cast %add3A_2489 : i32 to index
        %get3A_2508 = arith.constant 64 : index
        %get3A_2509 = tpu.vector_load %arg4[%get3A_2506, %get3A_2507, %get3A_2508] {strides = array<i32>} : memref<32x26x128xf32, #tpu.memory_space<vmem>>, vector<16xf32>,
        %get3A_2510 = arith.index_cast %scan3A_13 : i32 to index
        %get3A_2511 = arith.index_cast %add3A_2489 : i32 to index
        %get3A_2512 = arith.constant 80 : index
        %get3A_2513 = tpu.vector_load %arg4[%get3A_2510, %get3A_2511, %get3A_2512] {strides = array<i32>} : memref<32x26x128xf32, #tpu.memory_space<vmem>>, vector<16xf32>,
        %get3A_2514 = arith.index_cast %scan3A_13 : i32 to index
        %get3A_2515 = arith.index_cast %add3A_2489 : i32 to index
        %get3A_2516 = arith.constant 96 : index
        %get3A_2517 = tpu.vector_load %arg4[%get3A_2514, %get3A_2515, %get3A_2516] {strides = array<i32>} : memref<32x26x128xf32, #tpu.memory_space<vmem>>, vector<16xf32>,
        %get3A_2518 = arith.index_cast %scan3A_13 : i32 to index
        %get3A_2519 = arith.index_cast %add3A_2489 : i32 to index
        %get3A_2520 = arith.constant 112 : index
        %get3A_2521 = tpu.vector_load %arg4[%get3A_2518, %get3A_2519, %get3A_2520] {strides = array<i32>} : memref<32x26x128xf32, #tpu.memory_space<vmem>>, vector<16xf32>,
        %add3A_2522 = arith.constant 0 : i32
        %add3A_2523 = arith.addi %mul3A_16, %add3A_2522 : i32
        %add3A_2524 = arith.constant 3 : i32
        %add3A_2525 = arith.addi %add3A_2523, %add3A_2524 : i32
        %add3A_2526 = arith.addi %add3A_2525, %scan3A_2487 : i32
        %mul3A_2527 = arith.mulf %get3A_20, %get3A_2493 : vector<16xf32>
        %mul3A_2528 = arith.mulf %get3A_25, %get3A_2497 : vector<16xf32>
        %mul3A_2529 = arith.mulf %get3A_30, %get3A_2501 : vector<16xf32>
        %mul3A_2530 = arith.mulf %get3A_35, %get3A_2505 : vector<16xf32>
        %mul3A_2531 = arith.mulf %get3A_40, %get3A_2509 : vector<16xf32>
        %mul3A_2532 = arith.mulf %get3A_45, %get3A_2513 : vector<16xf32>
        %mul3A_2533 = arith.mulf %get3A_50, %get3A_2517 : vector<16xf32>
        %mul3A_2534 = arith.mulf %get3A_55, %get3A_2521 : vector<16xf32>
        %add3A_2535 = arith.addf %mul3A_2527, %mul3A_2528 : vector<16xf32>
        %add3A_2536 = arith.addf %mul3A_2529, %mul3A_2530 : vector<16xf32>
        %add3A_2537 = arith.addf %mul3A_2531, %mul3A_2532 : vector<16xf32>
        %add3A_2538 = arith.addf %mul3A_2533, %mul3A_2534 : vector<16xf32>
        %add3A_2539 = arith.addf %add3A_2535, %add3A_2536 : vector<16xf32>
        %add3A_2540 = arith.addf %add3A_2537, %add3A_2538 : vector<16xf32>
        %add3A_2541 = arith.addf %add3A_2539, %add3A_2540 : vector<16xf32>
        %reduce_sum3A_2542 = arith.constant true
        %reduce_sum3A_2543 = vector.broadcast %reduce_sum3A_2542 : i1 to vector<16xi1>
        %reduce_sum3A_2544 = tpu.scan <sum>, %add3A_2541 masked %reduce_sum3A_2543 : vector<16xf32>, vector<16xi1> -> vector<16xf32>
        %reduce_sum3A_2545 = vector.extract %reduce_sum3A_2544[15] : f32 from vector<16xf32>
        %broadcast_in_dim3A_2546 = vector.broadcast %reduce_sum3A_2545 : f32 to vector<16xf32>
        %swap3A_2547 = arith.index_cast %add3A_2526 : i32 to index
        %swap3A_2548 = tpu.vector_load %arg5[%swap3A_2547] masked %eq3A_4 {strides = array<i32>} : memref<10416xf32, #tpu.memory_space<vmem>>, vector<16xf32>, vector<16xi1>
        tpu.vector_store %arg5[%swap3A_2547], %broadcast_in_dim3A_2546 masked %eq3A_4 {strides = array<i32>} : memref<10416xf32, #tpu.memory_space<vmem>>, vector<16xf32>, vector<16xi1>
        %add3A_2549 = arith.constant 25 : i32
        %add3A_2550 = arith.addi %mul3A_16, %add3A_2549 : i32
        %add3A_2551 = arith.constant 2 : i32
        %add3A_2552 = arith.addi %add3A_2550, %add3A_2551 : i32
        %add3A_2553 = arith.addi %add3A_2552, %scan3A_2487 : i32
        %mul3A_2554 = arith.mulf %get3A_60, %get3A_2493 : vector<16xf32>
        %mul3A_2555 = arith.mulf %get3A_65, %get3A_2497 : vector<16xf32>
        %mul3A_2556 = arith.mulf %get3A_70, %get3A_2501 : vector<16xf32>
        %mul3A_2557 = arith.mulf %get3A_75, %get3A_2505 : vector<16xf32>
        %mul3A_2558 = arith.mulf %get3A_80, %get3A_2509 : vector<16xf32>
        %mul3A_2559 = arith.mulf %get3A_85, %get3A_2513 : vector<16xf32>
        %mul3A_2560 = arith.mulf %get3A_90, %get3A_2517 : vector<16xf32>
        %mul3A_2561 = arith.mulf %get3A_95, %get3A_2521 : vector<16xf32>
        %add3A_2562 = arith.addf %mul3A_2554, %mul3A_2555 : vector<16xf32>
        %add3A_2563 = arith.addf %mul3A_2556, %mul3A_2557 : vector<16xf32>
        %add3A_2564 = arith.addf %mul3A_2558, %mul3A_2559 : vector<16xf32>
        %add3A_2565 = arith.addf %mul3A_2560, %mul3A_2561 : vector<16xf32>
        %add3A_2566 = arith.addf %add3A_2562, %add3A_2563 : vector<16xf32>
        %add3A_2567 = arith.addf %add3A_2564, %add3A_2565 : vector<16xf32>
        %add3A_2568 = arith.addf %add3A_2566, %add3A_2567 : vector<16xf32>
        %reduce_sum3A_2569 = arith.constant true
        %reduce_sum3A_2570 = vector.broadcast %reduce_sum3A_2569 : i1 to vector<16xi1>
        %reduce_sum3A_2571 = tpu.scan <sum>, %add3A_2568 masked %reduce_sum3A_2570 : vector<16xf32>, vector<16xi1> -> vector<16xf32>
        %reduce_sum3A_2572 = vector.extract %reduce_sum3A_2571[15] : f32 from vector<16xf32>
        %broadcast_in_dim3A_2573 = vector.broadcast %reduce_sum3A_2572 : f32 to vector<16xf32>
        %swap3A_2574 = arith.index_cast %add3A_2553 : i32 to index
        %swap3A_2575 = tpu.vector_load %arg5[%swap3A_2574] masked %eq3A_4 {strides = array<i32>} : memref<10416xf32, #tpu.memory_space<vmem>>, vector<16xf32>, vector<16xi1>
        tpu.vector_store %arg5[%swap3A_2574], %broadcast_in_dim3A_2573 masked %eq3A_4 {strides = array<i32>} : memref<10416xf32, #tpu.memory_space<vmem>>, vector<16xf32>, vector<16xi1>
        %add3A_2576 = arith.constant 49 : i32
        %add3A_2577 = arith.addi %mul3A_16, %add3A_2576 : i32
        %add3A_2578 = arith.constant 1 : i32
        %add3A_2579 = arith.addi %add3A_2577, %add3A_2578 : i32
        %add3A_2580 = arith.addi %add3A_2579, %scan3A_2487 : i32
        %mul3A_2581 = arith.mulf %get3A_100, %get3A_2493 : vector<16xf32>
        %mul3A_2582 = arith.mulf %get3A_105, %get3A_2497 : vector<16xf32>
        %mul3A_2583 = arith.mulf %get3A_110, %get3A_2501 : vector<16xf32>
        %mul3A_2584 = arith.mulf %get3A_115, %get3A_2505 : vector<16xf32>
        %mul3A_2585 = arith.mulf %get3A_120, %get3A_2509 : vector<16xf32>
        %mul3A_2586 = arith.mulf %get3A_125, %get3A_2513 : vector<16xf32>
        %mul3A_2587 = arith.mulf %get3A_130, %get3A_2517 : vector<16xf32>
        %mul3A_2588 = arith.mulf %get3A_135, %get3A_2521 : vector<16xf32>
        %add3A_2589 = arith.addf %mul3A_2581, %mul3A_2582 : vector<16xf32>
        %add3A_2590 = arith.addf %mul3A_2583, %mul3A_2584 : vector<16xf32>
        %add3A_2591 = arith.addf %mul3A_2585, %mul3A_2586 : vector<16xf32>
        %add3A_2592 = arith.addf %mul3A_2587, %mul3A_2588 : vector<16xf32>
        %add3A_2593 = arith.addf %add3A_2589, %add3A_2590 : vector<16xf32>
        %add3A_2594 = arith.addf %add3A_2591, %add3A_2592 : vector<16xf32>
        %add3A_2595 = arith.addf %add3A_2593, %add3A_2594 : vector<16xf32>
        %reduce_sum3A_2596 = arith.constant true
        %reduce_sum3A_2597 = vector.broadcast %reduce_sum3A_2596 : i1 to vector<16xi1>
        %reduce_sum3A_2598 = tpu.scan <sum>, %add3A_2595 masked %reduce_sum3A_2597 : vector<16xf32>, vector<16xi1> -> vector<16xf32>
        %reduce_sum3A_2599 = vector.extract %reduce_sum3A_2598[15] : f32 from vector<16xf32>
        %broadcast_in_dim3A_2600 = vector.broadcast %reduce_sum3A_2599 : f32 to vector<16xf32>
        %swap3A_2601 = arith.index_cast %add3A_2580 : i32 to index
        %swap3A_2602 = tpu.vector_load %arg5[%swap3A_2601] masked %eq3A_4 {strides = array<i32>} : memref<10416xf32, #tpu.memory_space<vmem>>, vector<16xf32>, vector<16xi1>
        tpu.vector_store %arg5[%swap3A_2601], %broadcast_in_dim3A_2600 masked %eq3A_4 {strides = array<i32>} : memref<10416xf32, #tpu.memory_space<vmem>>, vector<16xf32>, vector<16xi1>
        %add3A_2603 = arith.constant 72 : i32
        %add3A_2604 = arith.addi %mul3A_16, %add3A_2603 : i32
        %add3A_2605 = arith.constant 0 : i32
        %add3A_2606 = arith.addi %add3A_2604, %add3A_2605 : i32
        %add3A_2607 = arith.addi %add3A_2606, %scan3A_2487 : i32
        %mul3A_2608 = arith.mulf %get3A_140, %get3A_2493 : vector<16xf32>
        %mul3A_2609 = arith.mulf %get3A_145, %get3A_2497 : vector<16xf32>
        %mul3A_2610 = arith.mulf %get3A_150, %get3A_2501 : vector<16xf32>
        %mul3A_2611 = arith.mulf %get3A_155, %get3A_2505 : vector<16xf32>
        %mul3A_2612 = arith.mulf %get3A_160, %get3A_2509 : vector<16xf32>
        %mul3A_2613 = arith.mulf %get3A_165, %get3A_2513 : vector<16xf32>
        %mul3A_2614 = arith.mulf %get3A_170, %get3A_2517 : vector<16xf32>
        %mul3A_2615 = arith.mulf %get3A_175, %get3A_2521 : vector<16xf32>
        %add3A_2616 = arith.addf %mul3A_2608, %mul3A_2609 : vector<16xf32>
        %add3A_2617 = arith.addf %mul3A_2610, %mul3A_2611 : vector<16xf32>
        %add3A_2618 = arith.addf %mul3A_2612, %mul3A_2613 : vector<16xf32>
        %add3A_2619 = arith.addf %mul3A_2614, %mul3A_2615 : vector<16xf32>
        %add3A_2620 = arith.addf %add3A_2616, %add3A_2617 : vector<16xf32>
        %add3A_2621 = arith.addf %add3A_2618, %add3A_2619 : vector<16xf32>
        %add3A_2622 = arith.addf %add3A_2620, %add3A_2621 : vector<16xf32>
        %reduce_sum3A_2623 = arith.constant true
        %reduce_sum3A_2624 = vector.broadcast %reduce_sum3A_2623 : i1 to vector<16xi1>
        %reduce_sum3A_2625 = tpu.scan <sum>, %add3A_2622 masked %reduce_sum3A_2624 : vector<16xf32>, vector<16xi1> -> vector<16xf32>
        %reduce_sum3A_2626 = vector.extract %reduce_sum3A_2625[15] : f32 from vector<16xf32>
        %broadcast_in_dim3A_2627 = vector.broadcast %reduce_sum3A_2626 : f32 to vector<16xf32>
        %swap3A_2628 = arith.index_cast %add3A_2607 : i32 to index
        %swap3A_2629 = tpu.vector_load %arg5[%swap3A_2628] masked %eq3A_4 {strides = array<i32>} : memref<10416xf32, #tpu.memory_space<vmem>>, vector<16xf32>, vector<16xi1>
        tpu.vector_store %arg5[%swap3A_2628], %broadcast_in_dim3A_2627 masked %eq3A_4 {strides = array<i32>} : memref<10416xf32, #tpu.memory_space<vmem>>, vector<16xf32>, vector<16xi1>
        %scan3A_2630 = arith.constant 0 : i32
        scf.yield %scan3A_2630 : i32
      }
      %scan3A_335 = arith.constant 22 : i32
      %get3A_336 = arith.constant 4 : i32
      %get3A_337 = arith.index_cast %scan3A_13 : i32 to index
      %get3A_338 = arith.index_cast %get3A_336 : i32 to index
      %get3A_339 = arith.constant 0 : index
      %get3A_340 = tpu.vector_load %arg4[%get3A_337, %get3A_338, %get3A_339] {strides = array<i32>} : memref<32x26x128xf32, #tpu.memory_space<vmem>>, vector<16xf32>,
      %get3A_341 = arith.constant 4 : i32
      %get3A_342 = arith.index_cast %scan3A_13 : i32 to index
      %get3A_343 = arith.index_cast %get3A_341 : i32 to index
      %get3A_344 = arith.constant 16 : index
      %get3A_345 = tpu.vector_load %arg4[%get3A_342, %get3A_343, %get3A_344] {strides = array<i32>} : memref<32x26x128xf32, #tpu.memory_space<vmem>>, vector<16xf32>,
      %get3A_346 = arith.constant 4 : i32
      %get3A_347 = arith.index_cast %scan3A_13 : i32 to index
      %get3A_348 = arith.index_cast %get3A_346 : i32 to index
      %get3A_349 = arith.constant 32 : index
      %get3A_350 = tpu.vector_load %arg4[%get3A_347, %get3A_348, %get3A_349] {strides = array<i32>} : memref<32x26x128xf32, #tpu.memory_space<vmem>>, vector<16xf32>,
      %get3A_351 = arith.constant 4 : i32
      %get3A_352 = arith.index_cast %scan3A_13 : i32 to index
      %get3A_353 = arith.index_cast %get3A_351 : i32 to index
      %get3A_354 = arith.constant 48 : index
      %get3A_355 = tpu.vector_load %arg4[%get3A_352, %get3A_353, %get3A_354] {strides = array<i32>} : memref<32x26x128xf32, #tpu.memory_space<vmem>>, vector<16xf32>,
      %get3A_356 = arith.constant 4 : i32
      %get3A_357 = arith.index_cast %scan3A_13 : i32 to index
      %get3A_358 = arith.index_cast %get3A_356 : i32 to index
      %get3A_359 = arith.constant 64 : index
      %get3A_360 = tpu.vector_load %arg4[%get3A_357, %get3A_358, %get3A_359] {strides = array<i32>} : memref<32x26x128xf32, #tpu.memory_space<vmem>>, vector<16xf32>,
      %get3A_361 = arith.constant 4 : i32
      %get3A_362 = arith.index_cast %scan3A_13 : i32 to index
      %get3A_363 = arith.index_cast %get3A_361 : i32 to index
      %get3A_364 = arith.constant 80 : index
      %get3A_365 = tpu.vector_load %arg4[%get3A_362, %get3A_363, %get3A_364] {strides = array<i32>} : memref<32x26x128xf32, #tpu.memory_space<vmem>>, vector<16xf32>,
      %get3A_366 = arith.constant 4 : i32
      %get3A_367 = arith.index_cast %scan3A_13 : i32 to index
      %get3A_368 = arith.index_cast %get3A_366 : i32 to index
      %get3A_369 = arith.constant 96 : index
      %get3A_370 = tpu.vector_load %arg4[%get3A_367, %get3A_368, %get3A_369] {strides = array<i32>} : memref<32x26x128xf32, #tpu.memory_space<vmem>>, vector<16xf32>,
      %get3A_371 = arith.constant 4 : i32
      %get3A_372 = arith.index_cast %scan3A_13 : i32 to index
      %get3A_373 = arith.index_cast %get3A_371 : i32 to index
      %get3A_374 = arith.constant 112 : index
      %get3A_375 = tpu.vector_load %arg4[%get3A_372, %get3A_373, %get3A_374] {strides = array<i32>} : memref<32x26x128xf32, #tpu.memory_space<vmem>>, vector<16xf32>,
      %get3A_376 = arith.constant 5 : i32
      %get3A_377 = arith.index_cast %scan3A_13 : i32 to index
      %get3A_378 = arith.index_cast %get3A_376 : i32 to index
      %get3A_379 = arith.constant 0 : index
      %get3A_380 = tpu.vector_load %arg4[%get3A_377, %get3A_378, %get3A_379] {strides = array<i32>} : memref<32x26x128xf32, #tpu.memory_space<vmem>>, vector<16xf32>,
      %get3A_381 = arith.constant 5 : i32
      %get3A_382 = arith.index_cast %scan3A_13 : i32 to index
      %get3A_383 = arith.index_cast %get3A_381 : i32 to index
      %get3A_384 = arith.constant 16 : index
      %get3A_385 = tpu.vector_load %arg4[%get3A_382, %get3A_383, %get3A_384] {strides = array<i32>} : memref<32x26x128xf32, #tpu.memory_space<vmem>>, vector<16xf32>,
      %get3A_386 = arith.constant 5 : i32
      %get3A_387 = arith.index_cast %scan3A_13 : i32 to index
      %get3A_388 = arith.index_cast %get3A_386 : i32 to index
      %get3A_389 = arith.constant 32 : index
      %get3A_390 = tpu.vector_load %arg4[%get3A_387, %get3A_388, %get3A_389] {strides = array<i32>} : memref<32x26x128xf32, #tpu.memory_space<vmem>>, vector<16xf32>,
      %get3A_391 = arith.constant 5 : i32
      %get3A_392 = arith.index_cast %scan3A_13 : i32 to index
      %get3A_393 = arith.index_cast %get3A_391 : i32 to index
      %get3A_394 = arith.constant 48 : index
      %get3A_395 = tpu.vector_load %arg4[%get3A_392, %get3A_393, %get3A_394] {strides = array<i32>} : memref<32x26x128xf32, #tpu.memory_space<vmem>>, vector<16xf32>,
      %get3A_396 = arith.constant 5 : i32
      %get3A_397 = arith.index_cast %scan3A_13 : i32 to index
      %get3A_398 = arith.index_cast %get3A_396 : i32 to index
      %get3A_399 = arith.constant 64 : index
      %get3A_400 = tpu.vector_load %arg4[%get3A_397, %get3A_398, %get3A_399] {strides = array<i32>} : memref<32x26x128xf32, #tpu.memory_space<vmem>>, vector<16xf32>,
      %get3A_401 = arith.constant 5 : i32
      %get3A_402 = arith.index_cast %scan3A_13 : i32 to index
      %get3A_403 = arith.index_cast %get3A_401 : i32 to index
      %get3A_404 = arith.constant 80 : index
      %get3A_405 = tpu.vector_load %arg4[%get3A_402, %get3A_403, %get3A_404] {strides = array<i32>} : memref<32x26x128xf32, #tpu.memory_space<vmem>>, vector<16xf32>,
      %get3A_406 = arith.constant 5 : i32
      %get3A_407 = arith.index_cast %scan3A_13 : i32 to index
      %get3A_408 = arith.index_cast %get3A_406 : i32 to index
      %get3A_409 = arith.constant 96 : index
      %get3A_410 = tpu.vector_load %arg4[%get3A_407, %get3A_408, %get3A_409] {strides = array<i32>} : memref<32x26x128xf32, #tpu.memory_space<vmem>>, vector<16xf32>,
      %get3A_411 = arith.constant 5 : i32
      %get3A_412 = arith.index_cast %scan3A_13 : i32 to index
      %get3A_413 = arith.index_cast %get3A_411 : i32 to index
      %get3A_414 = arith.constant 112 : index
      %get3A_415 = tpu.vector_load %arg4[%get3A_412, %get3A_413, %get3A_414] {strides = array<i32>} : memref<32x26x128xf32, #tpu.memory_space<vmem>>, vector<16xf32>,
      %get3A_416 = arith.constant 6 : i32
      %get3A_417 = arith.index_cast %scan3A_13 : i32 to index
      %get3A_418 = arith.index_cast %get3A_416 : i32 to index
      %get3A_419 = arith.constant 0 : index
      %get3A_420 = tpu.vector_load %arg4[%get3A_417, %get3A_418, %get3A_419] {strides = array<i32>} : memref<32x26x128xf32, #tpu.memory_space<vmem>>, vector<16xf32>,
      %get3A_421 = arith.constant 6 : i32
      %get3A_422 = arith.index_cast %scan3A_13 : i32 to index
      %get3A_423 = arith.index_cast %get3A_421 : i32 to index
      %get3A_424 = arith.constant 16 : index
      %get3A_425 = tpu.vector_load %arg4[%get3A_422, %get3A_423, %get3A_424] {strides = array<i32>} : memref<32x26x128xf32, #tpu.memory_space<vmem>>, vector<16xf32>,
      %get3A_426 = arith.constant 6 : i32
      %get3A_427 = arith.index_cast %scan3A_13 : i32 to index
      %get3A_428 = arith.index_cast %get3A_426 : i32 to index
      %get3A_429 = arith.constant 32 : index
      %get3A_430 = tpu.vector_load %arg4[%get3A_427, %get3A_428, %get3A_429] {strides = array<i32>} : memref<32x26x128xf32, #tpu.memory_space<vmem>>, vector<16xf32>,
      %get3A_431 = arith.constant 6 : i32
      %get3A_432 = arith.index_cast %scan3A_13 : i32 to index
      %get3A_433 = arith.index_cast %get3A_431 : i32 to index
      %get3A_434 = arith.constant 48 : index
      %get3A_435 = tpu.vector_load %arg4[%get3A_432, %get3A_433, %get3A_434] {strides = array<i32>} : memref<32x26x128xf32, #tpu.memory_space<vmem>>, vector<16xf32>,
      %get3A_436 = arith.constant 6 : i32
      %get3A_437 = arith.index_cast %scan3A_13 : i32 to index
      %get3A_438 = arith.index_cast %get3A_436 : i32 to index
      %get3A_439 = arith.constant 64 : index
      %get3A_440 = tpu.vector_load %arg4[%get3A_437, %get3A_438, %get3A_439] {strides = array<i32>} : memref<32x26x128xf32, #tpu.memory_space<vmem>>, vector<16xf32>,
      %get3A_441 = arith.constant 6 : i32
      %get3A_442 = arith.index_cast %scan3A_13 : i32 to index
      %get3A_443 = arith.index_cast %get3A_441 : i32 to index
      %get3A_444 = arith.constant 80 : index
      %get3A_445 = tpu.vector_load %arg4[%get3A_442, %get3A_443, %get3A_444] {strides = array<i32>} : memref<32x26x128xf32, #tpu.memory_space<vmem>>, vector<16xf32>,
      %get3A_446 = arith.constant 6 : i32
      %get3A_447 = arith.index_cast %scan3A_13 : i32 to index
      %get3A_448 = arith.index_cast %get3A_446 : i32 to index
      %get3A_449 = arith.constant 96 : index
      %get3A_450 = tpu.vector_load %arg4[%get3A_447, %get3A_448, %get3A_449] {strides = array<i32>} : memref<32x26x128xf32, #tpu.memory_space<vmem>>, vector<16xf32>,
      %get3A_451 = arith.constant 6 : i32
      %get3A_452 = arith.index_cast %scan3A_13 : i32 to index
      %get3A_453 = arith.index_cast %get3A_451 : i32 to index
      %get3A_454 = arith.constant 112 : index
      %get3A_455 = tpu.vector_load %arg4[%get3A_452, %get3A_453, %get3A_454] {strides = array<i32>} : memref<32x26x128xf32, #tpu.memory_space<vmem>>, vector<16xf32>,
      %get3A_456 = arith.constant 7 : i32
      %get3A_457 = arith.index_cast %scan3A_13 : i32 to index
      %get3A_458 = arith.index_cast %get3A_456 : i32 to index
      %get3A_459 = arith.constant 0 : index
      %get3A_460 = tpu.vector_load %arg4[%get3A_457, %get3A_458, %get3A_459] {strides = array<i32>} : memref<32x26x128xf32, #tpu.memory_space<vmem>>, vector<16xf32>,
      %get3A_461 = arith.constant 7 : i32
      %get3A_462 = arith.index_cast %scan3A_13 : i32 to index
      %get3A_463 = arith.index_cast %get3A_461 : i32 to index
      %get3A_464 = arith.constant 16 : index
      %get3A_465 = tpu.vector_load %arg4[%get3A_462, %get3A_463, %get3A_464] {strides = array<i32>} : memref<32x26x128xf32, #tpu.memory_space<vmem>>, vector<16xf32>,
      %get3A_466 = arith.constant 7 : i32
      %get3A_467 = arith.index_cast %scan3A_13 : i32 to index
      %get3A_468 = arith.index_cast %get3A_466 : i32 to index
      %get3A_469 = arith.constant 32 : index
      %get3A_470 = tpu.vector_load %arg4[%get3A_467, %get3A_468, %get3A_469] {strides = array<i32>} : memref<32x26x128xf32, #tpu.memory_space<vmem>>, vector<16xf32>,
      %get3A_471 = arith.constant 7 : i32
      %get3A_472 = arith.index_cast %scan3A_13 : i32 to index
      %get3A_473 = arith.index_cast %get3A_471 : i32 to index
      %get3A_474 = arith.constant 48 : index
      %get3A_475 = tpu.vector_load %arg4[%get3A_472, %get3A_473, %get3A_474] {strides = array<i32>} : memref<32x26x128xf32, #tpu.memory_space<vmem>>, vector<16xf32>,
      %get3A_476 = arith.constant 7 : i32
      %get3A_477 = arith.index_cast %scan3A_13 : i32 to index
      %get3A_478 = arith.index_cast %get3A_476 : i32 to index
      %get3A_479 = arith.constant 64 : index
      %get3A_480 = tpu.vector_load %arg4[%get3A_477, %get3A_478, %get3A_479] {strides = array<i32>} : memref<32x26x128xf32, #tpu.memory_space<vmem>>, vector<16xf32>,
      %get3A_481 = arith.constant 7 : i32
      %get3A_482 = arith.index_cast %scan3A_13 : i32 to index
      %get3A_483 = arith.index_cast %get3A_481 : i32 to index
      %get3A_484 = arith.constant 80 : index
      %get3A_485 = tpu.vector_load %arg4[%get3A_482, %get3A_483, %get3A_484] {strides = array<i32>} : memref<32x26x128xf32, #tpu.memory_space<vmem>>, vector<16xf32>,
      %get3A_486 = arith.constant 7 : i32
      %get3A_487 = arith.index_cast %scan3A_13 : i32 to index
      %get3A_488 = arith.index_cast %get3A_486 : i32 to index
      %get3A_489 = arith.constant 96 : index
      %get3A_490 = tpu.vector_load %arg4[%get3A_487, %get3A_488, %get3A_489] {strides = array<i32>} : memref<32x26x128xf32, #tpu.memory_space<vmem>>, vector<16xf32>,
      %get3A_491 = arith.constant 7 : i32
      %get3A_492 = arith.index_cast %scan3A_13 : i32 to index
      %get3A_493 = arith.index_cast %get3A_491 : i32 to index
      %get3A_494 = arith.constant 112 : index
      %get3A_495 = tpu.vector_load %arg4[%get3A_492, %get3A_493, %get3A_494] {strides = array<i32>} : memref<32x26x128xf32, #tpu.memory_space<vmem>>, vector<16xf32>,
      %add3A_496 = arith.constant 94 : i32
      %add3A_497 = arith.addi %mul3A_16, %add3A_496 : i32
      %add3A_498 = arith.constant 0 : i32
      %add3A_499 = arith.addi %add3A_497, %add3A_498 : i32
      %mul3A_500 = arith.mulf %get3A_340, %get3A_380 : vector<16xf32>
      %mul3A_501 = arith.mulf %get3A_345, %get3A_385 : vector<16xf32>
      %mul3A_502 = arith.mulf %get3A_350, %get3A_390 : vector<16xf32>
      %mul3A_503 = arith.mulf %get3A_355, %get3A_395 : vector<16xf32>
      %mul3A_504 = arith.mulf %get3A_360, %get3A_400 : vector<16xf32>
      %mul3A_505 = arith.mulf %get3A_365, %get3A_405 : vector<16xf32>
      %mul3A_506 = arith.mulf %get3A_370, %get3A_410 : vector<16xf32>
      %mul3A_507 = arith.mulf %get3A_375, %get3A_415 : vector<16xf32>
      %add3A_508 = arith.addf %mul3A_500, %mul3A_501 : vector<16xf32>
      %add3A_509 = arith.addf %mul3A_502, %mul3A_503 : vector<16xf32>
      %add3A_510 = arith.addf %mul3A_504, %mul3A_505 : vector<16xf32>
      %add3A_511 = arith.addf %mul3A_506, %mul3A_507 : vector<16xf32>
      %add3A_512 = arith.addf %add3A_508, %add3A_509 : vector<16xf32>
      %add3A_513 = arith.addf %add3A_510, %add3A_511 : vector<16xf32>
      %add3A_514 = arith.addf %add3A_512, %add3A_513 : vector<16xf32>
      %reduce_sum3A_515 = arith.constant true
      %reduce_sum3A_516 = vector.broadcast %reduce_sum3A_515 : i1 to vector<16xi1>
      %reduce_sum3A_517 = tpu.scan <sum>, %add3A_514 masked %reduce_sum3A_516 : vector<16xf32>, vector<16xi1> -> vector<16xf32>
      %reduce_sum3A_518 = vector.extract %reduce_sum3A_517[15] : f32 from vector<16xf32>
      %broadcast_in_dim3A_519 = vector.broadcast %reduce_sum3A_518 : f32 to vector<16xf32>
      %swap3A_520 = arith.index_cast %add3A_499 : i32 to index
      %swap3A_521 = tpu.vector_load %arg5[%swap3A_520] masked %eq3A_4 {strides = array<i32>} : memref<10416xf32, #tpu.memory_space<vmem>>, vector<16xf32>, vector<16xi1>
      tpu.vector_store %arg5[%swap3A_520], %broadcast_in_dim3A_519 masked %eq3A_4 {strides = array<i32>} : memref<10416xf32, #tpu.memory_space<vmem>>, vector<16xf32>, vector<16xi1>
      %add3A_522 = arith.constant 94 : i32
      %add3A_523 = arith.addi %mul3A_16, %add3A_522 : i32
      %add3A_524 = arith.constant 1 : i32
      %add3A_525 = arith.addi %add3A_523, %add3A_524 : i32
      %mul3A_526 = arith.mulf %get3A_340, %get3A_420 : vector<16xf32>
      %mul3A_527 = arith.mulf %get3A_345, %get3A_425 : vector<16xf32>
      %mul3A_528 = arith.mulf %get3A_350, %get3A_430 : vector<16xf32>
      %mul3A_529 = arith.mulf %get3A_355, %get3A_435 : vector<16xf32>
      %mul3A_530 = arith.mulf %get3A_360, %get3A_440 : vector<16xf32>
      %mul3A_531 = arith.mulf %get3A_365, %get3A_445 : vector<16xf32>
      %mul3A_532 = arith.mulf %get3A_370, %get3A_450 : vector<16xf32>
      %mul3A_533 = arith.mulf %get3A_375, %get3A_455 : vector<16xf32>
      %add3A_534 = arith.addf %mul3A_526, %mul3A_527 : vector<16xf32>
      %add3A_535 = arith.addf %mul3A_528, %mul3A_529 : vector<16xf32>
      %add3A_536 = arith.addf %mul3A_530, %mul3A_531 : vector<16xf32>
      %add3A_537 = arith.addf %mul3A_532, %mul3A_533 : vector<16xf32>
      %add3A_538 = arith.addf %add3A_534, %add3A_535 : vector<16xf32>
      %add3A_539 = arith.addf %add3A_536, %add3A_537 : vector<16xf32>
      %add3A_540 = arith.addf %add3A_538, %add3A_539 : vector<16xf32>
      %reduce_sum3A_541 = arith.constant true
      %reduce_sum3A_542 = vector.broadcast %reduce_sum3A_541 : i1 to vector<16xi1>
      %reduce_sum3A_543 = tpu.scan <sum>, %add3A_540 masked %reduce_sum3A_542 : vector<16xf32>, vector<16xi1> -> vector<16xf32>
      %reduce_sum3A_544 = vector.extract %reduce_sum3A_543[15] : f32 from vector<16xf32>
      %broadcast_in_dim3A_545 = vector.broadcast %reduce_sum3A_544 : f32 to vector<16xf32>
      %swap3A_546 = arith.index_cast %add3A_525 : i32 to index
      %swap3A_547 = tpu.vector_load %arg5[%swap3A_546] masked %eq3A_4 {strides = array<i32>} : memref<10416xf32, #tpu.memory_space<vmem>>, vector<16xf32>, vector<16xi1>
      tpu.vector_store %arg5[%swap3A_546], %broadcast_in_dim3A_545 masked %eq3A_4 {strides = array<i32>} : memref<10416xf32, #tpu.memory_space<vmem>>, vector<16xf32>, vector<16xi1>
      %add3A_548 = arith.constant 94 : i32
      %add3A_549 = arith.addi %mul3A_16, %add3A_548 : i32
      %add3A_550 = arith.constant 2 : i32
      %add3A_551 = arith.addi %add3A_549, %add3A_550 : i32
      %mul3A_552 = arith.mulf %get3A_340, %get3A_460 : vector<16xf32>
      %mul3A_553 = arith.mulf %get3A_345, %get3A_465 : vector<16xf32>
      %mul3A_554 = arith.mulf %get3A_350, %get3A_470 : vector<16xf32>
      %mul3A_555 = arith.mulf %get3A_355, %get3A_475 : vector<16xf32>
      %mul3A_556 = arith.mulf %get3A_360, %get3A_480 : vector<16xf32>
      %mul3A_557 = arith.mulf %get3A_365, %get3A_485 : vector<16xf32>
      %mul3A_558 = arith.mulf %get3A_370, %get3A_490 : vector<16xf32>
      %mul3A_559 = arith.mulf %get3A_375, %get3A_495 : vector<16xf32>
      %add3A_560 = arith.addf %mul3A_552, %mul3A_553 : vector<16xf32>
      %add3A_561 = arith.addf %mul3A_554, %mul3A_555 : vector<16xf32>
      %add3A_562 = arith.addf %mul3A_556, %mul3A_557 : vector<16xf32>
      %add3A_563 = arith.addf %mul3A_558, %mul3A_559 : vector<16xf32>
      %add3A_564 = arith.addf %add3A_560, %add3A_561 : vector<16xf32>
      %add3A_565 = arith.addf %add3A_562, %add3A_563 : vector<16xf32>
      %add3A_566 = arith.addf %add3A_564, %add3A_565 : vector<16xf32>
      %reduce_sum3A_567 = arith.constant true
      %reduce_sum3A_568 = vector.broadcast %reduce_sum3A_567 : i1 to vector<16xi1>
      %reduce_sum3A_569 = tpu.scan <sum>, %add3A_566 masked %reduce_sum3A_568 : vector<16xf32>, vector<16xi1> -> vector<16xf32>
      %reduce_sum3A_570 = vector.extract %reduce_sum3A_569[15] : f32 from vector<16xf32>
      %broadcast_in_dim3A_571 = vector.broadcast %reduce_sum3A_570 : f32 to vector<16xf32>
      %swap3A_572 = arith.index_cast %add3A_551 : i32 to index
      %swap3A_573 = tpu.vector_load %arg5[%swap3A_572] masked %eq3A_4 {strides = array<i32>} : memref<10416xf32, #tpu.memory_space<vmem>>, vector<16xf32>, vector<16xi1>
      tpu.vector_store %arg5[%swap3A_572], %broadcast_in_dim3A_571 masked %eq3A_4 {strides = array<i32>} : memref<10416xf32, #tpu.memory_space<vmem>>, vector<16xf32>, vector<16xi1>
      %add3A_574 = arith.constant 115 : i32
      %add3A_575 = arith.addi %mul3A_16, %add3A_574 : i32
      %add3A_576 = arith.constant 0 : i32
      %add3A_577 = arith.addi %add3A_575, %add3A_576 : i32
      %mul3A_578 = arith.mulf %get3A_380, %get3A_420 : vector<16xf32>
      %mul3A_579 = arith.mulf %get3A_385, %get3A_425 : vector<16xf32>
      %mul3A_580 = arith.mulf %get3A_390, %get3A_430 : vector<16xf32>
      %mul3A_581 = arith.mulf %get3A_395, %get3A_435 : vector<16xf32>
      %mul3A_582 = arith.mulf %get3A_400, %get3A_440 : vector<16xf32>
      %mul3A_583 = arith.mulf %get3A_405, %get3A_445 : vector<16xf32>
      %mul3A_584 = arith.mulf %get3A_410, %get3A_450 : vector<16xf32>
      %mul3A_585 = arith.mulf %get3A_415, %get3A_455 : vector<16xf32>
      %add3A_586 = arith.addf %mul3A_578, %mul3A_579 : vector<16xf32>
      %add3A_587 = arith.addf %mul3A_580, %mul3A_581 : vector<16xf32>
      %add3A_588 = arith.addf %mul3A_582, %mul3A_583 : vector<16xf32>
      %add3A_589 = arith.addf %mul3A_584, %mul3A_585 : vector<16xf32>
      %add3A_590 = arith.addf %add3A_586, %add3A_587 : vector<16xf32>
      %add3A_591 = arith.addf %add3A_588, %add3A_589 : vector<16xf32>
      %add3A_592 = arith.addf %add3A_590, %add3A_591 : vector<16xf32>
      %reduce_sum3A_593 = arith.constant true
      %reduce_sum3A_594 = vector.broadcast %reduce_sum3A_593 : i1 to vector<16xi1>
      %reduce_sum3A_595 = tpu.scan <sum>, %add3A_592 masked %reduce_sum3A_594 : vector<16xf32>, vector<16xi1> -> vector<16xf32>
      %reduce_sum3A_596 = vector.extract %reduce_sum3A_595[15] : f32 from vector<16xf32>
      %broadcast_in_dim3A_597 = vector.broadcast %reduce_sum3A_596 : f32 to vector<16xf32>
      %swap3A_598 = arith.index_cast %add3A_577 : i32 to index
      %swap3A_599 = tpu.vector_load %arg5[%swap3A_598] masked %eq3A_4 {strides = array<i32>} : memref<10416xf32, #tpu.memory_space<vmem>>, vector<16xf32>, vector<16xi1>
      tpu.vector_store %arg5[%swap3A_598], %broadcast_in_dim3A_597 masked %eq3A_4 {strides = array<i32>} : memref<10416xf32, #tpu.memory_space<vmem>>, vector<16xf32>, vector<16xi1>
      %add3A_600 = arith.constant 115 : i32
      %add3A_601 = arith.addi %mul3A_16, %add3A_600 : i32
      %add3A_602 = arith.constant 1 : i32
      %add3A_603 = arith.addi %add3A_601, %add3A_602 : i32
      %mul3A_604 = arith.mulf %get3A_380, %get3A_460 : vector<16xf32>
      %mul3A_605 = arith.mulf %get3A_385, %get3A_465 : vector<16xf32>
      %mul3A_606 = arith.mulf %get3A_390, %get3A_470 : vector<16xf32>
      %mul3A_607 = arith.mulf %get3A_395, %get3A_475 : vector<16xf32>
      %mul3A_608 = arith.mulf %get3A_400, %get3A_480 : vector<16xf32>
      %mul3A_609 = arith.mulf %get3A_405, %get3A_485 : vector<16xf32>
      %mul3A_610 = arith.mulf %get3A_410, %get3A_490 : vector<16xf32>
      %mul3A_611 = arith.mulf %get3A_415, %get3A_495 : vector<16xf32>
      %add3A_612 = arith.addf %mul3A_604, %mul3A_605 : vector<16xf32>
      %add3A_613 = arith.addf %mul3A_606, %mul3A_607 : vector<16xf32>
      %add3A_614 = arith.addf %mul3A_608, %mul3A_609 : vector<16xf32>
      %add3A_615 = arith.addf %mul3A_610, %mul3A_611 : vector<16xf32>
      %add3A_616 = arith.addf %add3A_612, %add3A_613 : vector<16xf32>
      %add3A_617 = arith.addf %add3A_614, %add3A_615 : vector<16xf32>
      %add3A_618 = arith.addf %add3A_616, %add3A_617 : vector<16xf32>
      %reduce_sum3A_619 = arith.constant true
      %reduce_sum3A_620 = vector.broadcast %reduce_sum3A_619 : i1 to vector<16xi1>
      %reduce_sum3A_621 = tpu.scan <sum>, %add3A_618 masked %reduce_sum3A_620 : vector<16xf32>, vector<16xi1> -> vector<16xf32>
      %reduce_sum3A_622 = vector.extract %reduce_sum3A_621[15] : f32 from vector<16xf32>
      %broadcast_in_dim3A_623 = vector.broadcast %reduce_sum3A_622 : f32 to vector<16xf32>
      %swap3A_624 = arith.index_cast %add3A_603 : i32 to index
      %swap3A_625 = tpu.vector_load %arg5[%swap3A_624] masked %eq3A_4 {strides = array<i32>} : memref<10416xf32, #tpu.memory_space<vmem>>, vector<16xf32>, vector<16xi1>
      tpu.vector_store %arg5[%swap3A_624], %broadcast_in_dim3A_623 masked %eq3A_4 {strides = array<i32>} : memref<10416xf32, #tpu.memory_space<vmem>>, vector<16xf32>, vector<16xi1>
      %add3A_626 = arith.constant 135 : i32
      %add3A_627 = arith.addi %mul3A_16, %add3A_626 : i32
      %add3A_628 = arith.constant 0 : i32
      %add3A_629 = arith.addi %add3A_627, %add3A_628 : i32
      %mul3A_630 = arith.mulf %get3A_420, %get3A_460 : vector<16xf32>
      %mul3A_631 = arith.mulf %get3A_425, %get3A_465 : vector<16xf32>
      %mul3A_632 = arith.mulf %get3A_430, %get3A_470 : vector<16xf32>
      %mul3A_633 = arith.mulf %get3A_435, %get3A_475 : vector<16xf32>
      %mul3A_634 = arith.mulf %get3A_440, %get3A_480 : vector<16xf32>
      %mul3A_635 = arith.mulf %get3A_445, %get3A_485 : vector<16xf32>
      %mul3A_636 = arith.mulf %get3A_450, %get3A_490 : vector<16xf32>
      %mul3A_637 = arith.mulf %get3A_455, %get3A_495 : vector<16xf32>
      %add3A_638 = arith.addf %mul3A_630, %mul3A_631 : vector<16xf32>
      %add3A_639 = arith.addf %mul3A_632, %mul3A_633 : vector<16xf32>
      %add3A_640 = arith.addf %mul3A_634, %mul3A_635 : vector<16xf32>
      %add3A_641 = arith.addf %mul3A_636, %mul3A_637 : vector<16xf32>
      %add3A_642 = arith.addf %add3A_638, %add3A_639 : vector<16xf32>
      %add3A_643 = arith.addf %add3A_640, %add3A_641 : vector<16xf32>
      %add3A_644 = arith.addf %add3A_642, %add3A_643 : vector<16xf32>
      %reduce_sum3A_645 = arith.constant true
      %reduce_sum3A_646 = vector.broadcast %reduce_sum3A_645 : i1 to vector<16xi1>
      %reduce_sum3A_647 = tpu.scan <sum>, %add3A_644 masked %reduce_sum3A_646 : vector<16xf32>, vector<16xi1> -> vector<16xf32>
      %reduce_sum3A_648 = vector.extract %reduce_sum3A_647[15] : f32 from vector<16xf32>
      %broadcast_in_dim3A_649 = vector.broadcast %reduce_sum3A_648 : f32 to vector<16xf32>
      %swap3A_650 = arith.index_cast %add3A_629 : i32 to index
      %swap3A_651 = tpu.vector_load %arg5[%swap3A_650] masked %eq3A_4 {strides = array<i32>} : memref<10416xf32, #tpu.memory_space<vmem>>, vector<16xf32>, vector<16xi1>
      tpu.vector_store %arg5[%swap3A_650], %broadcast_in_dim3A_649 masked %eq3A_4 {strides = array<i32>} : memref<10416xf32, #tpu.memory_space<vmem>>, vector<16xf32>, vector<16xi1>
      %scan3A_652 = arith.constant 0 : i32
      %scan3A_653 = arith.constant 0 : i32
      %scan3A_654 = arith.constant 18 : i32
      %scan3A_655 = arith.addi %scan3A_653, %scan3A_654 : i32
      %scan3A_656 = arith.constant 2 : i32
      %scan3A_657 = scf.for %scan3A_2341 = %scan3A_653 to %scan3A_655 step %scan3A_656 iter_args(%scan3A_2342 = %scan3A_652) -> (i32)  : i32 {
        %add3A_2343 = arith.constant 8 : i32
        %add3A_2344 = arith.addi %scan3A_2341, %add3A_2343 : i32
        %get3A_2345 = arith.index_cast %scan3A_13 : i32 to index
        %get3A_2346 = arith.index_cast %add3A_2344 : i32 to index
        %get3A_2347 = arith.constant 0 : index
        %get3A_2348 = tpu.vector_load %arg4[%get3A_2345, %get3A_2346, %get3A_2347] {strides = array<i32>} : memref<32x26x128xf32, #tpu.memory_space<vmem>>, vector<16xf32>,
        %get3A_2349 = arith.index_cast %scan3A_13 : i32 to index
        %get3A_2350 = arith.index_cast %add3A_2344 : i32 to index
        %get3A_2351 = arith.constant 16 : index
        %get3A_2352 = tpu.vector_load %arg4[%get3A_2349, %get3A_2350, %get3A_2351] {strides = array<i32>} : memref<32x26x128xf32, #tpu.memory_space<vmem>>, vector<16xf32>,
        %get3A_2353 = arith.index_cast %scan3A_13 : i32 to index
        %get3A_2354 = arith.index_cast %add3A_2344 : i32 to index
        %get3A_2355 = arith.constant 32 : index
        %get3A_2356 = tpu.vector_load %arg4[%get3A_2353, %get3A_2354, %get3A_2355] {strides = array<i32>} : memref<32x26x128xf32, #tpu.memory_space<vmem>>, vector<16xf32>,
        %get3A_2357 = arith.index_cast %scan3A_13 : i32 to index
        %get3A_2358 = arith.index_cast %add3A_2344 : i32 to index
        %get3A_2359 = arith.constant 48 : index
        %get3A_2360 = tpu.vector_load %arg4[%get3A_2357, %get3A_2358, %get3A_2359] {strides = array<i32>} : memref<32x26x128xf32, #tpu.memory_space<vmem>>, vector<16xf32>,
        %get3A_2361 = arith.index_cast %scan3A_13 : i32 to index
        %get3A_2362 = arith.index_cast %add3A_2344 : i32 to index
        %get3A_2363 = arith.constant 64 : index
        %get3A_2364 = tpu.vector_load %arg4[%get3A_2361, %get3A_2362, %get3A_2363] {strides = array<i32>} : memref<32x26x128xf32, #tpu.memory_space<vmem>>, vector<16xf32>,
        %get3A_2365 = arith.index_cast %scan3A_13 : i32 to index
        %get3A_2366 = arith.index_cast %add3A_2344 : i32 to index
        %get3A_2367 = arith.constant 80 : index
        %get3A_2368 = tpu.vector_load %arg4[%get3A_2365, %get3A_2366, %get3A_2367] {strides = array<i32>} : memref<32x26x128xf32, #tpu.memory_space<vmem>>, vector<16xf32>,
        %get3A_2369 = arith.index_cast %scan3A_13 : i32 to index
        %get3A_2370 = arith.index_cast %add3A_2344 : i32 to index
        %get3A_2371 = arith.constant 96 : index
        %get3A_2372 = tpu.vector_load %arg4[%get3A_2369, %get3A_2370, %get3A_2371] {strides = array<i32>} : memref<32x26x128xf32, #tpu.memory_space<vmem>>, vector<16xf32>,
        %get3A_2373 = arith.index_cast %scan3A_13 : i32 to index
        %get3A_2374 = arith.index_cast %add3A_2344 : i32 to index
        %get3A_2375 = arith.constant 112 : index
        %get3A_2376 = tpu.vector_load %arg4[%get3A_2373, %get3A_2374, %get3A_2375] {strides = array<i32>} : memref<32x26x128xf32, #tpu.memory_space<vmem>>, vector<16xf32>,
        %add3A_2377 = arith.constant 94 : i32
        %add3A_2378 = arith.addi %mul3A_16, %add3A_2377 : i32
        %add3A_2379 = arith.constant 3 : i32
        %add3A_2380 = arith.addi %add3A_2378, %add3A_2379 : i32
        %add3A_2381 = arith.addi %add3A_2380, %scan3A_2341 : i32
        %mul3A_2382 = arith.mulf %get3A_340, %get3A_2348 : vector<16xf32>
        %mul3A_2383 = arith.mulf %get3A_345, %get3A_2352 : vector<16xf32>
        %mul3A_2384 = arith.mulf %get3A_350, %get3A_2356 : vector<16xf32>
        %mul3A_2385 = arith.mulf %get3A_355, %get3A_2360 : vector<16xf32>
        %mul3A_2386 = arith.mulf %get3A_360, %get3A_2364 : vector<16xf32>
        %mul3A_2387 = arith.mulf %get3A_365, %get3A_2368 : vector<16xf32>
        %mul3A_2388 = arith.mulf %get3A_370, %get3A_2372 : vector<16xf32>
        %mul3A_2389 = arith.mulf %get3A_375, %get3A_2376 : vector<16xf32>
        %add3A_2390 = arith.addf %mul3A_2382, %mul3A_2383 : vector<16xf32>
        %add3A_2391 = arith.addf %mul3A_2384, %mul3A_2385 : vector<16xf32>
        %add3A_2392 = arith.addf %mul3A_2386, %mul3A_2387 : vector<16xf32>
        %add3A_2393 = arith.addf %mul3A_2388, %mul3A_2389 : vector<16xf32>
        %add3A_2394 = arith.addf %add3A_2390, %add3A_2391 : vector<16xf32>
        %add3A_2395 = arith.addf %add3A_2392, %add3A_2393 : vector<16xf32>
        %add3A_2396 = arith.addf %add3A_2394, %add3A_2395 : vector<16xf32>
        %reduce_sum3A_2397 = arith.constant true
        %reduce_sum3A_2398 = vector.broadcast %reduce_sum3A_2397 : i1 to vector<16xi1>
        %reduce_sum3A_2399 = tpu.scan <sum>, %add3A_2396 masked %reduce_sum3A_2398 : vector<16xf32>, vector<16xi1> -> vector<16xf32>
        %reduce_sum3A_2400 = vector.extract %reduce_sum3A_2399[15] : f32 from vector<16xf32>
        %broadcast_in_dim3A_2401 = vector.broadcast %reduce_sum3A_2400 : f32 to vector<16xf32>
        %swap3A_2402 = arith.index_cast %add3A_2381 : i32 to index
        %swap3A_2403 = tpu.vector_load %arg5[%swap3A_2402] masked %eq3A_4 {strides = array<i32>} : memref<10416xf32, #tpu.memory_space<vmem>>, vector<16xf32>, vector<16xi1>
        tpu.vector_store %arg5[%swap3A_2402], %broadcast_in_dim3A_2401 masked %eq3A_4 {strides = array<i32>} : memref<10416xf32, #tpu.memory_space<vmem>>, vector<16xf32>, vector<16xi1>
        %add3A_2404 = arith.constant 115 : i32
        %add3A_2405 = arith.addi %mul3A_16, %add3A_2404 : i32
        %add3A_2406 = arith.constant 2 : i32
        %add3A_2407 = arith.addi %add3A_2405, %add3A_2406 : i32
        %add3A_2408 = arith.addi %add3A_2407, %scan3A_2341 : i32
        %mul3A_2409 = arith.mulf %get3A_380, %get3A_2348 : vector<16xf32>
        %mul3A_2410 = arith.mulf %get3A_385, %get3A_2352 : vector<16xf32>
        %mul3A_2411 = arith.mulf %get3A_390, %get3A_2356 : vector<16xf32>
        %mul3A_2412 = arith.mulf %get3A_395, %get3A_2360 : vector<16xf32>
        %mul3A_2413 = arith.mulf %get3A_400, %get3A_2364 : vector<16xf32>
        %mul3A_2414 = arith.mulf %get3A_405, %get3A_2368 : vector<16xf32>
        %mul3A_2415 = arith.mulf %get3A_410, %get3A_2372 : vector<16xf32>
        %mul3A_2416 = arith.mulf %get3A_415, %get3A_2376 : vector<16xf32>
        %add3A_2417 = arith.addf %mul3A_2409, %mul3A_2410 : vector<16xf32>
        %add3A_2418 = arith.addf %mul3A_2411, %mul3A_2412 : vector<16xf32>
        %add3A_2419 = arith.addf %mul3A_2413, %mul3A_2414 : vector<16xf32>
        %add3A_2420 = arith.addf %mul3A_2415, %mul3A_2416 : vector<16xf32>
        %add3A_2421 = arith.addf %add3A_2417, %add3A_2418 : vector<16xf32>
        %add3A_2422 = arith.addf %add3A_2419, %add3A_2420 : vector<16xf32>
        %add3A_2423 = arith.addf %add3A_2421, %add3A_2422 : vector<16xf32>
        %reduce_sum3A_2424 = arith.constant true
        %reduce_sum3A_2425 = vector.broadcast %reduce_sum3A_2424 : i1 to vector<16xi1>
        %reduce_sum3A_2426 = tpu.scan <sum>, %add3A_2423 masked %reduce_sum3A_2425 : vector<16xf32>, vector<16xi1> -> vector<16xf32>
        %reduce_sum3A_2427 = vector.extract %reduce_sum3A_2426[15] : f32 from vector<16xf32>
        %broadcast_in_dim3A_2428 = vector.broadcast %reduce_sum3A_2427 : f32 to vector<16xf32>
        %swap3A_2429 = arith.index_cast %add3A_2408 : i32 to index
        %swap3A_2430 = tpu.vector_load %arg5[%swap3A_2429] masked %eq3A_4 {strides = array<i32>} : memref<10416xf32, #tpu.memory_space<vmem>>, vector<16xf32>, vector<16xi1>
        tpu.vector_store %arg5[%swap3A_2429], %broadcast_in_dim3A_2428 masked %eq3A_4 {strides = array<i32>} : memref<10416xf32, #tpu.memory_space<vmem>>, vector<16xf32>, vector<16xi1>
        %add3A_2431 = arith.constant 135 : i32
        %add3A_2432 = arith.addi %mul3A_16, %add3A_2431 : i32
        %add3A_2433 = arith.constant 1 : i32
        %add3A_2434 = arith.addi %add3A_2432, %add3A_2433 : i32
        %add3A_2435 = arith.addi %add3A_2434, %scan3A_2341 : i32
        %mul3A_2436 = arith.mulf %get3A_420, %get3A_2348 : vector<16xf32>
        %mul3A_2437 = arith.mulf %get3A_425, %get3A_2352 : vector<16xf32>
        %mul3A_2438 = arith.mulf %get3A_430, %get3A_2356 : vector<16xf32>
        %mul3A_2439 = arith.mulf %get3A_435, %get3A_2360 : vector<16xf32>
        %mul3A_2440 = arith.mulf %get3A_440, %get3A_2364 : vector<16xf32>
        %mul3A_2441 = arith.mulf %get3A_445, %get3A_2368 : vector<16xf32>
        %mul3A_2442 = arith.mulf %get3A_450, %get3A_2372 : vector<16xf32>
        %mul3A_2443 = arith.mulf %get3A_455, %get3A_2376 : vector<16xf32>
        %add3A_2444 = arith.addf %mul3A_2436, %mul3A_2437 : vector<16xf32>
        %add3A_2445 = arith.addf %mul3A_2438, %mul3A_2439 : vector<16xf32>
        %add3A_2446 = arith.addf %mul3A_2440, %mul3A_2441 : vector<16xf32>
        %add3A_2447 = arith.addf %mul3A_2442, %mul3A_2443 : vector<16xf32>
        %add3A_2448 = arith.addf %add3A_2444, %add3A_2445 : vector<16xf32>
        %add3A_2449 = arith.addf %add3A_2446, %add3A_2447 : vector<16xf32>
        %add3A_2450 = arith.addf %add3A_2448, %add3A_2449 : vector<16xf32>
        %reduce_sum3A_2451 = arith.constant true
        %reduce_sum3A_2452 = vector.broadcast %reduce_sum3A_2451 : i1 to vector<16xi1>
        %reduce_sum3A_2453 = tpu.scan <sum>, %add3A_2450 masked %reduce_sum3A_2452 : vector<16xf32>, vector<16xi1> -> vector<16xf32>
        %reduce_sum3A_2454 = vector.extract %reduce_sum3A_2453[15] : f32 from vector<16xf32>
        %broadcast_in_dim3A_2455 = vector.broadcast %reduce_sum3A_2454 : f32 to vector<16xf32>
        %swap3A_2456 = arith.index_cast %add3A_2435 : i32 to index
        %swap3A_2457 = tpu.vector_load %arg5[%swap3A_2456] masked %eq3A_4 {strides = array<i32>} : memref<10416xf32, #tpu.memory_space<vmem>>, vector<16xf32>, vector<16xi1>
        tpu.vector_store %arg5[%swap3A_2456], %broadcast_in_dim3A_2455 masked %eq3A_4 {strides = array<i32>} : memref<10416xf32, #tpu.memory_space<vmem>>, vector<16xf32>, vector<16xi1>
        %add3A_2458 = arith.constant 154 : i32
        %add3A_2459 = arith.addi %mul3A_16, %add3A_2458 : i32
        %add3A_2460 = arith.constant 0 : i32
        %add3A_2461 = arith.addi %add3A_2459, %add3A_2460 : i32
        %add3A_2462 = arith.addi %add3A_2461, %scan3A_2341 : i32
        %mul3A_2463 = arith.mulf %get3A_460, %get3A_2348 : vector<16xf32>
        %mul3A_2464 = arith.mulf %get3A_465, %get3A_2352 : vector<16xf32>
        %mul3A_2465 = arith.mulf %get3A_470, %get3A_2356 : vector<16xf32>
        %mul3A_2466 = arith.mulf %get3A_475, %get3A_2360 : vector<16xf32>
        %mul3A_2467 = arith.mulf %get3A_480, %get3A_2364 : vector<16xf32>
        %mul3A_2468 = arith.mulf %get3A_485, %get3A_2368 : vector<16xf32>
        %mul3A_2469 = arith.mulf %get3A_490, %get3A_2372 : vector<16xf32>
        %mul3A_2470 = arith.mulf %get3A_495, %get3A_2376 : vector<16xf32>
        %add3A_2471 = arith.addf %mul3A_2463, %mul3A_2464 : vector<16xf32>
        %add3A_2472 = arith.addf %mul3A_2465, %mul3A_2466 : vector<16xf32>
        %add3A_2473 = arith.addf %mul3A_2467, %mul3A_2468 : vector<16xf32>
        %add3A_2474 = arith.addf %mul3A_2469, %mul3A_2470 : vector<16xf32>
        %add3A_2475 = arith.addf %add3A_2471, %add3A_2472 : vector<16xf32>
        %add3A_2476 = arith.addf %add3A_2473, %add3A_2474 : vector<16xf32>
        %add3A_2477 = arith.addf %add3A_2475, %add3A_2476 : vector<16xf32>
        %reduce_sum3A_2478 = arith.constant true
        %reduce_sum3A_2479 = vector.broadcast %reduce_sum3A_2478 : i1 to vector<16xi1>
        %reduce_sum3A_2480 = tpu.scan <sum>, %add3A_2477 masked %reduce_sum3A_2479 : vector<16xf32>, vector<16xi1> -> vector<16xf32>
        %reduce_sum3A_2481 = vector.extract %reduce_sum3A_2480[15] : f32 from vector<16xf32>
        %broadcast_in_dim3A_2482 = vector.broadcast %reduce_sum3A_2481 : f32 to vector<16xf32>
        %swap3A_2483 = arith.index_cast %add3A_2462 : i32 to index
        %swap3A_2484 = tpu.vector_load %arg5[%swap3A_2483] masked %eq3A_4 {strides = array<i32>} : memref<10416xf32, #tpu.memory_space<vmem>>, vector<16xf32>, vector<16xi1>
        tpu.vector_store %arg5[%swap3A_2483], %broadcast_in_dim3A_2482 masked %eq3A_4 {strides = array<i32>} : memref<10416xf32, #tpu.memory_space<vmem>>, vector<16xf32>, vector<16xi1>
        %scan3A_2485 = arith.constant 0 : i32
        %scan3A_2486 = arith.constant 1 : i32
        %scan3A_2487 = arith.addi %scan3A_2341, %scan3A_2486 : i32
        %add3A_2488 = arith.constant 8 : i32
        %add3A_2489 = arith.addi %scan3A_2487, %add3A_2488 : i32
        %get3A_2490 = arith.index_cast %scan3A_13 : i32 to index
        %get3A_2491 = arith.index_cast %add3A_2489 : i32 to index
        %get3A_2492 = arith.constant 0 : index
        %get3A_2493 = tpu.vector_load %arg4[%get3A_2490, %get3A_2491, %get3A_2492] {strides = array<i32>} : memref<32x26x128xf32, #tpu.memory_space<vmem>>, vector<16xf32>,
        %get3A_2494 = arith.index_cast %scan3A_13 : i32 to index
        %get3A_2495 = arith.index_cast %add3A_2489 : i32 to index
        %get3A_2496 = arith.constant 16 : index
        %get3A_2497 = tpu.vector_load %arg4[%get3A_2494, %get3A_2495, %get3A_2496] {strides = array<i32>} : memref<32x26x128xf32, #tpu.memory_space<vmem>>, vector<16xf32>,
        %get3A_2498 = arith.index_cast %scan3A_13 : i32 to index
        %get3A_2499 = arith.index_cast %add3A_2489 : i32 to index
        %get3A_2500 = arith.constant 32 : index
        %get3A_2501 = tpu.vector_load %arg4[%get3A_2498, %get3A_2499, %get3A_2500] {strides = array<i32>} : memref<32x26x128xf32, #tpu.memory_space<vmem>>, vector<16xf32>,
        %get3A_2502 = arith.index_cast %scan3A_13 : i32 to index
        %get3A_2503 = arith.index_cast %add3A_2489 : i32 to index
        %get3A_2504 = arith.constant 48 : index
        %get3A_2505 = tpu.vector_load %arg4[%get3A_2502, %get3A_2503, %get3A_2504] {strides = array<i32>} : memref<32x26x128xf32, #tpu.memory_space<vmem>>, vector<16xf32>,
        %get3A_2506 = arith.index_cast %scan3A_13 : i32 to index
        %get3A_2507 = arith.index_cast %add3A_2489 : i32 to index
        %get3A_2508 = arith.constant 64 : index
        %get3A_2509 = tpu.vector_load %arg4[%get3A_2506, %get3A_2507, %get3A_2508] {strides = array<i32>} : memref<32x26x128xf32, #tpu.memory_space<vmem>>, vector<16xf32>,
        %get3A_2510 = arith.index_cast %scan3A_13 : i32 to index
        %get3A_2511 = arith.index_cast %add3A_2489 : i32 to index
        %get3A_2512 = arith.constant 80 : index
        %get3A_2513 = tpu.vector_load %arg4[%get3A_2510, %get3A_2511, %get3A_2512] {strides = array<i32>} : memref<32x26x128xf32, #tpu.memory_space<vmem>>, vector<16xf32>,
        %get3A_2514 = arith.index_cast %scan3A_13 : i32 to index
        %get3A_2515 = arith.index_cast %add3A_2489 : i32 to index
        %get3A_2516 = arith.constant 96 : index
        %get3A_2517 = tpu.vector_load %arg4[%get3A_2514, %get3A_2515, %get3A_2516] {strides = array<i32>} : memref<32x26x128xf32, #tpu.memory_space<vmem>>, vector<16xf32>,
        %get3A_2518 = arith.index_cast %scan3A_13 : i32 to index
        %get3A_2519 = arith.index_cast %add3A_2489 : i32 to index
        %get3A_2520 = arith.constant 112 : index
        %get3A_2521 = tpu.vector_load %arg4[%get3A_2518, %get3A_2519, %get3A_2520] {strides = array<i32>} : memref<32x26x128xf32, #tpu.memory_space<vmem>>, vector<16xf32>,
        %add3A_2522 = arith.constant 94 : i32
        %add3A_2523 = arith.addi %mul3A_16, %add3A_2522 : i32
        %add3A_2524 = arith.constant 3 : i32
        %add3A_2525 = arith.addi %add3A_2523, %add3A_2524 : i32
        %add3A_2526 = arith.addi %add3A_2525, %scan3A_2487 : i32
        %mul3A_2527 = arith.mulf %get3A_340, %get3A_2493 : vector<16xf32>
        %mul3A_2528 = arith.mulf %get3A_345, %get3A_2497 : vector<16xf32>
        %mul3A_2529 = arith.mulf %get3A_350, %get3A_2501 : vector<16xf32>
        %mul3A_2530 = arith.mulf %get3A_355, %get3A_2505 : vector<16xf32>
        %mul3A_2531 = arith.mulf %get3A_360, %get3A_2509 : vector<16xf32>
        %mul3A_2532 = arith.mulf %get3A_365, %get3A_2513 : vector<16xf32>
        %mul3A_2533 = arith.mulf %get3A_370, %get3A_2517 : vector<16xf32>
        %mul3A_2534 = arith.mulf %get3A_375, %get3A_2521 : vector<16xf32>
        %add3A_2535 = arith.addf %mul3A_2527, %mul3A_2528 : vector<16xf32>
        %add3A_2536 = arith.addf %mul3A_2529, %mul3A_2530 : vector<16xf32>
        %add3A_2537 = arith.addf %mul3A_2531, %mul3A_2532 : vector<16xf32>
        %add3A_2538 = arith.addf %mul3A_2533, %mul3A_2534 : vector<16xf32>
        %add3A_2539 = arith.addf %add3A_2535, %add3A_2536 : vector<16xf32>
        %add3A_2540 = arith.addf %add3A_2537, %add3A_2538 : vector<16xf32>
        %add3A_2541 = arith.addf %add3A_2539, %add3A_2540 : vector<16xf32>
        %reduce_sum3A_2542 = arith.constant true
        %reduce_sum3A_2543 = vector.broadcast %reduce_sum3A_2542 : i1 to vector<16xi1>
        %reduce_sum3A_2544 = tpu.scan <sum>, %add3A_2541 masked %reduce_sum3A_2543 : vector<16xf32>, vector<16xi1> -> vector<16xf32>
        %reduce_sum3A_2545 = vector.extract %reduce_sum3A_2544[15] : f32 from vector<16xf32>
        %broadcast_in_dim3A_2546 = vector.broadcast %reduce_sum3A_2545 : f32 to vector<16xf32>
        %swap3A_2547 = arith.index_cast %add3A_2526 : i32 to index
        %swap3A_2548 = tpu.vector_load %arg5[%swap3A_2547] masked %eq3A_4 {strides = array<i32>} : memref<10416xf32, #tpu.memory_space<vmem>>, vector<16xf32>, vector<16xi1>
        tpu.vector_store %arg5[%swap3A_2547], %broadcast_in_dim3A_2546 masked %eq3A_4 {strides = array<i32>} : memref<10416xf32, #tpu.memory_space<vmem>>, vector<16xf32>, vector<16xi1>
        %add3A_2549 = arith.constant 115 : i32
        %add3A_2550 = arith.addi %mul3A_16, %add3A_2549 : i32
        %add3A_2551 = arith.constant 2 : i32
        %add3A_2552 = arith.addi %add3A_2550, %add3A_2551 : i32
        %add3A_2553 = arith.addi %add3A_2552, %scan3A_2487 : i32
        %mul3A_2554 = arith.mulf %get3A_380, %get3A_2493 : vector<16xf32>
        %mul3A_2555 = arith.mulf %get3A_385, %get3A_2497 : vector<16xf32>
        %mul3A_2556 = arith.mulf %get3A_390, %get3A_2501 : vector<16xf32>
        %mul3A_2557 = arith.mulf %get3A_395, %get3A_2505 : vector<16xf32>
        %mul3A_2558 = arith.mulf %get3A_400, %get3A_2509 : vector<16xf32>
        %mul3A_2559 = arith.mulf %get3A_405, %get3A_2513 : vector<16xf32>
        %mul3A_2560 = arith.mulf %get3A_410, %get3A_2517 : vector<16xf32>
        %mul3A_2561 = arith.mulf %get3A_415, %get3A_2521 : vector<16xf32>
        %add3A_2562 = arith.addf %mul3A_2554, %mul3A_2555 : vector<16xf32>
        %add3A_2563 = arith.addf %mul3A_2556, %mul3A_2557 : vector<16xf32>
        %add3A_2564 = arith.addf %mul3A_2558, %mul3A_2559 : vector<16xf32>
        %add3A_2565 = arith.addf %mul3A_2560, %mul3A_2561 : vector<16xf32>
        %add3A_2566 = arith.addf %add3A_2562, %add3A_2563 : vector<16xf32>
        %add3A_2567 = arith.addf %add3A_2564, %add3A_2565 : vector<16xf32>
        %add3A_2568 = arith.addf %add3A_2566, %add3A_2567 : vector<16xf32>
        %reduce_sum3A_2569 = arith.constant true
        %reduce_sum3A_2570 = vector.broadcast %reduce_sum3A_2569 : i1 to vector<16xi1>
        %reduce_sum3A_2571 = tpu.scan <sum>, %add3A_2568 masked %reduce_sum3A_2570 : vector<16xf32>, vector<16xi1> -> vector<16xf32>
        %reduce_sum3A_2572 = vector.extract %reduce_sum3A_2571[15] : f32 from vector<16xf32>
        %broadcast_in_dim3A_2573 = vector.broadcast %reduce_sum3A_2572 : f32 to vector<16xf32>
        %swap3A_2574 = arith.index_cast %add3A_2553 : i32 to index
        %swap3A_2575 = tpu.vector_load %arg5[%swap3A_2574] masked %eq3A_4 {strides = array<i32>} : memref<10416xf32, #tpu.memory_space<vmem>>, vector<16xf32>, vector<16xi1>
        tpu.vector_store %arg5[%swap3A_2574], %broadcast_in_dim3A_2573 masked %eq3A_4 {strides = array<i32>} : memref<10416xf32, #tpu.memory_space<vmem>>, vector<16xf32>, vector<16xi1>
        %add3A_2576 = arith.constant 135 : i32
        %add3A_2577 = arith.addi %mul3A_16, %add3A_2576 : i32
        %add3A_2578 = arith.constant 1 : i32
        %add3A_2579 = arith.addi %add3A_2577, %add3A_2578 : i32
        %add3A_2580 = arith.addi %add3A_2579, %scan3A_2487 : i32
        %mul3A_2581 = arith.mulf %get3A_420, %get3A_2493 : vector<16xf32>
        %mul3A_2582 = arith.mulf %get3A_425, %get3A_2497 : vector<16xf32>
        %mul3A_2583 = arith.mulf %get3A_430, %get3A_2501 : vector<16xf32>
        %mul3A_2584 = arith.mulf %get3A_435, %get3A_2505 : vector<16xf32>
        %mul3A_2585 = arith.mulf %get3A_440, %get3A_2509 : vector<16xf32>
        %mul3A_2586 = arith.mulf %get3A_445, %get3A_2513 : vector<16xf32>
        %mul3A_2587 = arith.mulf %get3A_450, %get3A_2517 : vector<16xf32>
        %mul3A_2588 = arith.mulf %get3A_455, %get3A_2521 : vector<16xf32>
        %add3A_2589 = arith.addf %mul3A_2581, %mul3A_2582 : vector<16xf32>
        %add3A_2590 = arith.addf %mul3A_2583, %mul3A_2584 : vector<16xf32>
        %add3A_2591 = arith.addf %mul3A_2585, %mul3A_2586 : vector<16xf32>
        %add3A_2592 = arith.addf %mul3A_2587, %mul3A_2588 : vector<16xf32>
        %add3A_2593 = arith.addf %add3A_2589, %add3A_2590 : vector<16xf32>
        %add3A_2594 = arith.addf %add3A_2591, %add3A_2592 : vector<16xf32>
        %add3A_2595 = arith.addf %add3A_2593, %add3A_2594 : vector<16xf32>
        %reduce_sum3A_2596 = arith.constant true
        %reduce_sum3A_2597 = vector.broadcast %reduce_sum3A_2596 : i1 to vector<16xi1>
        %reduce_sum3A_2598 = tpu.scan <sum>, %add3A_2595 masked %reduce_sum3A_2597 : vector<16xf32>, vector<16xi1> -> vector<16xf32>
        %reduce_sum3A_2599 = vector.extract %reduce_sum3A_2598[15] : f32 from vector<16xf32>
        %broadcast_in_dim3A_2600 = vector.broadcast %reduce_sum3A_2599 : f32 to vector<16xf32>
        %swap3A_2601 = arith.index_cast %add3A_2580 : i32 to index
        %swap3A_2602 = tpu.vector_load %arg5[%swap3A_2601] masked %eq3A_4 {strides = array<i32>} : memref<10416xf32, #tpu.memory_space<vmem>>, vector<16xf32>, vector<16xi1>
        tpu.vector_store %arg5[%swap3A_2601], %broadcast_in_dim3A_2600 masked %eq3A_4 {strides = array<i32>} : memref<10416xf32, #tpu.memory_space<vmem>>, vector<16xf32>, vector<16xi1>
        %add3A_2603 = arith.constant 154 : i32
        %add3A_2604 = arith.addi %mul3A_16, %add3A_2603 : i32
        %add3A_2605 = arith.constant 0 : i32
        %add3A_2606 = arith.addi %add3A_2604, %add3A_2605 : i32
        %add3A_2607 = arith.addi %add3A_2606, %scan3A_2487 : i32
        %mul3A_2608 = arith.mulf %get3A_460, %get3A_2493 : vector<16xf32>
        %mul3A_2609 = arith.mulf %get3A_465, %get3A_2497 : vector<16xf32>
        %mul3A_2610 = arith.mulf %get3A_470, %get3A_2501 : vector<16xf32>
        %mul3A_2611 = arith.mulf %get3A_475, %get3A_2505 : vector<16xf32>
        %mul3A_2612 = arith.mulf %get3A_480, %get3A_2509 : vector<16xf32>
        %mul3A_2613 = arith.mulf %get3A_485, %get3A_2513 : vector<16xf32>
        %mul3A_2614 = arith.mulf %get3A_490, %get3A_2517 : vector<16xf32>
        %mul3A_2615 = arith.mulf %get3A_495, %get3A_2521 : vector<16xf32>
        %add3A_2616 = arith.addf %mul3A_2608, %mul3A_2609 : vector<16xf32>
        %add3A_2617 = arith.addf %mul3A_2610, %mul3A_2611 : vector<16xf32>
        %add3A_2618 = arith.addf %mul3A_2612, %mul3A_2613 : vector<16xf32>
        %add3A_2619 = arith.addf %mul3A_2614, %mul3A_2615 : vector<16xf32>
        %add3A_2620 = arith.addf %add3A_2616, %add3A_2617 : vector<16xf32>
        %add3A_2621 = arith.addf %add3A_2618, %add3A_2619 : vector<16xf32>
        %add3A_2622 = arith.addf %add3A_2620, %add3A_2621 : vector<16xf32>
        %reduce_sum3A_2623 = arith.constant true
        %reduce_sum3A_2624 = vector.broadcast %reduce_sum3A_2623 : i1 to vector<16xi1>
        %reduce_sum3A_2625 = tpu.scan <sum>, %add3A_2622 masked %reduce_sum3A_2624 : vector<16xf32>, vector<16xi1> -> vector<16xf32>
        %reduce_sum3A_2626 = vector.extract %reduce_sum3A_2625[15] : f32 from vector<16xf32>
        %broadcast_in_dim3A_2627 = vector.broadcast %reduce_sum3A_2626 : f32 to vector<16xf32>
        %swap3A_2628 = arith.index_cast %add3A_2607 : i32 to index
        %swap3A_2629 = tpu.vector_load %arg5[%swap3A_2628] masked %eq3A_4 {strides = array<i32>} : memref<10416xf32, #tpu.memory_space<vmem>>, vector<16xf32>, vector<16xi1>
        tpu.vector_store %arg5[%swap3A_2628], %broadcast_in_dim3A_2627 masked %eq3A_4 {strides = array<i32>} : memref<10416xf32, #tpu.memory_space<vmem>>, vector<16xf32>, vector<16xi1>
        %scan3A_2630 = arith.constant 0 : i32
        scf.yield %scan3A_2630 : i32
      }
      %scan3A_658 = arith.constant 18 : i32
      %get3A_659 = arith.constant 8 : i32
      %get3A_660 = arith.index_cast %scan3A_13 : i32 to index
      %get3A_661 = arith.index_cast %get3A_659 : i32 to index
      %get3A_662 = arith.constant 0 : index
      %get3A_663 = tpu.vector_load %arg4[%get3A_660, %get3A_661, %get3A_662] {strides = array<i32>} : memref<32x26x128xf32, #tpu.memory_space<vmem>>, vector<16xf32>,
      %get3A_664 = arith.constant 8 : i32
      %get3A_665 = arith.index_cast %scan3A_13 : i32 to index
      %get3A_666 = arith.index_cast %get3A_664 : i32 to index
      %get3A_667 = arith.constant 16 : index
      %get3A_668 = tpu.vector_load %arg4[%get3A_665, %get3A_666, %get3A_667] {strides = array<i32>} : memref<32x26x128xf32, #tpu.memory_space<vmem>>, vector<16xf32>,
      %get3A_669 = arith.constant 8 : i32
      %get3A_670 = arith.index_cast %scan3A_13 : i32 to index
      %get3A_671 = arith.index_cast %get3A_669 : i32 to index
      %get3A_672 = arith.constant 32 : index
      %get3A_673 = tpu.vector_load %arg4[%get3A_670, %get3A_671, %get3A_672] {strides = array<i32>} : memref<32x26x128xf32, #tpu.memory_space<vmem>>, vector<16xf32>,
      %get3A_674 = arith.constant 8 : i32
      %get3A_675 = arith.index_cast %scan3A_13 : i32 to index
      %get3A_676 = arith.index_cast %get3A_674 : i32 to index
      %get3A_677 = arith.constant 48 : index
      %get3A_678 = tpu.vector_load %arg4[%get3A_675, %get3A_676, %get3A_677] {strides = array<i32>} : memref<32x26x128xf32, #tpu.memory_space<vmem>>, vector<16xf32>,
      %get3A_679 = arith.constant 8 : i32
      %get3A_680 = arith.index_cast %scan3A_13 : i32 to index
      %get3A_681 = arith.index_cast %get3A_679 : i32 to index
      %get3A_682 = arith.constant 64 : index
      %get3A_683 = tpu.vector_load %arg4[%get3A_680, %get3A_681, %get3A_682] {strides = array<i32>} : memref<32x26x128xf32, #tpu.memory_space<vmem>>, vector<16xf32>,
      %get3A_684 = arith.constant 8 : i32
      %get3A_685 = arith.index_cast %scan3A_13 : i32 to index
      %get3A_686 = arith.index_cast %get3A_684 : i32 to index
      %get3A_687 = arith.constant 80 : index
      %get3A_688 = tpu.vector_load %arg4[%get3A_685, %get3A_686, %get3A_687] {strides = array<i32>} : memref<32x26x128xf32, #tpu.memory_space<vmem>>, vector<16xf32>,
      %get3A_689 = arith.constant 8 : i32
      %get3A_690 = arith.index_cast %scan3A_13 : i32 to index
      %get3A_691 = arith.index_cast %get3A_689 : i32 to index
      %get3A_692 = arith.constant 96 : index
      %get3A_693 = tpu.vector_load %arg4[%get3A_690, %get3A_691, %get3A_692] {strides = array<i32>} : memref<32x26x128xf32, #tpu.memory_space<vmem>>, vector<16xf32>,
      %get3A_694 = arith.constant 8 : i32
      %get3A_695 = arith.index_cast %scan3A_13 : i32 to index
      %get3A_696 = arith.index_cast %get3A_694 : i32 to index
      %get3A_697 = arith.constant 112 : index
      %get3A_698 = tpu.vector_load %arg4[%get3A_695, %get3A_696, %get3A_697] {strides = array<i32>} : memref<32x26x128xf32, #tpu.memory_space<vmem>>, vector<16xf32>,
      %get3A_699 = arith.constant 9 : i32
      %get3A_700 = arith.index_cast %scan3A_13 : i32 to index
      %get3A_701 = arith.index_cast %get3A_699 : i32 to index
      %get3A_702 = arith.constant 0 : index
      %get3A_703 = tpu.vector_load %arg4[%get3A_700, %get3A_701, %get3A_702] {strides = array<i32>} : memref<32x26x128xf32, #tpu.memory_space<vmem>>, vector<16xf32>,
      %get3A_704 = arith.constant 9 : i32
      %get3A_705 = arith.index_cast %scan3A_13 : i32 to index
      %get3A_706 = arith.index_cast %get3A_704 : i32 to index
      %get3A_707 = arith.constant 16 : index
      %get3A_708 = tpu.vector_load %arg4[%get3A_705, %get3A_706, %get3A_707] {strides = array<i32>} : memref<32x26x128xf32, #tpu.memory_space<vmem>>, vector<16xf32>,
      %get3A_709 = arith.constant 9 : i32
      %get3A_710 = arith.index_cast %scan3A_13 : i32 to index
      %get3A_711 = arith.index_cast %get3A_709 : i32 to index
      %get3A_712 = arith.constant 32 : index
      %get3A_713 = tpu.vector_load %arg4[%get3A_710, %get3A_711, %get3A_712] {strides = array<i32>} : memref<32x26x128xf32, #tpu.memory_space<vmem>>, vector<16xf32>,
      %get3A_714 = arith.constant 9 : i32
      %get3A_715 = arith.index_cast %scan3A_13 : i32 to index
      %get3A_716 = arith.index_cast %get3A_714 : i32 to index
      %get3A_717 = arith.constant 48 : index
      %get3A_718 = tpu.vector_load %arg4[%get3A_715, %get3A_716, %get3A_717] {strides = array<i32>} : memref<32x26x128xf32, #tpu.memory_space<vmem>>, vector<16xf32>,
      %get3A_719 = arith.constant 9 : i32
      %get3A_720 = arith.index_cast %scan3A_13 : i32 to index
      %get3A_721 = arith.index_cast %get3A_719 : i32 to index
      %get3A_722 = arith.constant 64 : index
      %get3A_723 = tpu.vector_load %arg4[%get3A_720, %get3A_721, %get3A_722] {strides = array<i32>} : memref<32x26x128xf32, #tpu.memory_space<vmem>>, vector<16xf32>,
      %get3A_724 = arith.constant 9 : i32
      %get3A_725 = arith.index_cast %scan3A_13 : i32 to index
      %get3A_726 = arith.index_cast %get3A_724 : i32 to index
      %get3A_727 = arith.constant 80 : index
      %get3A_728 = tpu.vector_load %arg4[%get3A_725, %get3A_726, %get3A_727] {strides = array<i32>} : memref<32x26x128xf32, #tpu.memory_space<vmem>>, vector<16xf32>,
      %get3A_729 = arith.constant 9 : i32
      %get3A_730 = arith.index_cast %scan3A_13 : i32 to index
      %get3A_731 = arith.index_cast %get3A_729 : i32 to index
      %get3A_732 = arith.constant 96 : index
      %get3A_733 = tpu.vector_load %arg4[%get3A_730, %get3A_731, %get3A_732] {strides = array<i32>} : memref<32x26x128xf32, #tpu.memory_space<vmem>>, vector<16xf32>,
      %get3A_734 = arith.constant 9 : i32
      %get3A_735 = arith.index_cast %scan3A_13 : i32 to index
      %get3A_736 = arith.index_cast %get3A_734 : i32 to index
      %get3A_737 = arith.constant 112 : index
      %get3A_738 = tpu.vector_load %arg4[%get3A_735, %get3A_736, %get3A_737] {strides = array<i32>} : memref<32x26x128xf32, #tpu.memory_space<vmem>>, vector<16xf32>,
      %get3A_739 = arith.constant 10 : i32
      %get3A_740 = arith.index_cast %scan3A_13 : i32 to index
      %get3A_741 = arith.index_cast %get3A_739 : i32 to index
      %get3A_742 = arith.constant 0 : index
      %get3A_743 = tpu.vector_load %arg4[%get3A_740, %get3A_741, %get3A_742] {strides = array<i32>} : memref<32x26x128xf32, #tpu.memory_space<vmem>>, vector<16xf32>,
      %get3A_744 = arith.constant 10 : i32
      %get3A_745 = arith.index_cast %scan3A_13 : i32 to index
      %get3A_746 = arith.index_cast %get3A_744 : i32 to index
      %get3A_747 = arith.constant 16 : index
      %get3A_748 = tpu.vector_load %arg4[%get3A_745, %get3A_746, %get3A_747] {strides = array<i32>} : memref<32x26x128xf32, #tpu.memory_space<vmem>>, vector<16xf32>,
      %get3A_749 = arith.constant 10 : i32
      %get3A_750 = arith.index_cast %scan3A_13 : i32 to index
      %get3A_751 = arith.index_cast %get3A_749 : i32 to index
      %get3A_752 = arith.constant 32 : index
      %get3A_753 = tpu.vector_load %arg4[%get3A_750, %get3A_751, %get3A_752] {strides = array<i32>} : memref<32x26x128xf32, #tpu.memory_space<vmem>>, vector<16xf32>,
      %get3A_754 = arith.constant 10 : i32
      %get3A_755 = arith.index_cast %scan3A_13 : i32 to index
      %get3A_756 = arith.index_cast %get3A_754 : i32 to index
      %get3A_757 = arith.constant 48 : index
      %get3A_758 = tpu.vector_load %arg4[%get3A_755, %get3A_756, %get3A_757] {strides = array<i32>} : memref<32x26x128xf32, #tpu.memory_space<vmem>>, vector<16xf32>,
      %get3A_759 = arith.constant 10 : i32
      %get3A_760 = arith.index_cast %scan3A_13 : i32 to index
      %get3A_761 = arith.index_cast %get3A_759 : i32 to index
      %get3A_762 = arith.constant 64 : index
      %get3A_763 = tpu.vector_load %arg4[%get3A_760, %get3A_761, %get3A_762] {strides = array<i32>} : memref<32x26x128xf32, #tpu.memory_space<vmem>>, vector<16xf32>,
      %get3A_764 = arith.constant 10 : i32
      %get3A_765 = arith.index_cast %scan3A_13 : i32 to index
      %get3A_766 = arith.index_cast %get3A_764 : i32 to index
      %get3A_767 = arith.constant 80 : index
      %get3A_768 = tpu.vector_load %arg4[%get3A_765, %get3A_766, %get3A_767] {strides = array<i32>} : memref<32x26x128xf32, #tpu.memory_space<vmem>>, vector<16xf32>,
      %get3A_769 = arith.constant 10 : i32
      %get3A_770 = arith.index_cast %scan3A_13 : i32 to index
      %get3A_771 = arith.index_cast %get3A_769 : i32 to index
      %get3A_772 = arith.constant 96 : index
      %get3A_773 = tpu.vector_load %arg4[%get3A_770, %get3A_771, %get3A_772] {strides = array<i32>} : memref<32x26x128xf32, #tpu.memory_space<vmem>>, vector<16xf32>,
      %get3A_774 = arith.constant 10 : i32
      %get3A_775 = arith.index_cast %scan3A_13 : i32 to index
      %get3A_776 = arith.index_cast %get3A_774 : i32 to index
      %get3A_777 = arith.constant 112 : index
      %get3A_778 = tpu.vector_load %arg4[%get3A_775, %get3A_776, %get3A_777] {strides = array<i32>} : memref<32x26x128xf32, #tpu.memory_space<vmem>>, vector<16xf32>,
      %get3A_779 = arith.constant 11 : i32
      %get3A_780 = arith.index_cast %scan3A_13 : i32 to index
      %get3A_781 = arith.index_cast %get3A_779 : i32 to index
      %get3A_782 = arith.constant 0 : index
      %get3A_783 = tpu.vector_load %arg4[%get3A_780, %get3A_781, %get3A_782] {strides = array<i32>} : memref<32x26x128xf32, #tpu.memory_space<vmem>>, vector<16xf32>,
      %get3A_784 = arith.constant 11 : i32
      %get3A_785 = arith.index_cast %scan3A_13 : i32 to index
      %get3A_786 = arith.index_cast %get3A_784 : i32 to index
      %get3A_787 = arith.constant 16 : index
      %get3A_788 = tpu.vector_load %arg4[%get3A_785, %get3A_786, %get3A_787] {strides = array<i32>} : memref<32x26x128xf32, #tpu.memory_space<vmem>>, vector<16xf32>,
      %get3A_789 = arith.constant 11 : i32
      %get3A_790 = arith.index_cast %scan3A_13 : i32 to index
      %get3A_791 = arith.index_cast %get3A_789 : i32 to index
      %get3A_792 = arith.constant 32 : index
      %get3A_793 = tpu.vector_load %arg4[%get3A_790, %get3A_791, %get3A_792] {strides = array<i32>} : memref<32x26x128xf32, #tpu.memory_space<vmem>>, vector<16xf32>,
      %get3A_794 = arith.constant 11 : i32
      %get3A_795 = arith.index_cast %scan3A_13 : i32 to index
      %get3A_796 = arith.index_cast %get3A_794 : i32 to index
      %get3A_797 = arith.constant 48 : index
      %get3A_798 = tpu.vector_load %arg4[%get3A_795, %get3A_796, %get3A_797] {strides = array<i32>} : memref<32x26x128xf32, #tpu.memory_space<vmem>>, vector<16xf32>,
      %get3A_799 = arith.constant 11 : i32
      %get3A_800 = arith.index_cast %scan3A_13 : i32 to index
      %get3A_801 = arith.index_cast %get3A_799 : i32 to index
      %get3A_802 = arith.constant 64 : index
      %get3A_803 = tpu.vector_load %arg4[%get3A_800, %get3A_801, %get3A_802] {strides = array<i32>} : memref<32x26x128xf32, #tpu.memory_space<vmem>>, vector<16xf32>,
      %get3A_804 = arith.constant 11 : i32
      %get3A_805 = arith.index_cast %scan3A_13 : i32 to index
      %get3A_806 = arith.index_cast %get3A_804 : i32 to index
      %get3A_807 = arith.constant 80 : index
      %get3A_808 = tpu.vector_load %arg4[%get3A_805, %get3A_806, %get3A_807] {strides = array<i32>} : memref<32x26x128xf32, #tpu.memory_space<vmem>>, vector<16xf32>,
      %get3A_809 = arith.constant 11 : i32
      %get3A_810 = arith.index_cast %scan3A_13 : i32 to index
      %get3A_811 = arith.index_cast %get3A_809 : i32 to index
      %get3A_812 = arith.constant 96 : index
      %get3A_813 = tpu.vector_load %arg4[%get3A_810, %get3A_811, %get3A_812] {strides = array<i32>} : memref<32x26x128xf32, #tpu.memory_space<vmem>>, vector<16xf32>,
      %get3A_814 = arith.constant 11 : i32
      %get3A_815 = arith.index_cast %scan3A_13 : i32 to index
      %get3A_816 = arith.index_cast %get3A_814 : i32 to index
      %get3A_817 = arith.constant 112 : index
      %get3A_818 = tpu.vector_load %arg4[%get3A_815, %get3A_816, %get3A_817] {strides = array<i32>} : memref<32x26x128xf32, #tpu.memory_space<vmem>>, vector<16xf32>,
      %add3A_819 = arith.constant 172 : i32
      %add3A_820 = arith.addi %mul3A_16, %add3A_819 : i32
      %add3A_821 = arith.constant 0 : i32
      %add3A_822 = arith.addi %add3A_820, %add3A_821 : i32
      %mul3A_823 = arith.mulf %get3A_663, %get3A_703 : vector<16xf32>
      %mul3A_824 = arith.mulf %get3A_668, %get3A_708 : vector<16xf32>
      %mul3A_825 = arith.mulf %get3A_673, %get3A_713 : vector<16xf32>
      %mul3A_826 = arith.mulf %get3A_678, %get3A_718 : vector<16xf32>
      %mul3A_827 = arith.mulf %get3A_683, %get3A_723 : vector<16xf32>
      %mul3A_828 = arith.mulf %get3A_688, %get3A_728 : vector<16xf32>
      %mul3A_829 = arith.mulf %get3A_693, %get3A_733 : vector<16xf32>
      %mul3A_830 = arith.mulf %get3A_698, %get3A_738 : vector<16xf32>
      %add3A_831 = arith.addf %mul3A_823, %mul3A_824 : vector<16xf32>
      %add3A_832 = arith.addf %mul3A_825, %mul3A_826 : vector<16xf32>
      %add3A_833 = arith.addf %mul3A_827, %mul3A_828 : vector<16xf32>
      %add3A_834 = arith.addf %mul3A_829, %mul3A_830 : vector<16xf32>
      %add3A_835 = arith.addf %add3A_831, %add3A_832 : vector<16xf32>
      %add3A_836 = arith.addf %add3A_833, %add3A_834 : vector<16xf32>
      %add3A_837 = arith.addf %add3A_835, %add3A_836 : vector<16xf32>
      %reduce_sum3A_838 = arith.constant true
      %reduce_sum3A_839 = vector.broadcast %reduce_sum3A_838 : i1 to vector<16xi1>
      %reduce_sum3A_840 = tpu.scan <sum>, %add3A_837 masked %reduce_sum3A_839 : vector<16xf32>, vector<16xi1> -> vector<16xf32>
      %reduce_sum3A_841 = vector.extract %reduce_sum3A_840[15] : f32 from vector<16xf32>
      %broadcast_in_dim3A_842 = vector.broadcast %reduce_sum3A_841 : f32 to vector<16xf32>
      %swap3A_843 = arith.index_cast %add3A_822 : i32 to index
      %swap3A_844 = tpu.vector_load %arg5[%swap3A_843] masked %eq3A_4 {strides = array<i32>} : memref<10416xf32, #tpu.memory_space<vmem>>, vector<16xf32>, vector<16xi1>
      tpu.vector_store %arg5[%swap3A_843], %broadcast_in_dim3A_842 masked %eq3A_4 {strides = array<i32>} : memref<10416xf32, #tpu.memory_space<vmem>>, vector<16xf32>, vector<16xi1>
      %add3A_845 = arith.constant 172 : i32
      %add3A_846 = arith.addi %mul3A_16, %add3A_845 : i32
      %add3A_847 = arith.constant 1 : i32
      %add3A_848 = arith.addi %add3A_846, %add3A_847 : i32
      %mul3A_849 = arith.mulf %get3A_663, %get3A_743 : vector<16xf32>
      %mul3A_850 = arith.mulf %get3A_668, %get3A_748 : vector<16xf32>
      %mul3A_851 = arith.mulf %get3A_673, %get3A_753 : vector<16xf32>
      %mul3A_852 = arith.mulf %get3A_678, %get3A_758 : vector<16xf32>
      %mul3A_853 = arith.mulf %get3A_683, %get3A_763 : vector<16xf32>
      %mul3A_854 = arith.mulf %get3A_688, %get3A_768 : vector<16xf32>
      %mul3A_855 = arith.mulf %get3A_693, %get3A_773 : vector<16xf32>
      %mul3A_856 = arith.mulf %get3A_698, %get3A_778 : vector<16xf32>
      %add3A_857 = arith.addf %mul3A_849, %mul3A_850 : vector<16xf32>
      %add3A_858 = arith.addf %mul3A_851, %mul3A_852 : vector<16xf32>
      %add3A_859 = arith.addf %mul3A_853, %mul3A_854 : vector<16xf32>
      %add3A_860 = arith.addf %mul3A_855, %mul3A_856 : vector<16xf32>
      %add3A_861 = arith.addf %add3A_857, %add3A_858 : vector<16xf32>
      %add3A_862 = arith.addf %add3A_859, %add3A_860 : vector<16xf32>
      %add3A_863 = arith.addf %add3A_861, %add3A_862 : vector<16xf32>
      %reduce_sum3A_864 = arith.constant true
      %reduce_sum3A_865 = vector.broadcast %reduce_sum3A_864 : i1 to vector<16xi1>
      %reduce_sum3A_866 = tpu.scan <sum>, %add3A_863 masked %reduce_sum3A_865 : vector<16xf32>, vector<16xi1> -> vector<16xf32>
      %reduce_sum3A_867 = vector.extract %reduce_sum3A_866[15] : f32 from vector<16xf32>
      %broadcast_in_dim3A_868 = vector.broadcast %reduce_sum3A_867 : f32 to vector<16xf32>
      %swap3A_869 = arith.index_cast %add3A_848 : i32 to index
      %swap3A_870 = tpu.vector_load %arg5[%swap3A_869] masked %eq3A_4 {strides = array<i32>} : memref<10416xf32, #tpu.memory_space<vmem>>, vector<16xf32>, vector<16xi1>
      tpu.vector_store %arg5[%swap3A_869], %broadcast_in_dim3A_868 masked %eq3A_4 {strides = array<i32>} : memref<10416xf32, #tpu.memory_space<vmem>>, vector<16xf32>, vector<16xi1>
      %add3A_871 = arith.constant 172 : i32
      %add3A_872 = arith.addi %mul3A_16, %add3A_871 : i32
      %add3A_873 = arith.constant 2 : i32
      %add3A_874 = arith.addi %add3A_872, %add3A_873 : i32
      %mul3A_875 = arith.mulf %get3A_663, %get3A_783 : vector<16xf32>
      %mul3A_876 = arith.mulf %get3A_668, %get3A_788 : vector<16xf32>
      %mul3A_877 = arith.mulf %get3A_673, %get3A_793 : vector<16xf32>
      %mul3A_878 = arith.mulf %get3A_678, %get3A_798 : vector<16xf32>
      %mul3A_879 = arith.mulf %get3A_683, %get3A_803 : vector<16xf32>
      %mul3A_880 = arith.mulf %get3A_688, %get3A_808 : vector<16xf32>
      %mul3A_881 = arith.mulf %get3A_693, %get3A_813 : vector<16xf32>
      %mul3A_882 = arith.mulf %get3A_698, %get3A_818 : vector<16xf32>
      %add3A_883 = arith.addf %mul3A_875, %mul3A_876 : vector<16xf32>
      %add3A_884 = arith.addf %mul3A_877, %mul3A_878 : vector<16xf32>
      %add3A_885 = arith.addf %mul3A_879, %mul3A_880 : vector<16xf32>
      %add3A_886 = arith.addf %mul3A_881, %mul3A_882 : vector<16xf32>
      %add3A_887 = arith.addf %add3A_883, %add3A_884 : vector<16xf32>
      %add3A_888 = arith.addf %add3A_885, %add3A_886 : vector<16xf32>
      %add3A_889 = arith.addf %add3A_887, %add3A_888 : vector<16xf32>
      %reduce_sum3A_890 = arith.constant true
      %reduce_sum3A_891 = vector.broadcast %reduce_sum3A_890 : i1 to vector<16xi1>
      %reduce_sum3A_892 = tpu.scan <sum>, %add3A_889 masked %reduce_sum3A_891 : vector<16xf32>, vector<16xi1> -> vector<16xf32>
      %reduce_sum3A_893 = vector.extract %reduce_sum3A_892[15] : f32 from vector<16xf32>
      %broadcast_in_dim3A_894 = vector.broadcast %reduce_sum3A_893 : f32 to vector<16xf32>
      %swap3A_895 = arith.index_cast %add3A_874 : i32 to index
      %swap3A_896 = tpu.vector_load %arg5[%swap3A_895] masked %eq3A_4 {strides = array<i32>} : memref<10416xf32, #tpu.memory_space<vmem>>, vector<16xf32>, vector<16xi1>
      tpu.vector_store %arg5[%swap3A_895], %broadcast_in_dim3A_894 masked %eq3A_4 {strides = array<i32>} : memref<10416xf32, #tpu.memory_space<vmem>>, vector<16xf32>, vector<16xi1>
      %add3A_897 = arith.constant 189 : i32
      %add3A_898 = arith.addi %mul3A_16, %add3A_897 : i32
      %add3A_899 = arith.constant 0 : i32
      %add3A_900 = arith.addi %add3A_898, %add3A_899 : i32
      %mul3A_901 = arith.mulf %get3A_703, %get3A_743 : vector<16xf32>
      %mul3A_902 = arith.mulf %get3A_708, %get3A_748 : vector<16xf32>
      %mul3A_903 = arith.mulf %get3A_713, %get3A_753 : vector<16xf32>
      %mul3A_904 = arith.mulf %get3A_718, %get3A_758 : vector<16xf32>
      %mul3A_905 = arith.mulf %get3A_723, %get3A_763 : vector<16xf32>
      %mul3A_906 = arith.mulf %get3A_728, %get3A_768 : vector<16xf32>
      %mul3A_907 = arith.mulf %get3A_733, %get3A_773 : vector<16xf32>
      %mul3A_908 = arith.mulf %get3A_738, %get3A_778 : vector<16xf32>
      %add3A_909 = arith.addf %mul3A_901, %mul3A_902 : vector<16xf32>
      %add3A_910 = arith.addf %mul3A_903, %mul3A_904 : vector<16xf32>
      %add3A_911 = arith.addf %mul3A_905, %mul3A_906 : vector<16xf32>
      %add3A_912 = arith.addf %mul3A_907, %mul3A_908 : vector<16xf32>
      %add3A_913 = arith.addf %add3A_909, %add3A_910 : vector<16xf32>
      %add3A_914 = arith.addf %add3A_911, %add3A_912 : vector<16xf32>
      %add3A_915 = arith.addf %add3A_913, %add3A_914 : vector<16xf32>
      %reduce_sum3A_916 = arith.constant true
      %reduce_sum3A_917 = vector.broadcast %reduce_sum3A_916 : i1 to vector<16xi1>
      %reduce_sum3A_918 = tpu.scan <sum>, %add3A_915 masked %reduce_sum3A_917 : vector<16xf32>, vector<16xi1> -> vector<16xf32>
      %reduce_sum3A_919 = vector.extract %reduce_sum3A_918[15] : f32 from vector<16xf32>
      %broadcast_in_dim3A_920 = vector.broadcast %reduce_sum3A_919 : f32 to vector<16xf32>
      %swap3A_921 = arith.index_cast %add3A_900 : i32 to index
      %swap3A_922 = tpu.vector_load %arg5[%swap3A_921] masked %eq3A_4 {strides = array<i32>} : memref<10416xf32, #tpu.memory_space<vmem>>, vector<16xf32>, vector<16xi1>
      tpu.vector_store %arg5[%swap3A_921], %broadcast_in_dim3A_920 masked %eq3A_4 {strides = array<i32>} : memref<10416xf32, #tpu.memory_space<vmem>>, vector<16xf32>, vector<16xi1>
      %add3A_923 = arith.constant 189 : i32
      %add3A_924 = arith.addi %mul3A_16, %add3A_923 : i32
      %add3A_925 = arith.constant 1 : i32
      %add3A_926 = arith.addi %add3A_924, %add3A_925 : i32
      %mul3A_927 = arith.mulf %get3A_703, %get3A_783 : vector<16xf32>
      %mul3A_928 = arith.mulf %get3A_708, %get3A_788 : vector<16xf32>
      %mul3A_929 = arith.mulf %get3A_713, %get3A_793 : vector<16xf32>
      %mul3A_930 = arith.mulf %get3A_718, %get3A_798 : vector<16xf32>
      %mul3A_931 = arith.mulf %get3A_723, %get3A_803 : vector<16xf32>
      %mul3A_932 = arith.mulf %get3A_728, %get3A_808 : vector<16xf32>
      %mul3A_933 = arith.mulf %get3A_733, %get3A_813 : vector<16xf32>
      %mul3A_934 = arith.mulf %get3A_738, %get3A_818 : vector<16xf32>
      %add3A_935 = arith.addf %mul3A_927, %mul3A_928 : vector<16xf32>
      %add3A_936 = arith.addf %mul3A_929, %mul3A_930 : vector<16xf32>
      %add3A_937 = arith.addf %mul3A_931, %mul3A_932 : vector<16xf32>
      %add3A_938 = arith.addf %mul3A_933, %mul3A_934 : vector<16xf32>
      %add3A_939 = arith.addf %add3A_935, %add3A_936 : vector<16xf32>
      %add3A_940 = arith.addf %add3A_937, %add3A_938 : vector<16xf32>
      %add3A_941 = arith.addf %add3A_939, %add3A_940 : vector<16xf32>
      %reduce_sum3A_942 = arith.constant true
      %reduce_sum3A_943 = vector.broadcast %reduce_sum3A_942 : i1 to vector<16xi1>
      %reduce_sum3A_944 = tpu.scan <sum>, %add3A_941 masked %reduce_sum3A_943 : vector<16xf32>, vector<16xi1> -> vector<16xf32>
      %reduce_sum3A_945 = vector.extract %reduce_sum3A_944[15] : f32 from vector<16xf32>
      %broadcast_in_dim3A_946 = vector.broadcast %reduce_sum3A_945 : f32 to vector<16xf32>
      %swap3A_947 = arith.index_cast %add3A_926 : i32 to index
      %swap3A_948 = tpu.vector_load %arg5[%swap3A_947] masked %eq3A_4 {strides = array<i32>} : memref<10416xf32, #tpu.memory_space<vmem>>, vector<16xf32>, vector<16xi1>
      tpu.vector_store %arg5[%swap3A_947], %broadcast_in_dim3A_946 masked %eq3A_4 {strides = array<i32>} : memref<10416xf32, #tpu.memory_space<vmem>>, vector<16xf32>, vector<16xi1>
      %add3A_949 = arith.constant 205 : i32
      %add3A_950 = arith.addi %mul3A_16, %add3A_949 : i32
      %add3A_951 = arith.constant 0 : i32
      %add3A_952 = arith.addi %add3A_950, %add3A_951 : i32
      %mul3A_953 = arith.mulf %get3A_743, %get3A_783 : vector<16xf32>
      %mul3A_954 = arith.mulf %get3A_748, %get3A_788 : vector<16xf32>
      %mul3A_955 = arith.mulf %get3A_753, %get3A_793 : vector<16xf32>
      %mul3A_956 = arith.mulf %get3A_758, %get3A_798 : vector<16xf32>
      %mul3A_957 = arith.mulf %get3A_763, %get3A_803 : vector<16xf32>
      %mul3A_958 = arith.mulf %get3A_768, %get3A_808 : vector<16xf32>
      %mul3A_959 = arith.mulf %get3A_773, %get3A_813 : vector<16xf32>
      %mul3A_960 = arith.mulf %get3A_778, %get3A_818 : vector<16xf32>
      %add3A_961 = arith.addf %mul3A_953, %mul3A_954 : vector<16xf32>
      %add3A_962 = arith.addf %mul3A_955, %mul3A_956 : vector<16xf32>
      %add3A_963 = arith.addf %mul3A_957, %mul3A_958 : vector<16xf32>
      %add3A_964 = arith.addf %mul3A_959, %mul3A_960 : vector<16xf32>
      %add3A_965 = arith.addf %add3A_961, %add3A_962 : vector<16xf32>
      %add3A_966 = arith.addf %add3A_963, %add3A_964 : vector<16xf32>
      %add3A_967 = arith.addf %add3A_965, %add3A_966 : vector<16xf32>
      %reduce_sum3A_968 = arith.constant true
      %reduce_sum3A_969 = vector.broadcast %reduce_sum3A_968 : i1 to vector<16xi1>
      %reduce_sum3A_970 = tpu.scan <sum>, %add3A_967 masked %reduce_sum3A_969 : vector<16xf32>, vector<16xi1> -> vector<16xf32>
      %reduce_sum3A_971 = vector.extract %reduce_sum3A_970[15] : f32 from vector<16xf32>
      %broadcast_in_dim3A_972 = vector.broadcast %reduce_sum3A_971 : f32 to vector<16xf32>
      %swap3A_973 = arith.index_cast %add3A_952 : i32 to index
      %swap3A_974 = tpu.vector_load %arg5[%swap3A_973] masked %eq3A_4 {strides = array<i32>} : memref<10416xf32, #tpu.memory_space<vmem>>, vector<16xf32>, vector<16xi1>
      tpu.vector_store %arg5[%swap3A_973], %broadcast_in_dim3A_972 masked %eq3A_4 {strides = array<i32>} : memref<10416xf32, #tpu.memory_space<vmem>>, vector<16xf32>, vector<16xi1>
      %scan3A_975 = arith.constant 0 : i32
      %scan3A_976 = arith.constant 0 : i32
      %scan3A_977 = arith.constant 14 : i32
      %scan3A_978 = arith.addi %scan3A_976, %scan3A_977 : i32
      %scan3A_979 = arith.constant 2 : i32
      %scan3A_980 = scf.for %scan3A_2341 = %scan3A_976 to %scan3A_978 step %scan3A_979 iter_args(%scan3A_2342 = %scan3A_975) -> (i32)  : i32 {
        %add3A_2343 = arith.constant 12 : i32
        %add3A_2344 = arith.addi %scan3A_2341, %add3A_2343 : i32
        %get3A_2345 = arith.index_cast %scan3A_13 : i32 to index
        %get3A_2346 = arith.index_cast %add3A_2344 : i32 to index
        %get3A_2347 = arith.constant 0 : index
        %get3A_2348 = tpu.vector_load %arg4[%get3A_2345, %get3A_2346, %get3A_2347] {strides = array<i32>} : memref<32x26x128xf32, #tpu.memory_space<vmem>>, vector<16xf32>,
        %get3A_2349 = arith.index_cast %scan3A_13 : i32 to index
        %get3A_2350 = arith.index_cast %add3A_2344 : i32 to index
        %get3A_2351 = arith.constant 16 : index
        %get3A_2352 = tpu.vector_load %arg4[%get3A_2349, %get3A_2350, %get3A_2351] {strides = array<i32>} : memref<32x26x128xf32, #tpu.memory_space<vmem>>, vector<16xf32>,
        %get3A_2353 = arith.index_cast %scan3A_13 : i32 to index
        %get3A_2354 = arith.index_cast %add3A_2344 : i32 to index
        %get3A_2355 = arith.constant 32 : index
        %get3A_2356 = tpu.vector_load %arg4[%get3A_2353, %get3A_2354, %get3A_2355] {strides = array<i32>} : memref<32x26x128xf32, #tpu.memory_space<vmem>>, vector<16xf32>,
        %get3A_2357 = arith.index_cast %scan3A_13 : i32 to index
        %get3A_2358 = arith.index_cast %add3A_2344 : i32 to index
        %get3A_2359 = arith.constant 48 : index
        %get3A_2360 = tpu.vector_load %arg4[%get3A_2357, %get3A_2358, %get3A_2359] {strides = array<i32>} : memref<32x26x128xf32, #tpu.memory_space<vmem>>, vector<16xf32>,
        %get3A_2361 = arith.index_cast %scan3A_13 : i32 to index
        %get3A_2362 = arith.index_cast %add3A_2344 : i32 to index
        %get3A_2363 = arith.constant 64 : index
        %get3A_2364 = tpu.vector_load %arg4[%get3A_2361, %get3A_2362, %get3A_2363] {strides = array<i32>} : memref<32x26x128xf32, #tpu.memory_space<vmem>>, vector<16xf32>,
        %get3A_2365 = arith.index_cast %scan3A_13 : i32 to index
        %get3A_2366 = arith.index_cast %add3A_2344 : i32 to index
        %get3A_2367 = arith.constant 80 : index
        %get3A_2368 = tpu.vector_load %arg4[%get3A_2365, %get3A_2366, %get3A_2367] {strides = array<i32>} : memref<32x26x128xf32, #tpu.memory_space<vmem>>, vector<16xf32>,
        %get3A_2369 = arith.index_cast %scan3A_13 : i32 to index
        %get3A_2370 = arith.index_cast %add3A_2344 : i32 to index
        %get3A_2371 = arith.constant 96 : index
        %get3A_2372 = tpu.vector_load %arg4[%get3A_2369, %get3A_2370, %get3A_2371] {strides = array<i32>} : memref<32x26x128xf32, #tpu.memory_space<vmem>>, vector<16xf32>,
        %get3A_2373 = arith.index_cast %scan3A_13 : i32 to index
        %get3A_2374 = arith.index_cast %add3A_2344 : i32 to index
        %get3A_2375 = arith.constant 112 : index
        %get3A_2376 = tpu.vector_load %arg4[%get3A_2373, %get3A_2374, %get3A_2375] {strides = array<i32>} : memref<32x26x128xf32, #tpu.memory_space<vmem>>, vector<16xf32>,
        %add3A_2377 = arith.constant 172 : i32
        %add3A_2378 = arith.addi %mul3A_16, %add3A_2377 : i32
        %add3A_2379 = arith.constant 3 : i32
        %add3A_2380 = arith.addi %add3A_2378, %add3A_2379 : i32
        %add3A_2381 = arith.addi %add3A_2380, %scan3A_2341 : i32
        %mul3A_2382 = arith.mulf %get3A_663, %get3A_2348 : vector<16xf32>
        %mul3A_2383 = arith.mulf %get3A_668, %get3A_2352 : vector<16xf32>
        %mul3A_2384 = arith.mulf %get3A_673, %get3A_2356 : vector<16xf32>
        %mul3A_2385 = arith.mulf %get3A_678, %get3A_2360 : vector<16xf32>
        %mul3A_2386 = arith.mulf %get3A_683, %get3A_2364 : vector<16xf32>
        %mul3A_2387 = arith.mulf %get3A_688, %get3A_2368 : vector<16xf32>
        %mul3A_2388 = arith.mulf %get3A_693, %get3A_2372 : vector<16xf32>
        %mul3A_2389 = arith.mulf %get3A_698, %get3A_2376 : vector<16xf32>
        %add3A_2390 = arith.addf %mul3A_2382, %mul3A_2383 : vector<16xf32>
        %add3A_2391 = arith.addf %mul3A_2384, %mul3A_2385 : vector<16xf32>
        %add3A_2392 = arith.addf %mul3A_2386, %mul3A_2387 : vector<16xf32>
        %add3A_2393 = arith.addf %mul3A_2388, %mul3A_2389 : vector<16xf32>
        %add3A_2394 = arith.addf %add3A_2390, %add3A_2391 : vector<16xf32>
        %add3A_2395 = arith.addf %add3A_2392, %add3A_2393 : vector<16xf32>
        %add3A_2396 = arith.addf %add3A_2394, %add3A_2395 : vector<16xf32>
        %reduce_sum3A_2397 = arith.constant true
        %reduce_sum3A_2398 = vector.broadcast %reduce_sum3A_2397 : i1 to vector<16xi1>
        %reduce_sum3A_2399 = tpu.scan <sum>, %add3A_2396 masked %reduce_sum3A_2398 : vector<16xf32>, vector<16xi1> -> vector<16xf32>
        %reduce_sum3A_2400 = vector.extract %reduce_sum3A_2399[15] : f32 from vector<16xf32>
        %broadcast_in_dim3A_2401 = vector.broadcast %reduce_sum3A_2400 : f32 to vector<16xf32>
        %swap3A_2402 = arith.index_cast %add3A_2381 : i32 to index
        %swap3A_2403 = tpu.vector_load %arg5[%swap3A_2402] masked %eq3A_4 {strides = array<i32>} : memref<10416xf32, #tpu.memory_space<vmem>>, vector<16xf32>, vector<16xi1>
        tpu.vector_store %arg5[%swap3A_2402], %broadcast_in_dim3A_2401 masked %eq3A_4 {strides = array<i32>} : memref<10416xf32, #tpu.memory_space<vmem>>, vector<16xf32>, vector<16xi1>
        %add3A_2404 = arith.constant 189 : i32
        %add3A_2405 = arith.addi %mul3A_16, %add3A_2404 : i32
        %add3A_2406 = arith.constant 2 : i32
        %add3A_2407 = arith.addi %add3A_2405, %add3A_2406 : i32
        %add3A_2408 = arith.addi %add3A_2407, %scan3A_2341 : i32
        %mul3A_2409 = arith.mulf %get3A_703, %get3A_2348 : vector<16xf32>
        %mul3A_2410 = arith.mulf %get3A_708, %get3A_2352 : vector<16xf32>
        %mul3A_2411 = arith.mulf %get3A_713, %get3A_2356 : vector<16xf32>
        %mul3A_2412 = arith.mulf %get3A_718, %get3A_2360 : vector<16xf32>
        %mul3A_2413 = arith.mulf %get3A_723, %get3A_2364 : vector<16xf32>
        %mul3A_2414 = arith.mulf %get3A_728, %get3A_2368 : vector<16xf32>
        %mul3A_2415 = arith.mulf %get3A_733, %get3A_2372 : vector<16xf32>
        %mul3A_2416 = arith.mulf %get3A_738, %get3A_2376 : vector<16xf32>
        %add3A_2417 = arith.addf %mul3A_2409, %mul3A_2410 : vector<16xf32>
        %add3A_2418 = arith.addf %mul3A_2411, %mul3A_2412 : vector<16xf32>
        %add3A_2419 = arith.addf %mul3A_2413, %mul3A_2414 : vector<16xf32>
        %add3A_2420 = arith.addf %mul3A_2415, %mul3A_2416 : vector<16xf32>
        %add3A_2421 = arith.addf %add3A_2417, %add3A_2418 : vector<16xf32>
        %add3A_2422 = arith.addf %add3A_2419, %add3A_2420 : vector<16xf32>
        %add3A_2423 = arith.addf %add3A_2421, %add3A_2422 : vector<16xf32>
        %reduce_sum3A_2424 = arith.constant true
        %reduce_sum3A_2425 = vector.broadcast %reduce_sum3A_2424 : i1 to vector<16xi1>
        %reduce_sum3A_2426 = tpu.scan <sum>, %add3A_2423 masked %reduce_sum3A_2425 : vector<16xf32>, vector<16xi1> -> vector<16xf32>
        %reduce_sum3A_2427 = vector.extract %reduce_sum3A_2426[15] : f32 from vector<16xf32>
        %broadcast_in_dim3A_2428 = vector.broadcast %reduce_sum3A_2427 : f32 to vector<16xf32>
        %swap3A_2429 = arith.index_cast %add3A_2408 : i32 to index
        %swap3A_2430 = tpu.vector_load %arg5[%swap3A_2429] masked %eq3A_4 {strides = array<i32>} : memref<10416xf32, #tpu.memory_space<vmem>>, vector<16xf32>, vector<16xi1>
        tpu.vector_store %arg5[%swap3A_2429], %broadcast_in_dim3A_2428 masked %eq3A_4 {strides = array<i32>} : memref<10416xf32, #tpu.memory_space<vmem>>, vector<16xf32>, vector<16xi1>
        %add3A_2431 = arith.constant 205 : i32
        %add3A_2432 = arith.addi %mul3A_16, %add3A_2431 : i32
        %add3A_2433 = arith.constant 1 : i32
        %add3A_2434 = arith.addi %add3A_2432, %add3A_2433 : i32
        %add3A_2435 = arith.addi %add3A_2434, %scan3A_2341 : i32
        %mul3A_2436 = arith.mulf %get3A_743, %get3A_2348 : vector<16xf32>
        %mul3A_2437 = arith.mulf %get3A_748, %get3A_2352 : vector<16xf32>
        %mul3A_2438 = arith.mulf %get3A_753, %get3A_2356 : vector<16xf32>
        %mul3A_2439 = arith.mulf %get3A_758, %get3A_2360 : vector<16xf32>
        %mul3A_2440 = arith.mulf %get3A_763, %get3A_2364 : vector<16xf32>
        %mul3A_2441 = arith.mulf %get3A_768, %get3A_2368 : vector<16xf32>
        %mul3A_2442 = arith.mulf %get3A_773, %get3A_2372 : vector<16xf32>
        %mul3A_2443 = arith.mulf %get3A_778, %get3A_2376 : vector<16xf32>
        %add3A_2444 = arith.addf %mul3A_2436, %mul3A_2437 : vector<16xf32>
        %add3A_2445 = arith.addf %mul3A_2438, %mul3A_2439 : vector<16xf32>
        %add3A_2446 = arith.addf %mul3A_2440, %mul3A_2441 : vector<16xf32>
        %add3A_2447 = arith.addf %mul3A_2442, %mul3A_2443 : vector<16xf32>
        %add3A_2448 = arith.addf %add3A_2444, %add3A_2445 : vector<16xf32>
        %add3A_2449 = arith.addf %add3A_2446, %add3A_2447 : vector<16xf32>
        %add3A_2450 = arith.addf %add3A_2448, %add3A_2449 : vector<16xf32>
        %reduce_sum3A_2451 = arith.constant true
        %reduce_sum3A_2452 = vector.broadcast %reduce_sum3A_2451 : i1 to vector<16xi1>
        %reduce_sum3A_2453 = tpu.scan <sum>, %add3A_2450 masked %reduce_sum3A_2452 : vector<16xf32>, vector<16xi1> -> vector<16xf32>
        %reduce_sum3A_2454 = vector.extract %reduce_sum3A_2453[15] : f32 from vector<16xf32>
        %broadcast_in_dim3A_2455 = vector.broadcast %reduce_sum3A_2454 : f32 to vector<16xf32>
        %swap3A_2456 = arith.index_cast %add3A_2435 : i32 to index
        %swap3A_2457 = tpu.vector_load %arg5[%swap3A_2456] masked %eq3A_4 {strides = array<i32>} : memref<10416xf32, #tpu.memory_space<vmem>>, vector<16xf32>, vector<16xi1>
        tpu.vector_store %arg5[%swap3A_2456], %broadcast_in_dim3A_2455 masked %eq3A_4 {strides = array<i32>} : memref<10416xf32, #tpu.memory_space<vmem>>, vector<16xf32>, vector<16xi1>
        %add3A_2458 = arith.constant 220 : i32
        %add3A_2459 = arith.addi %mul3A_16, %add3A_2458 : i32
        %add3A_2460 = arith.constant 0 : i32
        %add3A_2461 = arith.addi %add3A_2459, %add3A_2460 : i32
        %add3A_2462 = arith.addi %add3A_2461, %scan3A_2341 : i32
        %mul3A_2463 = arith.mulf %get3A_783, %get3A_2348 : vector<16xf32>
        %mul3A_2464 = arith.mulf %get3A_788, %get3A_2352 : vector<16xf32>
        %mul3A_2465 = arith.mulf %get3A_793, %get3A_2356 : vector<16xf32>
        %mul3A_2466 = arith.mulf %get3A_798, %get3A_2360 : vector<16xf32>
        %mul3A_2467 = arith.mulf %get3A_803, %get3A_2364 : vector<16xf32>
        %mul3A_2468 = arith.mulf %get3A_808, %get3A_2368 : vector<16xf32>
        %mul3A_2469 = arith.mulf %get3A_813, %get3A_2372 : vector<16xf32>
        %mul3A_2470 = arith.mulf %get3A_818, %get3A_2376 : vector<16xf32>
        %add3A_2471 = arith.addf %mul3A_2463, %mul3A_2464 : vector<16xf32>
        %add3A_2472 = arith.addf %mul3A_2465, %mul3A_2466 : vector<16xf32>
        %add3A_2473 = arith.addf %mul3A_2467, %mul3A_2468 : vector<16xf32>
        %add3A_2474 = arith.addf %mul3A_2469, %mul3A_2470 : vector<16xf32>
        %add3A_2475 = arith.addf %add3A_2471, %add3A_2472 : vector<16xf32>
        %add3A_2476 = arith.addf %add3A_2473, %add3A_2474 : vector<16xf32>
        %add3A_2477 = arith.addf %add3A_2475, %add3A_2476 : vector<16xf32>
        %reduce_sum3A_2478 = arith.constant true
        %reduce_sum3A_2479 = vector.broadcast %reduce_sum3A_2478 : i1 to vector<16xi1>
        %reduce_sum3A_2480 = tpu.scan <sum>, %add3A_2477 masked %reduce_sum3A_2479 : vector<16xf32>, vector<16xi1> -> vector<16xf32>
        %reduce_sum3A_2481 = vector.extract %reduce_sum3A_2480[15] : f32 from vector<16xf32>
        %broadcast_in_dim3A_2482 = vector.broadcast %reduce_sum3A_2481 : f32 to vector<16xf32>
        %swap3A_2483 = arith.index_cast %add3A_2462 : i32 to index
        %swap3A_2484 = tpu.vector_load %arg5[%swap3A_2483] masked %eq3A_4 {strides = array<i32>} : memref<10416xf32, #tpu.memory_space<vmem>>, vector<16xf32>, vector<16xi1>
        tpu.vector_store %arg5[%swap3A_2483], %broadcast_in_dim3A_2482 masked %eq3A_4 {strides = array<i32>} : memref<10416xf32, #tpu.memory_space<vmem>>, vector<16xf32>, vector<16xi1>
        %scan3A_2485 = arith.constant 0 : i32
        %scan3A_2486 = arith.constant 1 : i32
        %scan3A_2487 = arith.addi %scan3A_2341, %scan3A_2486 : i32
        %add3A_2488 = arith.constant 12 : i32
        %add3A_2489 = arith.addi %scan3A_2487, %add3A_2488 : i32
        %get3A_2490 = arith.index_cast %scan3A_13 : i32 to index
        %get3A_2491 = arith.index_cast %add3A_2489 : i32 to index
        %get3A_2492 = arith.constant 0 : index
        %get3A_2493 = tpu.vector_load %arg4[%get3A_2490, %get3A_2491, %get3A_2492] {strides = array<i32>} : memref<32x26x128xf32, #tpu.memory_space<vmem>>, vector<16xf32>,
        %get3A_2494 = arith.index_cast %scan3A_13 : i32 to index
        %get3A_2495 = arith.index_cast %add3A_2489 : i32 to index
        %get3A_2496 = arith.constant 16 : index
        %get3A_2497 = tpu.vector_load %arg4[%get3A_2494, %get3A_2495, %get3A_2496] {strides = array<i32>} : memref<32x26x128xf32, #tpu.memory_space<vmem>>, vector<16xf32>,
        %get3A_2498 = arith.index_cast %scan3A_13 : i32 to index
        %get3A_2499 = arith.index_cast %add3A_2489 : i32 to index
        %get3A_2500 = arith.constant 32 : index
        %get3A_2501 = tpu.vector_load %arg4[%get3A_2498, %get3A_2499, %get3A_2500] {strides = array<i32>} : memref<32x26x128xf32, #tpu.memory_space<vmem>>, vector<16xf32>,
        %get3A_2502 = arith.index_cast %scan3A_13 : i32 to index
        %get3A_2503 = arith.index_cast %add3A_2489 : i32 to index
        %get3A_2504 = arith.constant 48 : index
        %get3A_2505 = tpu.vector_load %arg4[%get3A_2502, %get3A_2503, %get3A_2504] {strides = array<i32>} : memref<32x26x128xf32, #tpu.memory_space<vmem>>, vector<16xf32>,
        %get3A_2506 = arith.index_cast %scan3A_13 : i32 to index
        %get3A_2507 = arith.index_cast %add3A_2489 : i32 to index
        %get3A_2508 = arith.constant 64 : index
        %get3A_2509 = tpu.vector_load %arg4[%get3A_2506, %get3A_2507, %get3A_2508] {strides = array<i32>} : memref<32x26x128xf32, #tpu.memory_space<vmem>>, vector<16xf32>,
        %get3A_2510 = arith.index_cast %scan3A_13 : i32 to index
        %get3A_2511 = arith.index_cast %add3A_2489 : i32 to index
        %get3A_2512 = arith.constant 80 : index
        %get3A_2513 = tpu.vector_load %arg4[%get3A_2510, %get3A_2511, %get3A_2512] {strides = array<i32>} : memref<32x26x128xf32, #tpu.memory_space<vmem>>, vector<16xf32>,
        %get3A_2514 = arith.index_cast %scan3A_13 : i32 to index
        %get3A_2515 = arith.index_cast %add3A_2489 : i32 to index
        %get3A_2516 = arith.constant 96 : index
        %get3A_2517 = tpu.vector_load %arg4[%get3A_2514, %get3A_2515, %get3A_2516] {strides = array<i32>} : memref<32x26x128xf32, #tpu.memory_space<vmem>>, vector<16xf32>,
        %get3A_2518 = arith.index_cast %scan3A_13 : i32 to index
        %get3A_2519 = arith.index_cast %add3A_2489 : i32 to index
        %get3A_2520 = arith.constant 112 : index
        %get3A_2521 = tpu.vector_load %arg4[%get3A_2518, %get3A_2519, %get3A_2520] {strides = array<i32>} : memref<32x26x128xf32, #tpu.memory_space<vmem>>, vector<16xf32>,
        %add3A_2522 = arith.constant 172 : i32
        %add3A_2523 = arith.addi %mul3A_16, %add3A_2522 : i32
        %add3A_2524 = arith.constant 3 : i32
        %add3A_2525 = arith.addi %add3A_2523, %add3A_2524 : i32
        %add3A_2526 = arith.addi %add3A_2525, %scan3A_2487 : i32
        %mul3A_2527 = arith.mulf %get3A_663, %get3A_2493 : vector<16xf32>
        %mul3A_2528 = arith.mulf %get3A_668, %get3A_2497 : vector<16xf32>
        %mul3A_2529 = arith.mulf %get3A_673, %get3A_2501 : vector<16xf32>
        %mul3A_2530 = arith.mulf %get3A_678, %get3A_2505 : vector<16xf32>
        %mul3A_2531 = arith.mulf %get3A_683, %get3A_2509 : vector<16xf32>
        %mul3A_2532 = arith.mulf %get3A_688, %get3A_2513 : vector<16xf32>
        %mul3A_2533 = arith.mulf %get3A_693, %get3A_2517 : vector<16xf32>
        %mul3A_2534 = arith.mulf %get3A_698, %get3A_2521 : vector<16xf32>
        %add3A_2535 = arith.addf %mul3A_2527, %mul3A_2528 : vector<16xf32>
        %add3A_2536 = arith.addf %mul3A_2529, %mul3A_2530 : vector<16xf32>
        %add3A_2537 = arith.addf %mul3A_2531, %mul3A_2532 : vector<16xf32>
        %add3A_2538 = arith.addf %mul3A_2533, %mul3A_2534 : vector<16xf32>
        %add3A_2539 = arith.addf %add3A_2535, %add3A_2536 : vector<16xf32>
        %add3A_2540 = arith.addf %add3A_2537, %add3A_2538 : vector<16xf32>
        %add3A_2541 = arith.addf %add3A_2539, %add3A_2540 : vector<16xf32>
        %reduce_sum3A_2542 = arith.constant true
        %reduce_sum3A_2543 = vector.broadcast %reduce_sum3A_2542 : i1 to vector<16xi1>
        %reduce_sum3A_2544 = tpu.scan <sum>, %add3A_2541 masked %reduce_sum3A_2543 : vector<16xf32>, vector<16xi1> -> vector<16xf32>
        %reduce_sum3A_2545 = vector.extract %reduce_sum3A_2544[15] : f32 from vector<16xf32>
        %broadcast_in_dim3A_2546 = vector.broadcast %reduce_sum3A_2545 : f32 to vector<16xf32>
        %swap3A_2547 = arith.index_cast %add3A_2526 : i32 to index
        %swap3A_2548 = tpu.vector_load %arg5[%swap3A_2547] masked %eq3A_4 {strides = array<i32>} : memref<10416xf32, #tpu.memory_space<vmem>>, vector<16xf32>, vector<16xi1>
        tpu.vector_store %arg5[%swap3A_2547], %broadcast_in_dim3A_2546 masked %eq3A_4 {strides = array<i32>} : memref<10416xf32, #tpu.memory_space<vmem>>, vector<16xf32>, vector<16xi1>
        %add3A_2549 = arith.constant 189 : i32
        %add3A_2550 = arith.addi %mul3A_16, %add3A_2549 : i32
        %add3A_2551 = arith.constant 2 : i32
        %add3A_2552 = arith.addi %add3A_2550, %add3A_2551 : i32
        %add3A_2553 = arith.addi %add3A_2552, %scan3A_2487 : i32
        %mul3A_2554 = arith.mulf %get3A_703, %get3A_2493 : vector<16xf32>
        %mul3A_2555 = arith.mulf %get3A_708, %get3A_2497 : vector<16xf32>
        %mul3A_2556 = arith.mulf %get3A_713, %get3A_2501 : vector<16xf32>
        %mul3A_2557 = arith.mulf %get3A_718, %get3A_2505 : vector<16xf32>
        %mul3A_2558 = arith.mulf %get3A_723, %get3A_2509 : vector<16xf32>
        %mul3A_2559 = arith.mulf %get3A_728, %get3A_2513 : vector<16xf32>
        %mul3A_2560 = arith.mulf %get3A_733, %get3A_2517 : vector<16xf32>
        %mul3A_2561 = arith.mulf %get3A_738, %get3A_2521 : vector<16xf32>
        %add3A_2562 = arith.addf %mul3A_2554, %mul3A_2555 : vector<16xf32>
        %add3A_2563 = arith.addf %mul3A_2556, %mul3A_2557 : vector<16xf32>
        %add3A_2564 = arith.addf %mul3A_2558, %mul3A_2559 : vector<16xf32>
        %add3A_2565 = arith.addf %mul3A_2560, %mul3A_2561 : vector<16xf32>
        %add3A_2566 = arith.addf %add3A_2562, %add3A_2563 : vector<16xf32>
        %add3A_2567 = arith.addf %add3A_2564, %add3A_2565 : vector<16xf32>
        %add3A_2568 = arith.addf %add3A_2566, %add3A_2567 : vector<16xf32>
        %reduce_sum3A_2569 = arith.constant true
        %reduce_sum3A_2570 = vector.broadcast %reduce_sum3A_2569 : i1 to vector<16xi1>
        %reduce_sum3A_2571 = tpu.scan <sum>, %add3A_2568 masked %reduce_sum3A_2570 : vector<16xf32>, vector<16xi1> -> vector<16xf32>
        %reduce_sum3A_2572 = vector.extract %reduce_sum3A_2571[15] : f32 from vector<16xf32>
        %broadcast_in_dim3A_2573 = vector.broadcast %reduce_sum3A_2572 : f32 to vector<16xf32>
        %swap3A_2574 = arith.index_cast %add3A_2553 : i32 to index
        %swap3A_2575 = tpu.vector_load %arg5[%swap3A_2574] masked %eq3A_4 {strides = array<i32>} : memref<10416xf32, #tpu.memory_space<vmem>>, vector<16xf32>, vector<16xi1>
        tpu.vector_store %arg5[%swap3A_2574], %broadcast_in_dim3A_2573 masked %eq3A_4 {strides = array<i32>} : memref<10416xf32, #tpu.memory_space<vmem>>, vector<16xf32>, vector<16xi1>
        %add3A_2576 = arith.constant 205 : i32
        %add3A_2577 = arith.addi %mul3A_16, %add3A_2576 : i32
        %add3A_2578 = arith.constant 1 : i32
        %add3A_2579 = arith.addi %add3A_2577, %add3A_2578 : i32
        %add3A_2580 = arith.addi %add3A_2579, %scan3A_2487 : i32
        %mul3A_2581 = arith.mulf %get3A_743, %get3A_2493 : vector<16xf32>
        %mul3A_2582 = arith.mulf %get3A_748, %get3A_2497 : vector<16xf32>
        %mul3A_2583 = arith.mulf %get3A_753, %get3A_2501 : vector<16xf32>
        %mul3A_2584 = arith.mulf %get3A_758, %get3A_2505 : vector<16xf32>
        %mul3A_2585 = arith.mulf %get3A_763, %get3A_2509 : vector<16xf32>
        %mul3A_2586 = arith.mulf %get3A_768, %get3A_2513 : vector<16xf32>
        %mul3A_2587 = arith.mulf %get3A_773, %get3A_2517 : vector<16xf32>
        %mul3A_2588 = arith.mulf %get3A_778, %get3A_2521 : vector<16xf32>
        %add3A_2589 = arith.addf %mul3A_2581, %mul3A_2582 : vector<16xf32>
        %add3A_2590 = arith.addf %mul3A_2583, %mul3A_2584 : vector<16xf32>
        %add3A_2591 = arith.addf %mul3A_2585, %mul3A_2586 : vector<16xf32>
        %add3A_2592 = arith.addf %mul3A_2587, %mul3A_2588 : vector<16xf32>
        %add3A_2593 = arith.addf %add3A_2589, %add3A_2590 : vector<16xf32>
        %add3A_2594 = arith.addf %add3A_2591, %add3A_2592 : vector<16xf32>
        %add3A_2595 = arith.addf %add3A_2593, %add3A_2594 : vector<16xf32>
        %reduce_sum3A_2596 = arith.constant true
        %reduce_sum3A_2597 = vector.broadcast %reduce_sum3A_2596 : i1 to vector<16xi1>
        %reduce_sum3A_2598 = tpu.scan <sum>, %add3A_2595 masked %reduce_sum3A_2597 : vector<16xf32>, vector<16xi1> -> vector<16xf32>
        %reduce_sum3A_2599 = vector.extract %reduce_sum3A_2598[15] : f32 from vector<16xf32>
        %broadcast_in_dim3A_2600 = vector.broadcast %reduce_sum3A_2599 : f32 to vector<16xf32>
        %swap3A_2601 = arith.index_cast %add3A_2580 : i32 to index
        %swap3A_2602 = tpu.vector_load %arg5[%swap3A_2601] masked %eq3A_4 {strides = array<i32>} : memref<10416xf32, #tpu.memory_space<vmem>>, vector<16xf32>, vector<16xi1>
        tpu.vector_store %arg5[%swap3A_2601], %broadcast_in_dim3A_2600 masked %eq3A_4 {strides = array<i32>} : memref<10416xf32, #tpu.memory_space<vmem>>, vector<16xf32>, vector<16xi1>
        %add3A_2603 = arith.constant 220 : i32
        %add3A_2604 = arith.addi %mul3A_16, %add3A_2603 : i32
        %add3A_2605 = arith.constant 0 : i32
        %add3A_2606 = arith.addi %add3A_2604, %add3A_2605 : i32
        %add3A_2607 = arith.addi %add3A_2606, %scan3A_2487 : i32
        %mul3A_2608 = arith.mulf %get3A_783, %get3A_2493 : vector<16xf32>
        %mul3A_2609 = arith.mulf %get3A_788, %get3A_2497 : vector<16xf32>
        %mul3A_2610 = arith.mulf %get3A_793, %get3A_2501 : vector<16xf32>
        %mul3A_2611 = arith.mulf %get3A_798, %get3A_2505 : vector<16xf32>
        %mul3A_2612 = arith.mulf %get3A_803, %get3A_2509 : vector<16xf32>
        %mul3A_2613 = arith.mulf %get3A_808, %get3A_2513 : vector<16xf32>
        %mul3A_2614 = arith.mulf %get3A_813, %get3A_2517 : vector<16xf32>
        %mul3A_2615 = arith.mulf %get3A_818, %get3A_2521 : vector<16xf32>
        %add3A_2616 = arith.addf %mul3A_2608, %mul3A_2609 : vector<16xf32>
        %add3A_2617 = arith.addf %mul3A_2610, %mul3A_2611 : vector<16xf32>
        %add3A_2618 = arith.addf %mul3A_2612, %mul3A_2613 : vector<16xf32>
        %add3A_2619 = arith.addf %mul3A_2614, %mul3A_2615 : vector<16xf32>
        %add3A_2620 = arith.addf %add3A_2616, %add3A_2617 : vector<16xf32>
        %add3A_2621 = arith.addf %add3A_2618, %add3A_2619 : vector<16xf32>
        %add3A_2622 = arith.addf %add3A_2620, %add3A_2621 : vector<16xf32>
        %reduce_sum3A_2623 = arith.constant true
        %reduce_sum3A_2624 = vector.broadcast %reduce_sum3A_2623 : i1 to vector<16xi1>
        %reduce_sum3A_2625 = tpu.scan <sum>, %add3A_2622 masked %reduce_sum3A_2624 : vector<16xf32>, vector<16xi1> -> vector<16xf32>
        %reduce_sum3A_2626 = vector.extract %reduce_sum3A_2625[15] : f32 from vector<16xf32>
        %broadcast_in_dim3A_2627 = vector.broadcast %reduce_sum3A_2626 : f32 to vector<16xf32>
        %swap3A_2628 = arith.index_cast %add3A_2607 : i32 to index
        %swap3A_2629 = tpu.vector_load %arg5[%swap3A_2628] masked %eq3A_4 {strides = array<i32>} : memref<10416xf32, #tpu.memory_space<vmem>>, vector<16xf32>, vector<16xi1>
        tpu.vector_store %arg5[%swap3A_2628], %broadcast_in_dim3A_2627 masked %eq3A_4 {strides = array<i32>} : memref<10416xf32, #tpu.memory_space<vmem>>, vector<16xf32>, vector<16xi1>
        %scan3A_2630 = arith.constant 0 : i32
        scf.yield %scan3A_2630 : i32
      }
      %scan3A_981 = arith.constant 14 : i32
      %get3A_982 = arith.constant 12 : i32
      %get3A_983 = arith.index_cast %scan3A_13 : i32 to index
      %get3A_984 = arith.index_cast %get3A_982 : i32 to index
      %get3A_985 = arith.constant 0 : index
      %get3A_986 = tpu.vector_load %arg4[%get3A_983, %get3A_984, %get3A_985] {strides = array<i32>} : memref<32x26x128xf32, #tpu.memory_space<vmem>>, vector<16xf32>,
      %get3A_987 = arith.constant 12 : i32
      %get3A_988 = arith.index_cast %scan3A_13 : i32 to index
      %get3A_989 = arith.index_cast %get3A_987 : i32 to index
      %get3A_990 = arith.constant 16 : index
      %get3A_991 = tpu.vector_load %arg4[%get3A_988, %get3A_989, %get3A_990] {strides = array<i32>} : memref<32x26x128xf32, #tpu.memory_space<vmem>>, vector<16xf32>,
      %get3A_992 = arith.constant 12 : i32
      %get3A_993 = arith.index_cast %scan3A_13 : i32 to index
      %get3A_994 = arith.index_cast %get3A_992 : i32 to index
      %get3A_995 = arith.constant 32 : index
      %get3A_996 = tpu.vector_load %arg4[%get3A_993, %get3A_994, %get3A_995] {strides = array<i32>} : memref<32x26x128xf32, #tpu.memory_space<vmem>>, vector<16xf32>,
      %get3A_997 = arith.constant 12 : i32
      %get3A_998 = arith.index_cast %scan3A_13 : i32 to index
      %get3A_999 = arith.index_cast %get3A_997 : i32 to index
      %get3A_1000 = arith.constant 48 : index
      %get3A_1001 = tpu.vector_load %arg4[%get3A_998, %get3A_999, %get3A_1000] {strides = array<i32>} : memref<32x26x128xf32, #tpu.memory_space<vmem>>, vector<16xf32>,
      %get3A_1002 = arith.constant 12 : i32
      %get3A_1003 = arith.index_cast %scan3A_13 : i32 to index
      %get3A_1004 = arith.index_cast %get3A_1002 : i32 to index
      %get3A_1005 = arith.constant 64 : index
      %get3A_1006 = tpu.vector_load %arg4[%get3A_1003, %get3A_1004, %get3A_1005] {strides = array<i32>} : memref<32x26x128xf32, #tpu.memory_space<vmem>>, vector<16xf32>,
      %get3A_1007 = arith.constant 12 : i32
      %get3A_1008 = arith.index_cast %scan3A_13 : i32 to index
      %get3A_1009 = arith.index_cast %get3A_1007 : i32 to index
      %get3A_1010 = arith.constant 80 : index
      %get3A_1011 = tpu.vector_load %arg4[%get3A_1008, %get3A_1009, %get3A_1010] {strides = array<i32>} : memref<32x26x128xf32, #tpu.memory_space<vmem>>, vector<16xf32>,
      %get3A_1012 = arith.constant 12 : i32
      %get3A_1013 = arith.index_cast %scan3A_13 : i32 to index
      %get3A_1014 = arith.index_cast %get3A_1012 : i32 to index
      %get3A_1015 = arith.constant 96 : index
      %get3A_1016 = tpu.vector_load %arg4[%get3A_1013, %get3A_1014, %get3A_1015] {strides = array<i32>} : memref<32x26x128xf32, #tpu.memory_space<vmem>>, vector<16xf32>,
      %get3A_1017 = arith.constant 12 : i32
      %get3A_1018 = arith.index_cast %scan3A_13 : i32 to index
      %get3A_1019 = arith.index_cast %get3A_1017 : i32 to index
      %get3A_1020 = arith.constant 112 : index
      %get3A_1021 = tpu.vector_load %arg4[%get3A_1018, %get3A_1019, %get3A_1020] {strides = array<i32>} : memref<32x26x128xf32, #tpu.memory_space<vmem>>, vector<16xf32>,
      %get3A_1022 = arith.constant 13 : i32
      %get3A_1023 = arith.index_cast %scan3A_13 : i32 to index
      %get3A_1024 = arith.index_cast %get3A_1022 : i32 to index
      %get3A_1025 = arith.constant 0 : index
      %get3A_1026 = tpu.vector_load %arg4[%get3A_1023, %get3A_1024, %get3A_1025] {strides = array<i32>} : memref<32x26x128xf32, #tpu.memory_space<vmem>>, vector<16xf32>,
      %get3A_1027 = arith.constant 13 : i32
      %get3A_1028 = arith.index_cast %scan3A_13 : i32 to index
      %get3A_1029 = arith.index_cast %get3A_1027 : i32 to index
      %get3A_1030 = arith.constant 16 : index
      %get3A_1031 = tpu.vector_load %arg4[%get3A_1028, %get3A_1029, %get3A_1030] {strides = array<i32>} : memref<32x26x128xf32, #tpu.memory_space<vmem>>, vector<16xf32>,
      %get3A_1032 = arith.constant 13 : i32
      %get3A_1033 = arith.index_cast %scan3A_13 : i32 to index
      %get3A_1034 = arith.index_cast %get3A_1032 : i32 to index
      %get3A_1035 = arith.constant 32 : index
      %get3A_1036 = tpu.vector_load %arg4[%get3A_1033, %get3A_1034, %get3A_1035] {strides = array<i32>} : memref<32x26x128xf32, #tpu.memory_space<vmem>>, vector<16xf32>,
      %get3A_1037 = arith.constant 13 : i32
      %get3A_1038 = arith.index_cast %scan3A_13 : i32 to index
      %get3A_1039 = arith.index_cast %get3A_1037 : i32 to index
      %get3A_1040 = arith.constant 48 : index
      %get3A_1041 = tpu.vector_load %arg4[%get3A_1038, %get3A_1039, %get3A_1040] {strides = array<i32>} : memref<32x26x128xf32, #tpu.memory_space<vmem>>, vector<16xf32>,
      %get3A_1042 = arith.constant 13 : i32
      %get3A_1043 = arith.index_cast %scan3A_13 : i32 to index
      %get3A_1044 = arith.index_cast %get3A_1042 : i32 to index
      %get3A_1045 = arith.constant 64 : index
      %get3A_1046 = tpu.vector_load %arg4[%get3A_1043, %get3A_1044, %get3A_1045] {strides = array<i32>} : memref<32x26x128xf32, #tpu.memory_space<vmem>>, vector<16xf32>,
      %get3A_1047 = arith.constant 13 : i32
      %get3A_1048 = arith.index_cast %scan3A_13 : i32 to index
      %get3A_1049 = arith.index_cast %get3A_1047 : i32 to index
      %get3A_1050 = arith.constant 80 : index
      %get3A_1051 = tpu.vector_load %arg4[%get3A_1048, %get3A_1049, %get3A_1050] {strides = array<i32>} : memref<32x26x128xf32, #tpu.memory_space<vmem>>, vector<16xf32>,
      %get3A_1052 = arith.constant 13 : i32
      %get3A_1053 = arith.index_cast %scan3A_13 : i32 to index
      %get3A_1054 = arith.index_cast %get3A_1052 : i32 to index
      %get3A_1055 = arith.constant 96 : index
      %get3A_1056 = tpu.vector_load %arg4[%get3A_1053, %get3A_1054, %get3A_1055] {strides = array<i32>} : memref<32x26x128xf32, #tpu.memory_space<vmem>>, vector<16xf32>,
      %get3A_1057 = arith.constant 13 : i32
      %get3A_1058 = arith.index_cast %scan3A_13 : i32 to index
      %get3A_1059 = arith.index_cast %get3A_1057 : i32 to index
      %get3A_1060 = arith.constant 112 : index
      %get3A_1061 = tpu.vector_load %arg4[%get3A_1058, %get3A_1059, %get3A_1060] {strides = array<i32>} : memref<32x26x128xf32, #tpu.memory_space<vmem>>, vector<16xf32>,
      %get3A_1062 = arith.constant 14 : i32
      %get3A_1063 = arith.index_cast %scan3A_13 : i32 to index
      %get3A_1064 = arith.index_cast %get3A_1062 : i32 to index
      %get3A_1065 = arith.constant 0 : index
      %get3A_1066 = tpu.vector_load %arg4[%get3A_1063, %get3A_1064, %get3A_1065] {strides = array<i32>} : memref<32x26x128xf32, #tpu.memory_space<vmem>>, vector<16xf32>,
      %get3A_1067 = arith.constant 14 : i32
      %get3A_1068 = arith.index_cast %scan3A_13 : i32 to index
      %get3A_1069 = arith.index_cast %get3A_1067 : i32 to index
      %get3A_1070 = arith.constant 16 : index
      %get3A_1071 = tpu.vector_load %arg4[%get3A_1068, %get3A_1069, %get3A_1070] {strides = array<i32>} : memref<32x26x128xf32, #tpu.memory_space<vmem>>, vector<16xf32>,
      %get3A_1072 = arith.constant 14 : i32
      %get3A_1073 = arith.index_cast %scan3A_13 : i32 to index
      %get3A_1074 = arith.index_cast %get3A_1072 : i32 to index
      %get3A_1075 = arith.constant 32 : index
      %get3A_1076 = tpu.vector_load %arg4[%get3A_1073, %get3A_1074, %get3A_1075] {strides = array<i32>} : memref<32x26x128xf32, #tpu.memory_space<vmem>>, vector<16xf32>,
      %get3A_1077 = arith.constant 14 : i32
      %get3A_1078 = arith.index_cast %scan3A_13 : i32 to index
      %get3A_1079 = arith.index_cast %get3A_1077 : i32 to index
      %get3A_1080 = arith.constant 48 : index
      %get3A_1081 = tpu.vector_load %arg4[%get3A_1078, %get3A_1079, %get3A_1080] {strides = array<i32>} : memref<32x26x128xf32, #tpu.memory_space<vmem>>, vector<16xf32>,
      %get3A_1082 = arith.constant 14 : i32
      %get3A_1083 = arith.index_cast %scan3A_13 : i32 to index
      %get3A_1084 = arith.index_cast %get3A_1082 : i32 to index
      %get3A_1085 = arith.constant 64 : index
      %get3A_1086 = tpu.vector_load %arg4[%get3A_1083, %get3A_1084, %get3A_1085] {strides = array<i32>} : memref<32x26x128xf32, #tpu.memory_space<vmem>>, vector<16xf32>,
      %get3A_1087 = arith.constant 14 : i32
      %get3A_1088 = arith.index_cast %scan3A_13 : i32 to index
      %get3A_1089 = arith.index_cast %get3A_1087 : i32 to index
      %get3A_1090 = arith.constant 80 : index
      %get3A_1091 = tpu.vector_load %arg4[%get3A_1088, %get3A_1089, %get3A_1090] {strides = array<i32>} : memref<32x26x128xf32, #tpu.memory_space<vmem>>, vector<16xf32>,
      %get3A_1092 = arith.constant 14 : i32
      %get3A_1093 = arith.index_cast %scan3A_13 : i32 to index
      %get3A_1094 = arith.index_cast %get3A_1092 : i32 to index
      %get3A_1095 = arith.constant 96 : index
      %get3A_1096 = tpu.vector_load %arg4[%get3A_1093, %get3A_1094, %get3A_1095] {strides = array<i32>} : memref<32x26x128xf32, #tpu.memory_space<vmem>>, vector<16xf32>,
      %get3A_1097 = arith.constant 14 : i32
      %get3A_1098 = arith.index_cast %scan3A_13 : i32 to index
      %get3A_1099 = arith.index_cast %get3A_1097 : i32 to index
      %get3A_1100 = arith.constant 112 : index
      %get3A_1101 = tpu.vector_load %arg4[%get3A_1098, %get3A_1099, %get3A_1100] {strides = array<i32>} : memref<32x26x128xf32, #tpu.memory_space<vmem>>, vector<16xf32>,
      %get3A_1102 = arith.constant 15 : i32
      %get3A_1103 = arith.index_cast %scan3A_13 : i32 to index
      %get3A_1104 = arith.index_cast %get3A_1102 : i32 to index
      %get3A_1105 = arith.constant 0 : index
      %get3A_1106 = tpu.vector_load %arg4[%get3A_1103, %get3A_1104, %get3A_1105] {strides = array<i32>} : memref<32x26x128xf32, #tpu.memory_space<vmem>>, vector<16xf32>,
      %get3A_1107 = arith.constant 15 : i32
      %get3A_1108 = arith.index_cast %scan3A_13 : i32 to index
      %get3A_1109 = arith.index_cast %get3A_1107 : i32 to index
      %get3A_1110 = arith.constant 16 : index
      %get3A_1111 = tpu.vector_load %arg4[%get3A_1108, %get3A_1109, %get3A_1110] {strides = array<i32>} : memref<32x26x128xf32, #tpu.memory_space<vmem>>, vector<16xf32>,
      %get3A_1112 = arith.constant 15 : i32
      %get3A_1113 = arith.index_cast %scan3A_13 : i32 to index
      %get3A_1114 = arith.index_cast %get3A_1112 : i32 to index
      %get3A_1115 = arith.constant 32 : index
      %get3A_1116 = tpu.vector_load %arg4[%get3A_1113, %get3A_1114, %get3A_1115] {strides = array<i32>} : memref<32x26x128xf32, #tpu.memory_space<vmem>>, vector<16xf32>,
      %get3A_1117 = arith.constant 15 : i32
      %get3A_1118 = arith.index_cast %scan3A_13 : i32 to index
      %get3A_1119 = arith.index_cast %get3A_1117 : i32 to index
      %get3A_1120 = arith.constant 48 : index
      %get3A_1121 = tpu.vector_load %arg4[%get3A_1118, %get3A_1119, %get3A_1120] {strides = array<i32>} : memref<32x26x128xf32, #tpu.memory_space<vmem>>, vector<16xf32>,
      %get3A_1122 = arith.constant 15 : i32
      %get3A_1123 = arith.index_cast %scan3A_13 : i32 to index
      %get3A_1124 = arith.index_cast %get3A_1122 : i32 to index
      %get3A_1125 = arith.constant 64 : index
      %get3A_1126 = tpu.vector_load %arg4[%get3A_1123, %get3A_1124, %get3A_1125] {strides = array<i32>} : memref<32x26x128xf32, #tpu.memory_space<vmem>>, vector<16xf32>,
      %get3A_1127 = arith.constant 15 : i32
      %get3A_1128 = arith.index_cast %scan3A_13 : i32 to index
      %get3A_1129 = arith.index_cast %get3A_1127 : i32 to index
      %get3A_1130 = arith.constant 80 : index
      %get3A_1131 = tpu.vector_load %arg4[%get3A_1128, %get3A_1129, %get3A_1130] {strides = array<i32>} : memref<32x26x128xf32, #tpu.memory_space<vmem>>, vector<16xf32>,
      %get3A_1132 = arith.constant 15 : i32
      %get3A_1133 = arith.index_cast %scan3A_13 : i32 to index
      %get3A_1134 = arith.index_cast %get3A_1132 : i32 to index
      %get3A_1135 = arith.constant 96 : index
      %get3A_1136 = tpu.vector_load %arg4[%get3A_1133, %get3A_1134, %get3A_1135] {strides = array<i32>} : memref<32x26x128xf32, #tpu.memory_space<vmem>>, vector<16xf32>,
      %get3A_1137 = arith.constant 15 : i32
      %get3A_1138 = arith.index_cast %scan3A_13 : i32 to index
      %get3A_1139 = arith.index_cast %get3A_1137 : i32 to index
      %get3A_1140 = arith.constant 112 : index
      %get3A_1141 = tpu.vector_load %arg4[%get3A_1138, %get3A_1139, %get3A_1140] {strides = array<i32>} : memref<32x26x128xf32, #tpu.memory_space<vmem>>, vector<16xf32>,
      %add3A_1142 = arith.constant 234 : i32
      %add3A_1143 = arith.addi %mul3A_16, %add3A_1142 : i32
      %add3A_1144 = arith.constant 0 : i32
      %add3A_1145 = arith.addi %add3A_1143, %add3A_1144 : i32
      %mul3A_1146 = arith.mulf %get3A_986, %get3A_1026 : vector<16xf32>
      %mul3A_1147 = arith.mulf %get3A_991, %get3A_1031 : vector<16xf32>
      %mul3A_1148 = arith.mulf %get3A_996, %get3A_1036 : vector<16xf32>
      %mul3A_1149 = arith.mulf %get3A_1001, %get3A_1041 : vector<16xf32>
      %mul3A_1150 = arith.mulf %get3A_1006, %get3A_1046 : vector<16xf32>
      %mul3A_1151 = arith.mulf %get3A_1011, %get3A_1051 : vector<16xf32>
      %mul3A_1152 = arith.mulf %get3A_1016, %get3A_1056 : vector<16xf32>
      %mul3A_1153 = arith.mulf %get3A_1021, %get3A_1061 : vector<16xf32>
      %add3A_1154 = arith.addf %mul3A_1146, %mul3A_1147 : vector<16xf32>
      %add3A_1155 = arith.addf %mul3A_1148, %mul3A_1149 : vector<16xf32>
      %add3A_1156 = arith.addf %mul3A_1150, %mul3A_1151 : vector<16xf32>
      %add3A_1157 = arith.addf %mul3A_1152, %mul3A_1153 : vector<16xf32>
      %add3A_1158 = arith.addf %add3A_1154, %add3A_1155 : vector<16xf32>
      %add3A_1159 = arith.addf %add3A_1156, %add3A_1157 : vector<16xf32>
      %add3A_1160 = arith.addf %add3A_1158, %add3A_1159 : vector<16xf32>
      %reduce_sum3A_1161 = arith.constant true
      %reduce_sum3A_1162 = vector.broadcast %reduce_sum3A_1161 : i1 to vector<16xi1>
      %reduce_sum3A_1163 = tpu.scan <sum>, %add3A_1160 masked %reduce_sum3A_1162 : vector<16xf32>, vector<16xi1> -> vector<16xf32>
      %reduce_sum3A_1164 = vector.extract %reduce_sum3A_1163[15] : f32 from vector<16xf32>
      %broadcast_in_dim3A_1165 = vector.broadcast %reduce_sum3A_1164 : f32 to vector<16xf32>
      %swap3A_1166 = arith.index_cast %add3A_1145 : i32 to index
      %swap3A_1167 = tpu.vector_load %arg5[%swap3A_1166] masked %eq3A_4 {strides = array<i32>} : memref<10416xf32, #tpu.memory_space<vmem>>, vector<16xf32>, vector<16xi1>
      tpu.vector_store %arg5[%swap3A_1166], %broadcast_in_dim3A_1165 masked %eq3A_4 {strides = array<i32>} : memref<10416xf32, #tpu.memory_space<vmem>>, vector<16xf32>, vector<16xi1>
      %add3A_1168 = arith.constant 234 : i32
      %add3A_1169 = arith.addi %mul3A_16, %add3A_1168 : i32
      %add3A_1170 = arith.constant 1 : i32
      %add3A_1171 = arith.addi %add3A_1169, %add3A_1170 : i32
      %mul3A_1172 = arith.mulf %get3A_986, %get3A_1066 : vector<16xf32>
      %mul3A_1173 = arith.mulf %get3A_991, %get3A_1071 : vector<16xf32>
      %mul3A_1174 = arith.mulf %get3A_996, %get3A_1076 : vector<16xf32>
      %mul3A_1175 = arith.mulf %get3A_1001, %get3A_1081 : vector<16xf32>
      %mul3A_1176 = arith.mulf %get3A_1006, %get3A_1086 : vector<16xf32>
      %mul3A_1177 = arith.mulf %get3A_1011, %get3A_1091 : vector<16xf32>
      %mul3A_1178 = arith.mulf %get3A_1016, %get3A_1096 : vector<16xf32>
      %mul3A_1179 = arith.mulf %get3A_1021, %get3A_1101 : vector<16xf32>
      %add3A_1180 = arith.addf %mul3A_1172, %mul3A_1173 : vector<16xf32>
      %add3A_1181 = arith.addf %mul3A_1174, %mul3A_1175 : vector<16xf32>
      %add3A_1182 = arith.addf %mul3A_1176, %mul3A_1177 : vector<16xf32>
      %add3A_1183 = arith.addf %mul3A_1178, %mul3A_1179 : vector<16xf32>
      %add3A_1184 = arith.addf %add3A_1180, %add3A_1181 : vector<16xf32>
      %add3A_1185 = arith.addf %add3A_1182, %add3A_1183 : vector<16xf32>
      %add3A_1186 = arith.addf %add3A_1184, %add3A_1185 : vector<16xf32>
      %reduce_sum3A_1187 = arith.constant true
      %reduce_sum3A_1188 = vector.broadcast %reduce_sum3A_1187 : i1 to vector<16xi1>
      %reduce_sum3A_1189 = tpu.scan <sum>, %add3A_1186 masked %reduce_sum3A_1188 : vector<16xf32>, vector<16xi1> -> vector<16xf32>
      %reduce_sum3A_1190 = vector.extract %reduce_sum3A_1189[15] : f32 from vector<16xf32>
      %broadcast_in_dim3A_1191 = vector.broadcast %reduce_sum3A_1190 : f32 to vector<16xf32>
      %swap3A_1192 = arith.index_cast %add3A_1171 : i32 to index
      %swap3A_1193 = tpu.vector_load %arg5[%swap3A_1192] masked %eq3A_4 {strides = array<i32>} : memref<10416xf32, #tpu.memory_space<vmem>>, vector<16xf32>, vector<16xi1>
      tpu.vector_store %arg5[%swap3A_1192], %broadcast_in_dim3A_1191 masked %eq3A_4 {strides = array<i32>} : memref<10416xf32, #tpu.memory_space<vmem>>, vector<16xf32>, vector<16xi1>
      %add3A_1194 = arith.constant 234 : i32
      %add3A_1195 = arith.addi %mul3A_16, %add3A_1194 : i32
      %add3A_1196 = arith.constant 2 : i32
      %add3A_1197 = arith.addi %add3A_1195, %add3A_1196 : i32
      %mul3A_1198 = arith.mulf %get3A_986, %get3A_1106 : vector<16xf32>
      %mul3A_1199 = arith.mulf %get3A_991, %get3A_1111 : vector<16xf32>
      %mul3A_1200 = arith.mulf %get3A_996, %get3A_1116 : vector<16xf32>
      %mul3A_1201 = arith.mulf %get3A_1001, %get3A_1121 : vector<16xf32>
      %mul3A_1202 = arith.mulf %get3A_1006, %get3A_1126 : vector<16xf32>
      %mul3A_1203 = arith.mulf %get3A_1011, %get3A_1131 : vector<16xf32>
      %mul3A_1204 = arith.mulf %get3A_1016, %get3A_1136 : vector<16xf32>
      %mul3A_1205 = arith.mulf %get3A_1021, %get3A_1141 : vector<16xf32>
      %add3A_1206 = arith.addf %mul3A_1198, %mul3A_1199 : vector<16xf32>
      %add3A_1207 = arith.addf %mul3A_1200, %mul3A_1201 : vector<16xf32>
      %add3A_1208 = arith.addf %mul3A_1202, %mul3A_1203 : vector<16xf32>
      %add3A_1209 = arith.addf %mul3A_1204, %mul3A_1205 : vector<16xf32>
      %add3A_1210 = arith.addf %add3A_1206, %add3A_1207 : vector<16xf32>
      %add3A_1211 = arith.addf %add3A_1208, %add3A_1209 : vector<16xf32>
      %add3A_1212 = arith.addf %add3A_1210, %add3A_1211 : vector<16xf32>
      %reduce_sum3A_1213 = arith.constant true
      %reduce_sum3A_1214 = vector.broadcast %reduce_sum3A_1213 : i1 to vector<16xi1>
      %reduce_sum3A_1215 = tpu.scan <sum>, %add3A_1212 masked %reduce_sum3A_1214 : vector<16xf32>, vector<16xi1> -> vector<16xf32>
      %reduce_sum3A_1216 = vector.extract %reduce_sum3A_1215[15] : f32 from vector<16xf32>
      %broadcast_in_dim3A_1217 = vector.broadcast %reduce_sum3A_1216 : f32 to vector<16xf32>
      %swap3A_1218 = arith.index_cast %add3A_1197 : i32 to index
      %swap3A_1219 = tpu.vector_load %arg5[%swap3A_1218] masked %eq3A_4 {strides = array<i32>} : memref<10416xf32, #tpu.memory_space<vmem>>, vector<16xf32>, vector<16xi1>
      tpu.vector_store %arg5[%swap3A_1218], %broadcast_in_dim3A_1217 masked %eq3A_4 {strides = array<i32>} : memref<10416xf32, #tpu.memory_space<vmem>>, vector<16xf32>, vector<16xi1>
      %add3A_1220 = arith.constant 247 : i32
      %add3A_1221 = arith.addi %mul3A_16, %add3A_1220 : i32
      %add3A_1222 = arith.constant 0 : i32
      %add3A_1223 = arith.addi %add3A_1221, %add3A_1222 : i32
      %mul3A_1224 = arith.mulf %get3A_1026, %get3A_1066 : vector<16xf32>
      %mul3A_1225 = arith.mulf %get3A_1031, %get3A_1071 : vector<16xf32>
      %mul3A_1226 = arith.mulf %get3A_1036, %get3A_1076 : vector<16xf32>
      %mul3A_1227 = arith.mulf %get3A_1041, %get3A_1081 : vector<16xf32>
      %mul3A_1228 = arith.mulf %get3A_1046, %get3A_1086 : vector<16xf32>
      %mul3A_1229 = arith.mulf %get3A_1051, %get3A_1091 : vector<16xf32>
      %mul3A_1230 = arith.mulf %get3A_1056, %get3A_1096 : vector<16xf32>
      %mul3A_1231 = arith.mulf %get3A_1061, %get3A_1101 : vector<16xf32>
      %add3A_1232 = arith.addf %mul3A_1224, %mul3A_1225 : vector<16xf32>
      %add3A_1233 = arith.addf %mul3A_1226, %mul3A_1227 : vector<16xf32>
      %add3A_1234 = arith.addf %mul3A_1228, %mul3A_1229 : vector<16xf32>
      %add3A_1235 = arith.addf %mul3A_1230, %mul3A_1231 : vector<16xf32>
      %add3A_1236 = arith.addf %add3A_1232, %add3A_1233 : vector<16xf32>
      %add3A_1237 = arith.addf %add3A_1234, %add3A_1235 : vector<16xf32>
      %add3A_1238 = arith.addf %add3A_1236, %add3A_1237 : vector<16xf32>
      %reduce_sum3A_1239 = arith.constant true
      %reduce_sum3A_1240 = vector.broadcast %reduce_sum3A_1239 : i1 to vector<16xi1>
      %reduce_sum3A_1241 = tpu.scan <sum>, %add3A_1238 masked %reduce_sum3A_1240 : vector<16xf32>, vector<16xi1> -> vector<16xf32>
      %reduce_sum3A_1242 = vector.extract %reduce_sum3A_1241[15] : f32 from vector<16xf32>
      %broadcast_in_dim3A_1243 = vector.broadcast %reduce_sum3A_1242 : f32 to vector<16xf32>
      %swap3A_1244 = arith.index_cast %add3A_1223 : i32 to index
      %swap3A_1245 = tpu.vector_load %arg5[%swap3A_1244] masked %eq3A_4 {strides = array<i32>} : memref<10416xf32, #tpu.memory_space<vmem>>, vector<16xf32>, vector<16xi1>
      tpu.vector_store %arg5[%swap3A_1244], %broadcast_in_dim3A_1243 masked %eq3A_4 {strides = array<i32>} : memref<10416xf32, #tpu.memory_space<vmem>>, vector<16xf32>, vector<16xi1>
      %add3A_1246 = arith.constant 247 : i32
      %add3A_1247 = arith.addi %mul3A_16, %add3A_1246 : i32
      %add3A_1248 = arith.constant 1 : i32
      %add3A_1249 = arith.addi %add3A_1247, %add3A_1248 : i32
      %mul3A_1250 = arith.mulf %get3A_1026, %get3A_1106 : vector<16xf32>
      %mul3A_1251 = arith.mulf %get3A_1031, %get3A_1111 : vector<16xf32>
      %mul3A_1252 = arith.mulf %get3A_1036, %get3A_1116 : vector<16xf32>
      %mul3A_1253 = arith.mulf %get3A_1041, %get3A_1121 : vector<16xf32>
      %mul3A_1254 = arith.mulf %get3A_1046, %get3A_1126 : vector<16xf32>
      %mul3A_1255 = arith.mulf %get3A_1051, %get3A_1131 : vector<16xf32>
      %mul3A_1256 = arith.mulf %get3A_1056, %get3A_1136 : vector<16xf32>
      %mul3A_1257 = arith.mulf %get3A_1061, %get3A_1141 : vector<16xf32>
      %add3A_1258 = arith.addf %mul3A_1250, %mul3A_1251 : vector<16xf32>
      %add3A_1259 = arith.addf %mul3A_1252, %mul3A_1253 : vector<16xf32>
      %add3A_1260 = arith.addf %mul3A_1254, %mul3A_1255 : vector<16xf32>
      %add3A_1261 = arith.addf %mul3A_1256, %mul3A_1257 : vector<16xf32>
      %add3A_1262 = arith.addf %add3A_1258, %add3A_1259 : vector<16xf32>
      %add3A_1263 = arith.addf %add3A_1260, %add3A_1261 : vector<16xf32>
      %add3A_1264 = arith.addf %add3A_1262, %add3A_1263 : vector<16xf32>
      %reduce_sum3A_1265 = arith.constant true
      %reduce_sum3A_1266 = vector.broadcast %reduce_sum3A_1265 : i1 to vector<16xi1>
      %reduce_sum3A_1267 = tpu.scan <sum>, %add3A_1264 masked %reduce_sum3A_1266 : vector<16xf32>, vector<16xi1> -> vector<16xf32>
      %reduce_sum3A_1268 = vector.extract %reduce_sum3A_1267[15] : f32 from vector<16xf32>
      %broadcast_in_dim3A_1269 = vector.broadcast %reduce_sum3A_1268 : f32 to vector<16xf32>
      %swap3A_1270 = arith.index_cast %add3A_1249 : i32 to index
      %swap3A_1271 = tpu.vector_load %arg5[%swap3A_1270] masked %eq3A_4 {strides = array<i32>} : memref<10416xf32, #tpu.memory_space<vmem>>, vector<16xf32>, vector<16xi1>
      tpu.vector_store %arg5[%swap3A_1270], %broadcast_in_dim3A_1269 masked %eq3A_4 {strides = array<i32>} : memref<10416xf32, #tpu.memory_space<vmem>>, vector<16xf32>, vector<16xi1>
      %add3A_1272 = arith.constant 259 : i32
      %add3A_1273 = arith.addi %mul3A_16, %add3A_1272 : i32
      %add3A_1274 = arith.constant 0 : i32
      %add3A_1275 = arith.addi %add3A_1273, %add3A_1274 : i32
      %mul3A_1276 = arith.mulf %get3A_1066, %get3A_1106 : vector<16xf32>
      %mul3A_1277 = arith.mulf %get3A_1071, %get3A_1111 : vector<16xf32>
      %mul3A_1278 = arith.mulf %get3A_1076, %get3A_1116 : vector<16xf32>
      %mul3A_1279 = arith.mulf %get3A_1081, %get3A_1121 : vector<16xf32>
      %mul3A_1280 = arith.mulf %get3A_1086, %get3A_1126 : vector<16xf32>
      %mul3A_1281 = arith.mulf %get3A_1091, %get3A_1131 : vector<16xf32>
      %mul3A_1282 = arith.mulf %get3A_1096, %get3A_1136 : vector<16xf32>
      %mul3A_1283 = arith.mulf %get3A_1101, %get3A_1141 : vector<16xf32>
      %add3A_1284 = arith.addf %mul3A_1276, %mul3A_1277 : vector<16xf32>
      %add3A_1285 = arith.addf %mul3A_1278, %mul3A_1279 : vector<16xf32>
      %add3A_1286 = arith.addf %mul3A_1280, %mul3A_1281 : vector<16xf32>
      %add3A_1287 = arith.addf %mul3A_1282, %mul3A_1283 : vector<16xf32>
      %add3A_1288 = arith.addf %add3A_1284, %add3A_1285 : vector<16xf32>
      %add3A_1289 = arith.addf %add3A_1286, %add3A_1287 : vector<16xf32>
      %add3A_1290 = arith.addf %add3A_1288, %add3A_1289 : vector<16xf32>
      %reduce_sum3A_1291 = arith.constant true
      %reduce_sum3A_1292 = vector.broadcast %reduce_sum3A_1291 : i1 to vector<16xi1>
      %reduce_sum3A_1293 = tpu.scan <sum>, %add3A_1290 masked %reduce_sum3A_1292 : vector<16xf32>, vector<16xi1> -> vector<16xf32>
      %reduce_sum3A_1294 = vector.extract %reduce_sum3A_1293[15] : f32 from vector<16xf32>
      %broadcast_in_dim3A_1295 = vector.broadcast %reduce_sum3A_1294 : f32 to vector<16xf32>
      %swap3A_1296 = arith.index_cast %add3A_1275 : i32 to index
      %swap3A_1297 = tpu.vector_load %arg5[%swap3A_1296] masked %eq3A_4 {strides = array<i32>} : memref<10416xf32, #tpu.memory_space<vmem>>, vector<16xf32>, vector<16xi1>
      tpu.vector_store %arg5[%swap3A_1296], %broadcast_in_dim3A_1295 masked %eq3A_4 {strides = array<i32>} : memref<10416xf32, #tpu.memory_space<vmem>>, vector<16xf32>, vector<16xi1>
      %scan3A_1298 = arith.constant 0 : i32
      %scan3A_1299 = arith.constant 0 : i32
      %scan3A_1300 = arith.constant 10 : i32
      %scan3A_1301 = arith.addi %scan3A_1299, %scan3A_1300 : i32
      %scan3A_1302 = arith.constant 2 : i32
      %scan3A_1303 = scf.for %scan3A_2341 = %scan3A_1299 to %scan3A_1301 step %scan3A_1302 iter_args(%scan3A_2342 = %scan3A_1298) -> (i32)  : i32 {
        %add3A_2343 = arith.constant 16 : i32
        %add3A_2344 = arith.addi %scan3A_2341, %add3A_2343 : i32
        %get3A_2345 = arith.index_cast %scan3A_13 : i32 to index
        %get3A_2346 = arith.index_cast %add3A_2344 : i32 to index
        %get3A_2347 = arith.constant 0 : index
        %get3A_2348 = tpu.vector_load %arg4[%get3A_2345, %get3A_2346, %get3A_2347] {strides = array<i32>} : memref<32x26x128xf32, #tpu.memory_space<vmem>>, vector<16xf32>,
        %get3A_2349 = arith.index_cast %scan3A_13 : i32 to index
        %get3A_2350 = arith.index_cast %add3A_2344 : i32 to index
        %get3A_2351 = arith.constant 16 : index
        %get3A_2352 = tpu.vector_load %arg4[%get3A_2349, %get3A_2350, %get3A_2351] {strides = array<i32>} : memref<32x26x128xf32, #tpu.memory_space<vmem>>, vector<16xf32>,
        %get3A_2353 = arith.index_cast %scan3A_13 : i32 to index
        %get3A_2354 = arith.index_cast %add3A_2344 : i32 to index
        %get3A_2355 = arith.constant 32 : index
        %get3A_2356 = tpu.vector_load %arg4[%get3A_2353, %get3A_2354, %get3A_2355] {strides = array<i32>} : memref<32x26x128xf32, #tpu.memory_space<vmem>>, vector<16xf32>,
        %get3A_2357 = arith.index_cast %scan3A_13 : i32 to index
        %get3A_2358 = arith.index_cast %add3A_2344 : i32 to index
        %get3A_2359 = arith.constant 48 : index
        %get3A_2360 = tpu.vector_load %arg4[%get3A_2357, %get3A_2358, %get3A_2359] {strides = array<i32>} : memref<32x26x128xf32, #tpu.memory_space<vmem>>, vector<16xf32>,
        %get3A_2361 = arith.index_cast %scan3A_13 : i32 to index
        %get3A_2362 = arith.index_cast %add3A_2344 : i32 to index
        %get3A_2363 = arith.constant 64 : index
        %get3A_2364 = tpu.vector_load %arg4[%get3A_2361, %get3A_2362, %get3A_2363] {strides = array<i32>} : memref<32x26x128xf32, #tpu.memory_space<vmem>>, vector<16xf32>,
        %get3A_2365 = arith.index_cast %scan3A_13 : i32 to index
        %get3A_2366 = arith.index_cast %add3A_2344 : i32 to index
        %get3A_2367 = arith.constant 80 : index
        %get3A_2368 = tpu.vector_load %arg4[%get3A_2365, %get3A_2366, %get3A_2367] {strides = array<i32>} : memref<32x26x128xf32, #tpu.memory_space<vmem>>, vector<16xf32>,
        %get3A_2369 = arith.index_cast %scan3A_13 : i32 to index
        %get3A_2370 = arith.index_cast %add3A_2344 : i32 to index
        %get3A_2371 = arith.constant 96 : index
        %get3A_2372 = tpu.vector_load %arg4[%get3A_2369, %get3A_2370, %get3A_2371] {strides = array<i32>} : memref<32x26x128xf32, #tpu.memory_space<vmem>>, vector<16xf32>,
        %get3A_2373 = arith.index_cast %scan3A_13 : i32 to index
        %get3A_2374 = arith.index_cast %add3A_2344 : i32 to index
        %get3A_2375 = arith.constant 112 : index
        %get3A_2376 = tpu.vector_load %arg4[%get3A_2373, %get3A_2374, %get3A_2375] {strides = array<i32>} : memref<32x26x128xf32, #tpu.memory_space<vmem>>, vector<16xf32>,
        %add3A_2377 = arith.constant 234 : i32
        %add3A_2378 = arith.addi %mul3A_16, %add3A_2377 : i32
        %add3A_2379 = arith.constant 3 : i32
        %add3A_2380 = arith.addi %add3A_2378, %add3A_2379 : i32
        %add3A_2381 = arith.addi %add3A_2380, %scan3A_2341 : i32
        %mul3A_2382 = arith.mulf %get3A_986, %get3A_2348 : vector<16xf32>
        %mul3A_2383 = arith.mulf %get3A_991, %get3A_2352 : vector<16xf32>
        %mul3A_2384 = arith.mulf %get3A_996, %get3A_2356 : vector<16xf32>
        %mul3A_2385 = arith.mulf %get3A_1001, %get3A_2360 : vector<16xf32>
        %mul3A_2386 = arith.mulf %get3A_1006, %get3A_2364 : vector<16xf32>
        %mul3A_2387 = arith.mulf %get3A_1011, %get3A_2368 : vector<16xf32>
        %mul3A_2388 = arith.mulf %get3A_1016, %get3A_2372 : vector<16xf32>
        %mul3A_2389 = arith.mulf %get3A_1021, %get3A_2376 : vector<16xf32>
        %add3A_2390 = arith.addf %mul3A_2382, %mul3A_2383 : vector<16xf32>
        %add3A_2391 = arith.addf %mul3A_2384, %mul3A_2385 : vector<16xf32>
        %add3A_2392 = arith.addf %mul3A_2386, %mul3A_2387 : vector<16xf32>
        %add3A_2393 = arith.addf %mul3A_2388, %mul3A_2389 : vector<16xf32>
        %add3A_2394 = arith.addf %add3A_2390, %add3A_2391 : vector<16xf32>
        %add3A_2395 = arith.addf %add3A_2392, %add3A_2393 : vector<16xf32>
        %add3A_2396 = arith.addf %add3A_2394, %add3A_2395 : vector<16xf32>
        %reduce_sum3A_2397 = arith.constant true
        %reduce_sum3A_2398 = vector.broadcast %reduce_sum3A_2397 : i1 to vector<16xi1>
        %reduce_sum3A_2399 = tpu.scan <sum>, %add3A_2396 masked %reduce_sum3A_2398 : vector<16xf32>, vector<16xi1> -> vector<16xf32>
        %reduce_sum3A_2400 = vector.extract %reduce_sum3A_2399[15] : f32 from vector<16xf32>
        %broadcast_in_dim3A_2401 = vector.broadcast %reduce_sum3A_2400 : f32 to vector<16xf32>
        %swap3A_2402 = arith.index_cast %add3A_2381 : i32 to index
        %swap3A_2403 = tpu.vector_load %arg5[%swap3A_2402] masked %eq3A_4 {strides = array<i32>} : memref<10416xf32, #tpu.memory_space<vmem>>, vector<16xf32>, vector<16xi1>
        tpu.vector_store %arg5[%swap3A_2402], %broadcast_in_dim3A_2401 masked %eq3A_4 {strides = array<i32>} : memref<10416xf32, #tpu.memory_space<vmem>>, vector<16xf32>, vector<16xi1>
        %add3A_2404 = arith.constant 247 : i32
        %add3A_2405 = arith.addi %mul3A_16, %add3A_2404 : i32
        %add3A_2406 = arith.constant 2 : i32
        %add3A_2407 = arith.addi %add3A_2405, %add3A_2406 : i32
        %add3A_2408 = arith.addi %add3A_2407, %scan3A_2341 : i32
        %mul3A_2409 = arith.mulf %get3A_1026, %get3A_2348 : vector<16xf32>
        %mul3A_2410 = arith.mulf %get3A_1031, %get3A_2352 : vector<16xf32>
        %mul3A_2411 = arith.mulf %get3A_1036, %get3A_2356 : vector<16xf32>
        %mul3A_2412 = arith.mulf %get3A_1041, %get3A_2360 : vector<16xf32>
        %mul3A_2413 = arith.mulf %get3A_1046, %get3A_2364 : vector<16xf32>
        %mul3A_2414 = arith.mulf %get3A_1051, %get3A_2368 : vector<16xf32>
        %mul3A_2415 = arith.mulf %get3A_1056, %get3A_2372 : vector<16xf32>
        %mul3A_2416 = arith.mulf %get3A_1061, %get3A_2376 : vector<16xf32>
        %add3A_2417 = arith.addf %mul3A_2409, %mul3A_2410 : vector<16xf32>
        %add3A_2418 = arith.addf %mul3A_2411, %mul3A_2412 : vector<16xf32>
        %add3A_2419 = arith.addf %mul3A_2413, %mul3A_2414 : vector<16xf32>
        %add3A_2420 = arith.addf %mul3A_2415, %mul3A_2416 : vector<16xf32>
        %add3A_2421 = arith.addf %add3A_2417, %add3A_2418 : vector<16xf32>
        %add3A_2422 = arith.addf %add3A_2419, %add3A_2420 : vector<16xf32>
        %add3A_2423 = arith.addf %add3A_2421, %add3A_2422 : vector<16xf32>
        %reduce_sum3A_2424 = arith.constant true
        %reduce_sum3A_2425 = vector.broadcast %reduce_sum3A_2424 : i1 to vector<16xi1>
        %reduce_sum3A_2426 = tpu.scan <sum>, %add3A_2423 masked %reduce_sum3A_2425 : vector<16xf32>, vector<16xi1> -> vector<16xf32>
        %reduce_sum3A_2427 = vector.extract %reduce_sum3A_2426[15] : f32 from vector<16xf32>
        %broadcast_in_dim3A_2428 = vector.broadcast %reduce_sum3A_2427 : f32 to vector<16xf32>
        %swap3A_2429 = arith.index_cast %add3A_2408 : i32 to index
        %swap3A_2430 = tpu.vector_load %arg5[%swap3A_2429] masked %eq3A_4 {strides = array<i32>} : memref<10416xf32, #tpu.memory_space<vmem>>, vector<16xf32>, vector<16xi1>
        tpu.vector_store %arg5[%swap3A_2429], %broadcast_in_dim3A_2428 masked %eq3A_4 {strides = array<i32>} : memref<10416xf32, #tpu.memory_space<vmem>>, vector<16xf32>, vector<16xi1>
        %add3A_2431 = arith.constant 259 : i32
        %add3A_2432 = arith.addi %mul3A_16, %add3A_2431 : i32
        %add3A_2433 = arith.constant 1 : i32
        %add3A_2434 = arith.addi %add3A_2432, %add3A_2433 : i32
        %add3A_2435 = arith.addi %add3A_2434, %scan3A_2341 : i32
        %mul3A_2436 = arith.mulf %get3A_1066, %get3A_2348 : vector<16xf32>
        %mul3A_2437 = arith.mulf %get3A_1071, %get3A_2352 : vector<16xf32>
        %mul3A_2438 = arith.mulf %get3A_1076, %get3A_2356 : vector<16xf32>
        %mul3A_2439 = arith.mulf %get3A_1081, %get3A_2360 : vector<16xf32>
        %mul3A_2440 = arith.mulf %get3A_1086, %get3A_2364 : vector<16xf32>
        %mul3A_2441 = arith.mulf %get3A_1091, %get3A_2368 : vector<16xf32>
        %mul3A_2442 = arith.mulf %get3A_1096, %get3A_2372 : vector<16xf32>
        %mul3A_2443 = arith.mulf %get3A_1101, %get3A_2376 : vector<16xf32>
        %add3A_2444 = arith.addf %mul3A_2436, %mul3A_2437 : vector<16xf32>
        %add3A_2445 = arith.addf %mul3A_2438, %mul3A_2439 : vector<16xf32>
        %add3A_2446 = arith.addf %mul3A_2440, %mul3A_2441 : vector<16xf32>
        %add3A_2447 = arith.addf %mul3A_2442, %mul3A_2443 : vector<16xf32>
        %add3A_2448 = arith.addf %add3A_2444, %add3A_2445 : vector<16xf32>
        %add3A_2449 = arith.addf %add3A_2446, %add3A_2447 : vector<16xf32>
        %add3A_2450 = arith.addf %add3A_2448, %add3A_2449 : vector<16xf32>
        %reduce_sum3A_2451 = arith.constant true
        %reduce_sum3A_2452 = vector.broadcast %reduce_sum3A_2451 : i1 to vector<16xi1>
        %reduce_sum3A_2453 = tpu.scan <sum>, %add3A_2450 masked %reduce_sum3A_2452 : vector<16xf32>, vector<16xi1> -> vector<16xf32>
        %reduce_sum3A_2454 = vector.extract %reduce_sum3A_2453[15] : f32 from vector<16xf32>
        %broadcast_in_dim3A_2455 = vector.broadcast %reduce_sum3A_2454 : f32 to vector<16xf32>
        %swap3A_2456 = arith.index_cast %add3A_2435 : i32 to index
        %swap3A_2457 = tpu.vector_load %arg5[%swap3A_2456] masked %eq3A_4 {strides = array<i32>} : memref<10416xf32, #tpu.memory_space<vmem>>, vector<16xf32>, vector<16xi1>
        tpu.vector_store %arg5[%swap3A_2456], %broadcast_in_dim3A_2455 masked %eq3A_4 {strides = array<i32>} : memref<10416xf32, #tpu.memory_space<vmem>>, vector<16xf32>, vector<16xi1>
        %add3A_2458 = arith.constant 270 : i32
        %add3A_2459 = arith.addi %mul3A_16, %add3A_2458 : i32
        %add3A_2460 = arith.constant 0 : i32
        %add3A_2461 = arith.addi %add3A_2459, %add3A_2460 : i32
        %add3A_2462 = arith.addi %add3A_2461, %scan3A_2341 : i32
        %mul3A_2463 = arith.mulf %get3A_1106, %get3A_2348 : vector<16xf32>
        %mul3A_2464 = arith.mulf %get3A_1111, %get3A_2352 : vector<16xf32>
        %mul3A_2465 = arith.mulf %get3A_1116, %get3A_2356 : vector<16xf32>
        %mul3A_2466 = arith.mulf %get3A_1121, %get3A_2360 : vector<16xf32>
        %mul3A_2467 = arith.mulf %get3A_1126, %get3A_2364 : vector<16xf32>
        %mul3A_2468 = arith.mulf %get3A_1131, %get3A_2368 : vector<16xf32>
        %mul3A_2469 = arith.mulf %get3A_1136, %get3A_2372 : vector<16xf32>
        %mul3A_2470 = arith.mulf %get3A_1141, %get3A_2376 : vector<16xf32>
        %add3A_2471 = arith.addf %mul3A_2463, %mul3A_2464 : vector<16xf32>
        %add3A_2472 = arith.addf %mul3A_2465, %mul3A_2466 : vector<16xf32>
        %add3A_2473 = arith.addf %mul3A_2467, %mul3A_2468 : vector<16xf32>
        %add3A_2474 = arith.addf %mul3A_2469, %mul3A_2470 : vector<16xf32>
        %add3A_2475 = arith.addf %add3A_2471, %add3A_2472 : vector<16xf32>
        %add3A_2476 = arith.addf %add3A_2473, %add3A_2474 : vector<16xf32>
        %add3A_2477 = arith.addf %add3A_2475, %add3A_2476 : vector<16xf32>
        %reduce_sum3A_2478 = arith.constant true
        %reduce_sum3A_2479 = vector.broadcast %reduce_sum3A_2478 : i1 to vector<16xi1>
        %reduce_sum3A_2480 = tpu.scan <sum>, %add3A_2477 masked %reduce_sum3A_2479 : vector<16xf32>, vector<16xi1> -> vector<16xf32>
        %reduce_sum3A_2481 = vector.extract %reduce_sum3A_2480[15] : f32 from vector<16xf32>
        %broadcast_in_dim3A_2482 = vector.broadcast %reduce_sum3A_2481 : f32 to vector<16xf32>
        %swap3A_2483 = arith.index_cast %add3A_2462 : i32 to index
        %swap3A_2484 = tpu.vector_load %arg5[%swap3A_2483] masked %eq3A_4 {strides = array<i32>} : memref<10416xf32, #tpu.memory_space<vmem>>, vector<16xf32>, vector<16xi1>
        tpu.vector_store %arg5[%swap3A_2483], %broadcast_in_dim3A_2482 masked %eq3A_4 {strides = array<i32>} : memref<10416xf32, #tpu.memory_space<vmem>>, vector<16xf32>, vector<16xi1>
        %scan3A_2485 = arith.constant 0 : i32
        %scan3A_2486 = arith.constant 1 : i32
        %scan3A_2487 = arith.addi %scan3A_2341, %scan3A_2486 : i32
        %add3A_2488 = arith.constant 16 : i32
        %add3A_2489 = arith.addi %scan3A_2487, %add3A_2488 : i32
        %get3A_2490 = arith.index_cast %scan3A_13 : i32 to index
        %get3A_2491 = arith.index_cast %add3A_2489 : i32 to index
        %get3A_2492 = arith.constant 0 : index
        %get3A_2493 = tpu.vector_load %arg4[%get3A_2490, %get3A_2491, %get3A_2492] {strides = array<i32>} : memref<32x26x128xf32, #tpu.memory_space<vmem>>, vector<16xf32>,
        %get3A_2494 = arith.index_cast %scan3A_13 : i32 to index
        %get3A_2495 = arith.index_cast %add3A_2489 : i32 to index
        %get3A_2496 = arith.constant 16 : index
        %get3A_2497 = tpu.vector_load %arg4[%get3A_2494, %get3A_2495, %get3A_2496] {strides = array<i32>} : memref<32x26x128xf32, #tpu.memory_space<vmem>>, vector<16xf32>,
        %get3A_2498 = arith.index_cast %scan3A_13 : i32 to index
        %get3A_2499 = arith.index_cast %add3A_2489 : i32 to index
        %get3A_2500 = arith.constant 32 : index
        %get3A_2501 = tpu.vector_load %arg4[%get3A_2498, %get3A_2499, %get3A_2500] {strides = array<i32>} : memref<32x26x128xf32, #tpu.memory_space<vmem>>, vector<16xf32>,
        %get3A_2502 = arith.index_cast %scan3A_13 : i32 to index
        %get3A_2503 = arith.index_cast %add3A_2489 : i32 to index
        %get3A_2504 = arith.constant 48 : index
        %get3A_2505 = tpu.vector_load %arg4[%get3A_2502, %get3A_2503, %get3A_2504] {strides = array<i32>} : memref<32x26x128xf32, #tpu.memory_space<vmem>>, vector<16xf32>,
        %get3A_2506 = arith.index_cast %scan3A_13 : i32 to index
        %get3A_2507 = arith.index_cast %add3A_2489 : i32 to index
        %get3A_2508 = arith.constant 64 : index
        %get3A_2509 = tpu.vector_load %arg4[%get3A_2506, %get3A_2507, %get3A_2508] {strides = array<i32>} : memref<32x26x128xf32, #tpu.memory_space<vmem>>, vector<16xf32>,
        %get3A_2510 = arith.index_cast %scan3A_13 : i32 to index
        %get3A_2511 = arith.index_cast %add3A_2489 : i32 to index
        %get3A_2512 = arith.constant 80 : index
        %get3A_2513 = tpu.vector_load %arg4[%get3A_2510, %get3A_2511, %get3A_2512] {strides = array<i32>} : memref<32x26x128xf32, #tpu.memory_space<vmem>>, vector<16xf32>,
        %get3A_2514 = arith.index_cast %scan3A_13 : i32 to index
        %get3A_2515 = arith.index_cast %add3A_2489 : i32 to index
        %get3A_2516 = arith.constant 96 : index
        %get3A_2517 = tpu.vector_load %arg4[%get3A_2514, %get3A_2515, %get3A_2516] {strides = array<i32>} : memref<32x26x128xf32, #tpu.memory_space<vmem>>, vector<16xf32>,
        %get3A_2518 = arith.index_cast %scan3A_13 : i32 to index
        %get3A_2519 = arith.index_cast %add3A_2489 : i32 to index
        %get3A_2520 = arith.constant 112 : index
        %get3A_2521 = tpu.vector_load %arg4[%get3A_2518, %get3A_2519, %get3A_2520] {strides = array<i32>} : memref<32x26x128xf32, #tpu.memory_space<vmem>>, vector<16xf32>,
        %add3A_2522 = arith.constant 234 : i32
        %add3A_2523 = arith.addi %mul3A_16, %add3A_2522 : i32
        %add3A_2524 = arith.constant 3 : i32
        %add3A_2525 = arith.addi %add3A_2523, %add3A_2524 : i32
        %add3A_2526 = arith.addi %add3A_2525, %scan3A_2487 : i32
        %mul3A_2527 = arith.mulf %get3A_986, %get3A_2493 : vector<16xf32>
        %mul3A_2528 = arith.mulf %get3A_991, %get3A_2497 : vector<16xf32>
        %mul3A_2529 = arith.mulf %get3A_996, %get3A_2501 : vector<16xf32>
        %mul3A_2530 = arith.mulf %get3A_1001, %get3A_2505 : vector<16xf32>
        %mul3A_2531 = arith.mulf %get3A_1006, %get3A_2509 : vector<16xf32>
        %mul3A_2532 = arith.mulf %get3A_1011, %get3A_2513 : vector<16xf32>
        %mul3A_2533 = arith.mulf %get3A_1016, %get3A_2517 : vector<16xf32>
        %mul3A_2534 = arith.mulf %get3A_1021, %get3A_2521 : vector<16xf32>
        %add3A_2535 = arith.addf %mul3A_2527, %mul3A_2528 : vector<16xf32>
        %add3A_2536 = arith.addf %mul3A_2529, %mul3A_2530 : vector<16xf32>
        %add3A_2537 = arith.addf %mul3A_2531, %mul3A_2532 : vector<16xf32>
        %add3A_2538 = arith.addf %mul3A_2533, %mul3A_2534 : vector<16xf32>
        %add3A_2539 = arith.addf %add3A_2535, %add3A_2536 : vector<16xf32>
        %add3A_2540 = arith.addf %add3A_2537, %add3A_2538 : vector<16xf32>
        %add3A_2541 = arith.addf %add3A_2539, %add3A_2540 : vector<16xf32>
        %reduce_sum3A_2542 = arith.constant true
        %reduce_sum3A_2543 = vector.broadcast %reduce_sum3A_2542 : i1 to vector<16xi1>
        %reduce_sum3A_2544 = tpu.scan <sum>, %add3A_2541 masked %reduce_sum3A_2543 : vector<16xf32>, vector<16xi1> -> vector<16xf32>
        %reduce_sum3A_2545 = vector.extract %reduce_sum3A_2544[15] : f32 from vector<16xf32>
        %broadcast_in_dim3A_2546 = vector.broadcast %reduce_sum3A_2545 : f32 to vector<16xf32>
        %swap3A_2547 = arith.index_cast %add3A_2526 : i32 to index
        %swap3A_2548 = tpu.vector_load %arg5[%swap3A_2547] masked %eq3A_4 {strides = array<i32>} : memref<10416xf32, #tpu.memory_space<vmem>>, vector<16xf32>, vector<16xi1>
        tpu.vector_store %arg5[%swap3A_2547], %broadcast_in_dim3A_2546 masked %eq3A_4 {strides = array<i32>} : memref<10416xf32, #tpu.memory_space<vmem>>, vector<16xf32>, vector<16xi1>
        %add3A_2549 = arith.constant 247 : i32
        %add3A_2550 = arith.addi %mul3A_16, %add3A_2549 : i32
        %add3A_2551 = arith.constant 2 : i32
        %add3A_2552 = arith.addi %add3A_2550, %add3A_2551 : i32
        %add3A_2553 = arith.addi %add3A_2552, %scan3A_2487 : i32
        %mul3A_2554 = arith.mulf %get3A_1026, %get3A_2493 : vector<16xf32>
        %mul3A_2555 = arith.mulf %get3A_1031, %get3A_2497 : vector<16xf32>
        %mul3A_2556 = arith.mulf %get3A_1036, %get3A_2501 : vector<16xf32>
        %mul3A_2557 = arith.mulf %get3A_1041, %get3A_2505 : vector<16xf32>
        %mul3A_2558 = arith.mulf %get3A_1046, %get3A_2509 : vector<16xf32>
        %mul3A_2559 = arith.mulf %get3A_1051, %get3A_2513 : vector<16xf32>
        %mul3A_2560 = arith.mulf %get3A_1056, %get3A_2517 : vector<16xf32>
        %mul3A_2561 = arith.mulf %get3A_1061, %get3A_2521 : vector<16xf32>
        %add3A_2562 = arith.addf %mul3A_2554, %mul3A_2555 : vector<16xf32>
        %add3A_2563 = arith.addf %mul3A_2556, %mul3A_2557 : vector<16xf32>
        %add3A_2564 = arith.addf %mul3A_2558, %mul3A_2559 : vector<16xf32>
        %add3A_2565 = arith.addf %mul3A_2560, %mul3A_2561 : vector<16xf32>
        %add3A_2566 = arith.addf %add3A_2562, %add3A_2563 : vector<16xf32>
        %add3A_2567 = arith.addf %add3A_2564, %add3A_2565 : vector<16xf32>
        %add3A_2568 = arith.addf %add3A_2566, %add3A_2567 : vector<16xf32>
        %reduce_sum3A_2569 = arith.constant true
        %reduce_sum3A_2570 = vector.broadcast %reduce_sum3A_2569 : i1 to vector<16xi1>
        %reduce_sum3A_2571 = tpu.scan <sum>, %add3A_2568 masked %reduce_sum3A_2570 : vector<16xf32>, vector<16xi1> -> vector<16xf32>
        %reduce_sum3A_2572 = vector.extract %reduce_sum3A_2571[15] : f32 from vector<16xf32>
        %broadcast_in_dim3A_2573 = vector.broadcast %reduce_sum3A_2572 : f32 to vector<16xf32>
        %swap3A_2574 = arith.index_cast %add3A_2553 : i32 to index
        %swap3A_2575 = tpu.vector_load %arg5[%swap3A_2574] masked %eq3A_4 {strides = array<i32>} : memref<10416xf32, #tpu.memory_space<vmem>>, vector<16xf32>, vector<16xi1>
        tpu.vector_store %arg5[%swap3A_2574], %broadcast_in_dim3A_2573 masked %eq3A_4 {strides = array<i32>} : memref<10416xf32, #tpu.memory_space<vmem>>, vector<16xf32>, vector<16xi1>
        %add3A_2576 = arith.constant 259 : i32
        %add3A_2577 = arith.addi %mul3A_16, %add3A_2576 : i32
        %add3A_2578 = arith.constant 1 : i32
        %add3A_2579 = arith.addi %add3A_2577, %add3A_2578 : i32
        %add3A_2580 = arith.addi %add3A_2579, %scan3A_2487 : i32
        %mul3A_2581 = arith.mulf %get3A_1066, %get3A_2493 : vector<16xf32>
        %mul3A_2582 = arith.mulf %get3A_1071, %get3A_2497 : vector<16xf32>
        %mul3A_2583 = arith.mulf %get3A_1076, %get3A_2501 : vector<16xf32>
        %mul3A_2584 = arith.mulf %get3A_1081, %get3A_2505 : vector<16xf32>
        %mul3A_2585 = arith.mulf %get3A_1086, %get3A_2509 : vector<16xf32>
        %mul3A_2586 = arith.mulf %get3A_1091, %get3A_2513 : vector<16xf32>
        %mul3A_2587 = arith.mulf %get3A_1096, %get3A_2517 : vector<16xf32>
        %mul3A_2588 = arith.mulf %get3A_1101, %get3A_2521 : vector<16xf32>
        %add3A_2589 = arith.addf %mul3A_2581, %mul3A_2582 : vector<16xf32>
        %add3A_2590 = arith.addf %mul3A_2583, %mul3A_2584 : vector<16xf32>
        %add3A_2591 = arith.addf %mul3A_2585, %mul3A_2586 : vector<16xf32>
        %add3A_2592 = arith.addf %mul3A_2587, %mul3A_2588 : vector<16xf32>
        %add3A_2593 = arith.addf %add3A_2589, %add3A_2590 : vector<16xf32>
        %add3A_2594 = arith.addf %add3A_2591, %add3A_2592 : vector<16xf32>
        %add3A_2595 = arith.addf %add3A_2593, %add3A_2594 : vector<16xf32>
        %reduce_sum3A_2596 = arith.constant true
        %reduce_sum3A_2597 = vector.broadcast %reduce_sum3A_2596 : i1 to vector<16xi1>
        %reduce_sum3A_2598 = tpu.scan <sum>, %add3A_2595 masked %reduce_sum3A_2597 : vector<16xf32>, vector<16xi1> -> vector<16xf32>
        %reduce_sum3A_2599 = vector.extract %reduce_sum3A_2598[15] : f32 from vector<16xf32>
        %broadcast_in_dim3A_2600 = vector.broadcast %reduce_sum3A_2599 : f32 to vector<16xf32>
        %swap3A_2601 = arith.index_cast %add3A_2580 : i32 to index
        %swap3A_2602 = tpu.vector_load %arg5[%swap3A_2601] masked %eq3A_4 {strides = array<i32>} : memref<10416xf32, #tpu.memory_space<vmem>>, vector<16xf32>, vector<16xi1>
        tpu.vector_store %arg5[%swap3A_2601], %broadcast_in_dim3A_2600 masked %eq3A_4 {strides = array<i32>} : memref<10416xf32, #tpu.memory_space<vmem>>, vector<16xf32>, vector<16xi1>
        %add3A_2603 = arith.constant 270 : i32
        %add3A_2604 = arith.addi %mul3A_16, %add3A_2603 : i32
        %add3A_2605 = arith.constant 0 : i32
        %add3A_2606 = arith.addi %add3A_2604, %add3A_2605 : i32
        %add3A_2607 = arith.addi %add3A_2606, %scan3A_2487 : i32
        %mul3A_2608 = arith.mulf %get3A_1106, %get3A_2493 : vector<16xf32>
        %mul3A_2609 = arith.mulf %get3A_1111, %get3A_2497 : vector<16xf32>
        %mul3A_2610 = arith.mulf %get3A_1116, %get3A_2501 : vector<16xf32>
        %mul3A_2611 = arith.mulf %get3A_1121, %get3A_2505 : vector<16xf32>
        %mul3A_2612 = arith.mulf %get3A_1126, %get3A_2509 : vector<16xf32>
        %mul3A_2613 = arith.mulf %get3A_1131, %get3A_2513 : vector<16xf32>
        %mul3A_2614 = arith.mulf %get3A_1136, %get3A_2517 : vector<16xf32>
        %mul3A_2615 = arith.mulf %get3A_1141, %get3A_2521 : vector<16xf32>
        %add3A_2616 = arith.addf %mul3A_2608, %mul3A_2609 : vector<16xf32>
        %add3A_2617 = arith.addf %mul3A_2610, %mul3A_2611 : vector<16xf32>
        %add3A_2618 = arith.addf %mul3A_2612, %mul3A_2613 : vector<16xf32>
        %add3A_2619 = arith.addf %mul3A_2614, %mul3A_2615 : vector<16xf32>
        %add3A_2620 = arith.addf %add3A_2616, %add3A_2617 : vector<16xf32>
        %add3A_2621 = arith.addf %add3A_2618, %add3A_2619 : vector<16xf32>
        %add3A_2622 = arith.addf %add3A_2620, %add3A_2621 : vector<16xf32>
        %reduce_sum3A_2623 = arith.constant true
        %reduce_sum3A_2624 = vector.broadcast %reduce_sum3A_2623 : i1 to vector<16xi1>
        %reduce_sum3A_2625 = tpu.scan <sum>, %add3A_2622 masked %reduce_sum3A_2624 : vector<16xf32>, vector<16xi1> -> vector<16xf32>
        %reduce_sum3A_2626 = vector.extract %reduce_sum3A_2625[15] : f32 from vector<16xf32>
        %broadcast_in_dim3A_2627 = vector.broadcast %reduce_sum3A_2626 : f32 to vector<16xf32>
        %swap3A_2628 = arith.index_cast %add3A_2607 : i32 to index
        %swap3A_2629 = tpu.vector_load %arg5[%swap3A_2628] masked %eq3A_4 {strides = array<i32>} : memref<10416xf32, #tpu.memory_space<vmem>>, vector<16xf32>, vector<16xi1>
        tpu.vector_store %arg5[%swap3A_2628], %broadcast_in_dim3A_2627 masked %eq3A_4 {strides = array<i32>} : memref<10416xf32, #tpu.memory_space<vmem>>, vector<16xf32>, vector<16xi1>
        %scan3A_2630 = arith.constant 0 : i32
        scf.yield %scan3A_2630 : i32
      }
      %scan3A_1304 = arith.constant 10 : i32
      %get3A_1305 = arith.constant 16 : i32
      %get3A_1306 = arith.index_cast %scan3A_13 : i32 to index
      %get3A_1307 = arith.index_cast %get3A_1305 : i32 to index
      %get3A_1308 = arith.constant 0 : index
      %get3A_1309 = tpu.vector_load %arg4[%get3A_1306, %get3A_1307, %get3A_1308] {strides = array<i32>} : memref<32x26x128xf32, #tpu.memory_space<vmem>>, vector<16xf32>,
      %get3A_1310 = arith.constant 16 : i32
      %get3A_1311 = arith.index_cast %scan3A_13 : i32 to index
      %get3A_1312 = arith.index_cast %get3A_1310 : i32 to index
      %get3A_1313 = arith.constant 16 : index
      %get3A_1314 = tpu.vector_load %arg4[%get3A_1311, %get3A_1312, %get3A_1313] {strides = array<i32>} : memref<32x26x128xf32, #tpu.memory_space<vmem>>, vector<16xf32>,
      %get3A_1315 = arith.constant 16 : i32
      %get3A_1316 = arith.index_cast %scan3A_13 : i32 to index
      %get3A_1317 = arith.index_cast %get3A_1315 : i32 to index
      %get3A_1318 = arith.constant 32 : index
      %get3A_1319 = tpu.vector_load %arg4[%get3A_1316, %get3A_1317, %get3A_1318] {strides = array<i32>} : memref<32x26x128xf32, #tpu.memory_space<vmem>>, vector<16xf32>,
      %get3A_1320 = arith.constant 16 : i32
      %get3A_1321 = arith.index_cast %scan3A_13 : i32 to index
      %get3A_1322 = arith.index_cast %get3A_1320 : i32 to index
      %get3A_1323 = arith.constant 48 : index
      %get3A_1324 = tpu.vector_load %arg4[%get3A_1321, %get3A_1322, %get3A_1323] {strides = array<i32>} : memref<32x26x128xf32, #tpu.memory_space<vmem>>, vector<16xf32>,
      %get3A_1325 = arith.constant 16 : i32
      %get3A_1326 = arith.index_cast %scan3A_13 : i32 to index
      %get3A_1327 = arith.index_cast %get3A_1325 : i32 to index
      %get3A_1328 = arith.constant 64 : index
      %get3A_1329 = tpu.vector_load %arg4[%get3A_1326, %get3A_1327, %get3A_1328] {strides = array<i32>} : memref<32x26x128xf32, #tpu.memory_space<vmem>>, vector<16xf32>,
      %get3A_1330 = arith.constant 16 : i32
      %get3A_1331 = arith.index_cast %scan3A_13 : i32 to index
      %get3A_1332 = arith.index_cast %get3A_1330 : i32 to index
      %get3A_1333 = arith.constant 80 : index
      %get3A_1334 = tpu.vector_load %arg4[%get3A_1331, %get3A_1332, %get3A_1333] {strides = array<i32>} : memref<32x26x128xf32, #tpu.memory_space<vmem>>, vector<16xf32>,
      %get3A_1335 = arith.constant 16 : i32
      %get3A_1336 = arith.index_cast %scan3A_13 : i32 to index
      %get3A_1337 = arith.index_cast %get3A_1335 : i32 to index
      %get3A_1338 = arith.constant 96 : index
      %get3A_1339 = tpu.vector_load %arg4[%get3A_1336, %get3A_1337, %get3A_1338] {strides = array<i32>} : memref<32x26x128xf32, #tpu.memory_space<vmem>>, vector<16xf32>,
      %get3A_1340 = arith.constant 16 : i32
      %get3A_1341 = arith.index_cast %scan3A_13 : i32 to index
      %get3A_1342 = arith.index_cast %get3A_1340 : i32 to index
      %get3A_1343 = arith.constant 112 : index
      %get3A_1344 = tpu.vector_load %arg4[%get3A_1341, %get3A_1342, %get3A_1343] {strides = array<i32>} : memref<32x26x128xf32, #tpu.memory_space<vmem>>, vector<16xf32>,
      %get3A_1345 = arith.constant 17 : i32
      %get3A_1346 = arith.index_cast %scan3A_13 : i32 to index
      %get3A_1347 = arith.index_cast %get3A_1345 : i32 to index
      %get3A_1348 = arith.constant 0 : index
      %get3A_1349 = tpu.vector_load %arg4[%get3A_1346, %get3A_1347, %get3A_1348] {strides = array<i32>} : memref<32x26x128xf32, #tpu.memory_space<vmem>>, vector<16xf32>,
      %get3A_1350 = arith.constant 17 : i32
      %get3A_1351 = arith.index_cast %scan3A_13 : i32 to index
      %get3A_1352 = arith.index_cast %get3A_1350 : i32 to index
      %get3A_1353 = arith.constant 16 : index
      %get3A_1354 = tpu.vector_load %arg4[%get3A_1351, %get3A_1352, %get3A_1353] {strides = array<i32>} : memref<32x26x128xf32, #tpu.memory_space<vmem>>, vector<16xf32>,
      %get3A_1355 = arith.constant 17 : i32
      %get3A_1356 = arith.index_cast %scan3A_13 : i32 to index
      %get3A_1357 = arith.index_cast %get3A_1355 : i32 to index
      %get3A_1358 = arith.constant 32 : index
      %get3A_1359 = tpu.vector_load %arg4[%get3A_1356, %get3A_1357, %get3A_1358] {strides = array<i32>} : memref<32x26x128xf32, #tpu.memory_space<vmem>>, vector<16xf32>,
      %get3A_1360 = arith.constant 17 : i32
      %get3A_1361 = arith.index_cast %scan3A_13 : i32 to index
      %get3A_1362 = arith.index_cast %get3A_1360 : i32 to index
      %get3A_1363 = arith.constant 48 : index
      %get3A_1364 = tpu.vector_load %arg4[%get3A_1361, %get3A_1362, %get3A_1363] {strides = array<i32>} : memref<32x26x128xf32, #tpu.memory_space<vmem>>, vector<16xf32>,
      %get3A_1365 = arith.constant 17 : i32
      %get3A_1366 = arith.index_cast %scan3A_13 : i32 to index
      %get3A_1367 = arith.index_cast %get3A_1365 : i32 to index
      %get3A_1368 = arith.constant 64 : index
      %get3A_1369 = tpu.vector_load %arg4[%get3A_1366, %get3A_1367, %get3A_1368] {strides = array<i32>} : memref<32x26x128xf32, #tpu.memory_space<vmem>>, vector<16xf32>,
      %get3A_1370 = arith.constant 17 : i32
      %get3A_1371 = arith.index_cast %scan3A_13 : i32 to index
      %get3A_1372 = arith.index_cast %get3A_1370 : i32 to index
      %get3A_1373 = arith.constant 80 : index
      %get3A_1374 = tpu.vector_load %arg4[%get3A_1371, %get3A_1372, %get3A_1373] {strides = array<i32>} : memref<32x26x128xf32, #tpu.memory_space<vmem>>, vector<16xf32>,
      %get3A_1375 = arith.constant 17 : i32
      %get3A_1376 = arith.index_cast %scan3A_13 : i32 to index
      %get3A_1377 = arith.index_cast %get3A_1375 : i32 to index
      %get3A_1378 = arith.constant 96 : index
      %get3A_1379 = tpu.vector_load %arg4[%get3A_1376, %get3A_1377, %get3A_1378] {strides = array<i32>} : memref<32x26x128xf32, #tpu.memory_space<vmem>>, vector<16xf32>,
      %get3A_1380 = arith.constant 17 : i32
      %get3A_1381 = arith.index_cast %scan3A_13 : i32 to index
      %get3A_1382 = arith.index_cast %get3A_1380 : i32 to index
      %get3A_1383 = arith.constant 112 : index
      %get3A_1384 = tpu.vector_load %arg4[%get3A_1381, %get3A_1382, %get3A_1383] {strides = array<i32>} : memref<32x26x128xf32, #tpu.memory_space<vmem>>, vector<16xf32>,
      %get3A_1385 = arith.constant 18 : i32
      %get3A_1386 = arith.index_cast %scan3A_13 : i32 to index
      %get3A_1387 = arith.index_cast %get3A_1385 : i32 to index
      %get3A_1388 = arith.constant 0 : index
      %get3A_1389 = tpu.vector_load %arg4[%get3A_1386, %get3A_1387, %get3A_1388] {strides = array<i32>} : memref<32x26x128xf32, #tpu.memory_space<vmem>>, vector<16xf32>,
      %get3A_1390 = arith.constant 18 : i32
      %get3A_1391 = arith.index_cast %scan3A_13 : i32 to index
      %get3A_1392 = arith.index_cast %get3A_1390 : i32 to index
      %get3A_1393 = arith.constant 16 : index
      %get3A_1394 = tpu.vector_load %arg4[%get3A_1391, %get3A_1392, %get3A_1393] {strides = array<i32>} : memref<32x26x128xf32, #tpu.memory_space<vmem>>, vector<16xf32>,
      %get3A_1395 = arith.constant 18 : i32
      %get3A_1396 = arith.index_cast %scan3A_13 : i32 to index
      %get3A_1397 = arith.index_cast %get3A_1395 : i32 to index
      %get3A_1398 = arith.constant 32 : index
      %get3A_1399 = tpu.vector_load %arg4[%get3A_1396, %get3A_1397, %get3A_1398] {strides = array<i32>} : memref<32x26x128xf32, #tpu.memory_space<vmem>>, vector<16xf32>,
      %get3A_1400 = arith.constant 18 : i32
      %get3A_1401 = arith.index_cast %scan3A_13 : i32 to index
      %get3A_1402 = arith.index_cast %get3A_1400 : i32 to index
      %get3A_1403 = arith.constant 48 : index
      %get3A_1404 = tpu.vector_load %arg4[%get3A_1401, %get3A_1402, %get3A_1403] {strides = array<i32>} : memref<32x26x128xf32, #tpu.memory_space<vmem>>, vector<16xf32>,
      %get3A_1405 = arith.constant 18 : i32
      %get3A_1406 = arith.index_cast %scan3A_13 : i32 to index
      %get3A_1407 = arith.index_cast %get3A_1405 : i32 to index
      %get3A_1408 = arith.constant 64 : index
      %get3A_1409 = tpu.vector_load %arg4[%get3A_1406, %get3A_1407, %get3A_1408] {strides = array<i32>} : memref<32x26x128xf32, #tpu.memory_space<vmem>>, vector<16xf32>,
      %get3A_1410 = arith.constant 18 : i32
      %get3A_1411 = arith.index_cast %scan3A_13 : i32 to index
      %get3A_1412 = arith.index_cast %get3A_1410 : i32 to index
      %get3A_1413 = arith.constant 80 : index
      %get3A_1414 = tpu.vector_load %arg4[%get3A_1411, %get3A_1412, %get3A_1413] {strides = array<i32>} : memref<32x26x128xf32, #tpu.memory_space<vmem>>, vector<16xf32>,
      %get3A_1415 = arith.constant 18 : i32
      %get3A_1416 = arith.index_cast %scan3A_13 : i32 to index
      %get3A_1417 = arith.index_cast %get3A_1415 : i32 to index
      %get3A_1418 = arith.constant 96 : index
      %get3A_1419 = tpu.vector_load %arg4[%get3A_1416, %get3A_1417, %get3A_1418] {strides = array<i32>} : memref<32x26x128xf32, #tpu.memory_space<vmem>>, vector<16xf32>,
      %get3A_1420 = arith.constant 18 : i32
      %get3A_1421 = arith.index_cast %scan3A_13 : i32 to index
      %get3A_1422 = arith.index_cast %get3A_1420 : i32 to index
      %get3A_1423 = arith.constant 112 : index
      %get3A_1424 = tpu.vector_load %arg4[%get3A_1421, %get3A_1422, %get3A_1423] {strides = array<i32>} : memref<32x26x128xf32, #tpu.memory_space<vmem>>, vector<16xf32>,
      %get3A_1425 = arith.constant 19 : i32
      %get3A_1426 = arith.index_cast %scan3A_13 : i32 to index
      %get3A_1427 = arith.index_cast %get3A_1425 : i32 to index
      %get3A_1428 = arith.constant 0 : index
      %get3A_1429 = tpu.vector_load %arg4[%get3A_1426, %get3A_1427, %get3A_1428] {strides = array<i32>} : memref<32x26x128xf32, #tpu.memory_space<vmem>>, vector<16xf32>,
      %get3A_1430 = arith.constant 19 : i32
      %get3A_1431 = arith.index_cast %scan3A_13 : i32 to index
      %get3A_1432 = arith.index_cast %get3A_1430 : i32 to index
      %get3A_1433 = arith.constant 16 : index
      %get3A_1434 = tpu.vector_load %arg4[%get3A_1431, %get3A_1432, %get3A_1433] {strides = array<i32>} : memref<32x26x128xf32, #tpu.memory_space<vmem>>, vector<16xf32>,
      %get3A_1435 = arith.constant 19 : i32
      %get3A_1436 = arith.index_cast %scan3A_13 : i32 to index
      %get3A_1437 = arith.index_cast %get3A_1435 : i32 to index
      %get3A_1438 = arith.constant 32 : index
      %get3A_1439 = tpu.vector_load %arg4[%get3A_1436, %get3A_1437, %get3A_1438] {strides = array<i32>} : memref<32x26x128xf32, #tpu.memory_space<vmem>>, vector<16xf32>,
      %get3A_1440 = arith.constant 19 : i32
      %get3A_1441 = arith.index_cast %scan3A_13 : i32 to index
      %get3A_1442 = arith.index_cast %get3A_1440 : i32 to index
      %get3A_1443 = arith.constant 48 : index
      %get3A_1444 = tpu.vector_load %arg4[%get3A_1441, %get3A_1442, %get3A_1443] {strides = array<i32>} : memref<32x26x128xf32, #tpu.memory_space<vmem>>, vector<16xf32>,
      %get3A_1445 = arith.constant 19 : i32
      %get3A_1446 = arith.index_cast %scan3A_13 : i32 to index
      %get3A_1447 = arith.index_cast %get3A_1445 : i32 to index
      %get3A_1448 = arith.constant 64 : index
      %get3A_1449 = tpu.vector_load %arg4[%get3A_1446, %get3A_1447, %get3A_1448] {strides = array<i32>} : memref<32x26x128xf32, #tpu.memory_space<vmem>>, vector<16xf32>,
      %get3A_1450 = arith.constant 19 : i32
      %get3A_1451 = arith.index_cast %scan3A_13 : i32 to index
      %get3A_1452 = arith.index_cast %get3A_1450 : i32 to index
      %get3A_1453 = arith.constant 80 : index
      %get3A_1454 = tpu.vector_load %arg4[%get3A_1451, %get3A_1452, %get3A_1453] {strides = array<i32>} : memref<32x26x128xf32, #tpu.memory_space<vmem>>, vector<16xf32>,
      %get3A_1455 = arith.constant 19 : i32
      %get3A_1456 = arith.index_cast %scan3A_13 : i32 to index
      %get3A_1457 = arith.index_cast %get3A_1455 : i32 to index
      %get3A_1458 = arith.constant 96 : index
      %get3A_1459 = tpu.vector_load %arg4[%get3A_1456, %get3A_1457, %get3A_1458] {strides = array<i32>} : memref<32x26x128xf32, #tpu.memory_space<vmem>>, vector<16xf32>,
      %get3A_1460 = arith.constant 19 : i32
      %get3A_1461 = arith.index_cast %scan3A_13 : i32 to index
      %get3A_1462 = arith.index_cast %get3A_1460 : i32 to index
      %get3A_1463 = arith.constant 112 : index
      %get3A_1464 = tpu.vector_load %arg4[%get3A_1461, %get3A_1462, %get3A_1463] {strides = array<i32>} : memref<32x26x128xf32, #tpu.memory_space<vmem>>, vector<16xf32>,
      %add3A_1465 = arith.constant 280 : i32
      %add3A_1466 = arith.addi %mul3A_16, %add3A_1465 : i32
      %add3A_1467 = arith.constant 0 : i32
      %add3A_1468 = arith.addi %add3A_1466, %add3A_1467 : i32
      %mul3A_1469 = arith.mulf %get3A_1309, %get3A_1349 : vector<16xf32>
      %mul3A_1470 = arith.mulf %get3A_1314, %get3A_1354 : vector<16xf32>
      %mul3A_1471 = arith.mulf %get3A_1319, %get3A_1359 : vector<16xf32>
      %mul3A_1472 = arith.mulf %get3A_1324, %get3A_1364 : vector<16xf32>
      %mul3A_1473 = arith.mulf %get3A_1329, %get3A_1369 : vector<16xf32>
      %mul3A_1474 = arith.mulf %get3A_1334, %get3A_1374 : vector<16xf32>
      %mul3A_1475 = arith.mulf %get3A_1339, %get3A_1379 : vector<16xf32>
      %mul3A_1476 = arith.mulf %get3A_1344, %get3A_1384 : vector<16xf32>
      %add3A_1477 = arith.addf %mul3A_1469, %mul3A_1470 : vector<16xf32>
      %add3A_1478 = arith.addf %mul3A_1471, %mul3A_1472 : vector<16xf32>
      %add3A_1479 = arith.addf %mul3A_1473, %mul3A_1474 : vector<16xf32>
      %add3A_1480 = arith.addf %mul3A_1475, %mul3A_1476 : vector<16xf32>
      %add3A_1481 = arith.addf %add3A_1477, %add3A_1478 : vector<16xf32>
      %add3A_1482 = arith.addf %add3A_1479, %add3A_1480 : vector<16xf32>
      %add3A_1483 = arith.addf %add3A_1481, %add3A_1482 : vector<16xf32>
      %reduce_sum3A_1484 = arith.constant true
      %reduce_sum3A_1485 = vector.broadcast %reduce_sum3A_1484 : i1 to vector<16xi1>
      %reduce_sum3A_1486 = tpu.scan <sum>, %add3A_1483 masked %reduce_sum3A_1485 : vector<16xf32>, vector<16xi1> -> vector<16xf32>
      %reduce_sum3A_1487 = vector.extract %reduce_sum3A_1486[15] : f32 from vector<16xf32>
      %broadcast_in_dim3A_1488 = vector.broadcast %reduce_sum3A_1487 : f32 to vector<16xf32>
      %swap3A_1489 = arith.index_cast %add3A_1468 : i32 to index
      %swap3A_1490 = tpu.vector_load %arg5[%swap3A_1489] masked %eq3A_4 {strides = array<i32>} : memref<10416xf32, #tpu.memory_space<vmem>>, vector<16xf32>, vector<16xi1>
      tpu.vector_store %arg5[%swap3A_1489], %broadcast_in_dim3A_1488 masked %eq3A_4 {strides = array<i32>} : memref<10416xf32, #tpu.memory_space<vmem>>, vector<16xf32>, vector<16xi1>
      %add3A_1491 = arith.constant 280 : i32
      %add3A_1492 = arith.addi %mul3A_16, %add3A_1491 : i32
      %add3A_1493 = arith.constant 1 : i32
      %add3A_1494 = arith.addi %add3A_1492, %add3A_1493 : i32
      %mul3A_1495 = arith.mulf %get3A_1309, %get3A_1389 : vector<16xf32>
      %mul3A_1496 = arith.mulf %get3A_1314, %get3A_1394 : vector<16xf32>
      %mul3A_1497 = arith.mulf %get3A_1319, %get3A_1399 : vector<16xf32>
      %mul3A_1498 = arith.mulf %get3A_1324, %get3A_1404 : vector<16xf32>
      %mul3A_1499 = arith.mulf %get3A_1329, %get3A_1409 : vector<16xf32>
      %mul3A_1500 = arith.mulf %get3A_1334, %get3A_1414 : vector<16xf32>
      %mul3A_1501 = arith.mulf %get3A_1339, %get3A_1419 : vector<16xf32>
      %mul3A_1502 = arith.mulf %get3A_1344, %get3A_1424 : vector<16xf32>
      %add3A_1503 = arith.addf %mul3A_1495, %mul3A_1496 : vector<16xf32>
      %add3A_1504 = arith.addf %mul3A_1497, %mul3A_1498 : vector<16xf32>
      %add3A_1505 = arith.addf %mul3A_1499, %mul3A_1500 : vector<16xf32>
      %add3A_1506 = arith.addf %mul3A_1501, %mul3A_1502 : vector<16xf32>
      %add3A_1507 = arith.addf %add3A_1503, %add3A_1504 : vector<16xf32>
      %add3A_1508 = arith.addf %add3A_1505, %add3A_1506 : vector<16xf32>
      %add3A_1509 = arith.addf %add3A_1507, %add3A_1508 : vector<16xf32>
      %reduce_sum3A_1510 = arith.constant true
      %reduce_sum3A_1511 = vector.broadcast %reduce_sum3A_1510 : i1 to vector<16xi1>
      %reduce_sum3A_1512 = tpu.scan <sum>, %add3A_1509 masked %reduce_sum3A_1511 : vector<16xf32>, vector<16xi1> -> vector<16xf32>
      %reduce_sum3A_1513 = vector.extract %reduce_sum3A_1512[15] : f32 from vector<16xf32>
      %broadcast_in_dim3A_1514 = vector.broadcast %reduce_sum3A_1513 : f32 to vector<16xf32>
      %swap3A_1515 = arith.index_cast %add3A_1494 : i32 to index
      %swap3A_1516 = tpu.vector_load %arg5[%swap3A_1515] masked %eq3A_4 {strides = array<i32>} : memref<10416xf32, #tpu.memory_space<vmem>>, vector<16xf32>, vector<16xi1>
      tpu.vector_store %arg5[%swap3A_1515], %broadcast_in_dim3A_1514 masked %eq3A_4 {strides = array<i32>} : memref<10416xf32, #tpu.memory_space<vmem>>, vector<16xf32>, vector<16xi1>
      %add3A_1517 = arith.constant 280 : i32
      %add3A_1518 = arith.addi %mul3A_16, %add3A_1517 : i32
      %add3A_1519 = arith.constant 2 : i32
      %add3A_1520 = arith.addi %add3A_1518, %add3A_1519 : i32
      %mul3A_1521 = arith.mulf %get3A_1309, %get3A_1429 : vector<16xf32>
      %mul3A_1522 = arith.mulf %get3A_1314, %get3A_1434 : vector<16xf32>
      %mul3A_1523 = arith.mulf %get3A_1319, %get3A_1439 : vector<16xf32>
      %mul3A_1524 = arith.mulf %get3A_1324, %get3A_1444 : vector<16xf32>
      %mul3A_1525 = arith.mulf %get3A_1329, %get3A_1449 : vector<16xf32>
      %mul3A_1526 = arith.mulf %get3A_1334, %get3A_1454 : vector<16xf32>
      %mul3A_1527 = arith.mulf %get3A_1339, %get3A_1459 : vector<16xf32>
      %mul3A_1528 = arith.mulf %get3A_1344, %get3A_1464 : vector<16xf32>
      %add3A_1529 = arith.addf %mul3A_1521, %mul3A_1522 : vector<16xf32>
      %add3A_1530 = arith.addf %mul3A_1523, %mul3A_1524 : vector<16xf32>
      %add3A_1531 = arith.addf %mul3A_1525, %mul3A_1526 : vector<16xf32>
      %add3A_1532 = arith.addf %mul3A_1527, %mul3A_1528 : vector<16xf32>
      %add3A_1533 = arith.addf %add3A_1529, %add3A_1530 : vector<16xf32>
      %add3A_1534 = arith.addf %add3A_1531, %add3A_1532 : vector<16xf32>
      %add3A_1535 = arith.addf %add3A_1533, %add3A_1534 : vector<16xf32>
      %reduce_sum3A_1536 = arith.constant true
      %reduce_sum3A_1537 = vector.broadcast %reduce_sum3A_1536 : i1 to vector<16xi1>
      %reduce_sum3A_1538 = tpu.scan <sum>, %add3A_1535 masked %reduce_sum3A_1537 : vector<16xf32>, vector<16xi1> -> vector<16xf32>
      %reduce_sum3A_1539 = vector.extract %reduce_sum3A_1538[15] : f32 from vector<16xf32>
      %broadcast_in_dim3A_1540 = vector.broadcast %reduce_sum3A_1539 : f32 to vector<16xf32>
      %swap3A_1541 = arith.index_cast %add3A_1520 : i32 to index
      %swap3A_1542 = tpu.vector_load %arg5[%swap3A_1541] masked %eq3A_4 {strides = array<i32>} : memref<10416xf32, #tpu.memory_space<vmem>>, vector<16xf32>, vector<16xi1>
      tpu.vector_store %arg5[%swap3A_1541], %broadcast_in_dim3A_1540 masked %eq3A_4 {strides = array<i32>} : memref<10416xf32, #tpu.memory_space<vmem>>, vector<16xf32>, vector<16xi1>
      %add3A_1543 = arith.constant 289 : i32
      %add3A_1544 = arith.addi %mul3A_16, %add3A_1543 : i32
      %add3A_1545 = arith.constant 0 : i32
      %add3A_1546 = arith.addi %add3A_1544, %add3A_1545 : i32
      %mul3A_1547 = arith.mulf %get3A_1349, %get3A_1389 : vector<16xf32>
      %mul3A_1548 = arith.mulf %get3A_1354, %get3A_1394 : vector<16xf32>
      %mul3A_1549 = arith.mulf %get3A_1359, %get3A_1399 : vector<16xf32>
      %mul3A_1550 = arith.mulf %get3A_1364, %get3A_1404 : vector<16xf32>
      %mul3A_1551 = arith.mulf %get3A_1369, %get3A_1409 : vector<16xf32>
      %mul3A_1552 = arith.mulf %get3A_1374, %get3A_1414 : vector<16xf32>
      %mul3A_1553 = arith.mulf %get3A_1379, %get3A_1419 : vector<16xf32>
      %mul3A_1554 = arith.mulf %get3A_1384, %get3A_1424 : vector<16xf32>
      %add3A_1555 = arith.addf %mul3A_1547, %mul3A_1548 : vector<16xf32>
      %add3A_1556 = arith.addf %mul3A_1549, %mul3A_1550 : vector<16xf32>
      %add3A_1557 = arith.addf %mul3A_1551, %mul3A_1552 : vector<16xf32>
      %add3A_1558 = arith.addf %mul3A_1553, %mul3A_1554 : vector<16xf32>
      %add3A_1559 = arith.addf %add3A_1555, %add3A_1556 : vector<16xf32>
      %add3A_1560 = arith.addf %add3A_1557, %add3A_1558 : vector<16xf32>
      %add3A_1561 = arith.addf %add3A_1559, %add3A_1560 : vector<16xf32>
      %reduce_sum3A_1562 = arith.constant true
      %reduce_sum3A_1563 = vector.broadcast %reduce_sum3A_1562 : i1 to vector<16xi1>
      %reduce_sum3A_1564 = tpu.scan <sum>, %add3A_1561 masked %reduce_sum3A_1563 : vector<16xf32>, vector<16xi1> -> vector<16xf32>
      %reduce_sum3A_1565 = vector.extract %reduce_sum3A_1564[15] : f32 from vector<16xf32>
      %broadcast_in_dim3A_1566 = vector.broadcast %reduce_sum3A_1565 : f32 to vector<16xf32>
      %swap3A_1567 = arith.index_cast %add3A_1546 : i32 to index
      %swap3A_1568 = tpu.vector_load %arg5[%swap3A_1567] masked %eq3A_4 {strides = array<i32>} : memref<10416xf32, #tpu.memory_space<vmem>>, vector<16xf32>, vector<16xi1>
      tpu.vector_store %arg5[%swap3A_1567], %broadcast_in_dim3A_1566 masked %eq3A_4 {strides = array<i32>} : memref<10416xf32, #tpu.memory_space<vmem>>, vector<16xf32>, vector<16xi1>
      %add3A_1569 = arith.constant 289 : i32
      %add3A_1570 = arith.addi %mul3A_16, %add3A_1569 : i32
      %add3A_1571 = arith.constant 1 : i32
      %add3A_1572 = arith.addi %add3A_1570, %add3A_1571 : i32
      %mul3A_1573 = arith.mulf %get3A_1349, %get3A_1429 : vector<16xf32>
      %mul3A_1574 = arith.mulf %get3A_1354, %get3A_1434 : vector<16xf32>
      %mul3A_1575 = arith.mulf %get3A_1359, %get3A_1439 : vector<16xf32>
      %mul3A_1576 = arith.mulf %get3A_1364, %get3A_1444 : vector<16xf32>
      %mul3A_1577 = arith.mulf %get3A_1369, %get3A_1449 : vector<16xf32>
      %mul3A_1578 = arith.mulf %get3A_1374, %get3A_1454 : vector<16xf32>
      %mul3A_1579 = arith.mulf %get3A_1379, %get3A_1459 : vector<16xf32>
      %mul3A_1580 = arith.mulf %get3A_1384, %get3A_1464 : vector<16xf32>
      %add3A_1581 = arith.addf %mul3A_1573, %mul3A_1574 : vector<16xf32>
      %add3A_1582 = arith.addf %mul3A_1575, %mul3A_1576 : vector<16xf32>
      %add3A_1583 = arith.addf %mul3A_1577, %mul3A_1578 : vector<16xf32>
      %add3A_1584 = arith.addf %mul3A_1579, %mul3A_1580 : vector<16xf32>
      %add3A_1585 = arith.addf %add3A_1581, %add3A_1582 : vector<16xf32>
      %add3A_1586 = arith.addf %add3A_1583, %add3A_1584 : vector<16xf32>
      %add3A_1587 = arith.addf %add3A_1585, %add3A_1586 : vector<16xf32>
      %reduce_sum3A_1588 = arith.constant true
      %reduce_sum3A_1589 = vector.broadcast %reduce_sum3A_1588 : i1 to vector<16xi1>
      %reduce_sum3A_1590 = tpu.scan <sum>, %add3A_1587 masked %reduce_sum3A_1589 : vector<16xf32>, vector<16xi1> -> vector<16xf32>
      %reduce_sum3A_1591 = vector.extract %reduce_sum3A_1590[15] : f32 from vector<16xf32>
      %broadcast_in_dim3A_1592 = vector.broadcast %reduce_sum3A_1591 : f32 to vector<16xf32>
      %swap3A_1593 = arith.index_cast %add3A_1572 : i32 to index
      %swap3A_1594 = tpu.vector_load %arg5[%swap3A_1593] masked %eq3A_4 {strides = array<i32>} : memref<10416xf32, #tpu.memory_space<vmem>>, vector<16xf32>, vector<16xi1>
      tpu.vector_store %arg5[%swap3A_1593], %broadcast_in_dim3A_1592 masked %eq3A_4 {strides = array<i32>} : memref<10416xf32, #tpu.memory_space<vmem>>, vector<16xf32>, vector<16xi1>
      %add3A_1595 = arith.constant 297 : i32
      %add3A_1596 = arith.addi %mul3A_16, %add3A_1595 : i32
      %add3A_1597 = arith.constant 0 : i32
      %add3A_1598 = arith.addi %add3A_1596, %add3A_1597 : i32
      %mul3A_1599 = arith.mulf %get3A_1389, %get3A_1429 : vector<16xf32>
      %mul3A_1600 = arith.mulf %get3A_1394, %get3A_1434 : vector<16xf32>
      %mul3A_1601 = arith.mulf %get3A_1399, %get3A_1439 : vector<16xf32>
      %mul3A_1602 = arith.mulf %get3A_1404, %get3A_1444 : vector<16xf32>
      %mul3A_1603 = arith.mulf %get3A_1409, %get3A_1449 : vector<16xf32>
      %mul3A_1604 = arith.mulf %get3A_1414, %get3A_1454 : vector<16xf32>
      %mul3A_1605 = arith.mulf %get3A_1419, %get3A_1459 : vector<16xf32>
      %mul3A_1606 = arith.mulf %get3A_1424, %get3A_1464 : vector<16xf32>
      %add3A_1607 = arith.addf %mul3A_1599, %mul3A_1600 : vector<16xf32>
      %add3A_1608 = arith.addf %mul3A_1601, %mul3A_1602 : vector<16xf32>
      %add3A_1609 = arith.addf %mul3A_1603, %mul3A_1604 : vector<16xf32>
      %add3A_1610 = arith.addf %mul3A_1605, %mul3A_1606 : vector<16xf32>
      %add3A_1611 = arith.addf %add3A_1607, %add3A_1608 : vector<16xf32>
      %add3A_1612 = arith.addf %add3A_1609, %add3A_1610 : vector<16xf32>
      %add3A_1613 = arith.addf %add3A_1611, %add3A_1612 : vector<16xf32>
      %reduce_sum3A_1614 = arith.constant true
      %reduce_sum3A_1615 = vector.broadcast %reduce_sum3A_1614 : i1 to vector<16xi1>
      %reduce_sum3A_1616 = tpu.scan <sum>, %add3A_1613 masked %reduce_sum3A_1615 : vector<16xf32>, vector<16xi1> -> vector<16xf32>
      %reduce_sum3A_1617 = vector.extract %reduce_sum3A_1616[15] : f32 from vector<16xf32>
      %broadcast_in_dim3A_1618 = vector.broadcast %reduce_sum3A_1617 : f32 to vector<16xf32>
      %swap3A_1619 = arith.index_cast %add3A_1598 : i32 to index
      %swap3A_1620 = tpu.vector_load %arg5[%swap3A_1619] masked %eq3A_4 {strides = array<i32>} : memref<10416xf32, #tpu.memory_space<vmem>>, vector<16xf32>, vector<16xi1>
      tpu.vector_store %arg5[%swap3A_1619], %broadcast_in_dim3A_1618 masked %eq3A_4 {strides = array<i32>} : memref<10416xf32, #tpu.memory_space<vmem>>, vector<16xf32>, vector<16xi1>
      %scan3A_1621 = arith.constant 0 : i32
      %scan3A_1622 = arith.constant 0 : i32
      %scan3A_1623 = arith.constant 6 : i32
      %scan3A_1624 = arith.addi %scan3A_1622, %scan3A_1623 : i32
      %scan3A_1625 = arith.constant 2 : i32
      %scan3A_1626 = scf.for %scan3A_2341 = %scan3A_1622 to %scan3A_1624 step %scan3A_1625 iter_args(%scan3A_2342 = %scan3A_1621) -> (i32)  : i32 {
        %add3A_2343 = arith.constant 20 : i32
        %add3A_2344 = arith.addi %scan3A_2341, %add3A_2343 : i32
        %get3A_2345 = arith.index_cast %scan3A_13 : i32 to index
        %get3A_2346 = arith.index_cast %add3A_2344 : i32 to index
        %get3A_2347 = arith.constant 0 : index
        %get3A_2348 = tpu.vector_load %arg4[%get3A_2345, %get3A_2346, %get3A_2347] {strides = array<i32>} : memref<32x26x128xf32, #tpu.memory_space<vmem>>, vector<16xf32>,
        %get3A_2349 = arith.index_cast %scan3A_13 : i32 to index
        %get3A_2350 = arith.index_cast %add3A_2344 : i32 to index
        %get3A_2351 = arith.constant 16 : index
        %get3A_2352 = tpu.vector_load %arg4[%get3A_2349, %get3A_2350, %get3A_2351] {strides = array<i32>} : memref<32x26x128xf32, #tpu.memory_space<vmem>>, vector<16xf32>,
        %get3A_2353 = arith.index_cast %scan3A_13 : i32 to index
        %get3A_2354 = arith.index_cast %add3A_2344 : i32 to index
        %get3A_2355 = arith.constant 32 : index
        %get3A_2356 = tpu.vector_load %arg4[%get3A_2353, %get3A_2354, %get3A_2355] {strides = array<i32>} : memref<32x26x128xf32, #tpu.memory_space<vmem>>, vector<16xf32>,
        %get3A_2357 = arith.index_cast %scan3A_13 : i32 to index
        %get3A_2358 = arith.index_cast %add3A_2344 : i32 to index
        %get3A_2359 = arith.constant 48 : index
        %get3A_2360 = tpu.vector_load %arg4[%get3A_2357, %get3A_2358, %get3A_2359] {strides = array<i32>} : memref<32x26x128xf32, #tpu.memory_space<vmem>>, vector<16xf32>,
        %get3A_2361 = arith.index_cast %scan3A_13 : i32 to index
        %get3A_2362 = arith.index_cast %add3A_2344 : i32 to index
        %get3A_2363 = arith.constant 64 : index
        %get3A_2364 = tpu.vector_load %arg4[%get3A_2361, %get3A_2362, %get3A_2363] {strides = array<i32>} : memref<32x26x128xf32, #tpu.memory_space<vmem>>, vector<16xf32>,
        %get3A_2365 = arith.index_cast %scan3A_13 : i32 to index
        %get3A_2366 = arith.index_cast %add3A_2344 : i32 to index
        %get3A_2367 = arith.constant 80 : index
        %get3A_2368 = tpu.vector_load %arg4[%get3A_2365, %get3A_2366, %get3A_2367] {strides = array<i32>} : memref<32x26x128xf32, #tpu.memory_space<vmem>>, vector<16xf32>,
        %get3A_2369 = arith.index_cast %scan3A_13 : i32 to index
        %get3A_2370 = arith.index_cast %add3A_2344 : i32 to index
        %get3A_2371 = arith.constant 96 : index
        %get3A_2372 = tpu.vector_load %arg4[%get3A_2369, %get3A_2370, %get3A_2371] {strides = array<i32>} : memref<32x26x128xf32, #tpu.memory_space<vmem>>, vector<16xf32>,
        %get3A_2373 = arith.index_cast %scan3A_13 : i32 to index
        %get3A_2374 = arith.index_cast %add3A_2344 : i32 to index
        %get3A_2375 = arith.constant 112 : index
        %get3A_2376 = tpu.vector_load %arg4[%get3A_2373, %get3A_2374, %get3A_2375] {strides = array<i32>} : memref<32x26x128xf32, #tpu.memory_space<vmem>>, vector<16xf32>,
        %add3A_2377 = arith.constant 280 : i32
        %add3A_2378 = arith.addi %mul3A_16, %add3A_2377 : i32
        %add3A_2379 = arith.constant 3 : i32
        %add3A_2380 = arith.addi %add3A_2378, %add3A_2379 : i32
        %add3A_2381 = arith.addi %add3A_2380, %scan3A_2341 : i32
        %mul3A_2382 = arith.mulf %get3A_1309, %get3A_2348 : vector<16xf32>
        %mul3A_2383 = arith.mulf %get3A_1314, %get3A_2352 : vector<16xf32>
        %mul3A_2384 = arith.mulf %get3A_1319, %get3A_2356 : vector<16xf32>
        %mul3A_2385 = arith.mulf %get3A_1324, %get3A_2360 : vector<16xf32>
        %mul3A_2386 = arith.mulf %get3A_1329, %get3A_2364 : vector<16xf32>
        %mul3A_2387 = arith.mulf %get3A_1334, %get3A_2368 : vector<16xf32>
        %mul3A_2388 = arith.mulf %get3A_1339, %get3A_2372 : vector<16xf32>
        %mul3A_2389 = arith.mulf %get3A_1344, %get3A_2376 : vector<16xf32>
        %add3A_2390 = arith.addf %mul3A_2382, %mul3A_2383 : vector<16xf32>
        %add3A_2391 = arith.addf %mul3A_2384, %mul3A_2385 : vector<16xf32>
        %add3A_2392 = arith.addf %mul3A_2386, %mul3A_2387 : vector<16xf32>
        %add3A_2393 = arith.addf %mul3A_2388, %mul3A_2389 : vector<16xf32>
        %add3A_2394 = arith.addf %add3A_2390, %add3A_2391 : vector<16xf32>
        %add3A_2395 = arith.addf %add3A_2392, %add3A_2393 : vector<16xf32>
        %add3A_2396 = arith.addf %add3A_2394, %add3A_2395 : vector<16xf32>
        %reduce_sum3A_2397 = arith.constant true
        %reduce_sum3A_2398 = vector.broadcast %reduce_sum3A_2397 : i1 to vector<16xi1>
        %reduce_sum3A_2399 = tpu.scan <sum>, %add3A_2396 masked %reduce_sum3A_2398 : vector<16xf32>, vector<16xi1> -> vector<16xf32>
        %reduce_sum3A_2400 = vector.extract %reduce_sum3A_2399[15] : f32 from vector<16xf32>
        %broadcast_in_dim3A_2401 = vector.broadcast %reduce_sum3A_2400 : f32 to vector<16xf32>
        %swap3A_2402 = arith.index_cast %add3A_2381 : i32 to index
        %swap3A_2403 = tpu.vector_load %arg5[%swap3A_2402] masked %eq3A_4 {strides = array<i32>} : memref<10416xf32, #tpu.memory_space<vmem>>, vector<16xf32>, vector<16xi1>
        tpu.vector_store %arg5[%swap3A_2402], %broadcast_in_dim3A_2401 masked %eq3A_4 {strides = array<i32>} : memref<10416xf32, #tpu.memory_space<vmem>>, vector<16xf32>, vector<16xi1>
        %add3A_2404 = arith.constant 289 : i32
        %add3A_2405 = arith.addi %mul3A_16, %add3A_2404 : i32
        %add3A_2406 = arith.constant 2 : i32
        %add3A_2407 = arith.addi %add3A_2405, %add3A_2406 : i32
        %add3A_2408 = arith.addi %add3A_2407, %scan3A_2341 : i32
        %mul3A_2409 = arith.mulf %get3A_1349, %get3A_2348 : vector<16xf32>
        %mul3A_2410 = arith.mulf %get3A_1354, %get3A_2352 : vector<16xf32>
        %mul3A_2411 = arith.mulf %get3A_1359, %get3A_2356 : vector<16xf32>
        %mul3A_2412 = arith.mulf %get3A_1364, %get3A_2360 : vector<16xf32>
        %mul3A_2413 = arith.mulf %get3A_1369, %get3A_2364 : vector<16xf32>
        %mul3A_2414 = arith.mulf %get3A_1374, %get3A_2368 : vector<16xf32>
        %mul3A_2415 = arith.mulf %get3A_1379, %get3A_2372 : vector<16xf32>
        %mul3A_2416 = arith.mulf %get3A_1384, %get3A_2376 : vector<16xf32>
        %add3A_2417 = arith.addf %mul3A_2409, %mul3A_2410 : vector<16xf32>
        %add3A_2418 = arith.addf %mul3A_2411, %mul3A_2412 : vector<16xf32>
        %add3A_2419 = arith.addf %mul3A_2413, %mul3A_2414 : vector<16xf32>
        %add3A_2420 = arith.addf %mul3A_2415, %mul3A_2416 : vector<16xf32>
        %add3A_2421 = arith.addf %add3A_2417, %add3A_2418 : vector<16xf32>
        %add3A_2422 = arith.addf %add3A_2419, %add3A_2420 : vector<16xf32>
        %add3A_2423 = arith.addf %add3A_2421, %add3A_2422 : vector<16xf32>
        %reduce_sum3A_2424 = arith.constant true
        %reduce_sum3A_2425 = vector.broadcast %reduce_sum3A_2424 : i1 to vector<16xi1>
        %reduce_sum3A_2426 = tpu.scan <sum>, %add3A_2423 masked %reduce_sum3A_2425 : vector<16xf32>, vector<16xi1> -> vector<16xf32>
        %reduce_sum3A_2427 = vector.extract %reduce_sum3A_2426[15] : f32 from vector<16xf32>
        %broadcast_in_dim3A_2428 = vector.broadcast %reduce_sum3A_2427 : f32 to vector<16xf32>
        %swap3A_2429 = arith.index_cast %add3A_2408 : i32 to index
        %swap3A_2430 = tpu.vector_load %arg5[%swap3A_2429] masked %eq3A_4 {strides = array<i32>} : memref<10416xf32, #tpu.memory_space<vmem>>, vector<16xf32>, vector<16xi1>
        tpu.vector_store %arg5[%swap3A_2429], %broadcast_in_dim3A_2428 masked %eq3A_4 {strides = array<i32>} : memref<10416xf32, #tpu.memory_space<vmem>>, vector<16xf32>, vector<16xi1>
        %add3A_2431 = arith.constant 297 : i32
        %add3A_2432 = arith.addi %mul3A_16, %add3A_2431 : i32
        %add3A_2433 = arith.constant 1 : i32
        %add3A_2434 = arith.addi %add3A_2432, %add3A_2433 : i32
        %add3A_2435 = arith.addi %add3A_2434, %scan3A_2341 : i32
        %mul3A_2436 = arith.mulf %get3A_1389, %get3A_2348 : vector<16xf32>
        %mul3A_2437 = arith.mulf %get3A_1394, %get3A_2352 : vector<16xf32>
        %mul3A_2438 = arith.mulf %get3A_1399, %get3A_2356 : vector<16xf32>
        %mul3A_2439 = arith.mulf %get3A_1404, %get3A_2360 : vector<16xf32>
        %mul3A_2440 = arith.mulf %get3A_1409, %get3A_2364 : vector<16xf32>
        %mul3A_2441 = arith.mulf %get3A_1414, %get3A_2368 : vector<16xf32>
        %mul3A_2442 = arith.mulf %get3A_1419, %get3A_2372 : vector<16xf32>
        %mul3A_2443 = arith.mulf %get3A_1424, %get3A_2376 : vector<16xf32>
        %add3A_2444 = arith.addf %mul3A_2436, %mul3A_2437 : vector<16xf32>
        %add3A_2445 = arith.addf %mul3A_2438, %mul3A_2439 : vector<16xf32>
        %add3A_2446 = arith.addf %mul3A_2440, %mul3A_2441 : vector<16xf32>
        %add3A_2447 = arith.addf %mul3A_2442, %mul3A_2443 : vector<16xf32>
        %add3A_2448 = arith.addf %add3A_2444, %add3A_2445 : vector<16xf32>
        %add3A_2449 = arith.addf %add3A_2446, %add3A_2447 : vector<16xf32>
        %add3A_2450 = arith.addf %add3A_2448, %add3A_2449 : vector<16xf32>
        %reduce_sum3A_2451 = arith.constant true
        %reduce_sum3A_2452 = vector.broadcast %reduce_sum3A_2451 : i1 to vector<16xi1>
        %reduce_sum3A_2453 = tpu.scan <sum>, %add3A_2450 masked %reduce_sum3A_2452 : vector<16xf32>, vector<16xi1> -> vector<16xf32>
        %reduce_sum3A_2454 = vector.extract %reduce_sum3A_2453[15] : f32 from vector<16xf32>
        %broadcast_in_dim3A_2455 = vector.broadcast %reduce_sum3A_2454 : f32 to vector<16xf32>
        %swap3A_2456 = arith.index_cast %add3A_2435 : i32 to index
        %swap3A_2457 = tpu.vector_load %arg5[%swap3A_2456] masked %eq3A_4 {strides = array<i32>} : memref<10416xf32, #tpu.memory_space<vmem>>, vector<16xf32>, vector<16xi1>
        tpu.vector_store %arg5[%swap3A_2456], %broadcast_in_dim3A_2455 masked %eq3A_4 {strides = array<i32>} : memref<10416xf32, #tpu.memory_space<vmem>>, vector<16xf32>, vector<16xi1>
        %add3A_2458 = arith.constant 304 : i32
        %add3A_2459 = arith.addi %mul3A_16, %add3A_2458 : i32
        %add3A_2460 = arith.constant 0 : i32
        %add3A_2461 = arith.addi %add3A_2459, %add3A_2460 : i32
        %add3A_2462 = arith.addi %add3A_2461, %scan3A_2341 : i32
        %mul3A_2463 = arith.mulf %get3A_1429, %get3A_2348 : vector<16xf32>
        %mul3A_2464 = arith.mulf %get3A_1434, %get3A_2352 : vector<16xf32>
        %mul3A_2465 = arith.mulf %get3A_1439, %get3A_2356 : vector<16xf32>
        %mul3A_2466 = arith.mulf %get3A_1444, %get3A_2360 : vector<16xf32>
        %mul3A_2467 = arith.mulf %get3A_1449, %get3A_2364 : vector<16xf32>
        %mul3A_2468 = arith.mulf %get3A_1454, %get3A_2368 : vector<16xf32>
        %mul3A_2469 = arith.mulf %get3A_1459, %get3A_2372 : vector<16xf32>
        %mul3A_2470 = arith.mulf %get3A_1464, %get3A_2376 : vector<16xf32>
        %add3A_2471 = arith.addf %mul3A_2463, %mul3A_2464 : vector<16xf32>
        %add3A_2472 = arith.addf %mul3A_2465, %mul3A_2466 : vector<16xf32>
        %add3A_2473 = arith.addf %mul3A_2467, %mul3A_2468 : vector<16xf32>
        %add3A_2474 = arith.addf %mul3A_2469, %mul3A_2470 : vector<16xf32>
        %add3A_2475 = arith.addf %add3A_2471, %add3A_2472 : vector<16xf32>
        %add3A_2476 = arith.addf %add3A_2473, %add3A_2474 : vector<16xf32>
        %add3A_2477 = arith.addf %add3A_2475, %add3A_2476 : vector<16xf32>
        %reduce_sum3A_2478 = arith.constant true
        %reduce_sum3A_2479 = vector.broadcast %reduce_sum3A_2478 : i1 to vector<16xi1>
        %reduce_sum3A_2480 = tpu.scan <sum>, %add3A_2477 masked %reduce_sum3A_2479 : vector<16xf32>, vector<16xi1> -> vector<16xf32>
        %reduce_sum3A_2481 = vector.extract %reduce_sum3A_2480[15] : f32 from vector<16xf32>
        %broadcast_in_dim3A_2482 = vector.broadcast %reduce_sum3A_2481 : f32 to vector<16xf32>
        %swap3A_2483 = arith.index_cast %add3A_2462 : i32 to index
        %swap3A_2484 = tpu.vector_load %arg5[%swap3A_2483] masked %eq3A_4 {strides = array<i32>} : memref<10416xf32, #tpu.memory_space<vmem>>, vector<16xf32>, vector<16xi1>
        tpu.vector_store %arg5[%swap3A_2483], %broadcast_in_dim3A_2482 masked %eq3A_4 {strides = array<i32>} : memref<10416xf32, #tpu.memory_space<vmem>>, vector<16xf32>, vector<16xi1>
        %scan3A_2485 = arith.constant 0 : i32
        %scan3A_2486 = arith.constant 1 : i32
        %scan3A_2487 = arith.addi %scan3A_2341, %scan3A_2486 : i32
        %add3A_2488 = arith.constant 20 : i32
        %add3A_2489 = arith.addi %scan3A_2487, %add3A_2488 : i32
        %get3A_2490 = arith.index_cast %scan3A_13 : i32 to index
        %get3A_2491 = arith.index_cast %add3A_2489 : i32 to index
        %get3A_2492 = arith.constant 0 : index
        %get3A_2493 = tpu.vector_load %arg4[%get3A_2490, %get3A_2491, %get3A_2492] {strides = array<i32>} : memref<32x26x128xf32, #tpu.memory_space<vmem>>, vector<16xf32>,
        %get3A_2494 = arith.index_cast %scan3A_13 : i32 to index
        %get3A_2495 = arith.index_cast %add3A_2489 : i32 to index
        %get3A_2496 = arith.constant 16 : index
        %get3A_2497 = tpu.vector_load %arg4[%get3A_2494, %get3A_2495, %get3A_2496] {strides = array<i32>} : memref<32x26x128xf32, #tpu.memory_space<vmem>>, vector<16xf32>,
        %get3A_2498 = arith.index_cast %scan3A_13 : i32 to index
        %get3A_2499 = arith.index_cast %add3A_2489 : i32 to index
        %get3A_2500 = arith.constant 32 : index
        %get3A_2501 = tpu.vector_load %arg4[%get3A_2498, %get3A_2499, %get3A_2500] {strides = array<i32>} : memref<32x26x128xf32, #tpu.memory_space<vmem>>, vector<16xf32>,
        %get3A_2502 = arith.index_cast %scan3A_13 : i32 to index
        %get3A_2503 = arith.index_cast %add3A_2489 : i32 to index
        %get3A_2504 = arith.constant 48 : index
        %get3A_2505 = tpu.vector_load %arg4[%get3A_2502, %get3A_2503, %get3A_2504] {strides = array<i32>} : memref<32x26x128xf32, #tpu.memory_space<vmem>>, vector<16xf32>,
        %get3A_2506 = arith.index_cast %scan3A_13 : i32 to index
        %get3A_2507 = arith.index_cast %add3A_2489 : i32 to index
        %get3A_2508 = arith.constant 64 : index
        %get3A_2509 = tpu.vector_load %arg4[%get3A_2506, %get3A_2507, %get3A_2508] {strides = array<i32>} : memref<32x26x128xf32, #tpu.memory_space<vmem>>, vector<16xf32>,
        %get3A_2510 = arith.index_cast %scan3A_13 : i32 to index
        %get3A_2511 = arith.index_cast %add3A_2489 : i32 to index
        %get3A_2512 = arith.constant 80 : index
        %get3A_2513 = tpu.vector_load %arg4[%get3A_2510, %get3A_2511, %get3A_2512] {strides = array<i32>} : memref<32x26x128xf32, #tpu.memory_space<vmem>>, vector<16xf32>,
        %get3A_2514 = arith.index_cast %scan3A_13 : i32 to index
        %get3A_2515 = arith.index_cast %add3A_2489 : i32 to index
        %get3A_2516 = arith.constant 96 : index
        %get3A_2517 = tpu.vector_load %arg4[%get3A_2514, %get3A_2515, %get3A_2516] {strides = array<i32>} : memref<32x26x128xf32, #tpu.memory_space<vmem>>, vector<16xf32>,
        %get3A_2518 = arith.index_cast %scan3A_13 : i32 to index
        %get3A_2519 = arith.index_cast %add3A_2489 : i32 to index
        %get3A_2520 = arith.constant 112 : index
        %get3A_2521 = tpu.vector_load %arg4[%get3A_2518, %get3A_2519, %get3A_2520] {strides = array<i32>} : memref<32x26x128xf32, #tpu.memory_space<vmem>>, vector<16xf32>,
        %add3A_2522 = arith.constant 280 : i32
        %add3A_2523 = arith.addi %mul3A_16, %add3A_2522 : i32
        %add3A_2524 = arith.constant 3 : i32
        %add3A_2525 = arith.addi %add3A_2523, %add3A_2524 : i32
        %add3A_2526 = arith.addi %add3A_2525, %scan3A_2487 : i32
        %mul3A_2527 = arith.mulf %get3A_1309, %get3A_2493 : vector<16xf32>
        %mul3A_2528 = arith.mulf %get3A_1314, %get3A_2497 : vector<16xf32>
        %mul3A_2529 = arith.mulf %get3A_1319, %get3A_2501 : vector<16xf32>
        %mul3A_2530 = arith.mulf %get3A_1324, %get3A_2505 : vector<16xf32>
        %mul3A_2531 = arith.mulf %get3A_1329, %get3A_2509 : vector<16xf32>
        %mul3A_2532 = arith.mulf %get3A_1334, %get3A_2513 : vector<16xf32>
        %mul3A_2533 = arith.mulf %get3A_1339, %get3A_2517 : vector<16xf32>
        %mul3A_2534 = arith.mulf %get3A_1344, %get3A_2521 : vector<16xf32>
        %add3A_2535 = arith.addf %mul3A_2527, %mul3A_2528 : vector<16xf32>
        %add3A_2536 = arith.addf %mul3A_2529, %mul3A_2530 : vector<16xf32>
        %add3A_2537 = arith.addf %mul3A_2531, %mul3A_2532 : vector<16xf32>
        %add3A_2538 = arith.addf %mul3A_2533, %mul3A_2534 : vector<16xf32>
        %add3A_2539 = arith.addf %add3A_2535, %add3A_2536 : vector<16xf32>
        %add3A_2540 = arith.addf %add3A_2537, %add3A_2538 : vector<16xf32>
        %add3A_2541 = arith.addf %add3A_2539, %add3A_2540 : vector<16xf32>
        %reduce_sum3A_2542 = arith.constant true
        %reduce_sum3A_2543 = vector.broadcast %reduce_sum3A_2542 : i1 to vector<16xi1>
        %reduce_sum3A_2544 = tpu.scan <sum>, %add3A_2541 masked %reduce_sum3A_2543 : vector<16xf32>, vector<16xi1> -> vector<16xf32>
        %reduce_sum3A_2545 = vector.extract %reduce_sum3A_2544[15] : f32 from vector<16xf32>
        %broadcast_in_dim3A_2546 = vector.broadcast %reduce_sum3A_2545 : f32 to vector<16xf32>
        %swap3A_2547 = arith.index_cast %add3A_2526 : i32 to index
        %swap3A_2548 = tpu.vector_load %arg5[%swap3A_2547] masked %eq3A_4 {strides = array<i32>} : memref<10416xf32, #tpu.memory_space<vmem>>, vector<16xf32>, vector<16xi1>
        tpu.vector_store %arg5[%swap3A_2547], %broadcast_in_dim3A_2546 masked %eq3A_4 {strides = array<i32>} : memref<10416xf32, #tpu.memory_space<vmem>>, vector<16xf32>, vector<16xi1>
        %add3A_2549 = arith.constant 289 : i32
        %add3A_2550 = arith.addi %mul3A_16, %add3A_2549 : i32
        %add3A_2551 = arith.constant 2 : i32
        %add3A_2552 = arith.addi %add3A_2550, %add3A_2551 : i32
        %add3A_2553 = arith.addi %add3A_2552, %scan3A_2487 : i32
        %mul3A_2554 = arith.mulf %get3A_1349, %get3A_2493 : vector<16xf32>
        %mul3A_2555 = arith.mulf %get3A_1354, %get3A_2497 : vector<16xf32>
        %mul3A_2556 = arith.mulf %get3A_1359, %get3A_2501 : vector<16xf32>
        %mul3A_2557 = arith.mulf %get3A_1364, %get3A_2505 : vector<16xf32>
        %mul3A_2558 = arith.mulf %get3A_1369, %get3A_2509 : vector<16xf32>
        %mul3A_2559 = arith.mulf %get3A_1374, %get3A_2513 : vector<16xf32>
        %mul3A_2560 = arith.mulf %get3A_1379, %get3A_2517 : vector<16xf32>
        %mul3A_2561 = arith.mulf %get3A_1384, %get3A_2521 : vector<16xf32>
        %add3A_2562 = arith.addf %mul3A_2554, %mul3A_2555 : vector<16xf32>
        %add3A_2563 = arith.addf %mul3A_2556, %mul3A_2557 : vector<16xf32>
        %add3A_2564 = arith.addf %mul3A_2558, %mul3A_2559 : vector<16xf32>
        %add3A_2565 = arith.addf %mul3A_2560, %mul3A_2561 : vector<16xf32>
        %add3A_2566 = arith.addf %add3A_2562, %add3A_2563 : vector<16xf32>
        %add3A_2567 = arith.addf %add3A_2564, %add3A_2565 : vector<16xf32>
        %add3A_2568 = arith.addf %add3A_2566, %add3A_2567 : vector<16xf32>
        %reduce_sum3A_2569 = arith.constant true
        %reduce_sum3A_2570 = vector.broadcast %reduce_sum3A_2569 : i1 to vector<16xi1>
        %reduce_sum3A_2571 = tpu.scan <sum>, %add3A_2568 masked %reduce_sum3A_2570 : vector<16xf32>, vector<16xi1> -> vector<16xf32>
        %reduce_sum3A_2572 = vector.extract %reduce_sum3A_2571[15] : f32 from vector<16xf32>
        %broadcast_in_dim3A_2573 = vector.broadcast %reduce_sum3A_2572 : f32 to vector<16xf32>
        %swap3A_2574 = arith.index_cast %add3A_2553 : i32 to index
        %swap3A_2575 = tpu.vector_load %arg5[%swap3A_2574] masked %eq3A_4 {strides = array<i32>} : memref<10416xf32, #tpu.memory_space<vmem>>, vector<16xf32>, vector<16xi1>
        tpu.vector_store %arg5[%swap3A_2574], %broadcast_in_dim3A_2573 masked %eq3A_4 {strides = array<i32>} : memref<10416xf32, #tpu.memory_space<vmem>>, vector<16xf32>, vector<16xi1>
        %add3A_2576 = arith.constant 297 : i32
        %add3A_2577 = arith.addi %mul3A_16, %add3A_2576 : i32
        %add3A_2578 = arith.constant 1 : i32
        %add3A_2579 = arith.addi %add3A_2577, %add3A_2578 : i32
        %add3A_2580 = arith.addi %add3A_2579, %scan3A_2487 : i32
        %mul3A_2581 = arith.mulf %get3A_1389, %get3A_2493 : vector<16xf32>
        %mul3A_2582 = arith.mulf %get3A_1394, %get3A_2497 : vector<16xf32>
        %mul3A_2583 = arith.mulf %get3A_1399, %get3A_2501 : vector<16xf32>
        %mul3A_2584 = arith.mulf %get3A_1404, %get3A_2505 : vector<16xf32>
        %mul3A_2585 = arith.mulf %get3A_1409, %get3A_2509 : vector<16xf32>
        %mul3A_2586 = arith.mulf %get3A_1414, %get3A_2513 : vector<16xf32>
        %mul3A_2587 = arith.mulf %get3A_1419, %get3A_2517 : vector<16xf32>
        %mul3A_2588 = arith.mulf %get3A_1424, %get3A_2521 : vector<16xf32>
        %add3A_2589 = arith.addf %mul3A_2581, %mul3A_2582 : vector<16xf32>
        %add3A_2590 = arith.addf %mul3A_2583, %mul3A_2584 : vector<16xf32>
        %add3A_2591 = arith.addf %mul3A_2585, %mul3A_2586 : vector<16xf32>
        %add3A_2592 = arith.addf %mul3A_2587, %mul3A_2588 : vector<16xf32>
        %add3A_2593 = arith.addf %add3A_2589, %add3A_2590 : vector<16xf32>
        %add3A_2594 = arith.addf %add3A_2591, %add3A_2592 : vector<16xf32>
        %add3A_2595 = arith.addf %add3A_2593, %add3A_2594 : vector<16xf32>
        %reduce_sum3A_2596 = arith.constant true
        %reduce_sum3A_2597 = vector.broadcast %reduce_sum3A_2596 : i1 to vector<16xi1>
        %reduce_sum3A_2598 = tpu.scan <sum>, %add3A_2595 masked %reduce_sum3A_2597 : vector<16xf32>, vector<16xi1> -> vector<16xf32>
        %reduce_sum3A_2599 = vector.extract %reduce_sum3A_2598[15] : f32 from vector<16xf32>
        %broadcast_in_dim3A_2600 = vector.broadcast %reduce_sum3A_2599 : f32 to vector<16xf32>
        %swap3A_2601 = arith.index_cast %add3A_2580 : i32 to index
        %swap3A_2602 = tpu.vector_load %arg5[%swap3A_2601] masked %eq3A_4 {strides = array<i32>} : memref<10416xf32, #tpu.memory_space<vmem>>, vector<16xf32>, vector<16xi1>
        tpu.vector_store %arg5[%swap3A_2601], %broadcast_in_dim3A_2600 masked %eq3A_4 {strides = array<i32>} : memref<10416xf32, #tpu.memory_space<vmem>>, vector<16xf32>, vector<16xi1>
        %add3A_2603 = arith.constant 304 : i32
        %add3A_2604 = arith.addi %mul3A_16, %add3A_2603 : i32
        %add3A_2605 = arith.constant 0 : i32
        %add3A_2606 = arith.addi %add3A_2604, %add3A_2605 : i32
        %add3A_2607 = arith.addi %add3A_2606, %scan3A_2487 : i32
        %mul3A_2608 = arith.mulf %get3A_1429, %get3A_2493 : vector<16xf32>
        %mul3A_2609 = arith.mulf %get3A_1434, %get3A_2497 : vector<16xf32>
        %mul3A_2610 = arith.mulf %get3A_1439, %get3A_2501 : vector<16xf32>
        %mul3A_2611 = arith.mulf %get3A_1444, %get3A_2505 : vector<16xf32>
        %mul3A_2612 = arith.mulf %get3A_1449, %get3A_2509 : vector<16xf32>
        %mul3A_2613 = arith.mulf %get3A_1454, %get3A_2513 : vector<16xf32>
        %mul3A_2614 = arith.mulf %get3A_1459, %get3A_2517 : vector<16xf32>
        %mul3A_2615 = arith.mulf %get3A_1464, %get3A_2521 : vector<16xf32>
        %add3A_2616 = arith.addf %mul3A_2608, %mul3A_2609 : vector<16xf32>
        %add3A_2617 = arith.addf %mul3A_2610, %mul3A_2611 : vector<16xf32>
        %add3A_2618 = arith.addf %mul3A_2612, %mul3A_2613 : vector<16xf32>
        %add3A_2619 = arith.addf %mul3A_2614, %mul3A_2615 : vector<16xf32>
        %add3A_2620 = arith.addf %add3A_2616, %add3A_2617 : vector<16xf32>
        %add3A_2621 = arith.addf %add3A_2618, %add3A_2619 : vector<16xf32>
        %add3A_2622 = arith.addf %add3A_2620, %add3A_2621 : vector<16xf32>
        %reduce_sum3A_2623 = arith.constant true
        %reduce_sum3A_2624 = vector.broadcast %reduce_sum3A_2623 : i1 to vector<16xi1>
        %reduce_sum3A_2625 = tpu.scan <sum>, %add3A_2622 masked %reduce_sum3A_2624 : vector<16xf32>, vector<16xi1> -> vector<16xf32>
        %reduce_sum3A_2626 = vector.extract %reduce_sum3A_2625[15] : f32 from vector<16xf32>
        %broadcast_in_dim3A_2627 = vector.broadcast %reduce_sum3A_2626 : f32 to vector<16xf32>
        %swap3A_2628 = arith.index_cast %add3A_2607 : i32 to index
        %swap3A_2629 = tpu.vector_load %arg5[%swap3A_2628] masked %eq3A_4 {strides = array<i32>} : memref<10416xf32, #tpu.memory_space<vmem>>, vector<16xf32>, vector<16xi1>
        tpu.vector_store %arg5[%swap3A_2628], %broadcast_in_dim3A_2627 masked %eq3A_4 {strides = array<i32>} : memref<10416xf32, #tpu.memory_space<vmem>>, vector<16xf32>, vector<16xi1>
        %scan3A_2630 = arith.constant 0 : i32
        scf.yield %scan3A_2630 : i32
      }
      %scan3A_1627 = arith.constant 6 : i32
      %get3A_1628 = arith.constant 20 : i32
      %get3A_1629 = arith.index_cast %scan3A_13 : i32 to index
      %get3A_1630 = arith.index_cast %get3A_1628 : i32 to index
      %get3A_1631 = arith.constant 0 : index
      %get3A_1632 = tpu.vector_load %arg4[%get3A_1629, %get3A_1630, %get3A_1631] {strides = array<i32>} : memref<32x26x128xf32, #tpu.memory_space<vmem>>, vector<16xf32>,
      %get3A_1633 = arith.constant 20 : i32
      %get3A_1634 = arith.index_cast %scan3A_13 : i32 to index
      %get3A_1635 = arith.index_cast %get3A_1633 : i32 to index
      %get3A_1636 = arith.constant 16 : index
      %get3A_1637 = tpu.vector_load %arg4[%get3A_1634, %get3A_1635, %get3A_1636] {strides = array<i32>} : memref<32x26x128xf32, #tpu.memory_space<vmem>>, vector<16xf32>,
      %get3A_1638 = arith.constant 20 : i32
      %get3A_1639 = arith.index_cast %scan3A_13 : i32 to index
      %get3A_1640 = arith.index_cast %get3A_1638 : i32 to index
      %get3A_1641 = arith.constant 32 : index
      %get3A_1642 = tpu.vector_load %arg4[%get3A_1639, %get3A_1640, %get3A_1641] {strides = array<i32>} : memref<32x26x128xf32, #tpu.memory_space<vmem>>, vector<16xf32>,
      %get3A_1643 = arith.constant 20 : i32
      %get3A_1644 = arith.index_cast %scan3A_13 : i32 to index
      %get3A_1645 = arith.index_cast %get3A_1643 : i32 to index
      %get3A_1646 = arith.constant 48 : index
      %get3A_1647 = tpu.vector_load %arg4[%get3A_1644, %get3A_1645, %get3A_1646] {strides = array<i32>} : memref<32x26x128xf32, #tpu.memory_space<vmem>>, vector<16xf32>,
      %get3A_1648 = arith.constant 20 : i32
      %get3A_1649 = arith.index_cast %scan3A_13 : i32 to index
      %get3A_1650 = arith.index_cast %get3A_1648 : i32 to index
      %get3A_1651 = arith.constant 64 : index
      %get3A_1652 = tpu.vector_load %arg4[%get3A_1649, %get3A_1650, %get3A_1651] {strides = array<i32>} : memref<32x26x128xf32, #tpu.memory_space<vmem>>, vector<16xf32>,
      %get3A_1653 = arith.constant 20 : i32
      %get3A_1654 = arith.index_cast %scan3A_13 : i32 to index
      %get3A_1655 = arith.index_cast %get3A_1653 : i32 to index
      %get3A_1656 = arith.constant 80 : index
      %get3A_1657 = tpu.vector_load %arg4[%get3A_1654, %get3A_1655, %get3A_1656] {strides = array<i32>} : memref<32x26x128xf32, #tpu.memory_space<vmem>>, vector<16xf32>,
      %get3A_1658 = arith.constant 20 : i32
      %get3A_1659 = arith.index_cast %scan3A_13 : i32 to index
      %get3A_1660 = arith.index_cast %get3A_1658 : i32 to index
      %get3A_1661 = arith.constant 96 : index
      %get3A_1662 = tpu.vector_load %arg4[%get3A_1659, %get3A_1660, %get3A_1661] {strides = array<i32>} : memref<32x26x128xf32, #tpu.memory_space<vmem>>, vector<16xf32>,
      %get3A_1663 = arith.constant 20 : i32
      %get3A_1664 = arith.index_cast %scan3A_13 : i32 to index
      %get3A_1665 = arith.index_cast %get3A_1663 : i32 to index
      %get3A_1666 = arith.constant 112 : index
      %get3A_1667 = tpu.vector_load %arg4[%get3A_1664, %get3A_1665, %get3A_1666] {strides = array<i32>} : memref<32x26x128xf32, #tpu.memory_space<vmem>>, vector<16xf32>,
      %get3A_1668 = arith.constant 21 : i32
      %get3A_1669 = arith.index_cast %scan3A_13 : i32 to index
      %get3A_1670 = arith.index_cast %get3A_1668 : i32 to index
      %get3A_1671 = arith.constant 0 : index
      %get3A_1672 = tpu.vector_load %arg4[%get3A_1669, %get3A_1670, %get3A_1671] {strides = array<i32>} : memref<32x26x128xf32, #tpu.memory_space<vmem>>, vector<16xf32>,
      %get3A_1673 = arith.constant 21 : i32
      %get3A_1674 = arith.index_cast %scan3A_13 : i32 to index
      %get3A_1675 = arith.index_cast %get3A_1673 : i32 to index
      %get3A_1676 = arith.constant 16 : index
      %get3A_1677 = tpu.vector_load %arg4[%get3A_1674, %get3A_1675, %get3A_1676] {strides = array<i32>} : memref<32x26x128xf32, #tpu.memory_space<vmem>>, vector<16xf32>,
      %get3A_1678 = arith.constant 21 : i32
      %get3A_1679 = arith.index_cast %scan3A_13 : i32 to index
      %get3A_1680 = arith.index_cast %get3A_1678 : i32 to index
      %get3A_1681 = arith.constant 32 : index
      %get3A_1682 = tpu.vector_load %arg4[%get3A_1679, %get3A_1680, %get3A_1681] {strides = array<i32>} : memref<32x26x128xf32, #tpu.memory_space<vmem>>, vector<16xf32>,
      %get3A_1683 = arith.constant 21 : i32
      %get3A_1684 = arith.index_cast %scan3A_13 : i32 to index
      %get3A_1685 = arith.index_cast %get3A_1683 : i32 to index
      %get3A_1686 = arith.constant 48 : index
      %get3A_1687 = tpu.vector_load %arg4[%get3A_1684, %get3A_1685, %get3A_1686] {strides = array<i32>} : memref<32x26x128xf32, #tpu.memory_space<vmem>>, vector<16xf32>,
      %get3A_1688 = arith.constant 21 : i32
      %get3A_1689 = arith.index_cast %scan3A_13 : i32 to index
      %get3A_1690 = arith.index_cast %get3A_1688 : i32 to index
      %get3A_1691 = arith.constant 64 : index
      %get3A_1692 = tpu.vector_load %arg4[%get3A_1689, %get3A_1690, %get3A_1691] {strides = array<i32>} : memref<32x26x128xf32, #tpu.memory_space<vmem>>, vector<16xf32>,
      %get3A_1693 = arith.constant 21 : i32
      %get3A_1694 = arith.index_cast %scan3A_13 : i32 to index
      %get3A_1695 = arith.index_cast %get3A_1693 : i32 to index
      %get3A_1696 = arith.constant 80 : index
      %get3A_1697 = tpu.vector_load %arg4[%get3A_1694, %get3A_1695, %get3A_1696] {strides = array<i32>} : memref<32x26x128xf32, #tpu.memory_space<vmem>>, vector<16xf32>,
      %get3A_1698 = arith.constant 21 : i32
      %get3A_1699 = arith.index_cast %scan3A_13 : i32 to index
      %get3A_1700 = arith.index_cast %get3A_1698 : i32 to index
      %get3A_1701 = arith.constant 96 : index
      %get3A_1702 = tpu.vector_load %arg4[%get3A_1699, %get3A_1700, %get3A_1701] {strides = array<i32>} : memref<32x26x128xf32, #tpu.memory_space<vmem>>, vector<16xf32>,
      %get3A_1703 = arith.constant 21 : i32
      %get3A_1704 = arith.index_cast %scan3A_13 : i32 to index
      %get3A_1705 = arith.index_cast %get3A_1703 : i32 to index
      %get3A_1706 = arith.constant 112 : index
      %get3A_1707 = tpu.vector_load %arg4[%get3A_1704, %get3A_1705, %get3A_1706] {strides = array<i32>} : memref<32x26x128xf32, #tpu.memory_space<vmem>>, vector<16xf32>,
      %get3A_1708 = arith.constant 22 : i32
      %get3A_1709 = arith.index_cast %scan3A_13 : i32 to index
      %get3A_1710 = arith.index_cast %get3A_1708 : i32 to index
      %get3A_1711 = arith.constant 0 : index
      %get3A_1712 = tpu.vector_load %arg4[%get3A_1709, %get3A_1710, %get3A_1711] {strides = array<i32>} : memref<32x26x128xf32, #tpu.memory_space<vmem>>, vector<16xf32>,
      %get3A_1713 = arith.constant 22 : i32
      %get3A_1714 = arith.index_cast %scan3A_13 : i32 to index
      %get3A_1715 = arith.index_cast %get3A_1713 : i32 to index
      %get3A_1716 = arith.constant 16 : index
      %get3A_1717 = tpu.vector_load %arg4[%get3A_1714, %get3A_1715, %get3A_1716] {strides = array<i32>} : memref<32x26x128xf32, #tpu.memory_space<vmem>>, vector<16xf32>,
      %get3A_1718 = arith.constant 22 : i32
      %get3A_1719 = arith.index_cast %scan3A_13 : i32 to index
      %get3A_1720 = arith.index_cast %get3A_1718 : i32 to index
      %get3A_1721 = arith.constant 32 : index
      %get3A_1722 = tpu.vector_load %arg4[%get3A_1719, %get3A_1720, %get3A_1721] {strides = array<i32>} : memref<32x26x128xf32, #tpu.memory_space<vmem>>, vector<16xf32>,
      %get3A_1723 = arith.constant 22 : i32
      %get3A_1724 = arith.index_cast %scan3A_13 : i32 to index
      %get3A_1725 = arith.index_cast %get3A_1723 : i32 to index
      %get3A_1726 = arith.constant 48 : index
      %get3A_1727 = tpu.vector_load %arg4[%get3A_1724, %get3A_1725, %get3A_1726] {strides = array<i32>} : memref<32x26x128xf32, #tpu.memory_space<vmem>>, vector<16xf32>,
      %get3A_1728 = arith.constant 22 : i32
      %get3A_1729 = arith.index_cast %scan3A_13 : i32 to index
      %get3A_1730 = arith.index_cast %get3A_1728 : i32 to index
      %get3A_1731 = arith.constant 64 : index
      %get3A_1732 = tpu.vector_load %arg4[%get3A_1729, %get3A_1730, %get3A_1731] {strides = array<i32>} : memref<32x26x128xf32, #tpu.memory_space<vmem>>, vector<16xf32>,
      %get3A_1733 = arith.constant 22 : i32
      %get3A_1734 = arith.index_cast %scan3A_13 : i32 to index
      %get3A_1735 = arith.index_cast %get3A_1733 : i32 to index
      %get3A_1736 = arith.constant 80 : index
      %get3A_1737 = tpu.vector_load %arg4[%get3A_1734, %get3A_1735, %get3A_1736] {strides = array<i32>} : memref<32x26x128xf32, #tpu.memory_space<vmem>>, vector<16xf32>,
      %get3A_1738 = arith.constant 22 : i32
      %get3A_1739 = arith.index_cast %scan3A_13 : i32 to index
      %get3A_1740 = arith.index_cast %get3A_1738 : i32 to index
      %get3A_1741 = arith.constant 96 : index
      %get3A_1742 = tpu.vector_load %arg4[%get3A_1739, %get3A_1740, %get3A_1741] {strides = array<i32>} : memref<32x26x128xf32, #tpu.memory_space<vmem>>, vector<16xf32>,
      %get3A_1743 = arith.constant 22 : i32
      %get3A_1744 = arith.index_cast %scan3A_13 : i32 to index
      %get3A_1745 = arith.index_cast %get3A_1743 : i32 to index
      %get3A_1746 = arith.constant 112 : index
      %get3A_1747 = tpu.vector_load %arg4[%get3A_1744, %get3A_1745, %get3A_1746] {strides = array<i32>} : memref<32x26x128xf32, #tpu.memory_space<vmem>>, vector<16xf32>,
      %get3A_1748 = arith.constant 23 : i32
      %get3A_1749 = arith.index_cast %scan3A_13 : i32 to index
      %get3A_1750 = arith.index_cast %get3A_1748 : i32 to index
      %get3A_1751 = arith.constant 0 : index
      %get3A_1752 = tpu.vector_load %arg4[%get3A_1749, %get3A_1750, %get3A_1751] {strides = array<i32>} : memref<32x26x128xf32, #tpu.memory_space<vmem>>, vector<16xf32>,
      %get3A_1753 = arith.constant 23 : i32
      %get3A_1754 = arith.index_cast %scan3A_13 : i32 to index
      %get3A_1755 = arith.index_cast %get3A_1753 : i32 to index
      %get3A_1756 = arith.constant 16 : index
      %get3A_1757 = tpu.vector_load %arg4[%get3A_1754, %get3A_1755, %get3A_1756] {strides = array<i32>} : memref<32x26x128xf32, #tpu.memory_space<vmem>>, vector<16xf32>,
      %get3A_1758 = arith.constant 23 : i32
      %get3A_1759 = arith.index_cast %scan3A_13 : i32 to index
      %get3A_1760 = arith.index_cast %get3A_1758 : i32 to index
      %get3A_1761 = arith.constant 32 : index
      %get3A_1762 = tpu.vector_load %arg4[%get3A_1759, %get3A_1760, %get3A_1761] {strides = array<i32>} : memref<32x26x128xf32, #tpu.memory_space<vmem>>, vector<16xf32>,
      %get3A_1763 = arith.constant 23 : i32
      %get3A_1764 = arith.index_cast %scan3A_13 : i32 to index
      %get3A_1765 = arith.index_cast %get3A_1763 : i32 to index
      %get3A_1766 = arith.constant 48 : index
      %get3A_1767 = tpu.vector_load %arg4[%get3A_1764, %get3A_1765, %get3A_1766] {strides = array<i32>} : memref<32x26x128xf32, #tpu.memory_space<vmem>>, vector<16xf32>,
      %get3A_1768 = arith.constant 23 : i32
      %get3A_1769 = arith.index_cast %scan3A_13 : i32 to index
      %get3A_1770 = arith.index_cast %get3A_1768 : i32 to index
      %get3A_1771 = arith.constant 64 : index
      %get3A_1772 = tpu.vector_load %arg4[%get3A_1769, %get3A_1770, %get3A_1771] {strides = array<i32>} : memref<32x26x128xf32, #tpu.memory_space<vmem>>, vector<16xf32>,
      %get3A_1773 = arith.constant 23 : i32
      %get3A_1774 = arith.index_cast %scan3A_13 : i32 to index
      %get3A_1775 = arith.index_cast %get3A_1773 : i32 to index
      %get3A_1776 = arith.constant 80 : index
      %get3A_1777 = tpu.vector_load %arg4[%get3A_1774, %get3A_1775, %get3A_1776] {strides = array<i32>} : memref<32x26x128xf32, #tpu.memory_space<vmem>>, vector<16xf32>,
      %get3A_1778 = arith.constant 23 : i32
      %get3A_1779 = arith.index_cast %scan3A_13 : i32 to index
      %get3A_1780 = arith.index_cast %get3A_1778 : i32 to index
      %get3A_1781 = arith.constant 96 : index
      %get3A_1782 = tpu.vector_load %arg4[%get3A_1779, %get3A_1780, %get3A_1781] {strides = array<i32>} : memref<32x26x128xf32, #tpu.memory_space<vmem>>, vector<16xf32>,
      %get3A_1783 = arith.constant 23 : i32
      %get3A_1784 = arith.index_cast %scan3A_13 : i32 to index
      %get3A_1785 = arith.index_cast %get3A_1783 : i32 to index
      %get3A_1786 = arith.constant 112 : index
      %get3A_1787 = tpu.vector_load %arg4[%get3A_1784, %get3A_1785, %get3A_1786] {strides = array<i32>} : memref<32x26x128xf32, #tpu.memory_space<vmem>>, vector<16xf32>,
      %add3A_1788 = arith.constant 310 : i32
      %add3A_1789 = arith.addi %mul3A_16, %add3A_1788 : i32
      %add3A_1790 = arith.constant 0 : i32
      %add3A_1791 = arith.addi %add3A_1789, %add3A_1790 : i32
      %mul3A_1792 = arith.mulf %get3A_1632, %get3A_1672 : vector<16xf32>
      %mul3A_1793 = arith.mulf %get3A_1637, %get3A_1677 : vector<16xf32>
      %mul3A_1794 = arith.mulf %get3A_1642, %get3A_1682 : vector<16xf32>
      %mul3A_1795 = arith.mulf %get3A_1647, %get3A_1687 : vector<16xf32>
      %mul3A_1796 = arith.mulf %get3A_1652, %get3A_1692 : vector<16xf32>
      %mul3A_1797 = arith.mulf %get3A_1657, %get3A_1697 : vector<16xf32>
      %mul3A_1798 = arith.mulf %get3A_1662, %get3A_1702 : vector<16xf32>
      %mul3A_1799 = arith.mulf %get3A_1667, %get3A_1707 : vector<16xf32>
      %add3A_1800 = arith.addf %mul3A_1792, %mul3A_1793 : vector<16xf32>
      %add3A_1801 = arith.addf %mul3A_1794, %mul3A_1795 : vector<16xf32>
      %add3A_1802 = arith.addf %mul3A_1796, %mul3A_1797 : vector<16xf32>
      %add3A_1803 = arith.addf %mul3A_1798, %mul3A_1799 : vector<16xf32>
      %add3A_1804 = arith.addf %add3A_1800, %add3A_1801 : vector<16xf32>
      %add3A_1805 = arith.addf %add3A_1802, %add3A_1803 : vector<16xf32>
      %add3A_1806 = arith.addf %add3A_1804, %add3A_1805 : vector<16xf32>
      %reduce_sum3A_1807 = arith.constant true
      %reduce_sum3A_1808 = vector.broadcast %reduce_sum3A_1807 : i1 to vector<16xi1>
      %reduce_sum3A_1809 = tpu.scan <sum>, %add3A_1806 masked %reduce_sum3A_1808 : vector<16xf32>, vector<16xi1> -> vector<16xf32>
      %reduce_sum3A_1810 = vector.extract %reduce_sum3A_1809[15] : f32 from vector<16xf32>
      %broadcast_in_dim3A_1811 = vector.broadcast %reduce_sum3A_1810 : f32 to vector<16xf32>
      %swap3A_1812 = arith.index_cast %add3A_1791 : i32 to index
      %swap3A_1813 = tpu.vector_load %arg5[%swap3A_1812] masked %eq3A_4 {strides = array<i32>} : memref<10416xf32, #tpu.memory_space<vmem>>, vector<16xf32>, vector<16xi1>
      tpu.vector_store %arg5[%swap3A_1812], %broadcast_in_dim3A_1811 masked %eq3A_4 {strides = array<i32>} : memref<10416xf32, #tpu.memory_space<vmem>>, vector<16xf32>, vector<16xi1>
      %add3A_1814 = arith.constant 310 : i32
      %add3A_1815 = arith.addi %mul3A_16, %add3A_1814 : i32
      %add3A_1816 = arith.constant 1 : i32
      %add3A_1817 = arith.addi %add3A_1815, %add3A_1816 : i32
      %mul3A_1818 = arith.mulf %get3A_1632, %get3A_1712 : vector<16xf32>
      %mul3A_1819 = arith.mulf %get3A_1637, %get3A_1717 : vector<16xf32>
      %mul3A_1820 = arith.mulf %get3A_1642, %get3A_1722 : vector<16xf32>
      %mul3A_1821 = arith.mulf %get3A_1647, %get3A_1727 : vector<16xf32>
      %mul3A_1822 = arith.mulf %get3A_1652, %get3A_1732 : vector<16xf32>
      %mul3A_1823 = arith.mulf %get3A_1657, %get3A_1737 : vector<16xf32>
      %mul3A_1824 = arith.mulf %get3A_1662, %get3A_1742 : vector<16xf32>
      %mul3A_1825 = arith.mulf %get3A_1667, %get3A_1747 : vector<16xf32>
      %add3A_1826 = arith.addf %mul3A_1818, %mul3A_1819 : vector<16xf32>
      %add3A_1827 = arith.addf %mul3A_1820, %mul3A_1821 : vector<16xf32>
      %add3A_1828 = arith.addf %mul3A_1822, %mul3A_1823 : vector<16xf32>
      %add3A_1829 = arith.addf %mul3A_1824, %mul3A_1825 : vector<16xf32>
      %add3A_1830 = arith.addf %add3A_1826, %add3A_1827 : vector<16xf32>
      %add3A_1831 = arith.addf %add3A_1828, %add3A_1829 : vector<16xf32>
      %add3A_1832 = arith.addf %add3A_1830, %add3A_1831 : vector<16xf32>
      %reduce_sum3A_1833 = arith.constant true
      %reduce_sum3A_1834 = vector.broadcast %reduce_sum3A_1833 : i1 to vector<16xi1>
      %reduce_sum3A_1835 = tpu.scan <sum>, %add3A_1832 masked %reduce_sum3A_1834 : vector<16xf32>, vector<16xi1> -> vector<16xf32>
      %reduce_sum3A_1836 = vector.extract %reduce_sum3A_1835[15] : f32 from vector<16xf32>
      %broadcast_in_dim3A_1837 = vector.broadcast %reduce_sum3A_1836 : f32 to vector<16xf32>
      %swap3A_1838 = arith.index_cast %add3A_1817 : i32 to index
      %swap3A_1839 = tpu.vector_load %arg5[%swap3A_1838] masked %eq3A_4 {strides = array<i32>} : memref<10416xf32, #tpu.memory_space<vmem>>, vector<16xf32>, vector<16xi1>
      tpu.vector_store %arg5[%swap3A_1838], %broadcast_in_dim3A_1837 masked %eq3A_4 {strides = array<i32>} : memref<10416xf32, #tpu.memory_space<vmem>>, vector<16xf32>, vector<16xi1>
      %add3A_1840 = arith.constant 310 : i32
      %add3A_1841 = arith.addi %mul3A_16, %add3A_1840 : i32
      %add3A_1842 = arith.constant 2 : i32
      %add3A_1843 = arith.addi %add3A_1841, %add3A_1842 : i32
      %mul3A_1844 = arith.mulf %get3A_1632, %get3A_1752 : vector<16xf32>
      %mul3A_1845 = arith.mulf %get3A_1637, %get3A_1757 : vector<16xf32>
      %mul3A_1846 = arith.mulf %get3A_1642, %get3A_1762 : vector<16xf32>
      %mul3A_1847 = arith.mulf %get3A_1647, %get3A_1767 : vector<16xf32>
      %mul3A_1848 = arith.mulf %get3A_1652, %get3A_1772 : vector<16xf32>
      %mul3A_1849 = arith.mulf %get3A_1657, %get3A_1777 : vector<16xf32>
      %mul3A_1850 = arith.mulf %get3A_1662, %get3A_1782 : vector<16xf32>
      %mul3A_1851 = arith.mulf %get3A_1667, %get3A_1787 : vector<16xf32>
      %add3A_1852 = arith.addf %mul3A_1844, %mul3A_1845 : vector<16xf32>
      %add3A_1853 = arith.addf %mul3A_1846, %mul3A_1847 : vector<16xf32>
      %add3A_1854 = arith.addf %mul3A_1848, %mul3A_1849 : vector<16xf32>
      %add3A_1855 = arith.addf %mul3A_1850, %mul3A_1851 : vector<16xf32>
      %add3A_1856 = arith.addf %add3A_1852, %add3A_1853 : vector<16xf32>
      %add3A_1857 = arith.addf %add3A_1854, %add3A_1855 : vector<16xf32>
      %add3A_1858 = arith.addf %add3A_1856, %add3A_1857 : vector<16xf32>
      %reduce_sum3A_1859 = arith.constant true
      %reduce_sum3A_1860 = vector.broadcast %reduce_sum3A_1859 : i1 to vector<16xi1>
      %reduce_sum3A_1861 = tpu.scan <sum>, %add3A_1858 masked %reduce_sum3A_1860 : vector<16xf32>, vector<16xi1> -> vector<16xf32>
      %reduce_sum3A_1862 = vector.extract %reduce_sum3A_1861[15] : f32 from vector<16xf32>
      %broadcast_in_dim3A_1863 = vector.broadcast %reduce_sum3A_1862 : f32 to vector<16xf32>
      %swap3A_1864 = arith.index_cast %add3A_1843 : i32 to index
      %swap3A_1865 = tpu.vector_load %arg5[%swap3A_1864] masked %eq3A_4 {strides = array<i32>} : memref<10416xf32, #tpu.memory_space<vmem>>, vector<16xf32>, vector<16xi1>
      tpu.vector_store %arg5[%swap3A_1864], %broadcast_in_dim3A_1863 masked %eq3A_4 {strides = array<i32>} : memref<10416xf32, #tpu.memory_space<vmem>>, vector<16xf32>, vector<16xi1>
      %add3A_1866 = arith.constant 315 : i32
      %add3A_1867 = arith.addi %mul3A_16, %add3A_1866 : i32
      %add3A_1868 = arith.constant 0 : i32
      %add3A_1869 = arith.addi %add3A_1867, %add3A_1868 : i32
      %mul3A_1870 = arith.mulf %get3A_1672, %get3A_1712 : vector<16xf32>
      %mul3A_1871 = arith.mulf %get3A_1677, %get3A_1717 : vector<16xf32>
      %mul3A_1872 = arith.mulf %get3A_1682, %get3A_1722 : vector<16xf32>
      %mul3A_1873 = arith.mulf %get3A_1687, %get3A_1727 : vector<16xf32>
      %mul3A_1874 = arith.mulf %get3A_1692, %get3A_1732 : vector<16xf32>
      %mul3A_1875 = arith.mulf %get3A_1697, %get3A_1737 : vector<16xf32>
      %mul3A_1876 = arith.mulf %get3A_1702, %get3A_1742 : vector<16xf32>
      %mul3A_1877 = arith.mulf %get3A_1707, %get3A_1747 : vector<16xf32>
      %add3A_1878 = arith.addf %mul3A_1870, %mul3A_1871 : vector<16xf32>
      %add3A_1879 = arith.addf %mul3A_1872, %mul3A_1873 : vector<16xf32>
      %add3A_1880 = arith.addf %mul3A_1874, %mul3A_1875 : vector<16xf32>
      %add3A_1881 = arith.addf %mul3A_1876, %mul3A_1877 : vector<16xf32>
      %add3A_1882 = arith.addf %add3A_1878, %add3A_1879 : vector<16xf32>
      %add3A_1883 = arith.addf %add3A_1880, %add3A_1881 : vector<16xf32>
      %add3A_1884 = arith.addf %add3A_1882, %add3A_1883 : vector<16xf32>
      %reduce_sum3A_1885 = arith.constant true
      %reduce_sum3A_1886 = vector.broadcast %reduce_sum3A_1885 : i1 to vector<16xi1>
      %reduce_sum3A_1887 = tpu.scan <sum>, %add3A_1884 masked %reduce_sum3A_1886 : vector<16xf32>, vector<16xi1> -> vector<16xf32>
      %reduce_sum3A_1888 = vector.extract %reduce_sum3A_1887[15] : f32 from vector<16xf32>
      %broadcast_in_dim3A_1889 = vector.broadcast %reduce_sum3A_1888 : f32 to vector<16xf32>
      %swap3A_1890 = arith.index_cast %add3A_1869 : i32 to index
      %swap3A_1891 = tpu.vector_load %arg5[%swap3A_1890] masked %eq3A_4 {strides = array<i32>} : memref<10416xf32, #tpu.memory_space<vmem>>, vector<16xf32>, vector<16xi1>
      tpu.vector_store %arg5[%swap3A_1890], %broadcast_in_dim3A_1889 masked %eq3A_4 {strides = array<i32>} : memref<10416xf32, #tpu.memory_space<vmem>>, vector<16xf32>, vector<16xi1>
      %add3A_1892 = arith.constant 315 : i32
      %add3A_1893 = arith.addi %mul3A_16, %add3A_1892 : i32
      %add3A_1894 = arith.constant 1 : i32
      %add3A_1895 = arith.addi %add3A_1893, %add3A_1894 : i32
      %mul3A_1896 = arith.mulf %get3A_1672, %get3A_1752 : vector<16xf32>
      %mul3A_1897 = arith.mulf %get3A_1677, %get3A_1757 : vector<16xf32>
      %mul3A_1898 = arith.mulf %get3A_1682, %get3A_1762 : vector<16xf32>
      %mul3A_1899 = arith.mulf %get3A_1687, %get3A_1767 : vector<16xf32>
      %mul3A_1900 = arith.mulf %get3A_1692, %get3A_1772 : vector<16xf32>
      %mul3A_1901 = arith.mulf %get3A_1697, %get3A_1777 : vector<16xf32>
      %mul3A_1902 = arith.mulf %get3A_1702, %get3A_1782 : vector<16xf32>
      %mul3A_1903 = arith.mulf %get3A_1707, %get3A_1787 : vector<16xf32>
      %add3A_1904 = arith.addf %mul3A_1896, %mul3A_1897 : vector<16xf32>
      %add3A_1905 = arith.addf %mul3A_1898, %mul3A_1899 : vector<16xf32>
      %add3A_1906 = arith.addf %mul3A_1900, %mul3A_1901 : vector<16xf32>
      %add3A_1907 = arith.addf %mul3A_1902, %mul3A_1903 : vector<16xf32>
      %add3A_1908 = arith.addf %add3A_1904, %add3A_1905 : vector<16xf32>
      %add3A_1909 = arith.addf %add3A_1906, %add3A_1907 : vector<16xf32>
      %add3A_1910 = arith.addf %add3A_1908, %add3A_1909 : vector<16xf32>
      %reduce_sum3A_1911 = arith.constant true
      %reduce_sum3A_1912 = vector.broadcast %reduce_sum3A_1911 : i1 to vector<16xi1>
      %reduce_sum3A_1913 = tpu.scan <sum>, %add3A_1910 masked %reduce_sum3A_1912 : vector<16xf32>, vector<16xi1> -> vector<16xf32>
      %reduce_sum3A_1914 = vector.extract %reduce_sum3A_1913[15] : f32 from vector<16xf32>
      %broadcast_in_dim3A_1915 = vector.broadcast %reduce_sum3A_1914 : f32 to vector<16xf32>
      %swap3A_1916 = arith.index_cast %add3A_1895 : i32 to index
      %swap3A_1917 = tpu.vector_load %arg5[%swap3A_1916] masked %eq3A_4 {strides = array<i32>} : memref<10416xf32, #tpu.memory_space<vmem>>, vector<16xf32>, vector<16xi1>
      tpu.vector_store %arg5[%swap3A_1916], %broadcast_in_dim3A_1915 masked %eq3A_4 {strides = array<i32>} : memref<10416xf32, #tpu.memory_space<vmem>>, vector<16xf32>, vector<16xi1>
      %add3A_1918 = arith.constant 319 : i32
      %add3A_1919 = arith.addi %mul3A_16, %add3A_1918 : i32
      %add3A_1920 = arith.constant 0 : i32
      %add3A_1921 = arith.addi %add3A_1919, %add3A_1920 : i32
      %mul3A_1922 = arith.mulf %get3A_1712, %get3A_1752 : vector<16xf32>
      %mul3A_1923 = arith.mulf %get3A_1717, %get3A_1757 : vector<16xf32>
      %mul3A_1924 = arith.mulf %get3A_1722, %get3A_1762 : vector<16xf32>
      %mul3A_1925 = arith.mulf %get3A_1727, %get3A_1767 : vector<16xf32>
      %mul3A_1926 = arith.mulf %get3A_1732, %get3A_1772 : vector<16xf32>
      %mul3A_1927 = arith.mulf %get3A_1737, %get3A_1777 : vector<16xf32>
      %mul3A_1928 = arith.mulf %get3A_1742, %get3A_1782 : vector<16xf32>
      %mul3A_1929 = arith.mulf %get3A_1747, %get3A_1787 : vector<16xf32>
      %add3A_1930 = arith.addf %mul3A_1922, %mul3A_1923 : vector<16xf32>
      %add3A_1931 = arith.addf %mul3A_1924, %mul3A_1925 : vector<16xf32>
      %add3A_1932 = arith.addf %mul3A_1926, %mul3A_1927 : vector<16xf32>
      %add3A_1933 = arith.addf %mul3A_1928, %mul3A_1929 : vector<16xf32>
      %add3A_1934 = arith.addf %add3A_1930, %add3A_1931 : vector<16xf32>
      %add3A_1935 = arith.addf %add3A_1932, %add3A_1933 : vector<16xf32>
      %add3A_1936 = arith.addf %add3A_1934, %add3A_1935 : vector<16xf32>
      %reduce_sum3A_1937 = arith.constant true
      %reduce_sum3A_1938 = vector.broadcast %reduce_sum3A_1937 : i1 to vector<16xi1>
      %reduce_sum3A_1939 = tpu.scan <sum>, %add3A_1936 masked %reduce_sum3A_1938 : vector<16xf32>, vector<16xi1> -> vector<16xf32>
      %reduce_sum3A_1940 = vector.extract %reduce_sum3A_1939[15] : f32 from vector<16xf32>
      %broadcast_in_dim3A_1941 = vector.broadcast %reduce_sum3A_1940 : f32 to vector<16xf32>
      %swap3A_1942 = arith.index_cast %add3A_1921 : i32 to index
      %swap3A_1943 = tpu.vector_load %arg5[%swap3A_1942] masked %eq3A_4 {strides = array<i32>} : memref<10416xf32, #tpu.memory_space<vmem>>, vector<16xf32>, vector<16xi1>
      tpu.vector_store %arg5[%swap3A_1942], %broadcast_in_dim3A_1941 masked %eq3A_4 {strides = array<i32>} : memref<10416xf32, #tpu.memory_space<vmem>>, vector<16xf32>, vector<16xi1>
      %scan3A_1944 = arith.constant 0 : i32
      %scan3A_1945 = arith.constant 0 : i32
      %add3A_1946 = arith.constant 24 : i32
      %add3A_1947 = arith.addi %scan3A_1945, %add3A_1946 : i32
      %get3A_1948 = arith.index_cast %scan3A_13 : i32 to index
      %get3A_1949 = arith.index_cast %add3A_1947 : i32 to index
      %get3A_1950 = arith.constant 0 : index
      %get3A_1951 = tpu.vector_load %arg4[%get3A_1948, %get3A_1949, %get3A_1950] {strides = array<i32>} : memref<32x26x128xf32, #tpu.memory_space<vmem>>, vector<16xf32>,
      %get3A_1952 = arith.index_cast %scan3A_13 : i32 to index
      %get3A_1953 = arith.index_cast %add3A_1947 : i32 to index
      %get3A_1954 = arith.constant 16 : index
      %get3A_1955 = tpu.vector_load %arg4[%get3A_1952, %get3A_1953, %get3A_1954] {strides = array<i32>} : memref<32x26x128xf32, #tpu.memory_space<vmem>>, vector<16xf32>,
      %get3A_1956 = arith.index_cast %scan3A_13 : i32 to index
      %get3A_1957 = arith.index_cast %add3A_1947 : i32 to index
      %get3A_1958 = arith.constant 32 : index
      %get3A_1959 = tpu.vector_load %arg4[%get3A_1956, %get3A_1957, %get3A_1958] {strides = array<i32>} : memref<32x26x128xf32, #tpu.memory_space<vmem>>, vector<16xf32>,
      %get3A_1960 = arith.index_cast %scan3A_13 : i32 to index
      %get3A_1961 = arith.index_cast %add3A_1947 : i32 to index
      %get3A_1962 = arith.constant 48 : index
      %get3A_1963 = tpu.vector_load %arg4[%get3A_1960, %get3A_1961, %get3A_1962] {strides = array<i32>} : memref<32x26x128xf32, #tpu.memory_space<vmem>>, vector<16xf32>,
      %get3A_1964 = arith.index_cast %scan3A_13 : i32 to index
      %get3A_1965 = arith.index_cast %add3A_1947 : i32 to index
      %get3A_1966 = arith.constant 64 : index
      %get3A_1967 = tpu.vector_load %arg4[%get3A_1964, %get3A_1965, %get3A_1966] {strides = array<i32>} : memref<32x26x128xf32, #tpu.memory_space<vmem>>, vector<16xf32>,
      %get3A_1968 = arith.index_cast %scan3A_13 : i32 to index
      %get3A_1969 = arith.index_cast %add3A_1947 : i32 to index
      %get3A_1970 = arith.constant 80 : index
      %get3A_1971 = tpu.vector_load %arg4[%get3A_1968, %get3A_1969, %get3A_1970] {strides = array<i32>} : memref<32x26x128xf32, #tpu.memory_space<vmem>>, vector<16xf32>,
      %get3A_1972 = arith.index_cast %scan3A_13 : i32 to index
      %get3A_1973 = arith.index_cast %add3A_1947 : i32 to index
      %get3A_1974 = arith.constant 96 : index
      %get3A_1975 = tpu.vector_load %arg4[%get3A_1972, %get3A_1973, %get3A_1974] {strides = array<i32>} : memref<32x26x128xf32, #tpu.memory_space<vmem>>, vector<16xf32>,
      %get3A_1976 = arith.index_cast %scan3A_13 : i32 to index
      %get3A_1977 = arith.index_cast %add3A_1947 : i32 to index
      %get3A_1978 = arith.constant 112 : index
      %get3A_1979 = tpu.vector_load %arg4[%get3A_1976, %get3A_1977, %get3A_1978] {strides = array<i32>} : memref<32x26x128xf32, #tpu.memory_space<vmem>>, vector<16xf32>,
      %add3A_1980 = arith.constant 310 : i32
      %add3A_1981 = arith.addi %mul3A_16, %add3A_1980 : i32
      %add3A_1982 = arith.constant 3 : i32
      %add3A_1983 = arith.addi %add3A_1981, %add3A_1982 : i32
      %add3A_1984 = arith.addi %add3A_1983, %scan3A_1945 : i32
      %mul3A_1985 = arith.mulf %get3A_1632, %get3A_1951 : vector<16xf32>
      %mul3A_1986 = arith.mulf %get3A_1637, %get3A_1955 : vector<16xf32>
      %mul3A_1987 = arith.mulf %get3A_1642, %get3A_1959 : vector<16xf32>
      %mul3A_1988 = arith.mulf %get3A_1647, %get3A_1963 : vector<16xf32>
      %mul3A_1989 = arith.mulf %get3A_1652, %get3A_1967 : vector<16xf32>
      %mul3A_1990 = arith.mulf %get3A_1657, %get3A_1971 : vector<16xf32>
      %mul3A_1991 = arith.mulf %get3A_1662, %get3A_1975 : vector<16xf32>
      %mul3A_1992 = arith.mulf %get3A_1667, %get3A_1979 : vector<16xf32>
      %add3A_1993 = arith.addf %mul3A_1985, %mul3A_1986 : vector<16xf32>
      %add3A_1994 = arith.addf %mul3A_1987, %mul3A_1988 : vector<16xf32>
      %add3A_1995 = arith.addf %mul3A_1989, %mul3A_1990 : vector<16xf32>
      %add3A_1996 = arith.addf %mul3A_1991, %mul3A_1992 : vector<16xf32>
      %add3A_1997 = arith.addf %add3A_1993, %add3A_1994 : vector<16xf32>
      %add3A_1998 = arith.addf %add3A_1995, %add3A_1996 : vector<16xf32>
      %add3A_1999 = arith.addf %add3A_1997, %add3A_1998 : vector<16xf32>
      %reduce_sum3A_2000 = arith.constant true
      %reduce_sum3A_2001 = vector.broadcast %reduce_sum3A_2000 : i1 to vector<16xi1>
      %reduce_sum3A_2002 = tpu.scan <sum>, %add3A_1999 masked %reduce_sum3A_2001 : vector<16xf32>, vector<16xi1> -> vector<16xf32>
      %reduce_sum3A_2003 = vector.extract %reduce_sum3A_2002[15] : f32 from vector<16xf32>
      %broadcast_in_dim3A_2004 = vector.broadcast %reduce_sum3A_2003 : f32 to vector<16xf32>
      %swap3A_2005 = arith.index_cast %add3A_1984 : i32 to index
      %swap3A_2006 = tpu.vector_load %arg5[%swap3A_2005] masked %eq3A_4 {strides = array<i32>} : memref<10416xf32, #tpu.memory_space<vmem>>, vector<16xf32>, vector<16xi1>
      tpu.vector_store %arg5[%swap3A_2005], %broadcast_in_dim3A_2004 masked %eq3A_4 {strides = array<i32>} : memref<10416xf32, #tpu.memory_space<vmem>>, vector<16xf32>, vector<16xi1>
      %add3A_2007 = arith.constant 315 : i32
      %add3A_2008 = arith.addi %mul3A_16, %add3A_2007 : i32
      %add3A_2009 = arith.constant 2 : i32
      %add3A_2010 = arith.addi %add3A_2008, %add3A_2009 : i32
      %add3A_2011 = arith.addi %add3A_2010, %scan3A_1945 : i32
      %mul3A_2012 = arith.mulf %get3A_1672, %get3A_1951 : vector<16xf32>
      %mul3A_2013 = arith.mulf %get3A_1677, %get3A_1955 : vector<16xf32>
      %mul3A_2014 = arith.mulf %get3A_1682, %get3A_1959 : vector<16xf32>
      %mul3A_2015 = arith.mulf %get3A_1687, %get3A_1963 : vector<16xf32>
      %mul3A_2016 = arith.mulf %get3A_1692, %get3A_1967 : vector<16xf32>
      %mul3A_2017 = arith.mulf %get3A_1697, %get3A_1971 : vector<16xf32>
      %mul3A_2018 = arith.mulf %get3A_1702, %get3A_1975 : vector<16xf32>
      %mul3A_2019 = arith.mulf %get3A_1707, %get3A_1979 : vector<16xf32>
      %add3A_2020 = arith.addf %mul3A_2012, %mul3A_2013 : vector<16xf32>
      %add3A_2021 = arith.addf %mul3A_2014, %mul3A_2015 : vector<16xf32>
      %add3A_2022 = arith.addf %mul3A_2016, %mul3A_2017 : vector<16xf32>
      %add3A_2023 = arith.addf %mul3A_2018, %mul3A_2019 : vector<16xf32>
      %add3A_2024 = arith.addf %add3A_2020, %add3A_2021 : vector<16xf32>
      %add3A_2025 = arith.addf %add3A_2022, %add3A_2023 : vector<16xf32>
      %add3A_2026 = arith.addf %add3A_2024, %add3A_2025 : vector<16xf32>
      %reduce_sum3A_2027 = arith.constant true
      %reduce_sum3A_2028 = vector.broadcast %reduce_sum3A_2027 : i1 to vector<16xi1>
      %reduce_sum3A_2029 = tpu.scan <sum>, %add3A_2026 masked %reduce_sum3A_2028 : vector<16xf32>, vector<16xi1> -> vector<16xf32>
      %reduce_sum3A_2030 = vector.extract %reduce_sum3A_2029[15] : f32 from vector<16xf32>
      %broadcast_in_dim3A_2031 = vector.broadcast %reduce_sum3A_2030 : f32 to vector<16xf32>
      %swap3A_2032 = arith.index_cast %add3A_2011 : i32 to index
      %swap3A_2033 = tpu.vector_load %arg5[%swap3A_2032] masked %eq3A_4 {strides = array<i32>} : memref<10416xf32, #tpu.memory_space<vmem>>, vector<16xf32>, vector<16xi1>
      tpu.vector_store %arg5[%swap3A_2032], %broadcast_in_dim3A_2031 masked %eq3A_4 {strides = array<i32>} : memref<10416xf32, #tpu.memory_space<vmem>>, vector<16xf32>, vector<16xi1>
      %add3A_2034 = arith.constant 319 : i32
      %add3A_2035 = arith.addi %mul3A_16, %add3A_2034 : i32
      %add3A_2036 = arith.constant 1 : i32
      %add3A_2037 = arith.addi %add3A_2035, %add3A_2036 : i32
      %add3A_2038 = arith.addi %add3A_2037, %scan3A_1945 : i32
      %mul3A_2039 = arith.mulf %get3A_1712, %get3A_1951 : vector<16xf32>
      %mul3A_2040 = arith.mulf %get3A_1717, %get3A_1955 : vector<16xf32>
      %mul3A_2041 = arith.mulf %get3A_1722, %get3A_1959 : vector<16xf32>
      %mul3A_2042 = arith.mulf %get3A_1727, %get3A_1963 : vector<16xf32>
      %mul3A_2043 = arith.mulf %get3A_1732, %get3A_1967 : vector<16xf32>
      %mul3A_2044 = arith.mulf %get3A_1737, %get3A_1971 : vector<16xf32>
      %mul3A_2045 = arith.mulf %get3A_1742, %get3A_1975 : vector<16xf32>
      %mul3A_2046 = arith.mulf %get3A_1747, %get3A_1979 : vector<16xf32>
      %add3A_2047 = arith.addf %mul3A_2039, %mul3A_2040 : vector<16xf32>
      %add3A_2048 = arith.addf %mul3A_2041, %mul3A_2042 : vector<16xf32>
      %add3A_2049 = arith.addf %mul3A_2043, %mul3A_2044 : vector<16xf32>
      %add3A_2050 = arith.addf %mul3A_2045, %mul3A_2046 : vector<16xf32>
      %add3A_2051 = arith.addf %add3A_2047, %add3A_2048 : vector<16xf32>
      %add3A_2052 = arith.addf %add3A_2049, %add3A_2050 : vector<16xf32>
      %add3A_2053 = arith.addf %add3A_2051, %add3A_2052 : vector<16xf32>
      %reduce_sum3A_2054 = arith.constant true
      %reduce_sum3A_2055 = vector.broadcast %reduce_sum3A_2054 : i1 to vector<16xi1>
      %reduce_sum3A_2056 = tpu.scan <sum>, %add3A_2053 masked %reduce_sum3A_2055 : vector<16xf32>, vector<16xi1> -> vector<16xf32>
      %reduce_sum3A_2057 = vector.extract %reduce_sum3A_2056[15] : f32 from vector<16xf32>
      %broadcast_in_dim3A_2058 = vector.broadcast %reduce_sum3A_2057 : f32 to vector<16xf32>
      %swap3A_2059 = arith.index_cast %add3A_2038 : i32 to index
      %swap3A_2060 = tpu.vector_load %arg5[%swap3A_2059] masked %eq3A_4 {strides = array<i32>} : memref<10416xf32, #tpu.memory_space<vmem>>, vector<16xf32>, vector<16xi1>
      tpu.vector_store %arg5[%swap3A_2059], %broadcast_in_dim3A_2058 masked %eq3A_4 {strides = array<i32>} : memref<10416xf32, #tpu.memory_space<vmem>>, vector<16xf32>, vector<16xi1>
      %add3A_2061 = arith.constant 322 : i32
      %add3A_2062 = arith.addi %mul3A_16, %add3A_2061 : i32
      %add3A_2063 = arith.constant 0 : i32
      %add3A_2064 = arith.addi %add3A_2062, %add3A_2063 : i32
      %add3A_2065 = arith.addi %add3A_2064, %scan3A_1945 : i32
      %mul3A_2066 = arith.mulf %get3A_1752, %get3A_1951 : vector<16xf32>
      %mul3A_2067 = arith.mulf %get3A_1757, %get3A_1955 : vector<16xf32>
      %mul3A_2068 = arith.mulf %get3A_1762, %get3A_1959 : vector<16xf32>
      %mul3A_2069 = arith.mulf %get3A_1767, %get3A_1963 : vector<16xf32>
      %mul3A_2070 = arith.mulf %get3A_1772, %get3A_1967 : vector<16xf32>
      %mul3A_2071 = arith.mulf %get3A_1777, %get3A_1971 : vector<16xf32>
      %mul3A_2072 = arith.mulf %get3A_1782, %get3A_1975 : vector<16xf32>
      %mul3A_2073 = arith.mulf %get3A_1787, %get3A_1979 : vector<16xf32>
      %add3A_2074 = arith.addf %mul3A_2066, %mul3A_2067 : vector<16xf32>
      %add3A_2075 = arith.addf %mul3A_2068, %mul3A_2069 : vector<16xf32>
      %add3A_2076 = arith.addf %mul3A_2070, %mul3A_2071 : vector<16xf32>
      %add3A_2077 = arith.addf %mul3A_2072, %mul3A_2073 : vector<16xf32>
      %add3A_2078 = arith.addf %add3A_2074, %add3A_2075 : vector<16xf32>
      %add3A_2079 = arith.addf %add3A_2076, %add3A_2077 : vector<16xf32>
      %add3A_2080 = arith.addf %add3A_2078, %add3A_2079 : vector<16xf32>
      %reduce_sum3A_2081 = arith.constant true
      %reduce_sum3A_2082 = vector.broadcast %reduce_sum3A_2081 : i1 to vector<16xi1>
      %reduce_sum3A_2083 = tpu.scan <sum>, %add3A_2080 masked %reduce_sum3A_2082 : vector<16xf32>, vector<16xi1> -> vector<16xf32>
      %reduce_sum3A_2084 = vector.extract %reduce_sum3A_2083[15] : f32 from vector<16xf32>
      %broadcast_in_dim3A_2085 = vector.broadcast %reduce_sum3A_2084 : f32 to vector<16xf32>
      %swap3A_2086 = arith.index_cast %add3A_2065 : i32 to index
      %swap3A_2087 = tpu.vector_load %arg5[%swap3A_2086] masked %eq3A_4 {strides = array<i32>} : memref<10416xf32, #tpu.memory_space<vmem>>, vector<16xf32>, vector<16xi1>
      tpu.vector_store %arg5[%swap3A_2086], %broadcast_in_dim3A_2085 masked %eq3A_4 {strides = array<i32>} : memref<10416xf32, #tpu.memory_space<vmem>>, vector<16xf32>, vector<16xi1>
      %scan3A_2088 = arith.constant 0 : i32
      %scan3A_2089 = arith.constant 1 : i32
      %add3A_2090 = arith.constant 24 : i32
      %add3A_2091 = arith.addi %scan3A_2089, %add3A_2090 : i32
      %get3A_2092 = arith.index_cast %scan3A_13 : i32 to index
      %get3A_2093 = arith.index_cast %add3A_2091 : i32 to index
      %get3A_2094 = arith.constant 0 : index
      %get3A_2095 = tpu.vector_load %arg4[%get3A_2092, %get3A_2093, %get3A_2094] {strides = array<i32>} : memref<32x26x128xf32, #tpu.memory_space<vmem>>, vector<16xf32>,
      %get3A_2096 = arith.index_cast %scan3A_13 : i32 to index
      %get3A_2097 = arith.index_cast %add3A_2091 : i32 to index
      %get3A_2098 = arith.constant 16 : index
      %get3A_2099 = tpu.vector_load %arg4[%get3A_2096, %get3A_2097, %get3A_2098] {strides = array<i32>} : memref<32x26x128xf32, #tpu.memory_space<vmem>>, vector<16xf32>,
      %get3A_2100 = arith.index_cast %scan3A_13 : i32 to index
      %get3A_2101 = arith.index_cast %add3A_2091 : i32 to index
      %get3A_2102 = arith.constant 32 : index
      %get3A_2103 = tpu.vector_load %arg4[%get3A_2100, %get3A_2101, %get3A_2102] {strides = array<i32>} : memref<32x26x128xf32, #tpu.memory_space<vmem>>, vector<16xf32>,
      %get3A_2104 = arith.index_cast %scan3A_13 : i32 to index
      %get3A_2105 = arith.index_cast %add3A_2091 : i32 to index
      %get3A_2106 = arith.constant 48 : index
      %get3A_2107 = tpu.vector_load %arg4[%get3A_2104, %get3A_2105, %get3A_2106] {strides = array<i32>} : memref<32x26x128xf32, #tpu.memory_space<vmem>>, vector<16xf32>,
      %get3A_2108 = arith.index_cast %scan3A_13 : i32 to index
      %get3A_2109 = arith.index_cast %add3A_2091 : i32 to index
      %get3A_2110 = arith.constant 64 : index
      %get3A_2111 = tpu.vector_load %arg4[%get3A_2108, %get3A_2109, %get3A_2110] {strides = array<i32>} : memref<32x26x128xf32, #tpu.memory_space<vmem>>, vector<16xf32>,
      %get3A_2112 = arith.index_cast %scan3A_13 : i32 to index
      %get3A_2113 = arith.index_cast %add3A_2091 : i32 to index
      %get3A_2114 = arith.constant 80 : index
      %get3A_2115 = tpu.vector_load %arg4[%get3A_2112, %get3A_2113, %get3A_2114] {strides = array<i32>} : memref<32x26x128xf32, #tpu.memory_space<vmem>>, vector<16xf32>,
      %get3A_2116 = arith.index_cast %scan3A_13 : i32 to index
      %get3A_2117 = arith.index_cast %add3A_2091 : i32 to index
      %get3A_2118 = arith.constant 96 : index
      %get3A_2119 = tpu.vector_load %arg4[%get3A_2116, %get3A_2117, %get3A_2118] {strides = array<i32>} : memref<32x26x128xf32, #tpu.memory_space<vmem>>, vector<16xf32>,
      %get3A_2120 = arith.index_cast %scan3A_13 : i32 to index
      %get3A_2121 = arith.index_cast %add3A_2091 : i32 to index
      %get3A_2122 = arith.constant 112 : index
      %get3A_2123 = tpu.vector_load %arg4[%get3A_2120, %get3A_2121, %get3A_2122] {strides = array<i32>} : memref<32x26x128xf32, #tpu.memory_space<vmem>>, vector<16xf32>,
      %add3A_2124 = arith.constant 310 : i32
      %add3A_2125 = arith.addi %mul3A_16, %add3A_2124 : i32
      %add3A_2126 = arith.constant 3 : i32
      %add3A_2127 = arith.addi %add3A_2125, %add3A_2126 : i32
      %add3A_2128 = arith.addi %add3A_2127, %scan3A_2089 : i32
      %mul3A_2129 = arith.mulf %get3A_1632, %get3A_2095 : vector<16xf32>
      %mul3A_2130 = arith.mulf %get3A_1637, %get3A_2099 : vector<16xf32>
      %mul3A_2131 = arith.mulf %get3A_1642, %get3A_2103 : vector<16xf32>
      %mul3A_2132 = arith.mulf %get3A_1647, %get3A_2107 : vector<16xf32>
      %mul3A_2133 = arith.mulf %get3A_1652, %get3A_2111 : vector<16xf32>
      %mul3A_2134 = arith.mulf %get3A_1657, %get3A_2115 : vector<16xf32>
      %mul3A_2135 = arith.mulf %get3A_1662, %get3A_2119 : vector<16xf32>
      %mul3A_2136 = arith.mulf %get3A_1667, %get3A_2123 : vector<16xf32>
      %add3A_2137 = arith.addf %mul3A_2129, %mul3A_2130 : vector<16xf32>
      %add3A_2138 = arith.addf %mul3A_2131, %mul3A_2132 : vector<16xf32>
      %add3A_2139 = arith.addf %mul3A_2133, %mul3A_2134 : vector<16xf32>
      %add3A_2140 = arith.addf %mul3A_2135, %mul3A_2136 : vector<16xf32>
      %add3A_2141 = arith.addf %add3A_2137, %add3A_2138 : vector<16xf32>
      %add3A_2142 = arith.addf %add3A_2139, %add3A_2140 : vector<16xf32>
      %add3A_2143 = arith.addf %add3A_2141, %add3A_2142 : vector<16xf32>
      %reduce_sum3A_2144 = arith.constant true
      %reduce_sum3A_2145 = vector.broadcast %reduce_sum3A_2144 : i1 to vector<16xi1>
      %reduce_sum3A_2146 = tpu.scan <sum>, %add3A_2143 masked %reduce_sum3A_2145 : vector<16xf32>, vector<16xi1> -> vector<16xf32>
      %reduce_sum3A_2147 = vector.extract %reduce_sum3A_2146[15] : f32 from vector<16xf32>
      %broadcast_in_dim3A_2148 = vector.broadcast %reduce_sum3A_2147 : f32 to vector<16xf32>
      %swap3A_2149 = arith.index_cast %add3A_2128 : i32 to index
      %swap3A_2150 = tpu.vector_load %arg5[%swap3A_2149] masked %eq3A_4 {strides = array<i32>} : memref<10416xf32, #tpu.memory_space<vmem>>, vector<16xf32>, vector<16xi1>
      tpu.vector_store %arg5[%swap3A_2149], %broadcast_in_dim3A_2148 masked %eq3A_4 {strides = array<i32>} : memref<10416xf32, #tpu.memory_space<vmem>>, vector<16xf32>, vector<16xi1>
      %add3A_2151 = arith.constant 315 : i32
      %add3A_2152 = arith.addi %mul3A_16, %add3A_2151 : i32
      %add3A_2153 = arith.constant 2 : i32
      %add3A_2154 = arith.addi %add3A_2152, %add3A_2153 : i32
      %add3A_2155 = arith.addi %add3A_2154, %scan3A_2089 : i32
      %mul3A_2156 = arith.mulf %get3A_1672, %get3A_2095 : vector<16xf32>
      %mul3A_2157 = arith.mulf %get3A_1677, %get3A_2099 : vector<16xf32>
      %mul3A_2158 = arith.mulf %get3A_1682, %get3A_2103 : vector<16xf32>
      %mul3A_2159 = arith.mulf %get3A_1687, %get3A_2107 : vector<16xf32>
      %mul3A_2160 = arith.mulf %get3A_1692, %get3A_2111 : vector<16xf32>
      %mul3A_2161 = arith.mulf %get3A_1697, %get3A_2115 : vector<16xf32>
      %mul3A_2162 = arith.mulf %get3A_1702, %get3A_2119 : vector<16xf32>
      %mul3A_2163 = arith.mulf %get3A_1707, %get3A_2123 : vector<16xf32>
      %add3A_2164 = arith.addf %mul3A_2156, %mul3A_2157 : vector<16xf32>
      %add3A_2165 = arith.addf %mul3A_2158, %mul3A_2159 : vector<16xf32>
      %add3A_2166 = arith.addf %mul3A_2160, %mul3A_2161 : vector<16xf32>
      %add3A_2167 = arith.addf %mul3A_2162, %mul3A_2163 : vector<16xf32>
      %add3A_2168 = arith.addf %add3A_2164, %add3A_2165 : vector<16xf32>
      %add3A_2169 = arith.addf %add3A_2166, %add3A_2167 : vector<16xf32>
      %add3A_2170 = arith.addf %add3A_2168, %add3A_2169 : vector<16xf32>
      %reduce_sum3A_2171 = arith.constant true
      %reduce_sum3A_2172 = vector.broadcast %reduce_sum3A_2171 : i1 to vector<16xi1>
      %reduce_sum3A_2173 = tpu.scan <sum>, %add3A_2170 masked %reduce_sum3A_2172 : vector<16xf32>, vector<16xi1> -> vector<16xf32>
      %reduce_sum3A_2174 = vector.extract %reduce_sum3A_2173[15] : f32 from vector<16xf32>
      %broadcast_in_dim3A_2175 = vector.broadcast %reduce_sum3A_2174 : f32 to vector<16xf32>
      %swap3A_2176 = arith.index_cast %add3A_2155 : i32 to index
      %swap3A_2177 = tpu.vector_load %arg5[%swap3A_2176] masked %eq3A_4 {strides = array<i32>} : memref<10416xf32, #tpu.memory_space<vmem>>, vector<16xf32>, vector<16xi1>
      tpu.vector_store %arg5[%swap3A_2176], %broadcast_in_dim3A_2175 masked %eq3A_4 {strides = array<i32>} : memref<10416xf32, #tpu.memory_space<vmem>>, vector<16xf32>, vector<16xi1>
      %add3A_2178 = arith.constant 319 : i32
      %add3A_2179 = arith.addi %mul3A_16, %add3A_2178 : i32
      %add3A_2180 = arith.constant 1 : i32
      %add3A_2181 = arith.addi %add3A_2179, %add3A_2180 : i32
      %add3A_2182 = arith.addi %add3A_2181, %scan3A_2089 : i32
      %mul3A_2183 = arith.mulf %get3A_1712, %get3A_2095 : vector<16xf32>
      %mul3A_2184 = arith.mulf %get3A_1717, %get3A_2099 : vector<16xf32>
      %mul3A_2185 = arith.mulf %get3A_1722, %get3A_2103 : vector<16xf32>
      %mul3A_2186 = arith.mulf %get3A_1727, %get3A_2107 : vector<16xf32>
      %mul3A_2187 = arith.mulf %get3A_1732, %get3A_2111 : vector<16xf32>
      %mul3A_2188 = arith.mulf %get3A_1737, %get3A_2115 : vector<16xf32>
      %mul3A_2189 = arith.mulf %get3A_1742, %get3A_2119 : vector<16xf32>
      %mul3A_2190 = arith.mulf %get3A_1747, %get3A_2123 : vector<16xf32>
      %add3A_2191 = arith.addf %mul3A_2183, %mul3A_2184 : vector<16xf32>
      %add3A_2192 = arith.addf %mul3A_2185, %mul3A_2186 : vector<16xf32>
      %add3A_2193 = arith.addf %mul3A_2187, %mul3A_2188 : vector<16xf32>
      %add3A_2194 = arith.addf %mul3A_2189, %mul3A_2190 : vector<16xf32>
      %add3A_2195 = arith.addf %add3A_2191, %add3A_2192 : vector<16xf32>
      %add3A_2196 = arith.addf %add3A_2193, %add3A_2194 : vector<16xf32>
      %add3A_2197 = arith.addf %add3A_2195, %add3A_2196 : vector<16xf32>
      %reduce_sum3A_2198 = arith.constant true
      %reduce_sum3A_2199 = vector.broadcast %reduce_sum3A_2198 : i1 to vector<16xi1>
      %reduce_sum3A_2200 = tpu.scan <sum>, %add3A_2197 masked %reduce_sum3A_2199 : vector<16xf32>, vector<16xi1> -> vector<16xf32>
      %reduce_sum3A_2201 = vector.extract %reduce_sum3A_2200[15] : f32 from vector<16xf32>
      %broadcast_in_dim3A_2202 = vector.broadcast %reduce_sum3A_2201 : f32 to vector<16xf32>
      %swap3A_2203 = arith.index_cast %add3A_2182 : i32 to index
      %swap3A_2204 = tpu.vector_load %arg5[%swap3A_2203] masked %eq3A_4 {strides = array<i32>} : memref<10416xf32, #tpu.memory_space<vmem>>, vector<16xf32>, vector<16xi1>
      tpu.vector_store %arg5[%swap3A_2203], %broadcast_in_dim3A_2202 masked %eq3A_4 {strides = array<i32>} : memref<10416xf32, #tpu.memory_space<vmem>>, vector<16xf32>, vector<16xi1>
      %add3A_2205 = arith.constant 322 : i32
      %add3A_2206 = arith.addi %mul3A_16, %add3A_2205 : i32
      %add3A_2207 = arith.constant 0 : i32
      %add3A_2208 = arith.addi %add3A_2206, %add3A_2207 : i32
      %add3A_2209 = arith.addi %add3A_2208, %scan3A_2089 : i32
      %mul3A_2210 = arith.mulf %get3A_1752, %get3A_2095 : vector<16xf32>
      %mul3A_2211 = arith.mulf %get3A_1757, %get3A_2099 : vector<16xf32>
      %mul3A_2212 = arith.mulf %get3A_1762, %get3A_2103 : vector<16xf32>
      %mul3A_2213 = arith.mulf %get3A_1767, %get3A_2107 : vector<16xf32>
      %mul3A_2214 = arith.mulf %get3A_1772, %get3A_2111 : vector<16xf32>
      %mul3A_2215 = arith.mulf %get3A_1777, %get3A_2115 : vector<16xf32>
      %mul3A_2216 = arith.mulf %get3A_1782, %get3A_2119 : vector<16xf32>
      %mul3A_2217 = arith.mulf %get3A_1787, %get3A_2123 : vector<16xf32>
      %add3A_2218 = arith.addf %mul3A_2210, %mul3A_2211 : vector<16xf32>
      %add3A_2219 = arith.addf %mul3A_2212, %mul3A_2213 : vector<16xf32>
      %add3A_2220 = arith.addf %mul3A_2214, %mul3A_2215 : vector<16xf32>
      %add3A_2221 = arith.addf %mul3A_2216, %mul3A_2217 : vector<16xf32>
      %add3A_2222 = arith.addf %add3A_2218, %add3A_2219 : vector<16xf32>
      %add3A_2223 = arith.addf %add3A_2220, %add3A_2221 : vector<16xf32>
      %add3A_2224 = arith.addf %add3A_2222, %add3A_2223 : vector<16xf32>
      %reduce_sum3A_2225 = arith.constant true
      %reduce_sum3A_2226 = vector.broadcast %reduce_sum3A_2225 : i1 to vector<16xi1>
      %reduce_sum3A_2227 = tpu.scan <sum>, %add3A_2224 masked %reduce_sum3A_2226 : vector<16xf32>, vector<16xi1> -> vector<16xf32>
      %reduce_sum3A_2228 = vector.extract %reduce_sum3A_2227[15] : f32 from vector<16xf32>
      %broadcast_in_dim3A_2229 = vector.broadcast %reduce_sum3A_2228 : f32 to vector<16xf32>
      %swap3A_2230 = arith.index_cast %add3A_2209 : i32 to index
      %swap3A_2231 = tpu.vector_load %arg5[%swap3A_2230] masked %eq3A_4 {strides = array<i32>} : memref<10416xf32, #tpu.memory_space<vmem>>, vector<16xf32>, vector<16xi1>
      tpu.vector_store %arg5[%swap3A_2230], %broadcast_in_dim3A_2229 masked %eq3A_4 {strides = array<i32>} : memref<10416xf32, #tpu.memory_space<vmem>>, vector<16xf32>, vector<16xi1>
      %scan3A_2232 = arith.constant 0 : i32
      %scan3A_2233 = arith.constant 2 : i32
      %get3A_2234 = arith.constant 24 : i32
      %get3A_2235 = arith.index_cast %scan3A_13 : i32 to index
      %get3A_2236 = arith.index_cast %get3A_2234 : i32 to index
      %get3A_2237 = arith.constant 0 : index
      %get3A_2238 = tpu.vector_load %arg4[%get3A_2235, %get3A_2236, %get3A_2237] {strides = array<i32>} : memref<32x26x128xf32, #tpu.memory_space<vmem>>, vector<16xf32>,
      %get3A_2239 = arith.constant 24 : i32
      %get3A_2240 = arith.index_cast %scan3A_13 : i32 to index
      %get3A_2241 = arith.index_cast %get3A_2239 : i32 to index
      %get3A_2242 = arith.constant 16 : index
      %get3A_2243 = tpu.vector_load %arg4[%get3A_2240, %get3A_2241, %get3A_2242] {strides = array<i32>} : memref<32x26x128xf32, #tpu.memory_space<vmem>>, vector<16xf32>,
      %get3A_2244 = arith.constant 24 : i32
      %get3A_2245 = arith.index_cast %scan3A_13 : i32 to index
      %get3A_2246 = arith.index_cast %get3A_2244 : i32 to index
      %get3A_2247 = arith.constant 32 : index
      %get3A_2248 = tpu.vector_load %arg4[%get3A_2245, %get3A_2246, %get3A_2247] {strides = array<i32>} : memref<32x26x128xf32, #tpu.memory_space<vmem>>, vector<16xf32>,
      %get3A_2249 = arith.constant 24 : i32
      %get3A_2250 = arith.index_cast %scan3A_13 : i32 to index
      %get3A_2251 = arith.index_cast %get3A_2249 : i32 to index
      %get3A_2252 = arith.constant 48 : index
      %get3A_2253 = tpu.vector_load %arg4[%get3A_2250, %get3A_2251, %get3A_2252] {strides = array<i32>} : memref<32x26x128xf32, #tpu.memory_space<vmem>>, vector<16xf32>,
      %get3A_2254 = arith.constant 24 : i32
      %get3A_2255 = arith.index_cast %scan3A_13 : i32 to index
      %get3A_2256 = arith.index_cast %get3A_2254 : i32 to index
      %get3A_2257 = arith.constant 64 : index
      %get3A_2258 = tpu.vector_load %arg4[%get3A_2255, %get3A_2256, %get3A_2257] {strides = array<i32>} : memref<32x26x128xf32, #tpu.memory_space<vmem>>, vector<16xf32>,
      %get3A_2259 = arith.constant 24 : i32
      %get3A_2260 = arith.index_cast %scan3A_13 : i32 to index
      %get3A_2261 = arith.index_cast %get3A_2259 : i32 to index
      %get3A_2262 = arith.constant 80 : index
      %get3A_2263 = tpu.vector_load %arg4[%get3A_2260, %get3A_2261, %get3A_2262] {strides = array<i32>} : memref<32x26x128xf32, #tpu.memory_space<vmem>>, vector<16xf32>,
      %get3A_2264 = arith.constant 24 : i32
      %get3A_2265 = arith.index_cast %scan3A_13 : i32 to index
      %get3A_2266 = arith.index_cast %get3A_2264 : i32 to index
      %get3A_2267 = arith.constant 96 : index
      %get3A_2268 = tpu.vector_load %arg4[%get3A_2265, %get3A_2266, %get3A_2267] {strides = array<i32>} : memref<32x26x128xf32, #tpu.memory_space<vmem>>, vector<16xf32>,
      %get3A_2269 = arith.constant 24 : i32
      %get3A_2270 = arith.index_cast %scan3A_13 : i32 to index
      %get3A_2271 = arith.index_cast %get3A_2269 : i32 to index
      %get3A_2272 = arith.constant 112 : index
      %get3A_2273 = tpu.vector_load %arg4[%get3A_2270, %get3A_2271, %get3A_2272] {strides = array<i32>} : memref<32x26x128xf32, #tpu.memory_space<vmem>>, vector<16xf32>,
      %get3A_2274 = arith.constant 25 : i32
      %get3A_2275 = arith.index_cast %scan3A_13 : i32 to index
      %get3A_2276 = arith.index_cast %get3A_2274 : i32 to index
      %get3A_2277 = arith.constant 0 : index
      %get3A_2278 = tpu.vector_load %arg4[%get3A_2275, %get3A_2276, %get3A_2277] {strides = array<i32>} : memref<32x26x128xf32, #tpu.memory_space<vmem>>, vector<16xf32>,
      %get3A_2279 = arith.constant 25 : i32
      %get3A_2280 = arith.index_cast %scan3A_13 : i32 to index
      %get3A_2281 = arith.index_cast %get3A_2279 : i32 to index
      %get3A_2282 = arith.constant 16 : index
      %get3A_2283 = tpu.vector_load %arg4[%get3A_2280, %get3A_2281, %get3A_2282] {strides = array<i32>} : memref<32x26x128xf32, #tpu.memory_space<vmem>>, vector<16xf32>,
      %get3A_2284 = arith.constant 25 : i32
      %get3A_2285 = arith.index_cast %scan3A_13 : i32 to index
      %get3A_2286 = arith.index_cast %get3A_2284 : i32 to index
      %get3A_2287 = arith.constant 32 : index
      %get3A_2288 = tpu.vector_load %arg4[%get3A_2285, %get3A_2286, %get3A_2287] {strides = array<i32>} : memref<32x26x128xf32, #tpu.memory_space<vmem>>, vector<16xf32>,
      %get3A_2289 = arith.constant 25 : i32
      %get3A_2290 = arith.index_cast %scan3A_13 : i32 to index
      %get3A_2291 = arith.index_cast %get3A_2289 : i32 to index
      %get3A_2292 = arith.constant 48 : index
      %get3A_2293 = tpu.vector_load %arg4[%get3A_2290, %get3A_2291, %get3A_2292] {strides = array<i32>} : memref<32x26x128xf32, #tpu.memory_space<vmem>>, vector<16xf32>,
      %get3A_2294 = arith.constant 25 : i32
      %get3A_2295 = arith.index_cast %scan3A_13 : i32 to index
      %get3A_2296 = arith.index_cast %get3A_2294 : i32 to index
      %get3A_2297 = arith.constant 64 : index
      %get3A_2298 = tpu.vector_load %arg4[%get3A_2295, %get3A_2296, %get3A_2297] {strides = array<i32>} : memref<32x26x128xf32, #tpu.memory_space<vmem>>, vector<16xf32>,
      %get3A_2299 = arith.constant 25 : i32
      %get3A_2300 = arith.index_cast %scan3A_13 : i32 to index
      %get3A_2301 = arith.index_cast %get3A_2299 : i32 to index
      %get3A_2302 = arith.constant 80 : index
      %get3A_2303 = tpu.vector_load %arg4[%get3A_2300, %get3A_2301, %get3A_2302] {strides = array<i32>} : memref<32x26x128xf32, #tpu.memory_space<vmem>>, vector<16xf32>,
      %get3A_2304 = arith.constant 25 : i32
      %get3A_2305 = arith.index_cast %scan3A_13 : i32 to index
      %get3A_2306 = arith.index_cast %get3A_2304 : i32 to index
      %get3A_2307 = arith.constant 96 : index
      %get3A_2308 = tpu.vector_load %arg4[%get3A_2305, %get3A_2306, %get3A_2307] {strides = array<i32>} : memref<32x26x128xf32, #tpu.memory_space<vmem>>, vector<16xf32>,
      %get3A_2309 = arith.constant 25 : i32
      %get3A_2310 = arith.index_cast %scan3A_13 : i32 to index
      %get3A_2311 = arith.index_cast %get3A_2309 : i32 to index
      %get3A_2312 = arith.constant 112 : index
      %get3A_2313 = tpu.vector_load %arg4[%get3A_2310, %get3A_2311, %get3A_2312] {strides = array<i32>} : memref<32x26x128xf32, #tpu.memory_space<vmem>>, vector<16xf32>,
      %add3A_2314 = arith.constant 324 : i32
      %add3A_2315 = arith.addi %mul3A_16, %add3A_2314 : i32
      %add3A_2316 = arith.constant 0 : i32
      %add3A_2317 = arith.addi %add3A_2315, %add3A_2316 : i32
      %mul3A_2318 = arith.mulf %get3A_2238, %get3A_2278 : vector<16xf32>
      %mul3A_2319 = arith.mulf %get3A_2243, %get3A_2283 : vector<16xf32>
      %mul3A_2320 = arith.mulf %get3A_2248, %get3A_2288 : vector<16xf32>
      %mul3A_2321 = arith.mulf %get3A_2253, %get3A_2293 : vector<16xf32>
      %mul3A_2322 = arith.mulf %get3A_2258, %get3A_2298 : vector<16xf32>
      %mul3A_2323 = arith.mulf %get3A_2263, %get3A_2303 : vector<16xf32>
      %mul3A_2324 = arith.mulf %get3A_2268, %get3A_2308 : vector<16xf32>
      %mul3A_2325 = arith.mulf %get3A_2273, %get3A_2313 : vector<16xf32>
      %add3A_2326 = arith.addf %mul3A_2318, %mul3A_2319 : vector<16xf32>
      %add3A_2327 = arith.addf %mul3A_2320, %mul3A_2321 : vector<16xf32>
      %add3A_2328 = arith.addf %mul3A_2322, %mul3A_2323 : vector<16xf32>
      %add3A_2329 = arith.addf %mul3A_2324, %mul3A_2325 : vector<16xf32>
      %add3A_2330 = arith.addf %add3A_2326, %add3A_2327 : vector<16xf32>
      %add3A_2331 = arith.addf %add3A_2328, %add3A_2329 : vector<16xf32>
      %add3A_2332 = arith.addf %add3A_2330, %add3A_2331 : vector<16xf32>
      %reduce_sum3A_2333 = arith.constant true
      %reduce_sum3A_2334 = vector.broadcast %reduce_sum3A_2333 : i1 to vector<16xi1>
      %reduce_sum3A_2335 = tpu.scan <sum>, %add3A_2332 masked %reduce_sum3A_2334 : vector<16xf32>, vector<16xi1> -> vector<16xf32>
      %reduce_sum3A_2336 = vector.extract %reduce_sum3A_2335[15] : f32 from vector<16xf32>
      %broadcast_in_dim3A_2337 = vector.broadcast %reduce_sum3A_2336 : f32 to vector<16xf32>
      %swap3A_2338 = arith.index_cast %add3A_2317 : i32 to index
      %swap3A_2339 = tpu.vector_load %arg5[%swap3A_2338] masked %eq3A_4 {strides = array<i32>} : memref<10416xf32, #tpu.memory_space<vmem>>, vector<16xf32>, vector<16xi1>
      tpu.vector_store %arg5[%swap3A_2338], %broadcast_in_dim3A_2337 masked %eq3A_4 {strides = array<i32>} : memref<10416xf32, #tpu.memory_space<vmem>>, vector<16xf32>, vector<16xi1>
      %scan3A_2340 = arith.constant 0 : i32
      scf.yield %scan3A_2340 : i32
    }
    %scan3A_10 = arith.constant 32 : i32
    %mul3A_11 = arith.constant 10400 : i32
    %mul3A_12 = arith.muli %add3A, %mul3A_11 : i32
    "tpu.region"() ({
      %run_scoped3A = tpu.sem_alloc : memref<!tpu.dma_semaphore, #tpu.memory_space<semaphore_mem>>
      %dma_start3A = arith.constant 0 : i32
      %dma_start3A_13 = tpu.memref_slice %arg5[%dma_start3A] : memref<10416xf32, #tpu.memory_space<vmem>> -> memref<10400xf32, #tpu.memory_space<vmem>>
      %dma_start3A_14 = tpu.memref_slice %arg3[%mul3A_12] : memref<332800xf32, #tpu.memory_space<hbm>> -> memref<10400xf32, #tpu.memory_space<hbm>>
      %dma_start3A_15 = tpu.memref_slice %arg3[%mul3A_12] : memref<332800xf32, #tpu.memory_space<hbm>> -> memref<10400xf32, #tpu.memory_space<hbm>>
      %dma_start3A_16 = arith.constant 0 : i32
      %dma_start3A_17 = tpu.memref_slice %arg5[%dma_start3A_16] : memref<10416xf32, #tpu.memory_space<vmem>> -> memref<10400xf32, #tpu.memory_space<vmem>>
      tpu.enqueue_dma source(%dma_start3A_17 : memref<10400xf32, #tpu.memory_space<vmem>>) target(%dma_start3A_15 : memref<10400xf32, #tpu.memory_space<hbm>>) target_semaphore(%run_scoped3A : memref<!tpu.dma_semaphore, #tpu.memory_space<semaphore_mem>>)
      %dma_wait3A = arith.constant 0 : i32
      %dma_wait3A_18 = tpu.memref_slice %arg5[%dma_wait3A] : memref<10416xf32, #tpu.memory_space<vmem>> -> memref<10400xf32, #tpu.memory_space<vmem>>
      %dma_wait3A_19 = tpu.memref_slice %arg3[%mul3A_12] : memref<332800xf32, #tpu.memory_space<hbm>> -> memref<10400xf32, #tpu.memory_space<hbm>>
      %dma_wait3A_20 = tpu.memref_slice %arg3[%mul3A_12] : memref<332800xf32, #tpu.memory_space<hbm>> -> memref<10400xf32, #tpu.memory_space<hbm>>
      %dma_wait3A_21 = arith.constant 0 : i32
      %dma_wait3A_22 = tpu.memref_slice %arg5[%dma_wait3A_21] : memref<10416xf32, #tpu.memory_space<vmem>> -> memref<10400xf32, #tpu.memory_space<vmem>>
      tpu.wait_dma2 semaphore(%run_scoped3A : memref<!tpu.dma_semaphore, #tpu.memory_space<semaphore_mem>>) src(%dma_wait3A_22 : memref<10400xf32, #tpu.memory_space<vmem>>) dst(%dma_wait3A_20 : memref<10400xf32, #tpu.memory_space<hbm>>)
      tpu.yield
    }) : () -> ()
    return
  }
}

</mosaic_0001>

<sc_bundles>
// kernel: kernel.3.cloned.1.call-start
scs
__scs_entry_jumppad:
0x0: {  	(pc) =	sbr.rel $0x88, $3  }
0x1: {  	(tag) =	ssettag $0x0;
	lr =	simm.s32 $0x1  }
0x2: {  	[smem:$0x3FA0] =	sst lr;
	_ =	strace $0xD0000000  }
0x3: {  	_ = 	snop  }
0x4: {  	_ = 	snop  }
0x5: {  	_ = 	snop  }
0x6: {  	_ = 	snop  }
0x7: {  	_ = 	snop  }
__scs_overlays_trampoline_lowered:
0x8: {  	[smem:$0x3FAF] =	sst s0  }
0x9: {  	[smem:$0x3FB0] =	sst s1  }
0xa: {  	[smem:$0x3FB1] =	sst s2  }
0xb: {  	[smem:$0x3FB2] =	sst s3  }
0xc: {  	[smem:$0x3FB3] =	sst s4  }
0xd: {  	[smem:$0x3FB4] =	sst s5  }
0xe: {  	[smem:$0x3FB5] =	sst s6  }
0xf: {  	[smem:$0x3FB6] =	sst s7  }
0x10: {  	[smem:$0x3FB7] =	sst s8  }
0x11: {  	[smem:$0x3FB8] =	sst s9;
	s0 =	simm.s32 @!p0 $0x0  }
0x12: {  	s1 =	sld [smem:$0x3F9E];
	s0 =	simm.s32 @p0 $0x1  }
0x13: {  	[smem:$0x3FB9] =	sst s0;
	s0 =	simm.s32 @!p1 $0x0  }
0x14: {  	s2 =	sld [smem:$0x3F9D];
	s0 =	simm.s32 @p1 $0x1  }
0x15: {  	[smem:$0x3FBA] =	sst s0;
	s0 =	simm.s32 @!p2 $0x0  }
0x16: {  	s3 =	sld [smem:$0x3FDB];
	s0 =	simm.s32 @p2 $0x1  }
0x17: {  	s4 =	simm.s32 $0x1BF5;
	[smem:$0x3FBC] =	sst s0  }
0x18: {  	s0 =	sld [smem:$0x3F9F];
	_ =	swait.ge [sflag:s4], $0x0  }
0x19: {  	s7 =	sld [smem:$0x3FA0]  }
0x1a: {  	s8 =	sadd.s32 $0xFFFFE003, lr  }
0x1b: {  	s9 =	sadd.s32 $0xFFFFFEF7, lr;
	s5 =	simm.s32 $0xFFFFFFFF;
	p2 =	slt.u32 s8, $0xFFFFF086  }
0x1c: {  	p1 =	slt.u32 s9, $0xF7A;
	s5 =	simm.s32 @!p2 $0x0  }
0x1d: {  	s5 =	simm.s32 @p1 $0x1;
	p0 =	seq.s32 s7, s2  }
0x1e: {  	s7 =	smul.u32 @!p0 $0xF7A, s2;
	p2 =	seq.s32 @!p0 s5, $0x0  }
0x1f: {  	s9 =	smul.u32 $0xF7A, s1;
	s8 =	simm.s32 @!p0 $0x1BF5;
	p2 =	por !p2, p0  }
0x20: {  	[sflag:s8] =	ssyncset.s32 @!p0 $0xFFFFF086;
	s6 =	sadd.s32 @!p0 s3, s7;
	s7 =	simm.s32 @!p0 $0x108  }
0x21: {  	s3 =	sadd.s32 s3, s9;
	s6 =	sadd.s32 @!p0 $0x88, s6;
	s7 =	simm.s32 @p2 $0x1082  }
0x22: {  	[simem:s7], [sflag:s8] =	dma.local @!p0 [hbm:s6], $0xF7A  }
0x23: {  	s9 =	sor.u32 $0xD0000000, s2;
	s6 =	simm.s32 $0x108;
	_ =	swait.ge @!p0 [sflag:s8], $0x0  }
0x24: {  	s3 =	sadd.s32 $0x88, s3;
	s6 =	simm.s32 @!p1 $0x1082;
	[sflag:s4] =	ssyncset.s32 $0xFFFFF086  }
0x25: {  	[simem:s6], [sflag:s4] =	dma.local [hbm:s3], $0xF7A  }
0x26: {  	[smem:$0x3FA0] =	sst s1;
	(tag) =	ssettag s2;
	_ =	strace s9  }
0x27: {  	s1 =	sld [smem:$0x3FB0]  }
0x28: {  	s2 =	sld [smem:$0x3FB1]  }
0x29: {  	s4 =	sld [smem:$0x3FB3]  }
0x2a: {  	p0 =	seq.s32 s5, $0x0;
	s5 =	sld [smem:$0x3FB4]  }
0x2b: {  	s6 =	sld [smem:$0x3FB5]  }
0x2c: {  	s7 =	sld [smem:$0x3FB6]  }
0x2d: {  	s3 =	simm.s32 $0x108;
	s8 =	sld [smem:$0x3FB7]  }
0x2e: {  	s3 =	simm.s32 @!p0 $0x1082;
	s9 =	sld [smem:$0x3FB8]  }
0x2f: {  	lr =	sadd.s32 s0, s3;
	s0 =	sld [smem:$0x3FAF]  }
0x30: {  	s3 =	sld [smem:$0x3FB2]  }
0x31: {  	[smem:$0x3FBB] =	sst s10  }
0x32: {  	s10 =	sld [smem:$0x3FB9];
	_ =	sdelay $0x3  }
0x33: {  	p0 =	seq.s32 s10, $0x1;
	s10 =	sld [smem:$0x3FBB];
	_ =	sdelay $0x3  }
0x34: {  	[smem:$0x3FBB] =	sst s10  }
0x35: {  	s10 =	sld [smem:$0x3FBA];
	_ =	sdelay $0x3  }
0x36: {  	p1 =	seq.s32 s10, $0x1;
	s10 =	sld [smem:$0x3FBB];
	_ =	sdelay $0x3  }
0x37: {  	[smem:$0x3FBB] =	sst s10  }
0x38: {  	s10 =	sld [smem:$0x3FBC]  }
0x39: {  	_ = 	snop;
	(pc) =	sbr.ind lr, $3  }
0x3a: {  	_ = 	snop  }
0x3b: {  	_ = 	snop  }
0x3c: {  	p2 =	seq.s32 s10, $0x1;
	s10 =	sld [smem:$0x3FBB]  }
0x3d: {  	_ =	shalt  }
0x3e: {  	_ =	shalt  }
0x3f: {  	_ =	shalt  }
0x40: {  	_ =	shalt  }
0x41: {  	_ =	shalt  }
0x42: {  	_ =	shalt  }
0x43: {  	_ =	shalt  }
0x44: {  	_ =	shalt  }
0x45: {  	_ =	shalt  }
0x46: {  	_ =	shalt  }
0x47: {  	_ =	shalt  }
0x48: {  	_ =	shalt  }
0x49: {  	_ =	shalt  }
0x4a: {  	_ =	shalt  }
0x4b: {  	_ =	shalt  }
0x4c: {  	_ =	shalt  }
0x4d: {  	_ =	shalt  }
0x4e: {  	_ =	shalt  }
0x4f: {  	_ =	shalt  }
0x50: {  	_ =	shalt  }
0x51: {  	_ =	shalt  }
0x52: {  	_ =	shalt  }
0x53: {  	_ =	shalt  }
0x54: {  	_ =	shalt  }
0x55: {  	_ =	shalt  }
0x56: {  	_ =	shalt  }
0x57: {  	_ =	shalt  }
0x58: {  	_ =	shalt  }
0x59: {  	_ =	shalt  }
0x5a: {  	_ =	shalt  }
0x5b: {  	_ =	shalt  }
0x5c: {  	_ =	shalt  }
0x5d: {  	_ =	shalt  }
0x5e: {  	_ =	shalt  }
0x5f: {  	_ =	shalt  }
0x60: {  	_ =	shalt  }
0x61: {  	_ =	shalt  }
0x62: {  	_ =	shalt  }
0x63: {  	_ =	shalt  }
0x64: {  	_ =	shalt  }
0x65: {  	_ =	shalt  }
0x66: {  	_ =	shalt  }
0x67: {  	_ =	shalt  }
0x68: {  	_ =	shalt  }
0x69: {  	_ =	shalt  }
0x6a: {  	_ =	shalt  }
0x6b: {  	_ =	shalt  }
0x6c: {  	_ =	shalt  }
0x6d: {  	_ =	shalt  }
0x6e: {  	_ =	shalt  }
0x6f: {  	_ =	shalt  }
0x70: {  	_ =	shalt  }
0x71: {  	_ =	shalt  }
0x72: {  	_ =	shalt  }
0x73: {  	_ =	shalt  }
0x74: {  	_ =	shalt  }
0x75: {  	_ =	shalt  }
0x76: {  	_ =	shalt  }
0x77: {  	_ =	shalt  }
0x78: {  	_ =	shalt  }
0x79: {  	_ =	shalt  }
0x7a: {  	_ =	shalt  }
0x7b: {  	_ =	shalt  }
0x7c: {  	_ =	shalt  }
0x7d: {  	_ =	shalt  }
0x7e: {  	_ =	shalt  }
0x7f: {  	_ =	shalt  }
0x80: {  	_ =	shalt  }
0x81: {  	_ =	shalt  }
0x82: {  	_ =	shalt  }
0x83: {  	_ =	shalt  }
0x84: {  	_ =	shalt  }
0x85: {  	_ =	shalt  }
0x86: {  	_ =	shalt  }
0x87: {  	_ =	shalt  }
.Lfunc_end0:
.L_simem_size_0:
called_computation_lowered:
.L_overlay_start_0:
0x88: {  	s2 =	sld [smem:$0x3FD9]  }
0x89: {  	s3 =	sld [smem:$0x3FFE];
	_ =	sdelay $0x1  }
0x8a: {  	s1 =	srdreg.scid  }
0x8b: {  	s0 =	sand.u32 $0x1, s1  }
0x8c: {  	s17 =	sshll.u32 s0, $0xA;
	s2 =	sadd.s32 s3, s2  }
0x8d: {  	s2 =	sadd.s32 s2, s17  }
0x8e: {  	[smem:$0x3FC7] =	sst s2  }
0x8f: {  	_ = 	snop  }
0x90: {  	s2 =	sld [smem:$0x3FD0];
	(tm) =	ssettm $0x1  }
0x91: {  	s18 =	sld [smem:$0x3FFB];
	_ =	sdelay $0x3  }
0x92: {  	_ =	strace s18  }
0x93: {  	s3 =	sld [smem:$0x3FFC];
	_ =	sdelay $0x3  }
0x94: {  	_ =	strace s3  }
0x95: {  	s3 =	sld [smem:$0x3FFD];
	_ =	sdelay $0x3  }
0x96: {  	_ =	strace s3  }
0x97: {  	_ =	strace $0x8FFFFFFF  }
0x98: {  	s19 =	sld [smem:$0x3FDB];
	_ =	sdelay $0x1  }
0x99: {  	s4 =	simm.s32 $_scs_section_size  }
0x9a: {  	s5 =	simm.s32 $_size__tile_overlayer_lowered;
	s6 =	simm.s32 $_tile_overlayer_lowered  }
0x9b: {  	s22 =	simm.s32 $0x1BFF;
	s21 =	sshll.u32 s6, $0x1;
	s3 =	sadd.s32 s4, s19  }
0x9c: {  	s7 =	simm.s32 $0x0;
	s20 =	sshll.u32 s5, $0x1;
	s5 =	sadd.s32 s21, s3  }
0x9d: {  	[timem:s7], [sflag:s22] =	dma.local [hbm:s5], s20  }
0x9e: {  	_ =	swait.ge [sflag:s22], s20  }
0x9f: {  	s4 =	ssub.s32 $0x0, s20;
	[sflag:s22] =	ssyncset.done $0x0  }
0xa0: {  	[sflag:s22] =	ssyncadd.s32 s4;
	_ =	sdelay $0x1  }
0xa1: {  	s23 =	simm.s32 $0x1B8B  }
0xa2: {  	_ =	swait.ge [sflag:s23], $0x1  }
0xa3: {  	[sflag:s23] =	ssyncset.done $0x0  }
0xa4: {  	s25 =	simm.s32 $0x1B8E;
	s24 =	sld [smem:$0x3FFE];
	[sflag:s23] =	ssyncadd.s32 $0xFFFFFFFF  }
0xa5: {  	s26 =	simm.s32 $execute0_lowered;
	[smem:$0x3FD2] =	sst s25  }
0xa6: {  	s5 =	sshll.u32 s26, $0x1;
	_ =	strace $0x80000046;
	[dreg:$0x1] =	wrdreg $0xFFFFFFFF  }
0xa7: {  	s28 =	simm.s32 $_size_execute0_lowered;
	s3 =	sadd.s32 s3, s5;
	[dreg:$0x0] =	wrdreg $0x0  }
0xa8: {  	s5 =	sshll.u32 s28, $0x1;
	[dreg:$0x2] =	wrdreg s3  }
0xa9: {  	[dreg:$0x3] =	wrdreg s5  }
0xaa: {  	[dreg:$0x4] =	wrdreg $0xC0  }
0xab: {  	_ =	task [dreg:s7], $0x5FFFF  }
0xac: {  	[dreg:$0x1] =	wrdreg $0xFFFFFFFF  }
0xad: {  	[dreg:$0x0] =	wrdreg $0x60  }
0xae: {  	[dreg:$0x2] =	wrdreg s24  }
0xaf: {  	[dreg:$0x3] =	wrdreg s2  }
0xb0: {  	[dreg:$0x4] =	wrdreg $0x9  }
0xb1: {  	_ =	task.clear_ibuf [dreg:s7], $0x5FFFF;
	_ =	strace $0x90000046  }
0xb2: {  	s29 =	simm.s32 $0x9;
	_ =	strace $0x80000048  }
0xb3: {  	_ =	swait.ge [sflag:s29], $0x1  }
0xb4: {  	[sflag:s29] =	ssyncadd.s32 $0xFFFFFFFF  }
0xb5: {  	_ =	strace $0x90000048  }
0xb6: {  	_ =	sfence  }
0xb7: {  	s30 =	sld [smem:$0x0];
	_ =	sdelay $0x2  }
0xb8: {  	s31 =	sshll.u32 s1, $0xD;
	s1 =	sshrl.u32 s1, $0x2  }
0xb9: {  	s3 =	sand.u32 $0x4000, s31;
	s1 =	sadd.s32 s1, s30  }
0xba: {  	s0 =	sor.u32 s3, s0;
	s1 =	sshll.u32 s1, $0x11  }
0xbb: {  	s0 =	sor.u32 s1, s0  }
0xbc: {  	s0 =	sadd.s32 $0x8F2B, s0  }
0xbd: {  	[sflag:s0] =	ssyncadd.remote.s32 $0x1  }
0xbe: {  	_ =	sfence.sel $0xFFFF  }
0xbf: {  	[dreg:$0x0] =	wrdreg $0xFFFFFFFF;
	(pc) =	sbr.abs _section_cstart, $3  }
0xc0: {  	[dreg:$0x1] =	wrdreg $0xFFFFFFFF  }
0xc1: {  	_ =	task.clear_ibuf [dreg:s7], $0x2FFFF;
	_ =	strace $0x9FFFFFFF  }
0xc2: {  	(tm) =	ssettm $0x7FFFFFFF  }
0xc3: {  	_ =	shalt  }
tec
execute0_lowered:
.L_overlay_start_1:
0x0: {  	(tag) =	ssettag $0x1  }
0x1: {  	s3 =	rddreg [dreg:$0x0]  }
0x2: {  	s1 =	srdreg.scid;
	s0 =	stileid.u32  }
0x3: {  	s4 =	rddreg [dreg:$0x1];
	s5 =	sand.u32 $0x1, s1;
	s2 =	sshll.u32 s0, $0x1  }
0x4: {  	s1 =	rddreg [dreg:$0x2];
	s6 =	sor.u32 s5, s2  }
0x5: {  	s2 =	simm.s32 $0x0;
	s5 =	ssub.s32 $0x2, s5;
	s7 =	smul.u32 $0x3400, s6  }
0x6: {  	[smem:$0x7FF] =	sst s2;
	s8 =	sshrl.u32 s5, $0x1;
	s6 =	smul.u32 $0x514, s6  }
0x7: {  	_ =	strace $0x80000047;
	s5 =	ssub.s32 s5, s8;
	s8 =	simm.s32 $0x0  }
0x8: {  	s3 =	sadd.s32 s7, s3;
	s4 =	sadd.s32 s4, s6;
	s5 =	smax.u32 s5, $0x1  }
0x9: {  	s6 =	simm.s32 $0x1;
	s7 =	simm.s32 $0x1A000;
	s3 =	sadd.s32 $0x400, s3  }
.LBB2_1:
0xa: {  	[tilespmem:s2], [sflag:$0x1] =	stream.linear.gather [hbm4b:s3+s2], $0x1A000, $0x38;
	[tilespmem:$0x1C8B0] =	vst v63  }
0xb: {  	s9 =	simm.s32 $0x1A032;
	s10 =	simm.s32 $0x2F0  }
0xc: {  	s11 =	simm.s32 $0x1A09B;
	s12 =	simm.s32 $0x4F0;
	s13 =	simm.s32 $0x1A0DD  }
0xd: {  	s14 =	simm.s32 $0x6F0;
	s15 =	simm.s32 $0x1A10F;
	_ =	swait.ge [sflag:s6], $0x1A000  }
0xe: {  	s16 =	simm.s32 $0x8F0;
	s17 =	simm.s32 $0x1A131;
	[sflag:s6] =	ssyncset.done $0x0  }
0xf: {  	s18 =	simm.s32 $0xAF0;
	s19 =	simm.s32 $0x0;
	[sflag:s6] =	ssyncadd.s32 $0xFFFE6000  }
.LBB2_2:
0x10: {  	s20 =	smul.u32 $0x3400, s19;
	_ =	sdelay $0x1  }
0x11: {  	s20 =	sshra.s32 s20, $0x2  }
0x12: {  	v22 =	vld [tilespmem:s20+$0x0]  }
0x13: {  	v17 =	vld [tilespmem:s20+$0x10]  }
0x14: {  	v0 =	vld [tilespmem:s20+$0x20]  }
0x15: {  	v1 =	vld [tilespmem:s20+$0x30]  }
0x16: {  	v15 =	vld [tilespmem:s20+$0x40]  }
0x17: {  	v19 =	vld [tilespmem:s20+$0x50]  }
0x18: {  	v7 =	vld [tilespmem:s20+$0x60]  }
0x19: {  	v10 =	vld [tilespmem:s20+$0x70]  }
0x1a: {  	v24 =	vld [tilespmem:s20+$0x80]  }
0x1b: {  	v23 =	vld [tilespmem:s20+$0x90]  }
0x1c: {  	v5 =	vld [tilespmem:s20+$0xA0]  }
0x1d: {  	v2 =	vld [tilespmem:s20+$0xB0]  }
0x1e: {  	v20 =	vld [tilespmem:s20+$0xC0]  }
0x1f: {  	v21 =	vld [tilespmem:s20+$0xD0]  }
0x20: {  	v18 =	vld [tilespmem:s20+$0xE0]  }
0x21: {  	v8 =	vld [tilespmem:s20+$0xF0]  }
0x22: {  	v26 =	vld [tilespmem:s20+$0x100]  }
0x23: {  	v16 =	vld [tilespmem:s20+$0x110]  }
0x24: {  	v11 =	vld [tilespmem:s20+$0x120]  }
0x25: {  	v12 =	vld [tilespmem:s20+$0x130]  }
0x26: {  	v4 =	vld [tilespmem:s20+$0x140]  }
0x27: {  	v3 =	vld [tilespmem:s20+$0x150]  }
0x28: {  	v9 =	vld [tilespmem:s20+$0x160];
	v6 =	vmul.f32 v24, v22;
	v14 =	vmul.f32 v23, v17  }
0x29: {  	v13 =	vld [tilespmem:s20+$0x170];
	v25 =	vmul.f32 v5, v0;
	v29 =	vmul.f32 v2, v1  }
0x2a: {  	v27 =	vld [tilespmem:s20+$0x180];
	v30 =	vmul.f32 v20, v15;
	v31 =	vmul.f32 v21, v19  }
0x2b: {  	v28 =	vld [tilespmem:s20+$0x190];
	v32 =	vmul.f32 v18, v7;
	v33 =	vmul.f32 v8, v10  }
0x2c: {  	v35 =	vmul.f32 v26, v22;
	v36 =	vmul.f32 v16, v17  }
0x2d: {  	v38 =	vmul.f32 v11, v0;
	v39 =	vmul.f32 v12, v1  }
0x2e: {  	v51 =	vmul.f32 v4, v15;
	v40 =	vmul.f32 v3, v19  }
0x2f: {  	v41 =	vmul.f32 v9, v7;
	v42 =	vmul.f32 v13, v10  }
0x30: {  	v54 =	vmul.f32 v27, v22;
	v55 =	vmul.f32 v28, v17  }
0x31: {  	v62 =	vmul.f32 v26, v24;
	v63 =	vmul.f32 v16, v23  }
0x32: {  	v46 =	vmul.f32 v11, v5;
	v34 =	vadd.f32 v14, v6;
	v25 =	vadd.f32 v29, v25  }
0x33: {  	v47 =	vmul.f32 v12, v2;
	v6 =	vld [tilespmem:s20+$0x1A0];
	v37 =	vadd.f32 v31, v30;
	v32 =	vadd.f32 v33, v32  }
0x34: {  	v50 =	vmul.f32 v9, v18;
	v14 =	vld [tilespmem:s20+$0x1B0];
	v35 =	vadd.f32 v36, v35;
	v52 =	vadd.f32 v39, v38  }
0x35: {  	v43 =	vmul.f32 v13, v8;
	v29 =	vld [tilespmem:s20+$0x1C0];
	v33 =	vadd.f32 v40, v51;
	v53 =	vadd.f32 v42, v41  }
0x36: {  	v48 =	vmul.f32 v4, v20;
	v31 =	vld [tilespmem:s20+$0x1D0];
	v36 =	vadd.f32 v55, v54;
	v51 =	vadd.f32 v47, v46  }
0x37: {  	v49 =	vmul.f32 v3, v21;
	v30 =	vld [tilespmem:s20+$0x1E0];
	v39 =	vadd.f32 v43, v50;
	v34 =	vadd.f32 v25, v34  }
0x38: {  	v44 =	vmul.f32 v28, v16;
	v32 =	vadd.f32 v32, v37;
	v35 =	vadd.f32 v52, v35  }
0x39: {  	v25 =	vld [tilespmem:s20+$0x1F0];
	v33 =	vadd.f32 v53, v33;
	v52 =	vmul.f32 v27, v24;
	v53 =	vmul.f32 v28, v23  }
0x3a: {  	v37 =	vadd.f32 v63, v62;
	v56 =	vmul.f32 v6, v0;
	v57 =	vmul.f32 v14, v1  }
0x3b: {  	v32 =	vadd.f32 v32, v34;
	v58 =	vmul.f32 v29, v15;
	v59 =	vmul.f32 v31, v19  }
0x3c: {  	v33 =	vadd.f32 v33, v35;
	v60 =	vmul.f32 v30, v7;
	v54 =	vmul.f32 v6, v5  }
0x3d: {  	v37 =	vadd.f32 v51, v37;
	v55 =	vmul.f32 v14, v2;
	v62 =	vmul.f32 v29, v4  }
0x3e: {  	v38 =	vadd.f32 v53, v52;
	v46 =	vmul.f32 v31, v3;
	v61 =	vmul.f32 v25, v10  }
0x3f: {  	v63 =	vmul.f32 v30, v9;
	v34 =	vadd.f32 v57, v56;
	v35 =	vadd.f32 v59, v58  }
0x40: {  	v56 =	vmul.f32 v29, v20;
	v57 =	vmul.f32 v31, v21;
	v45 =	vadd.f32 v61, v60  }
0x41: {  	v58 =	vmul.f32 v30, v18;
	v34 =	vadd.f32 v34, v36;
	v36 =	vadd.f32 v49, v48  }
0x42: {  	v59 =	vmul.f32 v25, v8;
	v47 =	vmul.f32 v25, v13;
	v42 =	vadd.f32 v46, v62  }
0x43: {  	v60 =	vmul.f32 v27, v26;
	v35 =	vadd.f32 v45, v35;
	v36 =	vadd.f32 v39, v36  }
0x44: {  	v61 =	vmul.f32 v6, v11;
	v43 =	vadd.f32 v47, v63;
	v39 =	vadd.f32 v55, v54  }
0x45: {  	v45 =	vmul.f32 v14, v12;
	v34 =	vadd.f32 v35, v34;
	v36 =	vadd.f32 v36, v37  }
0x46: {  	v35 =	vadd.f32 v57, v56;
	v37 =	vadd.f32 v59, v58  }
0x47: {  	v40 =	vadd.f32 v44, v60;
	v41 =	vadd.f32 v45, v61  }
0x48: {  	(xrf2) =	vadd.scan.msk.f32 $0xffff, v32;
	v46 =	vadd.f32 v39, v38;
	v35 =	vadd.f32 v37, v35  }
0x49: {  	(xrf2) =	vadd.scan.msk.f32 $0xffff, v33;
	v48 =	vadd.f32 v43, v42;
	v47 =	vadd.f32 v41, v40  }
0x4a: {  	(xrf2) =	vadd.scan.msk.f32 $0xffff, v34;
	v32 =	vadd.f32 v35, v46  }
0x4b: {  	(xrf2) =	vadd.scan.msk.f32 $0xffff, v36;
	v33 =	vadd.f32 v48, v47  }
0x4c: {  	(xrf2) =	vadd.scan.msk.f32 $0xffff, v32  }
0x4d: {  	(xrf2) =	vadd.scan.msk.f32 $0xffff, v33;
	_ =	sdelay $0x4  }
0x4e: {  	v49, _, _ =	vpop (xrf2)  }
0x4f: {  	s21 =	smul.u32 $0x145, s19;
	v50, _, _ =	vpop (xrf2);
	v32 =	vbroadcast v49, $0xF  }
0x50: {  	v33 =	vbroadcast v50, $0xF;
	v34, _, _ =	vpop (xrf2)  }
0x51: {  	[tilespmem:s21+$0x1A000] =	vst.msk $0x1, v32;
	v51 =	vbroadcast v34, $0xF;
	v52, _, _ =	vpop (xrf2)  }
0x52: {  	[tilespmem:s21+$0x1A001] =	vst.msk $0x1, v33;
	v53 =	vbroadcast v52, $0xF;
	v54, _, _ =	vpop (xrf2)  }
0x53: {  	[tilespmem:s21+$0x1A002] =	vst.msk $0x1, v51;
	v55 =	vbroadcast v54, $0xF;
	v56, _, _ =	vpop (xrf2)  }
0x54: {  	[tilespmem:s21+$0x1A019] =	vst.msk $0x1, v53;
	v57 =	vbroadcast v56, $0xF  }
0x55: {  	[tilespmem:s21+$0x1A01A] =	vst.msk $0x1, v55  }
0x56: {  	[tilespmem:s21+$0x1A031] =	vst.msk $0x1, v57  }
0x57: {  	v32 =	vld [tilespmem:s10+$0xFFFFFF40]  }
0x58: {  	v33 =	vld [tilespmem:s10+$0xFFFFFF50]  }
0x59: {  	v34 =	vld [tilespmem:s10+$0xFFFFFF60]  }
0x5a: {  	v35 =	vld [tilespmem:s10+$0xFFFFFF30]  }
0x5b: {  	v36 =	vld [tilespmem:s10+$0xFFFFFF20]  }
0x5c: {  	v37 =	vld [tilespmem:s10+$0xFFFFFF10];
	v38 =	vmul.f32 v32, v2;
	v58 =	vmul.f32 v32, v14  }
0x5d: {  	v40 =	vld [tilespmem:s10+$0xFFFFFF70];
	v59 =	vmul.f32 v33, v15;
	v42 =	vmul.f32 v33, v29  }
0x5e: {  	v43 =	vld [tilespmem:s10+$0xFFFFFF80];
	v44 =	vmul.f32 v32, v1;
	v45 =	vmul.f32 v34, v3  }
0x5f: {  	v46 =	vmul.f32 v34, v21;
	v60 =	vmul.f32 v35, v6  }
0x60: {  	v48 =	vmul.f32 v36, v17;
	v49 =	vmul.f32 v34, v19  }
0x61: {  	v50 =	vmul.f32 v33, v20;
	v51 =	vmul.f32 v36, v16  }
0x62: {  	v61 =	vmul.f32 v37, v22;
	v52 =	vmul.f32 v36, v23  }
0x63: {  	v62 =	vmul.f32 v40, v7;
	v53 =	vmul.f32 v43, v10  }
0x64: {  	v54 =	vmul.f32 v37, v24;
	v55 =	vmul.f32 v40, v18  }
0x65: {  	v63 =	vmul.f32 v35, v5;
	v56 =	vmul.f32 v40, v9  }
0x66: {  	v33 =	vmul.f32 v33, v4;
	v34 =	vmul.f32 v34, v31  }
0x67: {  	v32 =	vmul.f32 v32, v12;
	v40 =	vmul.f32 v40, v30;
	v39 =	vadd.f32 v58, v60  }
0x68: {  	v36 =	vmul.f32 v36, v28;
	v41 =	vadd.f32 v49, v59;
	v47 =	vadd.f32 v48, v61  }
0x69: {  	v49 =	vadd.f32 v53, v62;
	v60 =	vmul.f32 v43, v8;
	v52 =	vadd.f32 v52, v54  }
0x6a: {  	v38 =	vadd.f32 v38, v63;
	v46 =	vadd.f32 v46, v50;
	v61 =	vmul.f32 v35, v11  }
0x6b: {  	v63 =	vmul.f32 v37, v26;
	v53 =	vmul.f32 v43, v25;
	v34 =	vadd.f32 v34, v42  }
0x6c: {  	v37 =	vmul.f32 v37, v27;
	v33 =	vadd.f32 v45, v33;
	v62 =	vadd.f32 v60, v55  }
0x6d: {  	v35 =	vmul.f32 v35, v0;
	v38 =	vadd.f32 v38, v52;
	v32 =	vadd.f32 v32, v61  }
0x6e: {  	v43 =	vmul.f32 v43, v13;
	v54 =	vadd.f32 v51, v63;
	v40 =	vadd.f32 v53, v40  }
0x6f: {  	v36 =	vadd.f32 v36, v37;
	v35 =	vadd.f32 v44, v35  }
0x70: {  	v56 =	vadd.f32 v43, v56;
	v41 =	vadd.f32 v49, v41  }
0x71: {  	v46 =	vadd.f32 v62, v46;
	v32 =	vadd.f32 v32, v54  }
0x72: {  	v35 =	vadd.f32 v35, v47;
	v36 =	vadd.f32 v39, v36  }
0x73: {  	v33 =	vadd.f32 v56, v33;
	v55 =	vadd.f32 v46, v38  }
0x74: {  	v34 =	vadd.f32 v40, v34;
	v35 =	vadd.f32 v41, v35  }
0x75: {  	v32 =	vadd.f32 v33, v32;
	(xrf2) =	vadd.scan.msk.f32 $0xffff, v55  }
0x76: {  	v57 =	vadd.f32 v34, v36;
	(xrf2) =	vadd.scan.msk.f32 $0xffff, v35  }
0x77: {  	(xrf2) =	vadd.scan.msk.f32 $0xffff, v32  }
0x78: {  	(xrf2) =	vadd.scan.msk.f32 $0xffff, v57;
	_ =	sdelay $0x6  }
0x79: {  	v58, _, _ =	vpop (xrf2)  }
0x7a: {  	v32 =	vbroadcast v58, $0xF;
	v59, _, _ =	vpop (xrf2)  }
0x7b: {  	v33 =	vbroadcast v59, $0xF;
	v60, _, _ =	vpop (xrf2)  }
0x7c: {  	[tilespmem:s9+$0xFFFFFFE9] =	vst.msk $0x1, v32;
	v61 =	vbroadcast v60, $0xF;
	v62, _, _ =	vpop (xrf2)  }
0x7d: {  	[tilespmem:s9+$0xFFFFFFD1] =	vst.msk $0x1, v33;
	v63 =	vbroadcast v62, $0xF  }
0x7e: {  	[tilespmem:s9+$0x0] =	vst.msk $0x1, v61  }
0x7f: {  	[tilespmem:s9+$0x16] =	vst.msk $0x1, v63  }
0x80: {  	v36 =	vld [tilespmem:s10+$0xFFFFFF90]  }
0x81: {  	v35 =	vld [tilespmem:s10+$0xFFFFFFA0]  }
0x82: {  	v33 =	vld [tilespmem:s10+$0xFFFFFFE0]  }
0x83: {  	s24 =	simm.s32 $0x0;
	s23 =	smov.u32 s10;
	v32 =	vld [tilespmem:s10+$0xFFFFFFB0]  }
0x84: {  	s25 =	smov.u32 s9;
	s26 =	smov.u32 s10;
	s22 =	smov.u32 s9;
	v34 =	vld [tilespmem:s10+$0xFFFFFFD0]  }
.LBB2_3:
0x85: {  	s24 =	sadd.s32 $0x2, s24;
	v37 =	vld [tilespmem:s23+$0xFFFFFFF0];
	v38 =	vmul.f32 v36, v22;
	v39 =	vmul.f32 v36, v24;
	s25 =	sadd.s32 $0x2, s25;
	s26 =	sadd.s32 $0x100, s26  }
0x86: {  	v42 =	vmul.f32 v36, v26;
	p0 =	slt.u32 s24, $0x14;
	v40 =	vld [tilespmem:s23+$0x0];
	v41 =	vmul.f32 v35, v17  }
0x87: {  	v45 =	vmul.f32 v35, v23;
	v43 =	vld [tilespmem:s23+$0xFFFFFFC0];
	v44 =	vmul.f32 v33, v19;
	s23 =	smov.u32 s26  }
0x88: {  	v36 =	vmul.f32 v36, v27;
	v46 =	vmul.f32 v35, v28  }
0x89: {  	v48 =	vmul.f32 v33, v31;
	v47 =	vmul.f32 v34, v15  }
0x8a: {  	v50 =	vmul.f32 v33, v21;
	v36 =	vadd.f32 v46, v36;
	v49 =	vmul.f32 v34, v20  }
0x8b: {  	v46 =	vmul.f32 v37, v18;
	v44 =	vadd.f32 v44, v47;
	v47 =	vmul.f32 v34, v29  }
0x8c: {  	v35 =	vmul.f32 v35, v16;
	v51 =	vmul.f32 v40, v10;
	v49 =	vadd.f32 v50, v49  }
0x8d: {  	v52 =	vmul.f32 v37, v30;
	v50 =	vmul.f32 v37, v7;
	v47 =	vadd.f32 v48, v47  }
0x8e: {  	v39 =	vadd.f32 v45, v39;
	v45 =	vmul.f32 v40, v25;
	v48 =	vmul.f32 v43, v1  }
0x8f: {  	v53 =	vmul.f32 v32, v5;
	v54 =	vmul.f32 v40, v8  }
0x90: {  	v38 =	vadd.f32 v41, v38;
	v41 =	vmul.f32 v32, v11;
	v55 =	vmul.f32 v43, v12  }
0x91: {  	v56 =	vmul.f32 v32, v0;
	v57 =	vmul.f32 v43, v2;
	v46 =	vadd.f32 v54, v46  }
0x92: {  	v37 =	vmul.f32 v37, v9;
	v40 =	vmul.f32 v40, v13;
	v41 =	vadd.f32 v55, v41  }
0x93: {  	v34 =	vmul.f32 v34, v4;
	v48 =	vadd.f32 v48, v56;
	v46 =	vadd.f32 v46, v49  }
0x94: {  	v33 =	vmul.f32 v33, v3;
	v37 =	vadd.f32 v40, v37;
	v49 =	vadd.f32 v51, v50  }
0x95: {  	v43 =	vmul.f32 v43, v14;
	v40 =	vadd.f32 v57, v53;
	v38 =	vadd.f32 v48, v38  }
0x96: {  	v35 =	vadd.f32 v35, v42;
	v33 =	vadd.f32 v33, v34  }
0x97: {  	v32 =	vmul.f32 v32, v6;
	v39 =	vadd.f32 v40, v39;
	v34 =	vadd.f32 v49, v44  }
0x98: {  	v33 =	vadd.f32 v37, v33;
	v35 =	vadd.f32 v41, v35  }
0x99: {  	v32 =	vadd.f32 v43, v32;
	v34 =	vadd.f32 v34, v38  }
0x9a: {  	v33 =	vadd.f32 v33, v35;
	v35 =	vadd.f32 v45, v52  }
0x9b: {  	v32 =	vadd.f32 v32, v36;
	v37 =	vadd.f32 v46, v39  }
0x9c: {  	v35 =	vadd.f32 v35, v47;
	(xrf2) =	vadd.scan.msk.f32 $0xffff, v33;
	_ =	sdelay $0x1  }
0x9d: {  	v32 =	vadd.f32 v35, v32  }
0x9e: {  	(xrf2) =	vadd.scan.msk.f32 $0xffff, v34;
	_ =	sdelay $0x2  }
0x9f: {  	(xrf2) =	vadd.scan.msk.f32 $0xffff, v37;
	_ =	sdelay $0x2  }
0xa0: {  	(xrf2) =	vadd.scan.msk.f32 $0xffff, v32  }
0xa1: {  	v32, _, _ =	vpop (xrf2)  }
0xa2: {  	v33 =	vbroadcast v32, $0xF;
	_ =	sdelay $0x1  }
0xa3: {  	[tilespmem:s22+$0x1] =	vst.msk $0x1, v33;
	v32, _, _ =	vpop (xrf2)  }
0xa4: {  	v33 =	vbroadcast v32, $0xF;
	_ =	sdelay $0x1  }
0xa5: {  	[tilespmem:s22+$0xFFFFFFD2] =	vst.msk $0x1, v33;
	v32, _, _ =	vpop (xrf2)  }
0xa6: {  	v33 =	vbroadcast v32, $0xF;
	_ =	sdelay $0x1  }
0xa7: {  	[tilespmem:s22+$0xFFFFFFEA] =	vst.msk $0x1, v33;
	v32, _, _ =	vpop (xrf2)  }
0xa8: {  	v32 =	vbroadcast v32, $0xF;
	_ =	sdelay $0x1  }
0xa9: {  	[tilespmem:s22+$0x17] =	vst.msk $0x1, v32;
	s22 =	smov.u32 s25  }
0xaa: {  	v32 =	vld [tilespmem:s26+$0xFFFFFF40]  }
0xab: {  	v33 =	vld [tilespmem:s26+$0xFFFFFF50]  }
0xac: {  	v34 =	vld [tilespmem:s26+$0xFFFFFF60]  }
0xad: {  	v35 =	vld [tilespmem:s26+$0xFFFFFF30]  }
0xae: {  	v36 =	vld [tilespmem:s26+$0xFFFFFF20]  }
0xaf: {  	v37 =	vld [tilespmem:s26+$0xFFFFFF10];
	v38 =	vmul.f32 v32, v2;
	v39 =	vmul.f32 v32, v14  }
0xb0: {  	v40 =	vld [tilespmem:s26+$0xFFFFFF70];
	v41 =	vmul.f32 v33, v15;
	v42 =	vmul.f32 v33, v29  }
0xb1: {  	v44 =	vmul.f32 v32, v1;
	v43 =	vld [tilespmem:s26+$0xFFFFFF80];
	v45 =	vmul.f32 v34, v3  }
0xb2: {  	v46 =	vmul.f32 v34, v21;
	v47 =	vmul.f32 v35, v6  }
0xb3: {  	v49 =	vmul.f32 v34, v19;
	v48 =	vmul.f32 v36, v17  }
0xb4: {  	v50 =	vmul.f32 v33, v20;
	v51 =	vmul.f32 v36, v16;
	v39 =	vadd.f32 v39, v47  }
0xb5: {  	v41 =	vadd.f32 v49, v41;
	v49 =	vmul.f32 v36, v23;
	v47 =	vmul.f32 v37, v22  }
0xb6: {  	v52 =	vmul.f32 v37, v24;
	v53 =	vmul.f32 v40, v18  }
0xb7: {  	v54 =	vmul.f32 v40, v7;
	v55 =	vmul.f32 v43, v10;
	v47 =	vadd.f32 v48, v47  }
0xb8: {  	v56 =	vmul.f32 v40, v9;
	v48 =	vmul.f32 v35, v5  }
0xb9: {  	v33 =	vmul.f32 v33, v4;
	v54 =	vadd.f32 v55, v54;
	v55 =	vmul.f32 v43, v8  }
0xba: {  	v34 =	vmul.f32 v34, v31;
	v49 =	vadd.f32 v49, v52;
	v38 =	vadd.f32 v38, v48  }
0xbb: {  	v32 =	vmul.f32 v32, v12;
	v46 =	vadd.f32 v46, v50;
	v48 =	vmul.f32 v35, v11  }
0xbc: {  	v40 =	vmul.f32 v40, v30;
	v50 =	vadd.f32 v55, v53;
	v38 =	vadd.f32 v38, v49  }
0xbd: {  	v49 =	vmul.f32 v37, v26;
	v32 =	vadd.f32 v32, v48;
	v48 =	vmul.f32 v43, v25  }
0xbe: {  	v34 =	vadd.f32 v34, v42;
	v43 =	vmul.f32 v43, v13;
	v46 =	vadd.f32 v50, v46  }
0xbf: {  	v36 =	vmul.f32 v36, v28;
	v37 =	vmul.f32 v37, v27;
	v42 =	vadd.f32 v51, v49  }
0xc0: {  	v33 =	vadd.f32 v45, v33;
	v35 =	vmul.f32 v35, v0;
	v40 =	vadd.f32 v48, v40  }
0xc1: {  	v36 =	vadd.f32 v36, v37;
	v32 =	vadd.f32 v32, v42  }
0xc2: {  	v35 =	vadd.f32 v44, v35;
	v37 =	vadd.f32 v46, v38  }
0xc3: {  	v36 =	vadd.f32 v39, v36;
	v34 =	vadd.f32 v40, v34  }
0xc4: {  	v38 =	vadd.f32 v54, v41;
	v39 =	vadd.f32 v43, v56;
	(xrf2) =	vadd.scan.msk.f32 $0xffff, v37  }
0xc5: {  	v35 =	vadd.f32 v35, v47;
	v34 =	vadd.f32 v34, v36  }
0xc6: {  	v33 =	vadd.f32 v39, v33  }
0xc7: {  	v35 =	vadd.f32 v38, v35  }
0xc8: {  	v32 =	vadd.f32 v33, v32  }
0xc9: {  	(xrf2) =	vadd.scan.msk.f32 $0xffff, v35;
	_ =	sdelay $0x2  }
0xca: {  	(xrf2) =	vadd.scan.msk.f32 $0xffff, v32;
	_ =	sdelay $0x1  }
0xcb: {  	v32, _, _ =	vpop (xrf2)  }
0xcc: {  	v32 =	vbroadcast v32, $0xF  }
0xcd: {  	(xrf2) =	vadd.scan.msk.f32 $0xffff, v34  }
0xce: {  	[tilespmem:s25+$0xFFFFFFE9] =	vst.msk $0x1, v32;
	_ =	sdelay $0x1  }
0xcf: {  	v32, _, _ =	vpop (xrf2)  }
0xd0: {  	v33 =	vbroadcast v32, $0xF;
	_ =	sdelay $0x1  }
0xd1: {  	[tilespmem:s25+$0xFFFFFFD1] =	vst.msk $0x1, v33;
	v32, _, _ =	vpop (xrf2)  }
0xd2: {  	v33 =	vbroadcast v32, $0xF;
	_ =	sdelay $0x1  }
0xd3: {  	[tilespmem:s25+$0x0] =	vst.msk $0x1, v33  }
0xd4: {  	v32, _, _ =	vpop (xrf2)  }
0xd5: {  	v32 =	vbroadcast v32, $0xF;
	_ =	sdelay $0x1  }
0xd6: {  	[tilespmem:s25+$0x16] =	vst.msk $0x1, v32  }
.Ltmp0:
0xd7: {  	v36 =	vld [tilespmem:s26+$0xFFFFFF90];
	(pc) =	sbr.rel @p0 .LBB2_3-.Ltmp0, $4  }
0xd8: {  	v35 =	vld [tilespmem:s26+$0xFFFFFFA0]  }
0xd9: {  	v33 =	vld [tilespmem:s26+$0xFFFFFFE0]  }
0xda: {  	v32 =	vld [tilespmem:s26+$0xFFFFFFB0]  }
0xdb: {  	v34 =	vld [tilespmem:s26+$0xFFFFFFD0]  }
0xdc: {  	v22 =	vmul.f32 v36, v22  }
0xdd: {  	v24 =	vmul.f32 v36, v24;
	v26 =	vmul.f32 v36, v26  }
0xde: {  	v27 =	vmul.f32 v36, v27;
	v17 =	vmul.f32 v35, v17  }
0xdf: {  	v23 =	vmul.f32 v35, v23;
	v28 =	vmul.f32 v35, v28  }
0xe0: {  	v37 =	vld [tilespmem:s23+$0xFFFFFFF0];
	v16 =	vmul.f32 v35, v16;
	v19 =	vmul.f32 v33, v19  }
0xe1: {  	v38 =	vld [tilespmem:s23+$0x0];
	v31 =	vmul.f32 v33, v31;
	v21 =	vmul.f32 v33, v21  }
0xe2: {  	v43 =	vld [tilespmem:s23+$0xFFFFFFC0];
	v3 =	vmul.f32 v33, v3;
	v5 =	vmul.f32 v32, v5  }
0xe3: {  	v11 =	vmul.f32 v32, v11;
	v0 =	vmul.f32 v32, v0  }
0xe4: {  	v6 =	vmul.f32 v32, v6;
	v15 =	vmul.f32 v34, v15  }
0xe5: {  	v27 =	vadd.f32 v28, v27;
	v20 =	vmul.f32 v34, v20;
	v4 =	vmul.f32 v34, v4  }
0xe6: {  	v23 =	vadd.f32 v23, v24;
	v18 =	vmul.f32 v37, v18;
	v10 =	vmul.f32 v38, v10  }
0xe7: {  	v17 =	vadd.f32 v17, v22;
	v7 =	vmul.f32 v37, v7;
	v1 =	vmul.f32 v43, v1  }
0xe8: {  	v8 =	vmul.f32 v38, v8;
	v12 =	vmul.f32 v43, v12;
	v15 =	vadd.f32 v19, v15  }
0xe9: {  	v2 =	vmul.f32 v43, v2;
	v20 =	vadd.f32 v21, v20;
	v3 =	vadd.f32 v3, v4  }
0xea: {  	v9 =	vmul.f32 v37, v9;
	v8 =	vadd.f32 v8, v18;
	v11 =	vadd.f32 v12, v11  }
0xeb: {  	v19 =	vmul.f32 v34, v29;
	v0 =	vadd.f32 v1, v0;
	v7 =	vadd.f32 v10, v7  }
0xec: {  	v13 =	vmul.f32 v38, v13;
	v2 =	vadd.f32 v2, v5;
	v10 =	vadd.f32 v16, v26  }
0xed: {  	v21 =	vmul.f32 v37, v30;
	v19 =	vadd.f32 v31, v19;
	v1 =	vadd.f32 v8, v20  }
0xee: {  	v5 =	vmul.f32 v43, v14;
	v8 =	vadd.f32 v13, v9;
	v0 =	vadd.f32 v0, v17  }
0xef: {  	v9 =	vmul.f32 v38, v25;
	v4 =	vadd.f32 v7, v15;
	v2 =	vadd.f32 v2, v23  }
0xf0: {  	v7 =	vadd.f32 v11, v10;
	v3 =	vadd.f32 v8, v3  }
0xf1: {  	v5 =	vadd.f32 v5, v6;
	v6 =	vadd.f32 v9, v21  }
0xf2: {  	v0 =	vadd.f32 v4, v0;
	v3 =	vadd.f32 v3, v7  }
0xf3: {  	v4 =	vadd.f32 v5, v27;
	v5 =	vadd.f32 v6, v19  }
0xf4: {  	v1 =	vadd.f32 v1, v2;
	(xrf2) =	vadd.scan.msk.f32 $0xffff, v3  }
0xf5: {  	v2 =	vadd.f32 v5, v4;
	(xrf2) =	vadd.scan.msk.f32 $0xffff, v0  }
0xf6: {  	(xrf2) =	vadd.scan.msk.f32 $0xffff, v1  }
0xf7: {  	(xrf2) =	vadd.scan.msk.f32 $0xffff, v2;
	_ =	sdelay $0x6  }
0xf8: {  	v0, _, _ =	vpop (xrf2)  }
0xf9: {  	v0 =	vbroadcast v0, $0xF;
	v1, _, _ =	vpop (xrf2)  }
0xfa: {  	v1 =	vbroadcast v1, $0xF;
	v2, _, _ =	vpop (xrf2)  }
0xfb: {  	[tilespmem:s22+$0x1] =	vst.msk $0x1, v0;
	v0 =	vbroadcast v2, $0xF;
	v2, _, _ =	vpop (xrf2)  }
0xfc: {  	[tilespmem:s22+$0xFFFFFFD2] =	vst.msk $0x1, v1;
	v1 =	vbroadcast v2, $0xF  }
0xfd: {  	[tilespmem:s22+$0xFFFFFFEA] =	vst.msk $0x1, v0  }
0xfe: {  	[tilespmem:s22+$0x17] =	vst.msk $0x1, v1  }
0xff: {  	v22 =	vld [tilespmem:s20+$0x200]  }
0x100: {  	v17 =	vld [tilespmem:s20+$0x210]  }
0x101: {  	v0 =	vld [tilespmem:s20+$0x220]  }
0x102: {  	v1 =	vld [tilespmem:s20+$0x230]  }
0x103: {  	v15 =	vld [tilespmem:s20+$0x240]  }
0x104: {  	v19 =	vld [tilespmem:s20+$0x250]  }
0x105: {  	v7 =	vld [tilespmem:s20+$0x260]  }
0x106: {  	v10 =	vld [tilespmem:s20+$0x270]  }
0x107: {  	v24 =	vld [tilespmem:s20+$0x280]  }
0x108: {  	v23 =	vld [tilespmem:s20+$0x290]  }
0x109: {  	v5 =	vld [tilespmem:s20+$0x2A0]  }
0x10a: {  	v2 =	vld [tilespmem:s20+$0x2B0]  }
0x10b: {  	v20 =	vld [tilespmem:s20+$0x2C0]  }
0x10c: {  	v21 =	vld [tilespmem:s20+$0x2D0]  }
0x10d: {  	v18 =	vld [tilespmem:s20+$0x2E0]  }
0x10e: {  	v8 =	vld [tilespmem:s20+$0x2F0]  }
0x10f: {  	v26 =	vld [tilespmem:s20+$0x300]  }
0x110: {  	v16 =	vld [tilespmem:s20+$0x310]  }
0x111: {  	v11 =	vld [tilespmem:s20+$0x320]  }
0x112: {  	v12 =	vld [tilespmem:s20+$0x330]  }
0x113: {  	v4 =	vld [tilespmem:s20+$0x340]  }
0x114: {  	v3 =	vld [tilespmem:s20+$0x350];
	v6 =	vmul.f32 v24, v22  }
0x115: {  	v9 =	vld [tilespmem:s20+$0x360];
	v14 =	vmul.f32 v23, v17;
	v25 =	vmul.f32 v5, v0  }
0x116: {  	v13 =	vld [tilespmem:s20+$0x370];
	v29 =	vmul.f32 v2, v1;
	v30 =	vmul.f32 v20, v15  }
0x117: {  	v27 =	vld [tilespmem:s20+$0x380];
	v31 =	vmul.f32 v21, v19;
	v44 =	vmul.f32 v18, v7  }
0x118: {  	v28 =	vld [tilespmem:s20+$0x390];
	v45 =	vmul.f32 v8, v10;
	v47 =	vmul.f32 v26, v22  }
0x119: {  	v48 =	vmul.f32 v16, v17;
	v50 =	vmul.f32 v11, v0  }
0x11a: {  	v39 =	vmul.f32 v12, v1;
	v51 =	vmul.f32 v4, v15  }
0x11b: {  	v40 =	vmul.f32 v3, v19;
	v41 =	vmul.f32 v9, v7  }
0x11c: {  	v42 =	vmul.f32 v13, v10;
	v54 =	vmul.f32 v27, v22  }
0x11d: {  	v55 =	vmul.f32 v28, v17;
	v46 =	vadd.f32 v14, v6;
	v25 =	vadd.f32 v29, v25  }
0x11e: {  	v62 =	vmul.f32 v26, v24;
	v49 =	vadd.f32 v31, v30;
	v32 =	vadd.f32 v45, v44  }
0x11f: {  	v63 =	vmul.f32 v16, v23;
	v6 =	vld [tilespmem:s20+$0x3A0];
	v35 =	vadd.f32 v48, v47;
	v52 =	vadd.f32 v39, v50  }
0x120: {  	v43 =	vmul.f32 v13, v8;
	v14 =	vld [tilespmem:s20+$0x3B0];
	v33 =	vadd.f32 v40, v51;
	v53 =	vadd.f32 v42, v41  }
0x121: {  	v29 =	vld [tilespmem:s20+$0x3C0];
	v36 =	vadd.f32 v55, v54;
	v47 =	vmul.f32 v12, v2;
	v48 =	vmul.f32 v4, v20  }
0x122: {  	v31 =	vld [tilespmem:s20+$0x3D0];
	v50 =	vmul.f32 v9, v18;
	v37 =	vadd.f32 v63, v62;
	v34 =	vadd.f32 v25, v46  }
0x123: {  	v30 =	vld [tilespmem:s20+$0x3E0];
	v44 =	vmul.f32 v28, v16;
	v32 =	vadd.f32 v32, v49;
	v35 =	vadd.f32 v52, v35  }
0x124: {  	v33 =	vadd.f32 v53, v33;
	v46 =	vmul.f32 v11, v5;
	v49 =	vmul.f32 v3, v21  }
0x125: {  	v25 =	vld [tilespmem:s20+$0x3F0];
	v39 =	vadd.f32 v43, v50;
	v52 =	vmul.f32 v27, v24;
	v53 =	vmul.f32 v28, v23  }
0x126: {  	v32 =	vadd.f32 v32, v34;
	v56 =	vmul.f32 v6, v0;
	v57 =	vmul.f32 v14, v1  }
0x127: {  	v33 =	vadd.f32 v33, v35;
	v58 =	vmul.f32 v29, v15;
	v59 =	vmul.f32 v31, v19  }
0x128: {  	v51 =	vadd.f32 v47, v46;
	v60 =	vmul.f32 v30, v7;
	v54 =	vmul.f32 v6, v5  }
0x129: {  	v38 =	vadd.f32 v53, v52;
	v55 =	vmul.f32 v14, v2;
	v62 =	vmul.f32 v29, v4  }
0x12a: {  	v46 =	vmul.f32 v31, v3;
	v37 =	vadd.f32 v51, v37;
	v61 =	vmul.f32 v25, v10  }
0x12b: {  	v63 =	vmul.f32 v30, v9;
	v34 =	vadd.f32 v57, v56;
	v35 =	vadd.f32 v59, v58  }
0x12c: {  	v56 =	vmul.f32 v29, v20;
	v57 =	vmul.f32 v31, v21;
	v45 =	vadd.f32 v61, v60  }
0x12d: {  	v58 =	vmul.f32 v30, v18;
	v34 =	vadd.f32 v34, v36;
	v36 =	vadd.f32 v49, v48  }
0x12e: {  	v59 =	vmul.f32 v25, v8;
	v47 =	vmul.f32 v25, v13;
	v42 =	vadd.f32 v46, v62  }
0x12f: {  	v60 =	vmul.f32 v27, v26;
	v35 =	vadd.f32 v45, v35;
	v36 =	vadd.f32 v39, v36  }
0x130: {  	v61 =	vmul.f32 v6, v11;
	v43 =	vadd.f32 v47, v63;
	v39 =	vadd.f32 v55, v54  }
0x131: {  	v45 =	vmul.f32 v14, v12;
	v34 =	vadd.f32 v35, v34;
	v36 =	vadd.f32 v36, v37  }
0x132: {  	v35 =	vadd.f32 v57, v56;
	v37 =	vadd.f32 v59, v58  }
0x133: {  	v40 =	vadd.f32 v44, v60;
	v41 =	vadd.f32 v45, v61  }
0x134: {  	(xrf2) =	vadd.scan.msk.f32 $0xffff, v32;
	v46 =	vadd.f32 v39, v38;
	v35 =	vadd.f32 v37, v35  }
0x135: {  	(xrf2) =	vadd.scan.msk.f32 $0xffff, v33;
	v48 =	vadd.f32 v43, v42;
	v47 =	vadd.f32 v41, v40  }
0x136: {  	(xrf2) =	vadd.scan.msk.f32 $0xffff, v34;
	v32 =	vadd.f32 v35, v46  }
0x137: {  	(xrf2) =	vadd.scan.msk.f32 $0xffff, v36;
	v33 =	vadd.f32 v48, v47  }
0x138: {  	(xrf2) =	vadd.scan.msk.f32 $0xffff, v32  }
0x139: {  	(xrf2) =	vadd.scan.msk.f32 $0xffff, v33;
	_ =	sdelay $0x4  }
0x13a: {  	v49, _, _ =	vpop (xrf2)  }
0x13b: {  	v50, _, _ =	vpop (xrf2);
	v32 =	vbroadcast v49, $0xF  }
0x13c: {  	v33 =	vbroadcast v50, $0xF;
	v34, _, _ =	vpop (xrf2)  }
0x13d: {  	s23 =	sand.u32 $0x7, s21;
	s22 =	sand.u32 $0x3FF8, s21;
	[tilespmem:s21+$0x1A05E] =	vst.msk $0x1, v32;
	v51 =	vbroadcast v34, $0xF;
	v52, _, _ =	vpop (xrf2)  }
0x13e: {  	s24 =	sor.u32 s23, s22;
	[tilespmem:s21+$0x1A05F] =	vst.msk $0x1, v33;
	v53 =	vbroadcast v52, $0xF;
	v54, _, _ =	vpop (xrf2)  }
0x13f: {  	[tilespmem:s24+$0x1A060] =	vst.msk $0x1, v51;
	v55 =	vbroadcast v54, $0xF;
	v56, _, _ =	vpop (xrf2)  }
0x140: {  	[tilespmem:s21+$0x1A073] =	vst.msk $0x1, v53;
	v57 =	vbroadcast v56, $0xF  }
0x141: {  	[tilespmem:s21+$0x1A074] =	vst.msk $0x1, v55  }
0x142: {  	[tilespmem:s21+$0x1A087] =	vst.msk $0x1, v57  }
0x143: {  	v32 =	vld [tilespmem:s12+$0xFFFFFF40]  }
0x144: {  	v33 =	vld [tilespmem:s12+$0xFFFFFF50]  }
0x145: {  	v34 =	vld [tilespmem:s12+$0xFFFFFF60]  }
0x146: {  	v35 =	vld [tilespmem:s12+$0xFFFFFF30]  }
0x147: {  	v36 =	vld [tilespmem:s12+$0xFFFFFF20]  }
0x148: {  	v37 =	vld [tilespmem:s12+$0xFFFFFF10];
	v38 =	vmul.f32 v32, v2;
	v58 =	vmul.f32 v32, v14  }
0x149: {  	v40 =	vld [tilespmem:s12+$0xFFFFFF70];
	v59 =	vmul.f32 v33, v15;
	v42 =	vmul.f32 v33, v29  }
0x14a: {  	v43 =	vld [tilespmem:s12+$0xFFFFFF80];
	v44 =	vmul.f32 v32, v1;
	v45 =	vmul.f32 v34, v3  }
0x14b: {  	v46 =	vmul.f32 v34, v21;
	v60 =	vmul.f32 v35, v6  }
0x14c: {  	v48 =	vmul.f32 v36, v17;
	v49 =	vmul.f32 v34, v19  }
0x14d: {  	v50 =	vmul.f32 v33, v20;
	v51 =	vmul.f32 v36, v16  }
0x14e: {  	v61 =	vmul.f32 v37, v22;
	v52 =	vmul.f32 v36, v23  }
0x14f: {  	v62 =	vmul.f32 v40, v7;
	v53 =	vmul.f32 v43, v10  }
0x150: {  	v54 =	vmul.f32 v37, v24;
	v55 =	vmul.f32 v40, v18  }
0x151: {  	v63 =	vmul.f32 v35, v5;
	v56 =	vmul.f32 v40, v9  }
0x152: {  	v33 =	vmul.f32 v33, v4;
	v34 =	vmul.f32 v34, v31  }
0x153: {  	v32 =	vmul.f32 v32, v12;
	v40 =	vmul.f32 v40, v30;
	v39 =	vadd.f32 v58, v60  }
0x154: {  	v36 =	vmul.f32 v36, v28;
	v41 =	vadd.f32 v49, v59;
	v47 =	vadd.f32 v48, v61  }
0x155: {  	v49 =	vadd.f32 v53, v62;
	v60 =	vmul.f32 v43, v8;
	v52 =	vadd.f32 v52, v54  }
0x156: {  	v38 =	vadd.f32 v38, v63;
	v46 =	vadd.f32 v46, v50;
	v61 =	vmul.f32 v35, v11  }
0x157: {  	v63 =	vmul.f32 v37, v26;
	v53 =	vmul.f32 v43, v25;
	v34 =	vadd.f32 v34, v42  }
0x158: {  	v37 =	vmul.f32 v37, v27;
	v33 =	vadd.f32 v45, v33;
	v62 =	vadd.f32 v60, v55  }
0x159: {  	v35 =	vmul.f32 v35, v0;
	v38 =	vadd.f32 v38, v52;
	v32 =	vadd.f32 v32, v61  }
0x15a: {  	v43 =	vmul.f32 v43, v13;
	v54 =	vadd.f32 v51, v63;
	v40 =	vadd.f32 v53, v40  }
0x15b: {  	v36 =	vadd.f32 v36, v37;
	v35 =	vadd.f32 v44, v35  }
0x15c: {  	v56 =	vadd.f32 v43, v56;
	v41 =	vadd.f32 v49, v41  }
0x15d: {  	v46 =	vadd.f32 v62, v46;
	v32 =	vadd.f32 v32, v54  }
0x15e: {  	v35 =	vadd.f32 v35, v47;
	v36 =	vadd.f32 v39, v36  }
0x15f: {  	v33 =	vadd.f32 v56, v33;
	v55 =	vadd.f32 v46, v38  }
0x160: {  	v34 =	vadd.f32 v40, v34;
	v35 =	vadd.f32 v41, v35  }
0x161: {  	v32 =	vadd.f32 v33, v32;
	(xrf2) =	vadd.scan.msk.f32 $0xffff, v55  }
0x162: {  	v57 =	vadd.f32 v34, v36;
	(xrf2) =	vadd.scan.msk.f32 $0xffff, v35  }
0x163: {  	(xrf2) =	vadd.scan.msk.f32 $0xffff, v32  }
0x164: {  	(xrf2) =	vadd.scan.msk.f32 $0xffff, v57;
	_ =	sdelay $0x6  }
0x165: {  	v58, _, _ =	vpop (xrf2)  }
0x166: {  	v32 =	vbroadcast v58, $0xF;
	v59, _, _ =	vpop (xrf2)  }
0x167: {  	v33 =	vbroadcast v59, $0xF;
	v60, _, _ =	vpop (xrf2)  }
0x168: {  	[tilespmem:s11+$0xFFFFFFDA] =	vst.msk $0x1, v32;
	v61 =	vbroadcast v60, $0xF;
	v62, _, _ =	vpop (xrf2)  }
0x169: {  	[tilespmem:s11+$0xFFFFFFC6] =	vst.msk $0x1, v33;
	v63 =	vbroadcast v62, $0xF  }
0x16a: {  	[tilespmem:s11+$0xFFFFFFED] =	vst.msk $0x1, v61  }
0x16b: {  	[tilespmem:s11+$0xFFFFFFFF] =	vst.msk $0x1, v63  }
0x16c: {  	v36 =	vld [tilespmem:s12+$0xFFFFFF90]  }
0x16d: {  	v35 =	vld [tilespmem:s12+$0xFFFFFFA0]  }
0x16e: {  	v33 =	vld [tilespmem:s12+$0xFFFFFFE0]  }
0x16f: {  	s26 =	simm.s32 $0x0;
	s25 =	smov.u32 s12;
	v32 =	vld [tilespmem:s12+$0xFFFFFFB0]  }
0x170: {  	s28 =	smov.u32 s11;
	s29 =	smov.u32 s12;
	s24 =	smov.u32 s11;
	v34 =	vld [tilespmem:s12+$0xFFFFFFD0]  }
.LBB2_5:
0x171: {  	s26 =	sadd.s32 $0x2, s26;
	v37 =	vld [tilespmem:s25+$0xFFFFFFF0];
	v38 =	vmul.f32 v36, v22;
	v39 =	vmul.f32 v36, v24;
	s28 =	sadd.s32 $0x2, s28;
	s29 =	sadd.s32 $0x100, s29  }
0x172: {  	v42 =	vmul.f32 v36, v26;
	p0 =	slt.u32 s26, $0x10;
	v40 =	vld [tilespmem:s25+$0x0];
	v41 =	vmul.f32 v35, v17  }
0x173: {  	v45 =	vmul.f32 v35, v23;
	v43 =	vld [tilespmem:s25+$0xFFFFFFC0];
	v44 =	vmul.f32 v33, v19;
	s25 =	smov.u32 s29  }
0x174: {  	v36 =	vmul.f32 v36, v27;
	v46 =	vmul.f32 v35, v28  }
0x175: {  	v48 =	vmul.f32 v33, v31;
	v47 =	vmul.f32 v34, v15  }
0x176: {  	v50 =	vmul.f32 v33, v21;
	v36 =	vadd.f32 v46, v36;
	v49 =	vmul.f32 v34, v20  }
0x177: {  	v46 =	vmul.f32 v37, v18;
	v44 =	vadd.f32 v44, v47;
	v47 =	vmul.f32 v34, v29  }
0x178: {  	v35 =	vmul.f32 v35, v16;
	v51 =	vmul.f32 v40, v10;
	v49 =	vadd.f32 v50, v49  }
0x179: {  	v52 =	vmul.f32 v37, v30;
	v50 =	vmul.f32 v37, v7;
	v47 =	vadd.f32 v48, v47  }
0x17a: {  	v39 =	vadd.f32 v45, v39;
	v45 =	vmul.f32 v40, v25;
	v48 =	vmul.f32 v43, v1  }
0x17b: {  	v53 =	vmul.f32 v32, v5;
	v54 =	vmul.f32 v40, v8  }
0x17c: {  	v38 =	vadd.f32 v41, v38;
	v41 =	vmul.f32 v32, v11;
	v55 =	vmul.f32 v43, v12  }
0x17d: {  	v56 =	vmul.f32 v32, v0;
	v57 =	vmul.f32 v43, v2;
	v46 =	vadd.f32 v54, v46  }
0x17e: {  	v37 =	vmul.f32 v37, v9;
	v40 =	vmul.f32 v40, v13;
	v41 =	vadd.f32 v55, v41  }
0x17f: {  	v34 =	vmul.f32 v34, v4;
	v48 =	vadd.f32 v48, v56;
	v46 =	vadd.f32 v46, v49  }
0x180: {  	v33 =	vmul.f32 v33, v3;
	v37 =	vadd.f32 v40, v37;
	v49 =	vadd.f32 v51, v50  }
0x181: {  	v43 =	vmul.f32 v43, v14;
	v40 =	vadd.f32 v57, v53;
	v38 =	vadd.f32 v48, v38  }
0x182: {  	v35 =	vadd.f32 v35, v42;
	v33 =	vadd.f32 v33, v34  }
0x183: {  	v32 =	vmul.f32 v32, v6;
	v39 =	vadd.f32 v40, v39;
	v34 =	vadd.f32 v49, v44  }
0x184: {  	v33 =	vadd.f32 v37, v33;
	v35 =	vadd.f32 v41, v35  }
0x185: {  	v32 =	vadd.f32 v43, v32;
	v34 =	vadd.f32 v34, v38  }
0x186: {  	v33 =	vadd.f32 v33, v35;
	v35 =	vadd.f32 v45, v52  }
0x187: {  	v32 =	vadd.f32 v32, v36;
	v37 =	vadd.f32 v46, v39  }
0x188: {  	v35 =	vadd.f32 v35, v47;
	(xrf2) =	vadd.scan.msk.f32 $0xffff, v33;
	_ =	sdelay $0x1  }
0x189: {  	v32 =	vadd.f32 v35, v32  }
0x18a: {  	(xrf2) =	vadd.scan.msk.f32 $0xffff, v34;
	_ =	sdelay $0x2  }
0x18b: {  	(xrf2) =	vadd.scan.msk.f32 $0xffff, v37;
	_ =	sdelay $0x2  }
0x18c: {  	(xrf2) =	vadd.scan.msk.f32 $0xffff, v32  }
0x18d: {  	v32, _, _ =	vpop (xrf2)  }
0x18e: {  	v33 =	vbroadcast v32, $0xF;
	_ =	sdelay $0x1  }
0x18f: {  	[tilespmem:s24+$0xFFFFFFEE] =	vst.msk $0x1, v33;
	v32, _, _ =	vpop (xrf2)  }
0x190: {  	v33 =	vbroadcast v32, $0xF;
	_ =	sdelay $0x1  }
0x191: {  	[tilespmem:s24+$0xFFFFFFC7] =	vst.msk $0x1, v33;
	v32, _, _ =	vpop (xrf2)  }
0x192: {  	v33 =	vbroadcast v32, $0xF;
	_ =	sdelay $0x1  }
0x193: {  	[tilespmem:s24+$0xFFFFFFDB] =	vst.msk $0x1, v33;
	v32, _, _ =	vpop (xrf2)  }
0x194: {  	v32 =	vbroadcast v32, $0xF;
	_ =	sdelay $0x1  }
0x195: {  	[tilespmem:s24+$0x0] =	vst.msk $0x1, v32;
	s24 =	smov.u32 s28  }
0x196: {  	v32 =	vld [tilespmem:s29+$0xFFFFFF40]  }
0x197: {  	v33 =	vld [tilespmem:s29+$0xFFFFFF50]  }
0x198: {  	v34 =	vld [tilespmem:s29+$0xFFFFFF60]  }
0x199: {  	v35 =	vld [tilespmem:s29+$0xFFFFFF30]  }
0x19a: {  	v36 =	vld [tilespmem:s29+$0xFFFFFF20]  }
0x19b: {  	v37 =	vld [tilespmem:s29+$0xFFFFFF10];
	v38 =	vmul.f32 v32, v2;
	v39 =	vmul.f32 v32, v14  }
0x19c: {  	v40 =	vld [tilespmem:s29+$0xFFFFFF70];
	v41 =	vmul.f32 v33, v15;
	v42 =	vmul.f32 v33, v29  }
0x19d: {  	v44 =	vmul.f32 v32, v1;
	v43 =	vld [tilespmem:s29+$0xFFFFFF80];
	v45 =	vmul.f32 v34, v3  }
0x19e: {  	v46 =	vmul.f32 v34, v21;
	v47 =	vmul.f32 v35, v6  }
0x19f: {  	v49 =	vmul.f32 v34, v19;
	v48 =	vmul.f32 v36, v17  }
0x1a0: {  	v50 =	vmul.f32 v33, v20;
	v51 =	vmul.f32 v36, v16;
	v39 =	vadd.f32 v39, v47  }
0x1a1: {  	v41 =	vadd.f32 v49, v41;
	v49 =	vmul.f32 v36, v23;
	v47 =	vmul.f32 v37, v22  }
0x1a2: {  	v52 =	vmul.f32 v37, v24;
	v53 =	vmul.f32 v40, v18  }
0x1a3: {  	v54 =	vmul.f32 v40, v7;
	v55 =	vmul.f32 v43, v10;
	v47 =	vadd.f32 v48, v47  }
0x1a4: {  	v56 =	vmul.f32 v40, v9;
	v48 =	vmul.f32 v35, v5  }
0x1a5: {  	v33 =	vmul.f32 v33, v4;
	v54 =	vadd.f32 v55, v54;
	v55 =	vmul.f32 v43, v8  }
0x1a6: {  	v34 =	vmul.f32 v34, v31;
	v49 =	vadd.f32 v49, v52;
	v38 =	vadd.f32 v38, v48  }
0x1a7: {  	v32 =	vmul.f32 v32, v12;
	v46 =	vadd.f32 v46, v50;
	v48 =	vmul.f32 v35, v11  }
0x1a8: {  	v40 =	vmul.f32 v40, v30;
	v50 =	vadd.f32 v55, v53;
	v38 =	vadd.f32 v38, v49  }
0x1a9: {  	v49 =	vmul.f32 v37, v26;
	v32 =	vadd.f32 v32, v48;
	v48 =	vmul.f32 v43, v25  }
0x1aa: {  	v34 =	vadd.f32 v34, v42;
	v43 =	vmul.f32 v43, v13;
	v46 =	vadd.f32 v50, v46  }
0x1ab: {  	v36 =	vmul.f32 v36, v28;
	v37 =	vmul.f32 v37, v27;
	v42 =	vadd.f32 v51, v49  }
0x1ac: {  	v33 =	vadd.f32 v45, v33;
	v35 =	vmul.f32 v35, v0;
	v40 =	vadd.f32 v48, v40  }
0x1ad: {  	v36 =	vadd.f32 v36, v37;
	v32 =	vadd.f32 v32, v42  }
0x1ae: {  	v35 =	vadd.f32 v44, v35;
	v37 =	vadd.f32 v46, v38  }
0x1af: {  	v36 =	vadd.f32 v39, v36;
	v34 =	vadd.f32 v40, v34  }
0x1b0: {  	v38 =	vadd.f32 v54, v41;
	v39 =	vadd.f32 v43, v56;
	(xrf2) =	vadd.scan.msk.f32 $0xffff, v37  }
0x1b1: {  	v35 =	vadd.f32 v35, v47;
	v34 =	vadd.f32 v34, v36  }
0x1b2: {  	v33 =	vadd.f32 v39, v33  }
0x1b3: {  	v35 =	vadd.f32 v38, v35  }
0x1b4: {  	v32 =	vadd.f32 v33, v32  }
0x1b5: {  	(xrf2) =	vadd.scan.msk.f32 $0xffff, v35;
	_ =	sdelay $0x2  }
0x1b6: {  	(xrf2) =	vadd.scan.msk.f32 $0xffff, v32;
	_ =	sdelay $0x1  }
0x1b7: {  	v32, _, _ =	vpop (xrf2)  }
0x1b8: {  	v32 =	vbroadcast v32, $0xF  }
0x1b9: {  	(xrf2) =	vadd.scan.msk.f32 $0xffff, v34  }
0x1ba: {  	[tilespmem:s28+$0xFFFFFFDA] =	vst.msk $0x1, v32;
	_ =	sdelay $0x1  }
0x1bb: {  	v32, _, _ =	vpop (xrf2)  }
0x1bc: {  	v33 =	vbroadcast v32, $0xF;
	_ =	sdelay $0x1  }
0x1bd: {  	[tilespmem:s28+$0xFFFFFFC6] =	vst.msk $0x1, v33;
	v32, _, _ =	vpop (xrf2)  }
0x1be: {  	v33 =	vbroadcast v32, $0xF;
	_ =	sdelay $0x1  }
0x1bf: {  	[tilespmem:s28+$0xFFFFFFED] =	vst.msk $0x1, v33  }
0x1c0: {  	v32, _, _ =	vpop (xrf2)  }
0x1c1: {  	v32 =	vbroadcast v32, $0xF;
	_ =	sdelay $0x1  }
0x1c2: {  	[tilespmem:s28+$0xFFFFFFFF] =	vst.msk $0x1, v32  }
.Ltmp1:
0x1c3: {  	v36 =	vld [tilespmem:s29+$0xFFFFFF90];
	(pc) =	sbr.rel @p0 .LBB2_5-.Ltmp1, $4  }
0x1c4: {  	v35 =	vld [tilespmem:s29+$0xFFFFFFA0]  }
0x1c5: {  	v33 =	vld [tilespmem:s29+$0xFFFFFFE0]  }
0x1c6: {  	v32 =	vld [tilespmem:s29+$0xFFFFFFB0]  }
0x1c7: {  	v34 =	vld [tilespmem:s29+$0xFFFFFFD0]  }
0x1c8: {  	v22 =	vmul.f32 v36, v22  }
0x1c9: {  	v24 =	vmul.f32 v36, v24;
	v26 =	vmul.f32 v36, v26  }
0x1ca: {  	v27 =	vmul.f32 v36, v27;
	v17 =	vmul.f32 v35, v17  }
0x1cb: {  	v23 =	vmul.f32 v35, v23;
	v28 =	vmul.f32 v35, v28  }
0x1cc: {  	v37 =	vld [tilespmem:s25+$0xFFFFFFF0];
	v16 =	vmul.f32 v35, v16;
	v19 =	vmul.f32 v33, v19  }
0x1cd: {  	v38 =	vld [tilespmem:s25+$0x0];
	v31 =	vmul.f32 v33, v31;
	v21 =	vmul.f32 v33, v21  }
0x1ce: {  	v43 =	vld [tilespmem:s25+$0xFFFFFFC0];
	v3 =	vmul.f32 v33, v3;
	v5 =	vmul.f32 v32, v5  }
0x1cf: {  	v11 =	vmul.f32 v32, v11;
	v0 =	vmul.f32 v32, v0  }
0x1d0: {  	v6 =	vmul.f32 v32, v6;
	v15 =	vmul.f32 v34, v15  }
0x1d1: {  	v27 =	vadd.f32 v28, v27;
	v20 =	vmul.f32 v34, v20;
	v4 =	vmul.f32 v34, v4  }
0x1d2: {  	v23 =	vadd.f32 v23, v24;
	v18 =	vmul.f32 v37, v18;
	v10 =	vmul.f32 v38, v10  }
0x1d3: {  	v17 =	vadd.f32 v17, v22;
	v7 =	vmul.f32 v37, v7;
	v1 =	vmul.f32 v43, v1  }
0x1d4: {  	v8 =	vmul.f32 v38, v8;
	v12 =	vmul.f32 v43, v12;
	v15 =	vadd.f32 v19, v15  }
0x1d5: {  	v2 =	vmul.f32 v43, v2;
	v20 =	vadd.f32 v21, v20;
	v3 =	vadd.f32 v3, v4  }
0x1d6: {  	v9 =	vmul.f32 v37, v9;
	v8 =	vadd.f32 v8, v18;
	v11 =	vadd.f32 v12, v11  }
0x1d7: {  	v19 =	vmul.f32 v34, v29;
	v0 =	vadd.f32 v1, v0;
	v7 =	vadd.f32 v10, v7  }
0x1d8: {  	v13 =	vmul.f32 v38, v13;
	v2 =	vadd.f32 v2, v5;
	v10 =	vadd.f32 v16, v26  }
0x1d9: {  	v21 =	vmul.f32 v37, v30;
	v19 =	vadd.f32 v31, v19;
	v1 =	vadd.f32 v8, v20  }
0x1da: {  	v5 =	vmul.f32 v43, v14;
	v8 =	vadd.f32 v13, v9;
	v0 =	vadd.f32 v0, v17  }
0x1db: {  	v9 =	vmul.f32 v38, v25;
	v4 =	vadd.f32 v7, v15;
	v2 =	vadd.f32 v2, v23  }
0x1dc: {  	v7 =	vadd.f32 v11, v10;
	v3 =	vadd.f32 v8, v3  }
0x1dd: {  	v5 =	vadd.f32 v5, v6;
	v6 =	vadd.f32 v9, v21  }
0x1de: {  	v0 =	vadd.f32 v4, v0;
	v3 =	vadd.f32 v3, v7  }
0x1df: {  	v4 =	vadd.f32 v5, v27;
	v5 =	vadd.f32 v6, v19  }
0x1e0: {  	v1 =	vadd.f32 v1, v2;
	(xrf2) =	vadd.scan.msk.f32 $0xffff, v3  }
0x1e1: {  	v2 =	vadd.f32 v5, v4;
	(xrf2) =	vadd.scan.msk.f32 $0xffff, v0  }
0x1e2: {  	(xrf2) =	vadd.scan.msk.f32 $0xffff, v1  }
0x1e3: {  	(xrf2) =	vadd.scan.msk.f32 $0xffff, v2;
	_ =	sdelay $0x6  }
0x1e4: {  	v0, _, _ =	vpop (xrf2)  }
0x1e5: {  	v0 =	vbroadcast v0, $0xF;
	v1, _, _ =	vpop (xrf2)  }
0x1e6: {  	v1 =	vbroadcast v1, $0xF;
	v2, _, _ =	vpop (xrf2)  }
0x1e7: {  	[tilespmem:s24+$0xFFFFFFEE] =	vst.msk $0x1, v0;
	v0 =	vbroadcast v2, $0xF;
	v2, _, _ =	vpop (xrf2)  }
0x1e8: {  	[tilespmem:s24+$0xFFFFFFC7] =	vst.msk $0x1, v1;
	v1 =	vbroadcast v2, $0xF  }
0x1e9: {  	[tilespmem:s24+$0xFFFFFFDB] =	vst.msk $0x1, v0  }
0x1ea: {  	[tilespmem:s24+$0x0] =	vst.msk $0x1, v1  }
0x1eb: {  	v22 =	vld [tilespmem:s20+$0x400]  }
0x1ec: {  	v17 =	vld [tilespmem:s20+$0x410]  }
0x1ed: {  	v0 =	vld [tilespmem:s20+$0x420]  }
0x1ee: {  	v1 =	vld [tilespmem:s20+$0x430]  }
0x1ef: {  	v15 =	vld [tilespmem:s20+$0x440]  }
0x1f0: {  	v19 =	vld [tilespmem:s20+$0x450]  }
0x1f1: {  	v7 =	vld [tilespmem:s20+$0x460]  }
0x1f2: {  	v10 =	vld [tilespmem:s20+$0x470]  }
0x1f3: {  	v24 =	vld [tilespmem:s20+$0x480]  }
0x1f4: {  	v23 =	vld [tilespmem:s20+$0x490]  }
0x1f5: {  	v5 =	vld [tilespmem:s20+$0x4A0]  }
0x1f6: {  	v2 =	vld [tilespmem:s20+$0x4B0]  }
0x1f7: {  	v20 =	vld [tilespmem:s20+$0x4C0]  }
0x1f8: {  	v21 =	vld [tilespmem:s20+$0x4D0]  }
0x1f9: {  	v18 =	vld [tilespmem:s20+$0x4E0]  }
0x1fa: {  	v8 =	vld [tilespmem:s20+$0x4F0]  }
0x1fb: {  	v26 =	vld [tilespmem:s20+$0x500]  }
0x1fc: {  	v16 =	vld [tilespmem:s20+$0x510]  }
0x1fd: {  	v11 =	vld [tilespmem:s20+$0x520]  }
0x1fe: {  	v12 =	vld [tilespmem:s20+$0x530]  }
0x1ff: {  	v4 =	vld [tilespmem:s20+$0x540]  }
0x200: {  	v3 =	vld [tilespmem:s20+$0x550];
	v6 =	vmul.f32 v24, v22  }
0x201: {  	v9 =	vld [tilespmem:s20+$0x560];
	v14 =	vmul.f32 v23, v17;
	v25 =	vmul.f32 v5, v0  }
0x202: {  	v13 =	vld [tilespmem:s20+$0x570];
	v29 =	vmul.f32 v2, v1;
	v30 =	vmul.f32 v20, v15  }
0x203: {  	v27 =	vld [tilespmem:s20+$0x580];
	v31 =	vmul.f32 v21, v19;
	v44 =	vmul.f32 v18, v7  }
0x204: {  	v28 =	vld [tilespmem:s20+$0x590];
	v45 =	vmul.f32 v8, v10;
	v47 =	vmul.f32 v26, v22  }
0x205: {  	v48 =	vmul.f32 v16, v17;
	v50 =	vmul.f32 v11, v0  }
0x206: {  	v39 =	vmul.f32 v12, v1;
	v51 =	vmul.f32 v4, v15  }
0x207: {  	v40 =	vmul.f32 v3, v19;
	v41 =	vmul.f32 v9, v7  }
0x208: {  	v42 =	vmul.f32 v13, v10;
	v54 =	vmul.f32 v27, v22  }
0x209: {  	v55 =	vmul.f32 v28, v17;
	v46 =	vadd.f32 v14, v6;
	v25 =	vadd.f32 v29, v25  }
0x20a: {  	v62 =	vmul.f32 v26, v24;
	v49 =	vadd.f32 v31, v30;
	v32 =	vadd.f32 v45, v44  }
0x20b: {  	v63 =	vmul.f32 v16, v23;
	v6 =	vld [tilespmem:s20+$0x5A0];
	v35 =	vadd.f32 v48, v47;
	v52 =	vadd.f32 v39, v50  }
0x20c: {  	v43 =	vmul.f32 v13, v8;
	v14 =	vld [tilespmem:s20+$0x5B0];
	v33 =	vadd.f32 v40, v51;
	v53 =	vadd.f32 v42, v41  }
0x20d: {  	v29 =	vld [tilespmem:s20+$0x5C0];
	v36 =	vadd.f32 v55, v54;
	v47 =	vmul.f32 v12, v2;
	v48 =	vmul.f32 v4, v20  }
0x20e: {  	v31 =	vld [tilespmem:s20+$0x5D0];
	v50 =	vmul.f32 v9, v18;
	v37 =	vadd.f32 v63, v62;
	v34 =	vadd.f32 v25, v46  }
0x20f: {  	v30 =	vld [tilespmem:s20+$0x5E0];
	v44 =	vmul.f32 v28, v16;
	v32 =	vadd.f32 v32, v49;
	v35 =	vadd.f32 v52, v35  }
0x210: {  	v33 =	vadd.f32 v53, v33;
	v46 =	vmul.f32 v11, v5;
	v49 =	vmul.f32 v3, v21  }
0x211: {  	v25 =	vld [tilespmem:s20+$0x5F0];
	v39 =	vadd.f32 v43, v50;
	v52 =	vmul.f32 v27, v24;
	v53 =	vmul.f32 v28, v23  }
0x212: {  	v32 =	vadd.f32 v32, v34;
	v56 =	vmul.f32 v6, v0;
	v57 =	vmul.f32 v14, v1  }
0x213: {  	v33 =	vadd.f32 v33, v35;
	v58 =	vmul.f32 v29, v15;
	v59 =	vmul.f32 v31, v19  }
0x214: {  	v51 =	vadd.f32 v47, v46;
	v60 =	vmul.f32 v30, v7;
	v54 =	vmul.f32 v6, v5  }
0x215: {  	v38 =	vadd.f32 v53, v52;
	v55 =	vmul.f32 v14, v2;
	v62 =	vmul.f32 v29, v4  }
0x216: {  	v46 =	vmul.f32 v31, v3;
	v37 =	vadd.f32 v51, v37;
	v61 =	vmul.f32 v25, v10  }
0x217: {  	v63 =	vmul.f32 v30, v9;
	v34 =	vadd.f32 v57, v56;
	v35 =	vadd.f32 v59, v58  }
0x218: {  	v56 =	vmul.f32 v29, v20;
	v57 =	vmul.f32 v31, v21;
	v45 =	vadd.f32 v61, v60  }
0x219: {  	v58 =	vmul.f32 v30, v18;
	v34 =	vadd.f32 v34, v36;
	v36 =	vadd.f32 v49, v48  }
0x21a: {  	v59 =	vmul.f32 v25, v8;
	v47 =	vmul.f32 v25, v13;
	v42 =	vadd.f32 v46, v62  }
0x21b: {  	v60 =	vmul.f32 v27, v26;
	v35 =	vadd.f32 v45, v35;
	v36 =	vadd.f32 v39, v36  }
0x21c: {  	v61 =	vmul.f32 v6, v11;
	v43 =	vadd.f32 v47, v63;
	v39 =	vadd.f32 v55, v54  }
0x21d: {  	v45 =	vmul.f32 v14, v12;
	v34 =	vadd.f32 v35, v34;
	v36 =	vadd.f32 v36, v37  }
0x21e: {  	v35 =	vadd.f32 v57, v56;
	v37 =	vadd.f32 v59, v58  }
0x21f: {  	v40 =	vadd.f32 v44, v60;
	v41 =	vadd.f32 v45, v61  }
0x220: {  	(xrf2) =	vadd.scan.msk.f32 $0xffff, v32;
	v46 =	vadd.f32 v39, v38;
	v35 =	vadd.f32 v37, v35  }
0x221: {  	(xrf2) =	vadd.scan.msk.f32 $0xffff, v33;
	v48 =	vadd.f32 v43, v42;
	v47 =	vadd.f32 v41, v40  }
0x222: {  	(xrf2) =	vadd.scan.msk.f32 $0xffff, v34;
	v32 =	vadd.f32 v35, v46  }
0x223: {  	(xrf2) =	vadd.scan.msk.f32 $0xffff, v36;
	v33 =	vadd.f32 v48, v47  }
0x224: {  	(xrf2) =	vadd.scan.msk.f32 $0xffff, v32  }
0x225: {  	(xrf2) =	vadd.scan.msk.f32 $0xffff, v33;
	_ =	sdelay $0x4  }
0x226: {  	v49, _, _ =	vpop (xrf2)  }
0x227: {  	v50, _, _ =	vpop (xrf2);
	v32 =	vbroadcast v49, $0xF  }
0x228: {  	v33 =	vbroadcast v50, $0xF;
	v34, _, _ =	vpop (xrf2)  }
0x229: {  	[tilespmem:s21+$0x1A0AC] =	vst.msk $0x1, v32;
	v51 =	vbroadcast v34, $0xF;
	v52, _, _ =	vpop (xrf2)  }
0x22a: {  	[tilespmem:s21+$0x1A0AD] =	vst.msk $0x1, v33;
	v53 =	vbroadcast v52, $0xF;
	v54, _, _ =	vpop (xrf2)  }
0x22b: {  	[tilespmem:s21+$0x1A0AE] =	vst.msk $0x1, v51;
	v55 =	vbroadcast v54, $0xF;
	v56, _, _ =	vpop (xrf2)  }
0x22c: {  	[tilespmem:s21+$0x1A0BD] =	vst.msk $0x1, v53;
	v57 =	vbroadcast v56, $0xF  }
0x22d: {  	[tilespmem:s21+$0x1A0BE] =	vst.msk $0x1, v55  }
0x22e: {  	[tilespmem:s21+$0x1A0CD] =	vst.msk $0x1, v57  }
0x22f: {  	v32 =	vld [tilespmem:s14+$0xFFFFFF40]  }
0x230: {  	v33 =	vld [tilespmem:s14+$0xFFFFFF50]  }
0x231: {  	v34 =	vld [tilespmem:s14+$0xFFFFFF60]  }
0x232: {  	v35 =	vld [tilespmem:s14+$0xFFFFFF30]  }
0x233: {  	v36 =	vld [tilespmem:s14+$0xFFFFFF20]  }
0x234: {  	v37 =	vld [tilespmem:s14+$0xFFFFFF10];
	v38 =	vmul.f32 v32, v2;
	v58 =	vmul.f32 v32, v14  }
0x235: {  	v40 =	vld [tilespmem:s14+$0xFFFFFF70];
	v59 =	vmul.f32 v33, v15;
	v42 =	vmul.f32 v33, v29  }
0x236: {  	v43 =	vld [tilespmem:s14+$0xFFFFFF80];
	v44 =	vmul.f32 v32, v1;
	v45 =	vmul.f32 v34, v3  }
0x237: {  	v46 =	vmul.f32 v34, v21;
	v60 =	vmul.f32 v35, v6  }
0x238: {  	v48 =	vmul.f32 v36, v17;
	v49 =	vmul.f32 v34, v19  }
0x239: {  	v50 =	vmul.f32 v33, v20;
	v51 =	vmul.f32 v36, v16  }
0x23a: {  	v61 =	vmul.f32 v37, v22;
	v52 =	vmul.f32 v36, v23  }
0x23b: {  	v62 =	vmul.f32 v40, v7;
	v53 =	vmul.f32 v43, v10  }
0x23c: {  	v54 =	vmul.f32 v37, v24;
	v55 =	vmul.f32 v40, v18  }
0x23d: {  	v63 =	vmul.f32 v35, v5;
	v56 =	vmul.f32 v40, v9  }
0x23e: {  	v33 =	vmul.f32 v33, v4;
	v34 =	vmul.f32 v34, v31  }
0x23f: {  	v32 =	vmul.f32 v32, v12;
	v40 =	vmul.f32 v40, v30;
	v39 =	vadd.f32 v58, v60  }
0x240: {  	v36 =	vmul.f32 v36, v28;
	v41 =	vadd.f32 v49, v59;
	v47 =	vadd.f32 v48, v61  }
0x241: {  	v49 =	vadd.f32 v53, v62;
	v60 =	vmul.f32 v43, v8;
	v52 =	vadd.f32 v52, v54  }
0x242: {  	v38 =	vadd.f32 v38, v63;
	v46 =	vadd.f32 v46, v50;
	v61 =	vmul.f32 v35, v11  }
0x243: {  	v63 =	vmul.f32 v37, v26;
	v53 =	vmul.f32 v43, v25;
	v34 =	vadd.f32 v34, v42  }
0x244: {  	v37 =	vmul.f32 v37, v27;
	v33 =	vadd.f32 v45, v33;
	v62 =	vadd.f32 v60, v55  }
0x245: {  	v35 =	vmul.f32 v35, v0;
	v38 =	vadd.f32 v38, v52;
	v32 =	vadd.f32 v32, v61  }
0x246: {  	v43 =	vmul.f32 v43, v13;
	v54 =	vadd.f32 v51, v63;
	v40 =	vadd.f32 v53, v40  }
0x247: {  	v36 =	vadd.f32 v36, v37;
	v35 =	vadd.f32 v44, v35  }
0x248: {  	v56 =	vadd.f32 v43, v56;
	v41 =	vadd.f32 v49, v41  }
0x249: {  	v46 =	vadd.f32 v62, v46;
	v32 =	vadd.f32 v32, v54  }
0x24a: {  	v35 =	vadd.f32 v35, v47;
	v36 =	vadd.f32 v39, v36  }
0x24b: {  	v33 =	vadd.f32 v56, v33;
	v55 =	vadd.f32 v46, v38  }
0x24c: {  	v34 =	vadd.f32 v40, v34;
	v35 =	vadd.f32 v41, v35  }
0x24d: {  	v32 =	vadd.f32 v33, v32;
	(xrf2) =	vadd.scan.msk.f32 $0xffff, v55  }
0x24e: {  	v57 =	vadd.f32 v34, v36;
	(xrf2) =	vadd.scan.msk.f32 $0xffff, v35  }
0x24f: {  	(xrf2) =	vadd.scan.msk.f32 $0xffff, v32  }
0x250: {  	(xrf2) =	vadd.scan.msk.f32 $0xffff, v57;
	_ =	sdelay $0x6  }
0x251: {  	v58, _, _ =	vpop (xrf2)  }
0x252: {  	v32 =	vbroadcast v58, $0xF;
	v59, _, _ =	vpop (xrf2)  }
0x253: {  	v33 =	vbroadcast v59, $0xF;
	v60, _, _ =	vpop (xrf2)  }
0x254: {  	[tilespmem:s13+$0xFFFFFFE2] =	vst.msk $0x1, v32;
	v61 =	vbroadcast v60, $0xF;
	v62, _, _ =	vpop (xrf2)  }
0x255: {  	[tilespmem:s13+$0xFFFFFFD2] =	vst.msk $0x1, v33;
	v63 =	vbroadcast v62, $0xF  }
0x256: {  	[tilespmem:s13+$0xFFFFFFF1] =	vst.msk $0x1, v61  }
0x257: {  	[tilespmem:s13+$0xFFFFFFFF] =	vst.msk $0x1, v63  }
0x258: {  	v36 =	vld [tilespmem:s14+$0xFFFFFF90]  }
0x259: {  	v35 =	vld [tilespmem:s14+$0xFFFFFFA0]  }
0x25a: {  	v33 =	vld [tilespmem:s14+$0xFFFFFFE0]  }
0x25b: {  	s26 =	simm.s32 $0x0;
	s25 =	smov.u32 s14;
	v32 =	vld [tilespmem:s14+$0xFFFFFFB0]  }
0x25c: {  	s28 =	smov.u32 s13;
	s29 =	smov.u32 s14;
	s24 =	smov.u32 s13;
	v34 =	vld [tilespmem:s14+$0xFFFFFFD0]  }
.LBB2_7:
0x25d: {  	s26 =	sadd.s32 $0x2, s26;
	v37 =	vld [tilespmem:s25+$0xFFFFFFF0];
	v38 =	vmul.f32 v36, v22;
	v39 =	vmul.f32 v36, v24;
	s28 =	sadd.s32 $0x2, s28;
	s29 =	sadd.s32 $0x100, s29  }
0x25e: {  	v42 =	vmul.f32 v36, v26;
	p0 =	slt.u32 s26, $0xC;
	v40 =	vld [tilespmem:s25+$0x0];
	v41 =	vmul.f32 v35, v17  }
0x25f: {  	v45 =	vmul.f32 v35, v23;
	v43 =	vld [tilespmem:s25+$0xFFFFFFC0];
	v44 =	vmul.f32 v33, v19;
	s25 =	smov.u32 s29  }
0x260: {  	v36 =	vmul.f32 v36, v27;
	v46 =	vmul.f32 v35, v28  }
0x261: {  	v48 =	vmul.f32 v33, v31;
	v47 =	vmul.f32 v34, v15  }
0x262: {  	v50 =	vmul.f32 v33, v21;
	v36 =	vadd.f32 v46, v36;
	v49 =	vmul.f32 v34, v20  }
0x263: {  	v46 =	vmul.f32 v37, v18;
	v44 =	vadd.f32 v44, v47;
	v47 =	vmul.f32 v34, v29  }
0x264: {  	v35 =	vmul.f32 v35, v16;
	v51 =	vmul.f32 v40, v10;
	v49 =	vadd.f32 v50, v49  }
0x265: {  	v52 =	vmul.f32 v37, v30;
	v50 =	vmul.f32 v37, v7;
	v47 =	vadd.f32 v48, v47  }
0x266: {  	v39 =	vadd.f32 v45, v39;
	v45 =	vmul.f32 v40, v25;
	v48 =	vmul.f32 v43, v1  }
0x267: {  	v53 =	vmul.f32 v32, v5;
	v54 =	vmul.f32 v40, v8  }
0x268: {  	v38 =	vadd.f32 v41, v38;
	v41 =	vmul.f32 v32, v11;
	v55 =	vmul.f32 v43, v12  }
0x269: {  	v56 =	vmul.f32 v32, v0;
	v57 =	vmul.f32 v43, v2;
	v46 =	vadd.f32 v54, v46  }
0x26a: {  	v37 =	vmul.f32 v37, v9;
	v40 =	vmul.f32 v40, v13;
	v41 =	vadd.f32 v55, v41  }
0x26b: {  	v34 =	vmul.f32 v34, v4;
	v48 =	vadd.f32 v48, v56;
	v46 =	vadd.f32 v46, v49  }
0x26c: {  	v33 =	vmul.f32 v33, v3;
	v37 =	vadd.f32 v40, v37;
	v49 =	vadd.f32 v51, v50  }
0x26d: {  	v43 =	vmul.f32 v43, v14;
	v40 =	vadd.f32 v57, v53;
	v38 =	vadd.f32 v48, v38  }
0x26e: {  	v35 =	vadd.f32 v35, v42;
	v33 =	vadd.f32 v33, v34  }
0x26f: {  	v32 =	vmul.f32 v32, v6;
	v39 =	vadd.f32 v40, v39;
	v34 =	vadd.f32 v49, v44  }
0x270: {  	v33 =	vadd.f32 v37, v33;
	v35 =	vadd.f32 v41, v35  }
0x271: {  	v32 =	vadd.f32 v43, v32;
	v34 =	vadd.f32 v34, v38  }
0x272: {  	v33 =	vadd.f32 v33, v35;
	v35 =	vadd.f32 v45, v52  }
0x273: {  	v32 =	vadd.f32 v32, v36;
	v37 =	vadd.f32 v46, v39  }
0x274: {  	v35 =	vadd.f32 v35, v47;
	(xrf2) =	vadd.scan.msk.f32 $0xffff, v33;
	_ =	sdelay $0x1  }
0x275: {  	v32 =	vadd.f32 v35, v32  }
0x276: {  	(xrf2) =	vadd.scan.msk.f32 $0xffff, v34;
	_ =	sdelay $0x2  }
0x277: {  	(xrf2) =	vadd.scan.msk.f32 $0xffff, v37;
	_ =	sdelay $0x2  }
0x278: {  	(xrf2) =	vadd.scan.msk.f32 $0xffff, v32  }
0x279: {  	v32, _, _ =	vpop (xrf2)  }
0x27a: {  	v33 =	vbroadcast v32, $0xF;
	_ =	sdelay $0x1  }
0x27b: {  	[tilespmem:s24+$0xFFFFFFF2] =	vst.msk $0x1, v33;
	v32, _, _ =	vpop (xrf2)  }
0x27c: {  	v33 =	vbroadcast v32, $0xF;
	_ =	sdelay $0x1  }
0x27d: {  	[tilespmem:s24+$0xFFFFFFD3] =	vst.msk $0x1, v33;
	v32, _, _ =	vpop (xrf2)  }
0x27e: {  	v33 =	vbroadcast v32, $0xF;
	_ =	sdelay $0x1  }
0x27f: {  	[tilespmem:s24+$0xFFFFFFE3] =	vst.msk $0x1, v33;
	v32, _, _ =	vpop (xrf2)  }
0x280: {  	v32 =	vbroadcast v32, $0xF;
	_ =	sdelay $0x1  }
0x281: {  	[tilespmem:s24+$0x0] =	vst.msk $0x1, v32;
	s24 =	smov.u32 s28  }
0x282: {  	v32 =	vld [tilespmem:s29+$0xFFFFFF40]  }
0x283: {  	v33 =	vld [tilespmem:s29+$0xFFFFFF50]  }
0x284: {  	v34 =	vld [tilespmem:s29+$0xFFFFFF60]  }
0x285: {  	v35 =	vld [tilespmem:s29+$0xFFFFFF30]  }
0x286: {  	v36 =	vld [tilespmem:s29+$0xFFFFFF20]  }
0x287: {  	v37 =	vld [tilespmem:s29+$0xFFFFFF10];
	v38 =	vmul.f32 v32, v2;
	v39 =	vmul.f32 v32, v14  }
0x288: {  	v40 =	vld [tilespmem:s29+$0xFFFFFF70];
	v41 =	vmul.f32 v33, v15;
	v42 =	vmul.f32 v33, v29  }
0x289: {  	v44 =	vmul.f32 v32, v1;
	v43 =	vld [tilespmem:s29+$0xFFFFFF80];
	v45 =	vmul.f32 v34, v3  }
0x28a: {  	v46 =	vmul.f32 v34, v21;
	v47 =	vmul.f32 v35, v6  }
0x28b: {  	v49 =	vmul.f32 v34, v19;
	v48 =	vmul.f32 v36, v17  }
0x28c: {  	v50 =	vmul.f32 v33, v20;
	v51 =	vmul.f32 v36, v16;
	v39 =	vadd.f32 v39, v47  }
0x28d: {  	v41 =	vadd.f32 v49, v41;
	v49 =	vmul.f32 v36, v23;
	v47 =	vmul.f32 v37, v22  }
0x28e: {  	v52 =	vmul.f32 v37, v24;
	v53 =	vmul.f32 v40, v18  }
0x28f: {  	v54 =	vmul.f32 v40, v7;
	v55 =	vmul.f32 v43, v10;
	v47 =	vadd.f32 v48, v47  }
0x290: {  	v56 =	vmul.f32 v40, v9;
	v48 =	vmul.f32 v35, v5  }
0x291: {  	v33 =	vmul.f32 v33, v4;
	v54 =	vadd.f32 v55, v54;
	v55 =	vmul.f32 v43, v8  }
0x292: {  	v34 =	vmul.f32 v34, v31;
	v49 =	vadd.f32 v49, v52;
	v38 =	vadd.f32 v38, v48  }
0x293: {  	v32 =	vmul.f32 v32, v12;
	v46 =	vadd.f32 v46, v50;
	v48 =	vmul.f32 v35, v11  }
0x294: {  	v40 =	vmul.f32 v40, v30;
	v50 =	vadd.f32 v55, v53;
	v38 =	vadd.f32 v38, v49  }
0x295: {  	v49 =	vmul.f32 v37, v26;
	v32 =	vadd.f32 v32, v48;
	v48 =	vmul.f32 v43, v25  }
0x296: {  	v34 =	vadd.f32 v34, v42;
	v43 =	vmul.f32 v43, v13;
	v46 =	vadd.f32 v50, v46  }
0x297: {  	v36 =	vmul.f32 v36, v28;
	v37 =	vmul.f32 v37, v27;
	v42 =	vadd.f32 v51, v49  }
0x298: {  	v33 =	vadd.f32 v45, v33;
	v35 =	vmul.f32 v35, v0;
	v40 =	vadd.f32 v48, v40  }
0x299: {  	v36 =	vadd.f32 v36, v37;
	v32 =	vadd.f32 v32, v42  }
0x29a: {  	v35 =	vadd.f32 v44, v35;
	v37 =	vadd.f32 v46, v38  }
0x29b: {  	v36 =	vadd.f32 v39, v36;
	v34 =	vadd.f32 v40, v34  }
0x29c: {  	v38 =	vadd.f32 v54, v41;
	v39 =	vadd.f32 v43, v56;
	(xrf2) =	vadd.scan.msk.f32 $0xffff, v37  }
0x29d: {  	v35 =	vadd.f32 v35, v47;
	v34 =	vadd.f32 v34, v36  }
0x29e: {  	v33 =	vadd.f32 v39, v33  }
0x29f: {  	v35 =	vadd.f32 v38, v35  }
0x2a0: {  	v32 =	vadd.f32 v33, v32  }
0x2a1: {  	(xrf2) =	vadd.scan.msk.f32 $0xffff, v35;
	_ =	sdelay $0x2  }
0x2a2: {  	(xrf2) =	vadd.scan.msk.f32 $0xffff, v32;
	_ =	sdelay $0x1  }
0x2a3: {  	v32, _, _ =	vpop (xrf2)  }
0x2a4: {  	v32 =	vbroadcast v32, $0xF  }
0x2a5: {  	(xrf2) =	vadd.scan.msk.f32 $0xffff, v34  }
0x2a6: {  	[tilespmem:s28+$0xFFFFFFE2] =	vst.msk $0x1, v32;
	_ =	sdelay $0x1  }
0x2a7: {  	v32, _, _ =	vpop (xrf2)  }
0x2a8: {  	v33 =	vbroadcast v32, $0xF;
	_ =	sdelay $0x1  }
0x2a9: {  	[tilespmem:s28+$0xFFFFFFD2] =	vst.msk $0x1, v33;
	v32, _, _ =	vpop (xrf2)  }
0x2aa: {  	v33 =	vbroadcast v32, $0xF;
	_ =	sdelay $0x1  }
0x2ab: {  	[tilespmem:s28+$0xFFFFFFF1] =	vst.msk $0x1, v33  }
0x2ac: {  	v32, _, _ =	vpop (xrf2)  }
0x2ad: {  	v32 =	vbroadcast v32, $0xF;
	_ =	sdelay $0x1  }
0x2ae: {  	[tilespmem:s28+$0xFFFFFFFF] =	vst.msk $0x1, v32  }
.Ltmp2:
0x2af: {  	v36 =	vld [tilespmem:s29+$0xFFFFFF90];
	(pc) =	sbr.rel @p0 .LBB2_7-.Ltmp2, $4  }
0x2b0: {  	v35 =	vld [tilespmem:s29+$0xFFFFFFA0]  }
0x2b1: {  	v33 =	vld [tilespmem:s29+$0xFFFFFFE0]  }
0x2b2: {  	v32 =	vld [tilespmem:s29+$0xFFFFFFB0]  }
0x2b3: {  	v34 =	vld [tilespmem:s29+$0xFFFFFFD0]  }
0x2b4: {  	v22 =	vmul.f32 v36, v22  }
0x2b5: {  	v24 =	vmul.f32 v36, v24;
	v26 =	vmul.f32 v36, v26  }
0x2b6: {  	v27 =	vmul.f32 v36, v27;
	v17 =	vmul.f32 v35, v17  }
0x2b7: {  	v23 =	vmul.f32 v35, v23;
	v28 =	vmul.f32 v35, v28  }
0x2b8: {  	v37 =	vld [tilespmem:s25+$0xFFFFFFF0];
	v16 =	vmul.f32 v35, v16;
	v19 =	vmul.f32 v33, v19  }
0x2b9: {  	v38 =	vld [tilespmem:s25+$0x0];
	v31 =	vmul.f32 v33, v31;
	v21 =	vmul.f32 v33, v21  }
0x2ba: {  	v43 =	vld [tilespmem:s25+$0xFFFFFFC0];
	v3 =	vmul.f32 v33, v3;
	v5 =	vmul.f32 v32, v5  }
0x2bb: {  	v11 =	vmul.f32 v32, v11;
	v0 =	vmul.f32 v32, v0  }
0x2bc: {  	v6 =	vmul.f32 v32, v6;
	v15 =	vmul.f32 v34, v15  }
0x2bd: {  	v27 =	vadd.f32 v28, v27;
	v20 =	vmul.f32 v34, v20;
	v4 =	vmul.f32 v34, v4  }
0x2be: {  	v23 =	vadd.f32 v23, v24;
	v18 =	vmul.f32 v37, v18;
	v10 =	vmul.f32 v38, v10  }
0x2bf: {  	v17 =	vadd.f32 v17, v22;
	v7 =	vmul.f32 v37, v7;
	v1 =	vmul.f32 v43, v1  }
0x2c0: {  	v8 =	vmul.f32 v38, v8;
	v12 =	vmul.f32 v43, v12;
	v15 =	vadd.f32 v19, v15  }
0x2c1: {  	v2 =	vmul.f32 v43, v2;
	v20 =	vadd.f32 v21, v20;
	v3 =	vadd.f32 v3, v4  }
0x2c2: {  	v9 =	vmul.f32 v37, v9;
	v8 =	vadd.f32 v8, v18;
	v11 =	vadd.f32 v12, v11  }
0x2c3: {  	v19 =	vmul.f32 v34, v29;
	v0 =	vadd.f32 v1, v0;
	v7 =	vadd.f32 v10, v7  }
0x2c4: {  	v13 =	vmul.f32 v38, v13;
	v2 =	vadd.f32 v2, v5;
	v10 =	vadd.f32 v16, v26  }
0x2c5: {  	v21 =	vmul.f32 v37, v30;
	v19 =	vadd.f32 v31, v19;
	v1 =	vadd.f32 v8, v20  }
0x2c6: {  	v5 =	vmul.f32 v43, v14;
	v8 =	vadd.f32 v13, v9;
	v0 =	vadd.f32 v0, v17  }
0x2c7: {  	v9 =	vmul.f32 v38, v25;
	v4 =	vadd.f32 v7, v15;
	v2 =	vadd.f32 v2, v23  }
0x2c8: {  	v7 =	vadd.f32 v11, v10;
	v3 =	vadd.f32 v8, v3  }
0x2c9: {  	v5 =	vadd.f32 v5, v6;
	v6 =	vadd.f32 v9, v21  }
0x2ca: {  	v0 =	vadd.f32 v4, v0;
	v3 =	vadd.f32 v3, v7  }
0x2cb: {  	v4 =	vadd.f32 v5, v27;
	v5 =	vadd.f32 v6, v19  }
0x2cc: {  	v1 =	vadd.f32 v1, v2;
	(xrf2) =	vadd.scan.msk.f32 $0xffff, v3  }
0x2cd: {  	v2 =	vadd.f32 v5, v4;
	(xrf2) =	vadd.scan.msk.f32 $0xffff, v0  }
0x2ce: {  	(xrf2) =	vadd.scan.msk.f32 $0xffff, v1  }
0x2cf: {  	(xrf2) =	vadd.scan.msk.f32 $0xffff, v2;
	_ =	sdelay $0x6  }
0x2d0: {  	v0, _, _ =	vpop (xrf2)  }
0x2d1: {  	v0 =	vbroadcast v0, $0xF;
	v1, _, _ =	vpop (xrf2)  }
0x2d2: {  	v1 =	vbroadcast v1, $0xF;
	v2, _, _ =	vpop (xrf2)  }
0x2d3: {  	[tilespmem:s24+$0xFFFFFFF2] =	vst.msk $0x1, v0;
	v0 =	vbroadcast v2, $0xF;
	v2, _, _ =	vpop (xrf2)  }
0x2d4: {  	[tilespmem:s24+$0xFFFFFFD3] =	vst.msk $0x1, v1;
	v1 =	vbroadcast v2, $0xF  }
0x2d5: {  	[tilespmem:s24+$0xFFFFFFE3] =	vst.msk $0x1, v0  }
0x2d6: {  	[tilespmem:s24+$0x0] =	vst.msk $0x1, v1  }
0x2d7: {  	v22 =	vld [tilespmem:s20+$0x600]  }
0x2d8: {  	v17 =	vld [tilespmem:s20+$0x610]  }
0x2d9: {  	v0 =	vld [tilespmem:s20+$0x620]  }
0x2da: {  	v1 =	vld [tilespmem:s20+$0x630]  }
0x2db: {  	v15 =	vld [tilespmem:s20+$0x640]  }
0x2dc: {  	v19 =	vld [tilespmem:s20+$0x650]  }
0x2dd: {  	v7 =	vld [tilespmem:s20+$0x660]  }
0x2de: {  	v10 =	vld [tilespmem:s20+$0x670]  }
0x2df: {  	v24 =	vld [tilespmem:s20+$0x680]  }
0x2e0: {  	v23 =	vld [tilespmem:s20+$0x690]  }
0x2e1: {  	v5 =	vld [tilespmem:s20+$0x6A0]  }
0x2e2: {  	v2 =	vld [tilespmem:s20+$0x6B0]  }
0x2e3: {  	v20 =	vld [tilespmem:s20+$0x6C0]  }
0x2e4: {  	v21 =	vld [tilespmem:s20+$0x6D0]  }
0x2e5: {  	v18 =	vld [tilespmem:s20+$0x6E0]  }
0x2e6: {  	v8 =	vld [tilespmem:s20+$0x6F0]  }
0x2e7: {  	v26 =	vld [tilespmem:s20+$0x700]  }
0x2e8: {  	v16 =	vld [tilespmem:s20+$0x710]  }
0x2e9: {  	v11 =	vld [tilespmem:s20+$0x720]  }
0x2ea: {  	v12 =	vld [tilespmem:s20+$0x730]  }
0x2eb: {  	v4 =	vld [tilespmem:s20+$0x740]  }
0x2ec: {  	v3 =	vld [tilespmem:s20+$0x750];
	v6 =	vmul.f32 v24, v22  }
0x2ed: {  	v9 =	vld [tilespmem:s20+$0x760];
	v14 =	vmul.f32 v23, v17;
	v25 =	vmul.f32 v5, v0  }
0x2ee: {  	v13 =	vld [tilespmem:s20+$0x770];
	v29 =	vmul.f32 v2, v1;
	v30 =	vmul.f32 v20, v15  }
0x2ef: {  	v27 =	vld [tilespmem:s20+$0x780];
	v31 =	vmul.f32 v21, v19;
	v44 =	vmul.f32 v18, v7  }
0x2f0: {  	v28 =	vld [tilespmem:s20+$0x790];
	v45 =	vmul.f32 v8, v10;
	v47 =	vmul.f32 v26, v22  }
0x2f1: {  	v48 =	vmul.f32 v16, v17;
	v50 =	vmul.f32 v11, v0  }
0x2f2: {  	v39 =	vmul.f32 v12, v1;
	v51 =	vmul.f32 v4, v15  }
0x2f3: {  	v40 =	vmul.f32 v3, v19;
	v41 =	vmul.f32 v9, v7  }
0x2f4: {  	v42 =	vmul.f32 v13, v10;
	v54 =	vmul.f32 v27, v22  }
0x2f5: {  	v55 =	vmul.f32 v28, v17;
	v46 =	vadd.f32 v14, v6;
	v25 =	vadd.f32 v29, v25  }
0x2f6: {  	v62 =	vmul.f32 v26, v24;
	v49 =	vadd.f32 v31, v30;
	v32 =	vadd.f32 v45, v44  }
0x2f7: {  	v63 =	vmul.f32 v16, v23;
	v6 =	vld [tilespmem:s20+$0x7A0];
	v35 =	vadd.f32 v48, v47;
	v52 =	vadd.f32 v39, v50  }
0x2f8: {  	v43 =	vmul.f32 v13, v8;
	v14 =	vld [tilespmem:s20+$0x7B0];
	v33 =	vadd.f32 v40, v51;
	v53 =	vadd.f32 v42, v41  }
0x2f9: {  	v29 =	vld [tilespmem:s20+$0x7C0];
	v36 =	vadd.f32 v55, v54;
	v47 =	vmul.f32 v12, v2;
	v48 =	vmul.f32 v4, v20  }
0x2fa: {  	v31 =	vld [tilespmem:s20+$0x7D0];
	v50 =	vmul.f32 v9, v18;
	v37 =	vadd.f32 v63, v62;
	v34 =	vadd.f32 v25, v46  }
0x2fb: {  	v30 =	vld [tilespmem:s20+$0x7E0];
	v44 =	vmul.f32 v28, v16;
	v32 =	vadd.f32 v32, v49;
	v35 =	vadd.f32 v52, v35  }
0x2fc: {  	v33 =	vadd.f32 v53, v33;
	v46 =	vmul.f32 v11, v5;
	v49 =	vmul.f32 v3, v21  }
0x2fd: {  	v25 =	vld [tilespmem:s20+$0x7F0];
	v39 =	vadd.f32 v43, v50;
	v52 =	vmul.f32 v27, v24;
	v53 =	vmul.f32 v28, v23  }
0x2fe: {  	v32 =	vadd.f32 v32, v34;
	v56 =	vmul.f32 v6, v0;
	v57 =	vmul.f32 v14, v1  }
0x2ff: {  	v33 =	vadd.f32 v33, v35;
	v58 =	vmul.f32 v29, v15;
	v59 =	vmul.f32 v31, v19  }
0x300: {  	v51 =	vadd.f32 v47, v46;
	v60 =	vmul.f32 v30, v7;
	v54 =	vmul.f32 v6, v5  }
0x301: {  	v38 =	vadd.f32 v53, v52;
	v55 =	vmul.f32 v14, v2;
	v62 =	vmul.f32 v29, v4  }
0x302: {  	v46 =	vmul.f32 v31, v3;
	v37 =	vadd.f32 v51, v37;
	v61 =	vmul.f32 v25, v10  }
0x303: {  	v63 =	vmul.f32 v30, v9;
	v34 =	vadd.f32 v57, v56;
	v35 =	vadd.f32 v59, v58  }
0x304: {  	v56 =	vmul.f32 v29, v20;
	v57 =	vmul.f32 v31, v21;
	v45 =	vadd.f32 v61, v60  }
0x305: {  	v58 =	vmul.f32 v30, v18;
	v34 =	vadd.f32 v34, v36;
	v36 =	vadd.f32 v49, v48  }
0x306: {  	v59 =	vmul.f32 v25, v8;
	v47 =	vmul.f32 v25, v13;
	v42 =	vadd.f32 v46, v62  }
0x307: {  	v60 =	vmul.f32 v27, v26;
	v35 =	vadd.f32 v45, v35;
	v36 =	vadd.f32 v39, v36  }
0x308: {  	v61 =	vmul.f32 v6, v11;
	v43 =	vadd.f32 v47, v63;
	v39 =	vadd.f32 v55, v54  }
0x309: {  	v45 =	vmul.f32 v14, v12;
	v34 =	vadd.f32 v35, v34;
	v36 =	vadd.f32 v36, v37  }
0x30a: {  	v35 =	vadd.f32 v57, v56;
	v37 =	vadd.f32 v59, v58  }
0x30b: {  	v40 =	vadd.f32 v44, v60;
	v41 =	vadd.f32 v45, v61  }
0x30c: {  	(xrf2) =	vadd.scan.msk.f32 $0xffff, v32;
	v46 =	vadd.f32 v39, v38;
	v35 =	vadd.f32 v37, v35  }
0x30d: {  	(xrf2) =	vadd.scan.msk.f32 $0xffff, v33;
	v48 =	vadd.f32 v43, v42;
	v47 =	vadd.f32 v41, v40  }
0x30e: {  	(xrf2) =	vadd.scan.msk.f32 $0xffff, v34;
	v32 =	vadd.f32 v35, v46  }
0x30f: {  	(xrf2) =	vadd.scan.msk.f32 $0xffff, v36;
	v33 =	vadd.f32 v48, v47  }
0x310: {  	(xrf2) =	vadd.scan.msk.f32 $0xffff, v32  }
0x311: {  	(xrf2) =	vadd.scan.msk.f32 $0xffff, v33;
	_ =	sdelay $0x4  }
0x312: {  	v49, _, _ =	vpop (xrf2)  }
0x313: {  	v50, _, _ =	vpop (xrf2);
	v32 =	vbroadcast v49, $0xF  }
0x314: {  	v33 =	vbroadcast v50, $0xF;
	v34, _, _ =	vpop (xrf2)  }
0x315: {  	[tilespmem:s21+$0x1A0EA] =	vst.msk $0x1, v32;
	v51 =	vbroadcast v34, $0xF;
	v52, _, _ =	vpop (xrf2)  }
0x316: {  	[tilespmem:s21+$0x1A0EB] =	vst.msk $0x1, v33;
	v53 =	vbroadcast v52, $0xF;
	v54, _, _ =	vpop (xrf2)  }
0x317: {  	[tilespmem:s21+$0x1A0EC] =	vst.msk $0x1, v51;
	v55 =	vbroadcast v54, $0xF;
	v56, _, _ =	vpop (xrf2)  }
0x318: {  	s22 =	sadd.s32 s23, s22;
	[tilespmem:s21+$0x1A0F7] =	vst.msk $0x1, v53;
	v57 =	vbroadcast v56, $0xF  }
0x319: {  	[tilespmem:s22+$0x1A0F8] =	vst.msk $0x1, v55  }
0x31a: {  	[tilespmem:s21+$0x1A103] =	vst.msk $0x1, v57  }
0x31b: {  	v32 =	vld [tilespmem:s16+$0xFFFFFF40]  }
0x31c: {  	v33 =	vld [tilespmem:s16+$0xFFFFFF50]  }
0x31d: {  	v34 =	vld [tilespmem:s16+$0xFFFFFF60]  }
0x31e: {  	v35 =	vld [tilespmem:s16+$0xFFFFFF30]  }
0x31f: {  	v36 =	vld [tilespmem:s16+$0xFFFFFF20]  }
0x320: {  	v37 =	vld [tilespmem:s16+$0xFFFFFF10];
	v38 =	vmul.f32 v32, v2;
	v58 =	vmul.f32 v32, v14  }
0x321: {  	v40 =	vld [tilespmem:s16+$0xFFFFFF70];
	v59 =	vmul.f32 v33, v15;
	v42 =	vmul.f32 v33, v29  }
0x322: {  	v43 =	vld [tilespmem:s16+$0xFFFFFF80];
	v44 =	vmul.f32 v32, v1;
	v45 =	vmul.f32 v34, v3  }
0x323: {  	v46 =	vmul.f32 v34, v21;
	v60 =	vmul.f32 v35, v6  }
0x324: {  	v48 =	vmul.f32 v36, v17;
	v49 =	vmul.f32 v34, v19  }
0x325: {  	v50 =	vmul.f32 v33, v20;
	v51 =	vmul.f32 v36, v16  }
0x326: {  	v61 =	vmul.f32 v37, v22;
	v52 =	vmul.f32 v36, v23  }
0x327: {  	v62 =	vmul.f32 v40, v7;
	v53 =	vmul.f32 v43, v10  }
0x328: {  	v54 =	vmul.f32 v37, v24;
	v55 =	vmul.f32 v40, v18  }
0x329: {  	v63 =	vmul.f32 v35, v5;
	v56 =	vmul.f32 v40, v9  }
0x32a: {  	v33 =	vmul.f32 v33, v4;
	v34 =	vmul.f32 v34, v31  }
0x32b: {  	v32 =	vmul.f32 v32, v12;
	v40 =	vmul.f32 v40, v30;
	v39 =	vadd.f32 v58, v60  }
0x32c: {  	v36 =	vmul.f32 v36, v28;
	v41 =	vadd.f32 v49, v59;
	v47 =	vadd.f32 v48, v61  }
0x32d: {  	v49 =	vadd.f32 v53, v62;
	v60 =	vmul.f32 v43, v8;
	v52 =	vadd.f32 v52, v54  }
0x32e: {  	v38 =	vadd.f32 v38, v63;
	v46 =	vadd.f32 v46, v50;
	v61 =	vmul.f32 v35, v11  }
0x32f: {  	v63 =	vmul.f32 v37, v26;
	v53 =	vmul.f32 v43, v25;
	v34 =	vadd.f32 v34, v42  }
0x330: {  	v37 =	vmul.f32 v37, v27;
	v33 =	vadd.f32 v45, v33;
	v62 =	vadd.f32 v60, v55  }
0x331: {  	v35 =	vmul.f32 v35, v0;
	v38 =	vadd.f32 v38, v52;
	v32 =	vadd.f32 v32, v61  }
0x332: {  	v43 =	vmul.f32 v43, v13;
	v54 =	vadd.f32 v51, v63;
	v40 =	vadd.f32 v53, v40  }
0x333: {  	v36 =	vadd.f32 v36, v37;
	v35 =	vadd.f32 v44, v35  }
0x334: {  	v56 =	vadd.f32 v43, v56;
	v41 =	vadd.f32 v49, v41  }
0x335: {  	v46 =	vadd.f32 v62, v46;
	v32 =	vadd.f32 v32, v54  }
0x336: {  	v35 =	vadd.f32 v35, v47;
	v36 =	vadd.f32 v39, v36  }
0x337: {  	v33 =	vadd.f32 v56, v33;
	v55 =	vadd.f32 v46, v38  }
0x338: {  	v34 =	vadd.f32 v40, v34;
	v35 =	vadd.f32 v41, v35  }
0x339: {  	v32 =	vadd.f32 v33, v32;
	(xrf2) =	vadd.scan.msk.f32 $0xffff, v55  }
0x33a: {  	v57 =	vadd.f32 v34, v36;
	(xrf2) =	vadd.scan.msk.f32 $0xffff, v35  }
0x33b: {  	(xrf2) =	vadd.scan.msk.f32 $0xffff, v32  }
0x33c: {  	(xrf2) =	vadd.scan.msk.f32 $0xffff, v57;
	_ =	sdelay $0x6  }
0x33d: {  	v58, _, _ =	vpop (xrf2)  }
0x33e: {  	v32 =	vbroadcast v58, $0xF;
	v59, _, _ =	vpop (xrf2)  }
0x33f: {  	v33 =	vbroadcast v59, $0xF;
	v60, _, _ =	vpop (xrf2)  }
0x340: {  	[tilespmem:s15+$0xFFFFFFEA] =	vst.msk $0x1, v32;
	v61 =	vbroadcast v60, $0xF;
	v62, _, _ =	vpop (xrf2)  }
0x341: {  	[tilespmem:s15+$0xFFFFFFDE] =	vst.msk $0x1, v33;
	v63 =	vbroadcast v62, $0xF  }
0x342: {  	[tilespmem:s15+$0xFFFFFFF5] =	vst.msk $0x1, v61  }
0x343: {  	[tilespmem:s15+$0xFFFFFFFF] =	vst.msk $0x1, v63  }
0x344: {  	v36 =	vld [tilespmem:s16+$0xFFFFFF90]  }
0x345: {  	v35 =	vld [tilespmem:s16+$0xFFFFFFA0]  }
0x346: {  	v33 =	vld [tilespmem:s16+$0xFFFFFFE0]  }
0x347: {  	s25 =	simm.s32 $0x0;
	s26 =	smov.u32 s15;
	v32 =	vld [tilespmem:s16+$0xFFFFFFB0]  }
0x348: {  	s28 =	smov.u32 s16;
	s23 =	smov.u32 s15;
	s24 =	smov.u32 s16;
	v34 =	vld [tilespmem:s16+$0xFFFFFFD0]  }
.LBB2_9:
0x349: {  	s25 =	sadd.s32 $0x2, s25;
	v37 =	vld [tilespmem:s24+$0xFFFFFFF0];
	v38 =	vmul.f32 v36, v22;
	v39 =	vmul.f32 v36, v24;
	s26 =	sadd.s32 $0x2, s26;
	s28 =	sadd.s32 $0x100, s28  }
0x34a: {  	v42 =	vmul.f32 v36, v26;
	p0 =	slt.u32 s25, $0x8;
	v40 =	vld [tilespmem:s24+$0x0];
	v41 =	vmul.f32 v35, v17  }
0x34b: {  	v45 =	vmul.f32 v35, v23;
	v43 =	vld [tilespmem:s24+$0xFFFFFFC0];
	v44 =	vmul.f32 v33, v19;
	s24 =	smov.u32 s28  }
0x34c: {  	v36 =	vmul.f32 v36, v27;
	v46 =	vmul.f32 v35, v28  }
0x34d: {  	v48 =	vmul.f32 v33, v31;
	v47 =	vmul.f32 v34, v15  }
0x34e: {  	v50 =	vmul.f32 v33, v21;
	v36 =	vadd.f32 v46, v36;
	v49 =	vmul.f32 v34, v20  }
0x34f: {  	v46 =	vmul.f32 v37, v18;
	v44 =	vadd.f32 v44, v47;
	v47 =	vmul.f32 v34, v29  }
0x350: {  	v35 =	vmul.f32 v35, v16;
	v51 =	vmul.f32 v40, v10;
	v49 =	vadd.f32 v50, v49  }
0x351: {  	v52 =	vmul.f32 v37, v30;
	v50 =	vmul.f32 v37, v7;
	v47 =	vadd.f32 v48, v47  }
0x352: {  	v39 =	vadd.f32 v45, v39;
	v45 =	vmul.f32 v40, v25;
	v48 =	vmul.f32 v43, v1  }
0x353: {  	v53 =	vmul.f32 v32, v5;
	v54 =	vmul.f32 v40, v8  }
0x354: {  	v38 =	vadd.f32 v41, v38;
	v41 =	vmul.f32 v32, v11;
	v55 =	vmul.f32 v43, v12  }
0x355: {  	v56 =	vmul.f32 v32, v0;
	v57 =	vmul.f32 v43, v2;
	v46 =	vadd.f32 v54, v46  }
0x356: {  	v37 =	vmul.f32 v37, v9;
	v40 =	vmul.f32 v40, v13;
	v41 =	vadd.f32 v55, v41  }
0x357: {  	v34 =	vmul.f32 v34, v4;
	v48 =	vadd.f32 v48, v56;
	v46 =	vadd.f32 v46, v49  }
0x358: {  	v33 =	vmul.f32 v33, v3;
	v37 =	vadd.f32 v40, v37;
	v49 =	vadd.f32 v51, v50  }
0x359: {  	v43 =	vmul.f32 v43, v14;
	v40 =	vadd.f32 v57, v53;
	v38 =	vadd.f32 v48, v38  }
0x35a: {  	v35 =	vadd.f32 v35, v42;
	v33 =	vadd.f32 v33, v34  }
0x35b: {  	v32 =	vmul.f32 v32, v6;
	v39 =	vadd.f32 v40, v39;
	v34 =	vadd.f32 v49, v44  }
0x35c: {  	v33 =	vadd.f32 v37, v33;
	v35 =	vadd.f32 v41, v35  }
0x35d: {  	v32 =	vadd.f32 v43, v32;
	v34 =	vadd.f32 v34, v38  }
0x35e: {  	v33 =	vadd.f32 v33, v35;
	v35 =	vadd.f32 v45, v52  }
0x35f: {  	v32 =	vadd.f32 v32, v36;
	v37 =	vadd.f32 v46, v39  }
0x360: {  	v35 =	vadd.f32 v35, v47;
	(xrf2) =	vadd.scan.msk.f32 $0xffff, v33;
	_ =	sdelay $0x1  }
0x361: {  	v32 =	vadd.f32 v35, v32  }
0x362: {  	(xrf2) =	vadd.scan.msk.f32 $0xffff, v34;
	_ =	sdelay $0x2  }
0x363: {  	(xrf2) =	vadd.scan.msk.f32 $0xffff, v37;
	_ =	sdelay $0x2  }
0x364: {  	(xrf2) =	vadd.scan.msk.f32 $0xffff, v32  }
0x365: {  	v32, _, _ =	vpop (xrf2)  }
0x366: {  	v33 =	vbroadcast v32, $0xF;
	_ =	sdelay $0x1  }
0x367: {  	[tilespmem:s23+$0xFFFFFFF6] =	vst.msk $0x1, v33;
	v32, _, _ =	vpop (xrf2)  }
0x368: {  	v33 =	vbroadcast v32, $0xF;
	_ =	sdelay $0x1  }
0x369: {  	[tilespmem:s23+$0xFFFFFFDF] =	vst.msk $0x1, v33;
	v32, _, _ =	vpop (xrf2)  }
0x36a: {  	v33 =	vbroadcast v32, $0xF;
	_ =	sdelay $0x1  }
0x36b: {  	[tilespmem:s23+$0xFFFFFFEB] =	vst.msk $0x1, v33;
	v32, _, _ =	vpop (xrf2)  }
0x36c: {  	v32 =	vbroadcast v32, $0xF;
	_ =	sdelay $0x1  }
0x36d: {  	[tilespmem:s23+$0x0] =	vst.msk $0x1, v32;
	s23 =	smov.u32 s26  }
0x36e: {  	v32 =	vld [tilespmem:s28+$0xFFFFFF40]  }
0x36f: {  	v33 =	vld [tilespmem:s28+$0xFFFFFF50]  }
0x370: {  	v34 =	vld [tilespmem:s28+$0xFFFFFF60]  }
0x371: {  	v35 =	vld [tilespmem:s28+$0xFFFFFF30]  }
0x372: {  	v36 =	vld [tilespmem:s28+$0xFFFFFF20]  }
0x373: {  	v37 =	vld [tilespmem:s28+$0xFFFFFF10];
	v38 =	vmul.f32 v32, v2;
	v39 =	vmul.f32 v32, v14  }
0x374: {  	v40 =	vld [tilespmem:s28+$0xFFFFFF70];
	v41 =	vmul.f32 v33, v15;
	v42 =	vmul.f32 v33, v29  }
0x375: {  	v44 =	vmul.f32 v32, v1;
	v43 =	vld [tilespmem:s28+$0xFFFFFF80];
	v45 =	vmul.f32 v34, v3  }
0x376: {  	v46 =	vmul.f32 v34, v21;
	v47 =	vmul.f32 v35, v6  }
0x377: {  	v49 =	vmul.f32 v34, v19;
	v48 =	vmul.f32 v36, v17  }
0x378: {  	v50 =	vmul.f32 v33, v20;
	v51 =	vmul.f32 v36, v16;
	v39 =	vadd.f32 v39, v47  }
0x379: {  	v41 =	vadd.f32 v49, v41;
	v49 =	vmul.f32 v36, v23;
	v47 =	vmul.f32 v37, v22  }
0x37a: {  	v52 =	vmul.f32 v37, v24;
	v53 =	vmul.f32 v40, v18  }
0x37b: {  	v54 =	vmul.f32 v40, v7;
	v55 =	vmul.f32 v43, v10;
	v47 =	vadd.f32 v48, v47  }
0x37c: {  	v56 =	vmul.f32 v40, v9;
	v48 =	vmul.f32 v35, v5  }
0x37d: {  	v33 =	vmul.f32 v33, v4;
	v54 =	vadd.f32 v55, v54;
	v55 =	vmul.f32 v43, v8  }
0x37e: {  	v34 =	vmul.f32 v34, v31;
	v49 =	vadd.f32 v49, v52;
	v38 =	vadd.f32 v38, v48  }
0x37f: {  	v32 =	vmul.f32 v32, v12;
	v46 =	vadd.f32 v46, v50;
	v48 =	vmul.f32 v35, v11  }
0x380: {  	v40 =	vmul.f32 v40, v30;
	v50 =	vadd.f32 v55, v53;
	v38 =	vadd.f32 v38, v49  }
0x381: {  	v49 =	vmul.f32 v37, v26;
	v32 =	vadd.f32 v32, v48;
	v48 =	vmul.f32 v43, v25  }
0x382: {  	v34 =	vadd.f32 v34, v42;
	v43 =	vmul.f32 v43, v13;
	v46 =	vadd.f32 v50, v46  }
0x383: {  	v36 =	vmul.f32 v36, v28;
	v37 =	vmul.f32 v37, v27;
	v42 =	vadd.f32 v51, v49  }
0x384: {  	v33 =	vadd.f32 v45, v33;
	v35 =	vmul.f32 v35, v0;
	v40 =	vadd.f32 v48, v40  }
0x385: {  	v36 =	vadd.f32 v36, v37;
	v32 =	vadd.f32 v32, v42  }
0x386: {  	v35 =	vadd.f32 v44, v35;
	v37 =	vadd.f32 v46, v38  }
0x387: {  	v36 =	vadd.f32 v39, v36;
	v34 =	vadd.f32 v40, v34  }
0x388: {  	v38 =	vadd.f32 v54, v41;
	v39 =	vadd.f32 v43, v56;
	(xrf2) =	vadd.scan.msk.f32 $0xffff, v37  }
0x389: {  	v35 =	vadd.f32 v35, v47;
	v34 =	vadd.f32 v34, v36  }
0x38a: {  	v33 =	vadd.f32 v39, v33  }
0x38b: {  	v35 =	vadd.f32 v38, v35  }
0x38c: {  	v32 =	vadd.f32 v33, v32  }
0x38d: {  	(xrf2) =	vadd.scan.msk.f32 $0xffff, v35;
	_ =	sdelay $0x2  }
0x38e: {  	(xrf2) =	vadd.scan.msk.f32 $0xffff, v32;
	_ =	sdelay $0x1  }
0x38f: {  	v32, _, _ =	vpop (xrf2)  }
0x390: {  	v32 =	vbroadcast v32, $0xF  }
0x391: {  	(xrf2) =	vadd.scan.msk.f32 $0xffff, v34  }
0x392: {  	[tilespmem:s26+$0xFFFFFFEA] =	vst.msk $0x1, v32;
	_ =	sdelay $0x1  }
0x393: {  	v32, _, _ =	vpop (xrf2)  }
0x394: {  	v33 =	vbroadcast v32, $0xF;
	_ =	sdelay $0x1  }
0x395: {  	[tilespmem:s26+$0xFFFFFFDE] =	vst.msk $0x1, v33;
	v32, _, _ =	vpop (xrf2)  }
0x396: {  	v33 =	vbroadcast v32, $0xF;
	_ =	sdelay $0x1  }
0x397: {  	[tilespmem:s26+$0xFFFFFFF5] =	vst.msk $0x1, v33  }
0x398: {  	v32, _, _ =	vpop (xrf2)  }
0x399: {  	v32 =	vbroadcast v32, $0xF;
	_ =	sdelay $0x1  }
0x39a: {  	[tilespmem:s26+$0xFFFFFFFF] =	vst.msk $0x1, v32  }
.Ltmp3:
0x39b: {  	v36 =	vld [tilespmem:s28+$0xFFFFFF90];
	(pc) =	sbr.rel @p0 .LBB2_9-.Ltmp3, $4  }
0x39c: {  	v35 =	vld [tilespmem:s28+$0xFFFFFFA0]  }
0x39d: {  	v33 =	vld [tilespmem:s28+$0xFFFFFFE0]  }
0x39e: {  	v32 =	vld [tilespmem:s28+$0xFFFFFFB0]  }
0x39f: {  	v34 =	vld [tilespmem:s28+$0xFFFFFFD0]  }
0x3a0: {  	v22 =	vmul.f32 v36, v22  }
0x3a1: {  	v24 =	vmul.f32 v36, v24;
	v26 =	vmul.f32 v36, v26  }
0x3a2: {  	v27 =	vmul.f32 v36, v27;
	v17 =	vmul.f32 v35, v17  }
0x3a3: {  	v23 =	vmul.f32 v35, v23;
	v28 =	vmul.f32 v35, v28  }
0x3a4: {  	v37 =	vld [tilespmem:s24+$0xFFFFFFF0];
	v16 =	vmul.f32 v35, v16;
	v19 =	vmul.f32 v33, v19  }
0x3a5: {  	v38 =	vld [tilespmem:s24+$0x0];
	v31 =	vmul.f32 v33, v31;
	v21 =	vmul.f32 v33, v21  }
0x3a6: {  	v43 =	vld [tilespmem:s24+$0xFFFFFFC0];
	v3 =	vmul.f32 v33, v3;
	v5 =	vmul.f32 v32, v5  }
0x3a7: {  	v11 =	vmul.f32 v32, v11;
	v0 =	vmul.f32 v32, v0  }
0x3a8: {  	v6 =	vmul.f32 v32, v6;
	v15 =	vmul.f32 v34, v15  }
0x3a9: {  	v27 =	vadd.f32 v28, v27;
	v20 =	vmul.f32 v34, v20;
	v4 =	vmul.f32 v34, v4  }
0x3aa: {  	v23 =	vadd.f32 v23, v24;
	v18 =	vmul.f32 v37, v18;
	v10 =	vmul.f32 v38, v10  }
0x3ab: {  	v17 =	vadd.f32 v17, v22;
	v7 =	vmul.f32 v37, v7;
	v1 =	vmul.f32 v43, v1  }
0x3ac: {  	v8 =	vmul.f32 v38, v8;
	v12 =	vmul.f32 v43, v12;
	v15 =	vadd.f32 v19, v15  }
0x3ad: {  	v2 =	vmul.f32 v43, v2;
	v20 =	vadd.f32 v21, v20;
	v3 =	vadd.f32 v3, v4  }
0x3ae: {  	v9 =	vmul.f32 v37, v9;
	v8 =	vadd.f32 v8, v18;
	v11 =	vadd.f32 v12, v11  }
0x3af: {  	v19 =	vmul.f32 v34, v29;
	v0 =	vadd.f32 v1, v0;
	v7 =	vadd.f32 v10, v7  }
0x3b0: {  	v13 =	vmul.f32 v38, v13;
	v2 =	vadd.f32 v2, v5;
	v10 =	vadd.f32 v16, v26  }
0x3b1: {  	v21 =	vmul.f32 v37, v30;
	v19 =	vadd.f32 v31, v19;
	v1 =	vadd.f32 v8, v20  }
0x3b2: {  	v5 =	vmul.f32 v43, v14;
	v8 =	vadd.f32 v13, v9;
	v0 =	vadd.f32 v0, v17  }
0x3b3: {  	v9 =	vmul.f32 v38, v25;
	v4 =	vadd.f32 v7, v15;
	v2 =	vadd.f32 v2, v23  }
0x3b4: {  	v7 =	vadd.f32 v11, v10;
	v3 =	vadd.f32 v8, v3  }
0x3b5: {  	v5 =	vadd.f32 v5, v6;
	v6 =	vadd.f32 v9, v21  }
0x3b6: {  	v0 =	vadd.f32 v4, v0;
	v3 =	vadd.f32 v3, v7  }
0x3b7: {  	v4 =	vadd.f32 v5, v27;
	v5 =	vadd.f32 v6, v19  }
0x3b8: {  	v1 =	vadd.f32 v1, v2;
	(xrf2) =	vadd.scan.msk.f32 $0xffff, v3  }
0x3b9: {  	v2 =	vadd.f32 v5, v4;
	(xrf2) =	vadd.scan.msk.f32 $0xffff, v0  }
0x3ba: {  	(xrf2) =	vadd.scan.msk.f32 $0xffff, v1  }
0x3bb: {  	(xrf2) =	vadd.scan.msk.f32 $0xffff, v2;
	_ =	sdelay $0x6  }
0x3bc: {  	v0, _, _ =	vpop (xrf2)  }
0x3bd: {  	v0 =	vbroadcast v0, $0xF;
	v1, _, _ =	vpop (xrf2)  }
0x3be: {  	v1 =	vbroadcast v1, $0xF;
	v2, _, _ =	vpop (xrf2)  }
0x3bf: {  	[tilespmem:s23+$0xFFFFFFF6] =	vst.msk $0x1, v0;
	v0 =	vbroadcast v2, $0xF;
	v2, _, _ =	vpop (xrf2)  }
0x3c0: {  	[tilespmem:s23+$0xFFFFFFDF] =	vst.msk $0x1, v1;
	v1 =	vbroadcast v2, $0xF  }
0x3c1: {  	[tilespmem:s23+$0xFFFFFFEB] =	vst.msk $0x1, v0  }
0x3c2: {  	[tilespmem:s23+$0x0] =	vst.msk $0x1, v1  }
0x3c3: {  	v22 =	vld [tilespmem:s20+$0x800]  }
0x3c4: {  	v17 =	vld [tilespmem:s20+$0x810]  }
0x3c5: {  	v0 =	vld [tilespmem:s20+$0x820]  }
0x3c6: {  	v1 =	vld [tilespmem:s20+$0x830]  }
0x3c7: {  	v15 =	vld [tilespmem:s20+$0x840]  }
0x3c8: {  	v19 =	vld [tilespmem:s20+$0x850]  }
0x3c9: {  	v7 =	vld [tilespmem:s20+$0x860]  }
0x3ca: {  	v10 =	vld [tilespmem:s20+$0x870]  }
0x3cb: {  	v24 =	vld [tilespmem:s20+$0x880]  }
0x3cc: {  	v23 =	vld [tilespmem:s20+$0x890]  }
0x3cd: {  	v5 =	vld [tilespmem:s20+$0x8A0]  }
0x3ce: {  	v2 =	vld [tilespmem:s20+$0x8B0]  }
0x3cf: {  	v20 =	vld [tilespmem:s20+$0x8C0]  }
0x3d0: {  	v21 =	vld [tilespmem:s20+$0x8D0]  }
0x3d1: {  	v18 =	vld [tilespmem:s20+$0x8E0]  }
0x3d2: {  	v8 =	vld [tilespmem:s20+$0x8F0]  }
0x3d3: {  	v26 =	vld [tilespmem:s20+$0x900]  }
0x3d4: {  	v16 =	vld [tilespmem:s20+$0x910]  }
0x3d5: {  	v11 =	vld [tilespmem:s20+$0x920]  }
0x3d6: {  	v12 =	vld [tilespmem:s20+$0x930]  }
0x3d7: {  	v4 =	vld [tilespmem:s20+$0x940]  }
0x3d8: {  	v3 =	vld [tilespmem:s20+$0x950];
	v6 =	vmul.f32 v24, v22  }
0x3d9: {  	v9 =	vld [tilespmem:s20+$0x960];
	v14 =	vmul.f32 v23, v17;
	v25 =	vmul.f32 v5, v0  }
0x3da: {  	v13 =	vld [tilespmem:s20+$0x970];
	v29 =	vmul.f32 v2, v1;
	v30 =	vmul.f32 v20, v15  }
0x3db: {  	v27 =	vld [tilespmem:s20+$0x980];
	v31 =	vmul.f32 v21, v19;
	v44 =	vmul.f32 v18, v7  }
0x3dc: {  	v28 =	vld [tilespmem:s20+$0x990];
	v45 =	vmul.f32 v8, v10;
	v47 =	vmul.f32 v26, v22  }
0x3dd: {  	v48 =	vmul.f32 v16, v17;
	v50 =	vmul.f32 v11, v0  }
0x3de: {  	v39 =	vmul.f32 v12, v1;
	v51 =	vmul.f32 v4, v15  }
0x3df: {  	v40 =	vmul.f32 v3, v19;
	v41 =	vmul.f32 v9, v7  }
0x3e0: {  	v42 =	vmul.f32 v13, v10;
	v54 =	vmul.f32 v27, v22  }
0x3e1: {  	v55 =	vmul.f32 v28, v17;
	v46 =	vadd.f32 v14, v6;
	v25 =	vadd.f32 v29, v25  }
0x3e2: {  	v62 =	vmul.f32 v26, v24;
	v49 =	vadd.f32 v31, v30;
	v32 =	vadd.f32 v45, v44  }
0x3e3: {  	v63 =	vmul.f32 v16, v23;
	v6 =	vld [tilespmem:s20+$0x9A0];
	v35 =	vadd.f32 v48, v47;
	v52 =	vadd.f32 v39, v50  }
0x3e4: {  	v43 =	vmul.f32 v13, v8;
	v14 =	vld [tilespmem:s20+$0x9B0];
	v33 =	vadd.f32 v40, v51;
	v53 =	vadd.f32 v42, v41  }
0x3e5: {  	v29 =	vld [tilespmem:s20+$0x9C0];
	v36 =	vadd.f32 v55, v54;
	v47 =	vmul.f32 v12, v2;
	v48 =	vmul.f32 v4, v20  }
0x3e6: {  	v31 =	vld [tilespmem:s20+$0x9D0];
	v50 =	vmul.f32 v9, v18;
	v37 =	vadd.f32 v63, v62;
	v34 =	vadd.f32 v25, v46  }
0x3e7: {  	v30 =	vld [tilespmem:s20+$0x9E0];
	v44 =	vmul.f32 v28, v16;
	v32 =	vadd.f32 v32, v49;
	v35 =	vadd.f32 v52, v35  }
0x3e8: {  	v33 =	vadd.f32 v53, v33;
	v46 =	vmul.f32 v11, v5;
	v49 =	vmul.f32 v3, v21  }
0x3e9: {  	v25 =	vld [tilespmem:s20+$0x9F0];
	v39 =	vadd.f32 v43, v50;
	v52 =	vmul.f32 v27, v24;
	v53 =	vmul.f32 v28, v23  }
0x3ea: {  	v32 =	vadd.f32 v32, v34;
	v56 =	vmul.f32 v6, v0;
	v57 =	vmul.f32 v14, v1  }
0x3eb: {  	v33 =	vadd.f32 v33, v35;
	v58 =	vmul.f32 v29, v15;
	v59 =	vmul.f32 v31, v19  }
0x3ec: {  	v51 =	vadd.f32 v47, v46;
	v60 =	vmul.f32 v30, v7;
	v54 =	vmul.f32 v6, v5  }
0x3ed: {  	v38 =	vadd.f32 v53, v52;
	v55 =	vmul.f32 v14, v2;
	v62 =	vmul.f32 v29, v4  }
0x3ee: {  	v46 =	vmul.f32 v31, v3;
	v37 =	vadd.f32 v51, v37;
	v61 =	vmul.f32 v25, v10  }
0x3ef: {  	v63 =	vmul.f32 v30, v9;
	v34 =	vadd.f32 v57, v56;
	v35 =	vadd.f32 v59, v58  }
0x3f0: {  	v56 =	vmul.f32 v29, v20;
	v57 =	vmul.f32 v31, v21;
	v45 =	vadd.f32 v61, v60  }
0x3f1: {  	v58 =	vmul.f32 v30, v18;
	v34 =	vadd.f32 v34, v36;
	v36 =	vadd.f32 v49, v48  }
0x3f2: {  	v59 =	vmul.f32 v25, v8;
	v47 =	vmul.f32 v25, v13;
	v42 =	vadd.f32 v46, v62  }
0x3f3: {  	v60 =	vmul.f32 v27, v26;
	v35 =	vadd.f32 v45, v35;
	v36 =	vadd.f32 v39, v36  }
0x3f4: {  	v61 =	vmul.f32 v6, v11;
	v43 =	vadd.f32 v47, v63;
	v39 =	vadd.f32 v55, v54  }
0x3f5: {  	v45 =	vmul.f32 v14, v12;
	v34 =	vadd.f32 v35, v34;
	v36 =	vadd.f32 v36, v37  }
0x3f6: {  	v35 =	vadd.f32 v57, v56;
	v37 =	vadd.f32 v59, v58  }
0x3f7: {  	v40 =	vadd.f32 v44, v60;
	v41 =	vadd.f32 v45, v61  }
0x3f8: {  	(xrf2) =	vadd.scan.msk.f32 $0xffff, v32;
	v46 =	vadd.f32 v39, v38;
	v35 =	vadd.f32 v37, v35  }
0x3f9: {  	(xrf2) =	vadd.scan.msk.f32 $0xffff, v33;
	v48 =	vadd.f32 v43, v42;
	v47 =	vadd.f32 v41, v40  }
0x3fa: {  	(xrf2) =	vadd.scan.msk.f32 $0xffff, v34;
	v32 =	vadd.f32 v35, v46  }
0x3fb: {  	(xrf2) =	vadd.scan.msk.f32 $0xffff, v36;
	v33 =	vadd.f32 v48, v47  }
0x3fc: {  	(xrf2) =	vadd.scan.msk.f32 $0xffff, v32  }
0x3fd: {  	(xrf2) =	vadd.scan.msk.f32 $0xffff, v33;
	_ =	sdelay $0x4  }
0x3fe: {  	v49, _, _ =	vpop (xrf2)  }
0x3ff: {  	v50, _, _ =	vpop (xrf2);
	v32 =	vbroadcast v49, $0xF  }
0x400: {  	v33 =	vbroadcast v50, $0xF;
	v34, _, _ =	vpop (xrf2)  }
0x401: {  	[tilespmem:s22+$0x1A118] =	vst.msk $0x1, v32;
	v51 =	vbroadcast v34, $0xF;
	v52, _, _ =	vpop (xrf2)  }
0x402: {  	[tilespmem:s21+$0x1A119] =	vst.msk $0x1, v33;
	v53 =	vbroadcast v52, $0xF;
	v54, _, _ =	vpop (xrf2)  }
0x403: {  	[tilespmem:s21+$0x1A11A] =	vst.msk $0x1, v51;
	v55 =	vbroadcast v54, $0xF;
	v56, _, _ =	vpop (xrf2)  }
0x404: {  	[tilespmem:s21+$0x1A121] =	vst.msk $0x1, v53;
	v57 =	vbroadcast v56, $0xF  }
0x405: {  	[tilespmem:s21+$0x1A122] =	vst.msk $0x1, v55  }
0x406: {  	[tilespmem:s21+$0x1A129] =	vst.msk $0x1, v57  }
0x407: {  	v32 =	vld [tilespmem:s18+$0xFFFFFF40]  }
0x408: {  	v33 =	vld [tilespmem:s18+$0xFFFFFF50]  }
0x409: {  	v34 =	vld [tilespmem:s18+$0xFFFFFF60]  }
0x40a: {  	v35 =	vld [tilespmem:s18+$0xFFFFFF30]  }
0x40b: {  	v36 =	vld [tilespmem:s18+$0xFFFFFF20]  }
0x40c: {  	v37 =	vld [tilespmem:s18+$0xFFFFFF10];
	v38 =	vmul.f32 v32, v2;
	v58 =	vmul.f32 v32, v14  }
0x40d: {  	v40 =	vld [tilespmem:s18+$0xFFFFFF70];
	v59 =	vmul.f32 v33, v15;
	v42 =	vmul.f32 v33, v29  }
0x40e: {  	v43 =	vld [tilespmem:s18+$0xFFFFFF80];
	v44 =	vmul.f32 v32, v1;
	v45 =	vmul.f32 v34, v3  }
0x40f: {  	v46 =	vmul.f32 v34, v21;
	v60 =	vmul.f32 v35, v6  }
0x410: {  	v48 =	vmul.f32 v36, v17;
	v49 =	vmul.f32 v34, v19  }
0x411: {  	v50 =	vmul.f32 v33, v20;
	v51 =	vmul.f32 v36, v16  }
0x412: {  	v61 =	vmul.f32 v37, v22;
	v52 =	vmul.f32 v36, v23  }
0x413: {  	v62 =	vmul.f32 v40, v7;
	v53 =	vmul.f32 v43, v10  }
0x414: {  	v54 =	vmul.f32 v37, v24;
	v55 =	vmul.f32 v40, v18  }
0x415: {  	v63 =	vmul.f32 v35, v5;
	v56 =	vmul.f32 v40, v9  }
0x416: {  	v33 =	vmul.f32 v33, v4;
	v34 =	vmul.f32 v34, v31  }
0x417: {  	v32 =	vmul.f32 v32, v12;
	v40 =	vmul.f32 v40, v30;
	v39 =	vadd.f32 v58, v60  }
0x418: {  	v36 =	vmul.f32 v36, v28;
	v41 =	vadd.f32 v49, v59;
	v47 =	vadd.f32 v48, v61  }
0x419: {  	v49 =	vadd.f32 v53, v62;
	v60 =	vmul.f32 v43, v8;
	v52 =	vadd.f32 v52, v54  }
0x41a: {  	v38 =	vadd.f32 v38, v63;
	v46 =	vadd.f32 v46, v50;
	v61 =	vmul.f32 v35, v11  }
0x41b: {  	v63 =	vmul.f32 v37, v26;
	v53 =	vmul.f32 v43, v25;
	v34 =	vadd.f32 v34, v42  }
0x41c: {  	v37 =	vmul.f32 v37, v27;
	v33 =	vadd.f32 v45, v33;
	v62 =	vadd.f32 v60, v55  }
0x41d: {  	v35 =	vmul.f32 v35, v0;
	v38 =	vadd.f32 v38, v52;
	v32 =	vadd.f32 v32, v61  }
0x41e: {  	v43 =	vmul.f32 v43, v13;
	v54 =	vadd.f32 v51, v63;
	v40 =	vadd.f32 v53, v40  }
0x41f: {  	v36 =	vadd.f32 v36, v37;
	v35 =	vadd.f32 v44, v35  }
0x420: {  	v56 =	vadd.f32 v43, v56;
	v41 =	vadd.f32 v49, v41  }
0x421: {  	v46 =	vadd.f32 v62, v46;
	v32 =	vadd.f32 v32, v54  }
0x422: {  	v35 =	vadd.f32 v35, v47;
	v36 =	vadd.f32 v39, v36  }
0x423: {  	v33 =	vadd.f32 v56, v33;
	v55 =	vadd.f32 v46, v38  }
0x424: {  	v34 =	vadd.f32 v40, v34;
	v35 =	vadd.f32 v41, v35  }
0x425: {  	v32 =	vadd.f32 v33, v32;
	(xrf2) =	vadd.scan.msk.f32 $0xffff, v55  }
0x426: {  	v57 =	vadd.f32 v34, v36;
	(xrf2) =	vadd.scan.msk.f32 $0xffff, v35  }
0x427: {  	(xrf2) =	vadd.scan.msk.f32 $0xffff, v32  }
0x428: {  	(xrf2) =	vadd.scan.msk.f32 $0xffff, v57;
	_ =	sdelay $0x6  }
0x429: {  	v58, _, _ =	vpop (xrf2)  }
0x42a: {  	v32 =	vbroadcast v58, $0xF;
	v59, _, _ =	vpop (xrf2)  }
0x42b: {  	v33 =	vbroadcast v59, $0xF;
	v60, _, _ =	vpop (xrf2)  }
0x42c: {  	[tilespmem:s17+$0xFFFFFFF2] =	vst.msk $0x1, v32;
	v61 =	vbroadcast v60, $0xF;
	v62, _, _ =	vpop (xrf2)  }
0x42d: {  	[tilespmem:s17+$0xFFFFFFEA] =	vst.msk $0x1, v33;
	v63 =	vbroadcast v62, $0xF  }
0x42e: {  	[tilespmem:s17+$0xFFFFFFF9] =	vst.msk $0x1, v61  }
0x42f: {  	[tilespmem:s17+$0xFFFFFFFF] =	vst.msk $0x1, v63  }
0x430: {  	v36 =	vld [tilespmem:s18+$0xFFFFFF90]  }
0x431: {  	v35 =	vld [tilespmem:s18+$0xFFFFFFA0]  }
0x432: {  	v33 =	vld [tilespmem:s18+$0xFFFFFFE0]  }
0x433: {  	s25 =	simm.s32 $0x0;
	s24 =	smov.u32 s18;
	v32 =	vld [tilespmem:s18+$0xFFFFFFB0]  }
0x434: {  	s26 =	smov.u32 s17;
	s28 =	smov.u32 s18;
	s23 =	smov.u32 s17;
	v34 =	vld [tilespmem:s18+$0xFFFFFFD0]  }
.LBB2_11:
0x435: {  	s25 =	sadd.s32 $0x2, s25;
	v37 =	vld [tilespmem:s24+$0xFFFFFFF0];
	v38 =	vmul.f32 v36, v22;
	v39 =	vmul.f32 v36, v24;
	s26 =	sadd.s32 $0x2, s26;
	s28 =	sadd.s32 $0x100, s28  }
0x436: {  	v42 =	vmul.f32 v36, v26;
	p0 =	slt.u32 s25, $0x4;
	v40 =	vld [tilespmem:s24+$0x0];
	v41 =	vmul.f32 v35, v17  }
0x437: {  	v45 =	vmul.f32 v35, v23;
	v43 =	vld [tilespmem:s24+$0xFFFFFFC0];
	v44 =	vmul.f32 v33, v19;
	s24 =	smov.u32 s28  }
0x438: {  	v36 =	vmul.f32 v36, v27;
	v46 =	vmul.f32 v35, v28  }
0x439: {  	v48 =	vmul.f32 v33, v31;
	v47 =	vmul.f32 v34, v15  }
0x43a: {  	v50 =	vmul.f32 v33, v21;
	v36 =	vadd.f32 v46, v36;
	v49 =	vmul.f32 v34, v20  }
0x43b: {  	v46 =	vmul.f32 v37, v18;
	v44 =	vadd.f32 v44, v47;
	v47 =	vmul.f32 v34, v29  }
0x43c: {  	v35 =	vmul.f32 v35, v16;
	v51 =	vmul.f32 v40, v10;
	v49 =	vadd.f32 v50, v49  }
0x43d: {  	v52 =	vmul.f32 v37, v30;
	v50 =	vmul.f32 v37, v7;
	v47 =	vadd.f32 v48, v47  }
0x43e: {  	v39 =	vadd.f32 v45, v39;
	v45 =	vmul.f32 v40, v25;
	v48 =	vmul.f32 v43, v1  }
0x43f: {  	v53 =	vmul.f32 v32, v5;
	v54 =	vmul.f32 v40, v8  }
0x440: {  	v38 =	vadd.f32 v41, v38;
	v41 =	vmul.f32 v32, v11;
	v55 =	vmul.f32 v43, v12  }
0x441: {  	v56 =	vmul.f32 v32, v0;
	v57 =	vmul.f32 v43, v2;
	v46 =	vadd.f32 v54, v46  }
0x442: {  	v37 =	vmul.f32 v37, v9;
	v40 =	vmul.f32 v40, v13;
	v41 =	vadd.f32 v55, v41  }
0x443: {  	v34 =	vmul.f32 v34, v4;
	v48 =	vadd.f32 v48, v56;
	v46 =	vadd.f32 v46, v49  }
0x444: {  	v33 =	vmul.f32 v33, v3;
	v37 =	vadd.f32 v40, v37;
	v49 =	vadd.f32 v51, v50  }
0x445: {  	v43 =	vmul.f32 v43, v14;
	v40 =	vadd.f32 v57, v53;
	v38 =	vadd.f32 v48, v38  }
0x446: {  	v35 =	vadd.f32 v35, v42;
	v33 =	vadd.f32 v33, v34  }
0x447: {  	v32 =	vmul.f32 v32, v6;
	v39 =	vadd.f32 v40, v39;
	v34 =	vadd.f32 v49, v44  }
0x448: {  	v33 =	vadd.f32 v37, v33;
	v35 =	vadd.f32 v41, v35  }
0x449: {  	v32 =	vadd.f32 v43, v32;
	v34 =	vadd.f32 v34, v38  }
0x44a: {  	v33 =	vadd.f32 v33, v35;
	v35 =	vadd.f32 v45, v52  }
0x44b: {  	v32 =	vadd.f32 v32, v36;
	v37 =	vadd.f32 v46, v39  }
0x44c: {  	v35 =	vadd.f32 v35, v47;
	(xrf2) =	vadd.scan.msk.f32 $0xffff, v33;
	_ =	sdelay $0x1  }
0x44d: {  	v32 =	vadd.f32 v35, v32  }
0x44e: {  	(xrf2) =	vadd.scan.msk.f32 $0xffff, v34;
	_ =	sdelay $0x2  }
0x44f: {  	(xrf2) =	vadd.scan.msk.f32 $0xffff, v37;
	_ =	sdelay $0x2  }
0x450: {  	(xrf2) =	vadd.scan.msk.f32 $0xffff, v32  }
0x451: {  	v32, _, _ =	vpop (xrf2)  }
0x452: {  	v33 =	vbroadcast v32, $0xF;
	_ =	sdelay $0x1  }
0x453: {  	[tilespmem:s23+$0xFFFFFFFA] =	vst.msk $0x1, v33;
	v32, _, _ =	vpop (xrf2)  }
0x454: {  	v33 =	vbroadcast v32, $0xF;
	_ =	sdelay $0x1  }
0x455: {  	[tilespmem:s23+$0xFFFFFFEB] =	vst.msk $0x1, v33;
	v32, _, _ =	vpop (xrf2)  }
0x456: {  	v33 =	vbroadcast v32, $0xF;
	_ =	sdelay $0x1  }
0x457: {  	[tilespmem:s23+$0xFFFFFFF3] =	vst.msk $0x1, v33;
	v32, _, _ =	vpop (xrf2)  }
0x458: {  	v32 =	vbroadcast v32, $0xF;
	_ =	sdelay $0x1  }
0x459: {  	[tilespmem:s23+$0x0] =	vst.msk $0x1, v32;
	s23 =	smov.u32 s26  }
0x45a: {  	v32 =	vld [tilespmem:s28+$0xFFFFFF40]  }
0x45b: {  	v33 =	vld [tilespmem:s28+$0xFFFFFF50]  }
0x45c: {  	v34 =	vld [tilespmem:s28+$0xFFFFFF60]  }
0x45d: {  	v35 =	vld [tilespmem:s28+$0xFFFFFF30]  }
0x45e: {  	v36 =	vld [tilespmem:s28+$0xFFFFFF20]  }
0x45f: {  	v37 =	vld [tilespmem:s28+$0xFFFFFF10];
	v38 =	vmul.f32 v32, v2;
	v39 =	vmul.f32 v32, v14  }
0x460: {  	v40 =	vld [tilespmem:s28+$0xFFFFFF70];
	v41 =	vmul.f32 v33, v15;
	v42 =	vmul.f32 v33, v29  }
0x461: {  	v44 =	vmul.f32 v32, v1;
	v43 =	vld [tilespmem:s28+$0xFFFFFF80];
	v45 =	vmul.f32 v34, v3  }
0x462: {  	v46 =	vmul.f32 v34, v21;
	v47 =	vmul.f32 v35, v6  }
0x463: {  	v49 =	vmul.f32 v34, v19;
	v48 =	vmul.f32 v36, v17  }
0x464: {  	v50 =	vmul.f32 v33, v20;
	v51 =	vmul.f32 v36, v16;
	v39 =	vadd.f32 v39, v47  }
0x465: {  	v41 =	vadd.f32 v49, v41;
	v49 =	vmul.f32 v36, v23;
	v47 =	vmul.f32 v37, v22  }
0x466: {  	v52 =	vmul.f32 v37, v24;
	v53 =	vmul.f32 v40, v18  }
0x467: {  	v54 =	vmul.f32 v40, v7;
	v55 =	vmul.f32 v43, v10;
	v47 =	vadd.f32 v48, v47  }
0x468: {  	v56 =	vmul.f32 v40, v9;
	v48 =	vmul.f32 v35, v5  }
0x469: {  	v33 =	vmul.f32 v33, v4;
	v54 =	vadd.f32 v55, v54;
	v55 =	vmul.f32 v43, v8  }
0x46a: {  	v34 =	vmul.f32 v34, v31;
	v49 =	vadd.f32 v49, v52;
	v38 =	vadd.f32 v38, v48  }
0x46b: {  	v32 =	vmul.f32 v32, v12;
	v46 =	vadd.f32 v46, v50;
	v48 =	vmul.f32 v35, v11  }
0x46c: {  	v40 =	vmul.f32 v40, v30;
	v50 =	vadd.f32 v55, v53;
	v38 =	vadd.f32 v38, v49  }
0x46d: {  	v49 =	vmul.f32 v37, v26;
	v32 =	vadd.f32 v32, v48;
	v48 =	vmul.f32 v43, v25  }
0x46e: {  	v34 =	vadd.f32 v34, v42;
	v43 =	vmul.f32 v43, v13;
	v46 =	vadd.f32 v50, v46  }
0x46f: {  	v36 =	vmul.f32 v36, v28;
	v37 =	vmul.f32 v37, v27;
	v42 =	vadd.f32 v51, v49  }
0x470: {  	v33 =	vadd.f32 v45, v33;
	v35 =	vmul.f32 v35, v0;
	v40 =	vadd.f32 v48, v40  }
0x471: {  	v36 =	vadd.f32 v36, v37;
	v32 =	vadd.f32 v32, v42  }
0x472: {  	v35 =	vadd.f32 v44, v35;
	v37 =	vadd.f32 v46, v38  }
0x473: {  	v36 =	vadd.f32 v39, v36;
	v34 =	vadd.f32 v40, v34  }
0x474: {  	v38 =	vadd.f32 v54, v41;
	v39 =	vadd.f32 v43, v56;
	(xrf2) =	vadd.scan.msk.f32 $0xffff, v37  }
0x475: {  	v35 =	vadd.f32 v35, v47;
	v34 =	vadd.f32 v34, v36  }
0x476: {  	v33 =	vadd.f32 v39, v33  }
0x477: {  	v35 =	vadd.f32 v38, v35  }
0x478: {  	v32 =	vadd.f32 v33, v32  }
0x479: {  	(xrf2) =	vadd.scan.msk.f32 $0xffff, v35;
	_ =	sdelay $0x2  }
0x47a: {  	(xrf2) =	vadd.scan.msk.f32 $0xffff, v32;
	_ =	sdelay $0x1  }
0x47b: {  	v32, _, _ =	vpop (xrf2)  }
0x47c: {  	v32 =	vbroadcast v32, $0xF  }
0x47d: {  	(xrf2) =	vadd.scan.msk.f32 $0xffff, v34  }
0x47e: {  	[tilespmem:s26+$0xFFFFFFF2] =	vst.msk $0x1, v32;
	_ =	sdelay $0x1  }
0x47f: {  	v32, _, _ =	vpop (xrf2)  }
0x480: {  	v33 =	vbroadcast v32, $0xF;
	_ =	sdelay $0x1  }
0x481: {  	[tilespmem:s26+$0xFFFFFFEA] =	vst.msk $0x1, v33;
	v32, _, _ =	vpop (xrf2)  }
0x482: {  	v33 =	vbroadcast v32, $0xF;
	_ =	sdelay $0x1  }
0x483: {  	[tilespmem:s26+$0xFFFFFFF9] =	vst.msk $0x1, v33  }
0x484: {  	v32, _, _ =	vpop (xrf2)  }
0x485: {  	v32 =	vbroadcast v32, $0xF;
	_ =	sdelay $0x1  }
0x486: {  	[tilespmem:s26+$0xFFFFFFFF] =	vst.msk $0x1, v32  }
.Ltmp4:
0x487: {  	v36 =	vld [tilespmem:s28+$0xFFFFFF90];
	(pc) =	sbr.rel @p0 .LBB2_11-.Ltmp4, $4  }
0x488: {  	v35 =	vld [tilespmem:s28+$0xFFFFFFA0]  }
0x489: {  	v33 =	vld [tilespmem:s28+$0xFFFFFFE0]  }
0x48a: {  	v32 =	vld [tilespmem:s28+$0xFFFFFFB0]  }
0x48b: {  	v34 =	vld [tilespmem:s28+$0xFFFFFFD0]  }
0x48c: {  	v22 =	vmul.f32 v36, v22;
	v24 =	vmul.f32 v36, v24  }
0x48d: {  	v26 =	vmul.f32 v36, v26;
	v27 =	vmul.f32 v36, v27  }
0x48e: {  	v17 =	vmul.f32 v35, v17;
	v23 =	vmul.f32 v35, v23  }
0x48f: {  	v28 =	vmul.f32 v35, v28;
	v16 =	vmul.f32 v35, v16  }
0x490: {  	v37 =	vld [tilespmem:s24+$0xFFFFFFF0];
	v19 =	vmul.f32 v33, v19;
	v31 =	vmul.f32 v33, v31  }
0x491: {  	v38 =	vld [tilespmem:s24+$0x0];
	v21 =	vmul.f32 v33, v21;
	v3 =	vmul.f32 v33, v3  }
0x492: {  	v5 =	vmul.f32 v32, v5;
	v11 =	vmul.f32 v32, v11  }
0x493: {  	v61 =	vld [tilespmem:s24+$0xFFFFFFC0];
	v0 =	vmul.f32 v32, v0;
	v6 =	vmul.f32 v32, v6  }
0x494: {  	v15 =	vmul.f32 v34, v15;
	v20 =	vmul.f32 v34, v20  }
0x495: {  	v62 =	vmul.f32 v34, v29;
	v4 =	vmul.f32 v34, v4  }
0x496: {  	v27 =	vadd.f32 v28, v27;
	v18 =	vmul.f32 v37, v18;
	v10 =	vmul.f32 v38, v10  }
0x497: {  	v23 =	vadd.f32 v23, v24;
	v7 =	vmul.f32 v37, v7;
	v63 =	vmul.f32 v37, v30  }
0x498: {  	v17 =	vadd.f32 v17, v22;
	v1 =	vmul.f32 v61, v1;
	v8 =	vmul.f32 v38, v8  }
0x499: {  	v29 =	vadd.f32 v16, v26;
	v12 =	vmul.f32 v61, v12;
	v2 =	vmul.f32 v61, v2  }
0x49a: {  	v9 =	vmul.f32 v37, v9;
	v15 =	vadd.f32 v19, v15;
	v20 =	vadd.f32 v21, v20  }
0x49b: {  	v13 =	vmul.f32 v38, v13;
	v19 =	vadd.f32 v31, v62;
	v3 =	vadd.f32 v3, v4  }
0x49c: {  	v25 =	vmul.f32 v38, v25;
	v8 =	vadd.f32 v8, v18;
	v11 =	vadd.f32 v12, v11  }
0x49d: {  	v28 =	vmul.f32 v61, v14;
	v0 =	vadd.f32 v1, v0;
	v7 =	vadd.f32 v10, v7  }
0x49e: {  	v24 =	vadd.f32 v13, v9;
	v2 =	vadd.f32 v2, v5  }
0x49f: {  	v5 =	vadd.f32 v28, v6;
	v32 =	vadd.f32 v25, v63  }
0x4a0: {  	v22 =	vadd.f32 v8, v20;
	v0 =	vadd.f32 v0, v17  }
0x4a1: {  	v31 =	vadd.f32 v11, v29;
	v3 =	vadd.f32 v24, v3  }
0x4a2: {  	v30 =	vadd.f32 v7, v15;
	v2 =	vadd.f32 v2, v23  }
0x4a3: {  	v33 =	vadd.f32 v5, v27;
	v3 =	vadd.f32 v3, v31  }
0x4a4: {  	v34 =	vadd.f32 v32, v19;
	v0 =	vadd.f32 v30, v0  }
0x4a5: {  	v1 =	vadd.f32 v22, v2;
	(xrf2) =	vadd.scan.msk.f32 $0xffff, v3  }
0x4a6: {  	v35 =	vadd.f32 v34, v33;
	(xrf2) =	vadd.scan.msk.f32 $0xffff, v0  }
0x4a7: {  	(xrf2) =	vadd.scan.msk.f32 $0xffff, v1  }
0x4a8: {  	(xrf2) =	vadd.scan.msk.f32 $0xffff, v35;
	_ =	sdelay $0x6  }
0x4a9: {  	v36, _, _ =	vpop (xrf2)  }
0x4aa: {  	v0 =	vbroadcast v36, $0xF;
	v37, _, _ =	vpop (xrf2)  }
0x4ab: {  	v1 =	vbroadcast v37, $0xF;
	v38, _, _ =	vpop (xrf2)  }
0x4ac: {  	[tilespmem:s23+$0xFFFFFFFA] =	vst.msk $0x1, v0;
	v39 =	vbroadcast v38, $0xF;
	v40, _, _ =	vpop (xrf2)  }
0x4ad: {  	[tilespmem:s23+$0xFFFFFFEB] =	vst.msk $0x1, v1;
	v41 =	vbroadcast v40, $0xF  }
0x4ae: {  	[tilespmem:s23+$0xFFFFFFF3] =	vst.msk $0x1, v39  }
0x4af: {  	[tilespmem:s23+$0x0] =	vst.msk $0x1, v41  }
0x4b0: {  	v21 =	vld [tilespmem:s20+$0xA00]  }
0x4b1: {  	v22 =	vld [tilespmem:s20+$0xA10]  }
0x4b2: {  	v23 =	vld [tilespmem:s20+$0xA20]  }
0x4b3: {  	v24 =	vld [tilespmem:s20+$0xA30]  }
0x4b4: {  	v25 =	vld [tilespmem:s20+$0xA40]  }
0x4b5: {  	v26 =	vld [tilespmem:s20+$0xA50]  }
0x4b6: {  	v27 =	vld [tilespmem:s20+$0xA60]  }
0x4b7: {  	v28 =	vld [tilespmem:s20+$0xA70]  }
0x4b8: {  	v18 =	vld [tilespmem:s20+$0xA80]  }
0x4b9: {  	v19 =	vld [tilespmem:s20+$0xA90]  }
0x4ba: {  	v15 =	vld [tilespmem:s20+$0xAA0]  }
0x4bb: {  	v16 =	vld [tilespmem:s20+$0xAB0]  }
0x4bc: {  	v13 =	vld [tilespmem:s20+$0xAC0]  }
0x4bd: {  	v14 =	vld [tilespmem:s20+$0xAD0]  }
0x4be: {  	v11 =	vld [tilespmem:s20+$0xAE0]  }
0x4bf: {  	v12 =	vld [tilespmem:s20+$0xAF0]  }
0x4c0: {  	v6 =	vld [tilespmem:s20+$0xB00]  }
0x4c1: {  	v7 =	vld [tilespmem:s20+$0xB10]  }
0x4c2: {  	v3 =	vld [tilespmem:s20+$0xB20]  }
0x4c3: {  	v4 =	vld [tilespmem:s20+$0xB30]  }
0x4c4: {  	v1 =	vld [tilespmem:s20+$0xB40]  }
0x4c5: {  	v2 =	vld [tilespmem:s20+$0xB50]  }
0x4c6: {  	v0 =	vld [tilespmem:s20+$0xB60]  }
0x4c7: {  	v5 =	vld [tilespmem:s20+$0xB70]  }
0x4c8: {  	v8 =	vld [tilespmem:s20+$0xB80];
	v42 =	vmul.f32 v18, v21;
	v43 =	vmul.f32 v19, v22  }
0x4c9: {  	v9 =	vld [tilespmem:s20+$0xB90];
	v44 =	vmul.f32 v15, v23;
	v45 =	vmul.f32 v16, v24  }
0x4ca: {  	v10 =	vld [tilespmem:s20+$0xBA0];
	v46 =	vmul.f32 v13, v25;
	v47 =	vmul.f32 v14, v26  }
0x4cb: {  	v17 =	vld [tilespmem:s20+$0xBB0];
	v48 =	vmul.f32 v11, v27;
	v49 =	vmul.f32 v12, v28  }
0x4cc: {  	v20 =	vld [tilespmem:s20+$0xBC0];
	v52 =	vmul.f32 v6, v21;
	v53 =	vmul.f32 v7, v22  }
0x4cd: {  	v29 =	vld [tilespmem:s20+$0xBD0];
	v55 =	vmul.f32 v3, v23;
	v39 =	vmul.f32 v4, v24  }
0x4ce: {  	v30 =	vld [tilespmem:s20+$0xBE0];
	v56 =	vmul.f32 v1, v25;
	v40 =	vmul.f32 v2, v26  }
0x4cf: {  	v31 =	vld [tilespmem:s20+$0xBF0];
	v57 =	vmul.f32 v0, v27;
	v41 =	vmul.f32 v5, v28  }
0x4d0: {  	v59 =	vmul.f32 v8, v21;
	v60 =	vmul.f32 v9, v22  }
0x4d1: {  	v61 =	vmul.f32 v10, v23;
	v62 =	vmul.f32 v17, v24  }
0x4d2: {  	v63 =	vmul.f32 v20, v25;
	v50 =	vadd.f32 v43, v42;
	v51 =	vadd.f32 v45, v44  }
0x4d3: {  	v54 =	vadd.f32 v47, v46;
	v32 =	vadd.f32 v49, v48;
	v44 =	vmul.f32 v29, v26  }
0x4d4: {  	v36 =	vadd.f32 v53, v52;
	v45 =	vmul.f32 v30, v27;
	v46 =	vmul.f32 v31, v28  }
0x4d5: {  	v58 =	vadd.f32 v39, v55;
	v47 =	vmul.f32 v6, v18;
	v48 =	vmul.f32 v7, v19  }
0x4d6: {  	v33 =	vadd.f32 v40, v56;
	v52 =	vmul.f32 v1, v13;
	v42 =	vmul.f32 v2, v14  }
0x4d7: {  	v35 =	vadd.f32 v41, v57;
	v53 =	vmul.f32 v0, v11;
	v43 =	vmul.f32 v5, v12  }
0x4d8: {  	v55 =	vmul.f32 v8, v18;
	v34 =	vadd.f32 v51, v50;
	v32 =	vadd.f32 v32, v54  }
0x4d9: {  	v56 =	vmul.f32 v9, v19;
	v36 =	vadd.f32 v58, v36;
	v33 =	vadd.f32 v35, v33  }
0x4da: {  	v57 =	vmul.f32 v10, v15;
	v35 =	vadd.f32 v60, v59;
	v49 =	vadd.f32 v46, v45  }
0x4db: {  	v50 =	vmul.f32 v3, v15;
	v51 =	vmul.f32 v4, v16;
	v37 =	vadd.f32 v48, v47  }
0x4dc: {  	v39 =	vadd.f32 v43, v53;
	v58 =	vmul.f32 v17, v16;
	v59 =	vmul.f32 v20, v13  }
0x4dd: {  	v60 =	vmul.f32 v29, v14;
	v38 =	vadd.f32 v56, v55;
	v48 =	vmul.f32 v10, v3  }
0x4de: {  	v45 =	vmul.f32 v17, v4;
	v46 =	vmul.f32 v29, v2;
	v32 =	vadd.f32 v32, v34  }
0x4df: {  	v47 =	vmul.f32 v31, v5;
	v33 =	vadd.f32 v33, v36;
	v34 =	vadd.f32 v62, v61  }
0x4e0: {  	v36 =	vadd.f32 v44, v63;
	v54 =	vadd.f32 v51, v50;
	v63 =	vmul.f32 v8, v6  }
0x4e1: {  	v44 =	vmul.f32 v9, v7;
	v41 =	vadd.f32 v45, v48;
	v34 =	vadd.f32 v34, v35  }
0x4e2: {  	v61 =	vmul.f32 v30, v11;
	v36 =	vadd.f32 v49, v36;
	v35 =	vadd.f32 v42, v52  }
0x4e3: {  	v62 =	vmul.f32 v31, v12;
	v37 =	vadd.f32 v54, v37;
	v40 =	vadd.f32 v44, v63  }
0x4e4: {  	v50 =	vmul.f32 v30, v0;
	v35 =	vadd.f32 v39, v35;
	v34 =	vadd.f32 v36, v34  }
0x4e5: {  	v49 =	vmul.f32 v20, v1;
	v39 =	vadd.f32 v58, v57;
	v36 =	vadd.f32 v60, v59  }
0x4e6: {  	v35 =	vadd.f32 v35, v37;
	v37 =	vadd.f32 v62, v61  }
0x4e7: {  	v43 =	vadd.f32 v47, v50;
	v42 =	vadd.f32 v46, v49  }
0x4e8: {  	(xrf2) =	vadd.scan.msk.f32 $0xffff, v32;
	v51 =	vadd.f32 v39, v38;
	v36 =	vadd.f32 v37, v36  }
0x4e9: {  	(xrf2) =	vadd.scan.msk.f32 $0xffff, v33;
	v52 =	vadd.f32 v41, v40;
	v53 =	vadd.f32 v43, v42  }
0x4ea: {  	(xrf2) =	vadd.scan.msk.f32 $0xffff, v34;
	v32 =	vadd.f32 v36, v51  }
0x4eb: {  	(xrf2) =	vadd.scan.msk.f32 $0xffff, v35;
	v33 =	vadd.f32 v53, v52  }
0x4ec: {  	(xrf2) =	vadd.scan.msk.f32 $0xffff, v32  }
0x4ed: {  	(xrf2) =	vadd.scan.msk.f32 $0xffff, v33;
	_ =	sdelay $0x4  }
0x4ee: {  	v54, _, _ =	vpop (xrf2)  }
0x4ef: {  	v55, _, _ =	vpop (xrf2);
	v32 =	vbroadcast v54, $0xF  }
0x4f0: {  	v33 =	vbroadcast v55, $0xF;
	v34, _, _ =	vpop (xrf2)  }
0x4f1: {  	[tilespmem:s21+$0x1A136] =	vst.msk $0x1, v32;
	v56 =	vbroadcast v34, $0xF;
	v57, _, _ =	vpop (xrf2)  }
0x4f2: {  	[tilespmem:s21+$0x1A137] =	vst.msk $0x1, v33;
	v58 =	vbroadcast v57, $0xF;
	v59, _, _ =	vpop (xrf2)  }
0x4f3: {  	[tilespmem:s22+$0x1A138] =	vst.msk $0x1, v56;
	v60 =	vbroadcast v59, $0xF;
	v61, _, _ =	vpop (xrf2)  }
0x4f4: {  	[tilespmem:s21+$0x1A13B] =	vst.msk $0x1, v58;
	v62 =	vbroadcast v61, $0xF  }
0x4f5: {  	[tilespmem:s21+$0x1A13C] =	vst.msk $0x1, v60  }
0x4f6: {  	[tilespmem:s21+$0x1A13F] =	vst.msk $0x1, v62  }
0x4f7: {  	v32 =	vld [tilespmem:s20+$0xC00]  }
0x4f8: {  	v33 =	vld [tilespmem:s20+$0xC10]  }
0x4f9: {  	v34 =	vld [tilespmem:s20+$0xC20]  }
0x4fa: {  	v35 =	vld [tilespmem:s20+$0xC30]  }
0x4fb: {  	v36 =	vld [tilespmem:s20+$0xC40]  }
0x4fc: {  	v37 =	vld [tilespmem:s20+$0xC50]  }
0x4fd: {  	v38 =	vld [tilespmem:s20+$0xC60]  }
0x4fe: {  	v39 =	vld [tilespmem:s20+$0xC70];
	_ =	sdelay $0x1  }
0x4ff: {  	v63 =	vmul.f32 v32, v21;
	v48 =	vmul.f32 v33, v22  }
0x500: {  	v49 =	vmul.f32 v34, v23;
	v50 =	vmul.f32 v35, v24  }
0x501: {  	v51 =	vmul.f32 v36, v25;
	v52 =	vmul.f32 v37, v26  }
0x502: {  	v53 =	vmul.f32 v38, v27;
	v54 =	vmul.f32 v39, v28  }
0x503: {  	v57 =	vmul.f32 v32, v18;
	v58 =	vmul.f32 v33, v19  }
0x504: {  	v60 =	vmul.f32 v34, v15;
	v61 =	vmul.f32 v35, v16  }
0x505: {  	v62 =	vmul.f32 v36, v13;
	v40 =	vadd.f32 v48, v63;
	v55 =	vadd.f32 v50, v49  }
0x506: {  	v56 =	vadd.f32 v52, v51;
	v48 =	vmul.f32 v37, v14;
	v63 =	vmul.f32 v38, v11  }
0x507: {  	v59 =	vadd.f32 v54, v53;
	v49 =	vmul.f32 v39, v12;
	v53 =	vmul.f32 v32, v6  }
0x508: {  	v43 =	vadd.f32 v58, v57;
	v54 =	vmul.f32 v33, v7;
	v57 =	vmul.f32 v36, v1  }
0x509: {  	v52 =	vadd.f32 v61, v60;
	v58 =	vmul.f32 v37, v2;
	v60 =	vmul.f32 v39, v5  }
0x50a: {  	v32 =	vmul.f32 v32, v8;
	v33 =	vmul.f32 v33, v9  }
0x50b: {  	v36 =	vmul.f32 v36, v20;
	v37 =	vmul.f32 v37, v29;
	v40 =	vadd.f32 v55, v40  }
0x50c: {  	v39 =	vmul.f32 v39, v31;
	v42 =	vadd.f32 v59, v56;
	v41 =	vadd.f32 v48, v62  }
0x50d: {  	v45 =	vadd.f32 v49, v63;
	v43 =	vadd.f32 v52, v43;
	v55 =	vmul.f32 v34, v3  }
0x50e: {  	v56 =	vmul.f32 v35, v4;
	v59 =	vmul.f32 v38, v0;
	v44 =	vadd.f32 v54, v53  }
0x50f: {  	v34 =	vmul.f32 v34, v10;
	v32 =	vadd.f32 v33, v32;
	v62 =	vadd.f32 v37, v36  }
0x510: {  	v35 =	vmul.f32 v35, v17;
	v41 =	vadd.f32 v45, v41;
	v40 =	vadd.f32 v42, v40  }
0x511: {  	v38 =	vmul.f32 v38, v30;
	v45 =	vadd.f32 v56, v55;
	v42 =	vadd.f32 v58, v57  }
0x512: {  	v41 =	vadd.f32 v41, v43;
	v43 =	vadd.f32 v60, v59  }
0x513: {  	v61 =	vadd.f32 v35, v34;
	v63 =	vadd.f32 v39, v38  }
0x514: {  	v46 =	vadd.f32 v45, v44;
	v47 =	vadd.f32 v43, v42  }
0x515: {  	v32 =	vadd.f32 v61, v32;
	v48 =	vadd.f32 v63, v62  }
0x516: {  	(xrf2) =	vadd.scan.msk.f32 $0xffff, v40;
	v49 =	vadd.f32 v47, v46  }
0x517: {  	(xrf2) =	vadd.scan.msk.f32 $0xffff, v41;
	v32 =	vadd.f32 v48, v32  }
0x518: {  	(xrf2) =	vadd.scan.msk.f32 $0xffff, v49  }
0x519: {  	(xrf2) =	vadd.scan.msk.f32 $0xffff, v32;
	_ =	sdelay $0x6  }
0x51a: {  	v50, _, _ =	vpop (xrf2)  }
0x51b: {  	v32 =	vbroadcast v50, $0xF;
	v51, _, _ =	vpop (xrf2)  }
0x51c: {  	v33 =	vbroadcast v51, $0xF;
	v34, _, _ =	vpop (xrf2)  }
0x51d: {  	[tilespmem:s21+$0x1A139] =	vst.msk $0x1, v32;
	v52 =	vbroadcast v34, $0xF;
	v53, _, _ =	vpop (xrf2)  }
0x51e: {  	[tilespmem:s21+$0x1A13D] =	vst.msk $0x1, v33;
	v54 =	vbroadcast v53, $0xF  }
0x51f: {  	[tilespmem:s22+$0x1A140] =	vst.msk $0x1, v52  }
0x520: {  	[tilespmem:s21+$0x1A142] =	vst.msk $0x1, v54  }
0x521: {  	v32 =	vld [tilespmem:s20+$0xC80]  }
0x522: {  	v33 =	vld [tilespmem:s20+$0xC90]  }
0x523: {  	v55 =	vld [tilespmem:s20+$0xCA0]  }
0x524: {  	v56 =	vld [tilespmem:s20+$0xCB0]  }
0x525: {  	v57 =	vld [tilespmem:s20+$0xCC0]  }
0x526: {  	v58 =	vld [tilespmem:s20+$0xCD0]  }
0x527: {  	v59 =	vld [tilespmem:s20+$0xCE0]  }
0x528: {  	v60 =	vld [tilespmem:s20+$0xCF0];
	_ =	sdelay $0x1  }
0x529: {  	v21 =	vmul.f32 v32, v21;
	v22 =	vmul.f32 v33, v22  }
0x52a: {  	v23 =	vmul.f32 v55, v23;
	v24 =	vmul.f32 v56, v24  }
0x52b: {  	v25 =	vmul.f32 v57, v25;
	v26 =	vmul.f32 v58, v26  }
0x52c: {  	v27 =	vmul.f32 v59, v27;
	v28 =	vmul.f32 v60, v28  }
0x52d: {  	v18 =	vmul.f32 v32, v18;
	v19 =	vmul.f32 v33, v19  }
0x52e: {  	v15 =	vmul.f32 v55, v15;
	v16 =	vmul.f32 v56, v16  }
0x52f: {  	v13 =	vmul.f32 v57, v13;
	v14 =	vmul.f32 v58, v14  }
0x530: {  	v11 =	vmul.f32 v59, v11;
	v12 =	vmul.f32 v60, v12  }
0x531: {  	v6 =	vmul.f32 v32, v6;
	v7 =	vmul.f32 v33, v7  }
0x532: {  	v3 =	vmul.f32 v55, v3;
	v4 =	vmul.f32 v56, v4  }
0x533: {  	v1 =	vmul.f32 v57, v1;
	v2 =	vmul.f32 v58, v2  }
0x534: {  	v0 =	vmul.f32 v59, v0;
	v5 =	vmul.f32 v60, v5  }
0x535: {  	v34 =	vmul.f32 v56, v17;
	v21 =	vadd.f32 v22, v21;
	v61 =	vadd.f32 v24, v23  }
0x536: {  	v35 =	vmul.f32 v57, v20;
	v62 =	vadd.f32 v26, v25;
	v63 =	vadd.f32 v28, v27  }
0x537: {  	v36 =	vmul.f32 v58, v29;
	v18 =	vadd.f32 v19, v18;
	v15 =	vadd.f32 v16, v15  }
0x538: {  	v37 =	vmul.f32 v59, v30;
	v13 =	vadd.f32 v14, v13;
	v11 =	vadd.f32 v12, v11  }
0x539: {  	v38 =	vmul.f32 v60, v31;
	v6 =	vadd.f32 v7, v6;
	v3 =	vadd.f32 v4, v3  }
0x53a: {  	v28 =	vmul.f32 v32, v8;
	v1 =	vadd.f32 v2, v1;
	v0 =	vadd.f32 v5, v0  }
0x53b: {  	v32 =	vmul.f32 v33, v9;
	v2 =	vadd.f32 v36, v35;
	v5 =	vadd.f32 v38, v37  }
0x53c: {  	v33 =	vmul.f32 v55, v10;
	v21 =	vadd.f32 v61, v21;
	v25 =	vadd.f32 v63, v62  }
0x53d: {  	v26 =	vadd.f32 v15, v18;
	v11 =	vadd.f32 v11, v13  }
0x53e: {  	v7 =	vadd.f32 v32, v28;
	v4 =	vadd.f32 v34, v33  }
0x53f: {  	v3 =	vadd.f32 v3, v6;
	v0 =	vadd.f32 v0, v1  }
0x540: {  	v2 =	vadd.f32 v5, v2;
	v27 =	vadd.f32 v25, v21  }
0x541: {  	v11 =	vadd.f32 v11, v26;
	v39 =	vadd.f32 v4, v7  }
0x542: {  	v0 =	vadd.f32 v0, v3;
	(xrf2) =	vadd.scan.msk.f32 $0xffff, v27  }
0x543: {  	v1 =	vadd.f32 v2, v39;
	(xrf2) =	vadd.scan.msk.f32 $0xffff, v11  }
0x544: {  	(xrf2) =	vadd.scan.msk.f32 $0xffff, v0  }
0x545: {  	(xrf2) =	vadd.scan.msk.f32 $0xffff, v1;
	_ =	sdelay $0x6  }
0x546: {  	v40, _, _ =	vpop (xrf2)  }
0x547: {  	v0 =	vbroadcast v40, $0xF;
	v41, _, _ =	vpop (xrf2)  }
0x548: {  	v1 =	vbroadcast v41, $0xF;
	v42, _, _ =	vpop (xrf2)  }
0x549: {  	[tilespmem:s21+$0x1A13A] =	vst.msk $0x1, v0;
	v43 =	vbroadcast v42, $0xF;
	v44, _, _ =	vpop (xrf2)  }
0x54a: {  	[tilespmem:s21+$0x1A13E] =	vst.msk $0x1, v1;
	v45 =	vbroadcast v44, $0xF  }
0x54b: {  	[tilespmem:s21+$0x1A141] =	vst.msk $0x1, v43  }
0x54c: {  	[tilespmem:s21+$0x1A143] =	vst.msk $0x1, v45  }
0x54d: {  	v0 =	vld [tilespmem:s20+$0xC00]  }
0x54e: {  	v1 =	vld [tilespmem:s20+$0xC10]  }
0x54f: {  	v46 =	vld [tilespmem:s20+$0xC20]  }
0x550: {  	v47 =	vld [tilespmem:s20+$0xC30]  }
0x551: {  	v48 =	vld [tilespmem:s20+$0xC40]  }
0x552: {  	v49 =	vld [tilespmem:s20+$0xC50]  }
0x553: {  	v50 =	vld [tilespmem:s20+$0xC60]  }
0x554: {  	v51 =	vld [tilespmem:s20+$0xC70]  }
0x555: {  	v52 =	vld [tilespmem:s20+$0xC80]  }
0x556: {  	v53 =	vld [tilespmem:s20+$0xC90]  }
0x557: {  	v54 =	vld [tilespmem:s20+$0xCA0]  }
0x558: {  	v55 =	vld [tilespmem:s20+$0xCB0]  }
0x559: {  	v56 =	vld [tilespmem:s20+$0xCC0]  }
0x55a: {  	v57 =	vld [tilespmem:s20+$0xCD0]  }
0x55b: {  	v58 =	vld [tilespmem:s20+$0xCE0]  }
0x55c: {  	v59 =	vld [tilespmem:s20+$0xCF0];
	_ =	sdelay $0x1  }
0x55d: {  	v0 =	vmul.f32 v52, v0;
	v1 =	vmul.f32 v53, v1  }
0x55e: {  	v2 =	vmul.f32 v54, v46;
	v3 =	vmul.f32 v55, v47  }
0x55f: {  	v4 =	vmul.f32 v56, v48;
	v5 =	vmul.f32 v57, v49  }
0x560: {  	v6 =	vmul.f32 v58, v50;
	v7 =	vmul.f32 v59, v51  }
0x561: {  	v0 =	vadd.f32 v1, v0;
	v60 =	vadd.f32 v3, v2  }
0x562: {  	v61 =	vadd.f32 v5, v4;
	v62 =	vadd.f32 v7, v6;
	_ =	sdelay $0x1  }
0x563: {  	v0 =	vadd.f32 v60, v0;
	v63 =	vadd.f32 v62, v61;
	_ =	sdelay $0x1  }
0x564: {  	v0 =	vadd.f32 v63, v0;
	_ =	sdelay $0x1  }
0x565: {  	(xrf2) =	vadd.scan.msk.f32 $0xffff, v0;
	_ =	sdelay $0x6  }
0x566: {  	s19 =	sadd.s32 $0x1, s19  }
0x567: {  	p0 =	sne.s32 s19, $0x20  }
.Ltmp5:
0x568: {  	_ = 	snop;
	(pc) =	sbr.rel @p0 .LBB2_2-.Ltmp5, $4  }
0x569: {  	s9 =	sadd.s32 $0x145, s9;
	v0, _, _ =	vpop (xrf2)  }
0x56a: {  	s10 =	sadd.s32 $0xD00, s10;
	s11 =	sadd.s32 $0x145, s11;
	s12 =	sadd.s32 $0xD00, s12;
	v0 =	vbroadcast v0, $0xF  }
0x56b: {  	s13 =	sadd.s32 $0x145, s13;
	s14 =	sadd.s32 $0xD00, s14;
	s15 =	sadd.s32 $0x145, s15  }
0x56c: {  	s16 =	sadd.s32 $0xD00, s16;
	s17 =	sadd.s32 $0x145, s17;
	s18 =	sadd.s32 $0xD00, s18;
	[tilespmem:s21+$0x1A144] =	vst.msk $0x1, v0  }
0x56d: {  	s8 =	sadd.s32 $0x1, s8  }
0x56e: {  	p0 =	sne.s32 s8, s5  }
.Ltmp6:
0x56f: {  	_ = 	snop;
	(pc) =	sbr.rel @p0 .LBB2_1-.Ltmp6, $4  }
0x570: {  	[hbm4b:s4+s2] =	stream.linear.scatter [tilespmem:s7], [sflag:$0x1], $0x28A0, $0x38;
	[tilespmem:$0x1C8B0] =	vst v63  }
0x571: {  	_ =	swait.ge [sflag:s6], $0x28A0  }
0x572: {  	[sflag:s6] =	ssyncset.done $0x0  }
0x573: {  	[sflag:s6] =	ssyncadd.s32 $0xFFFFD760  }
0x574: {  	_ =	sfence.sel $0x180000  }
0x575: {  	[bflag:$0x0] =	sbarrier.arrive $0xFFFF  }
0x576: {  	p0 =	sne.s32 s0, $0x0;
	_ =	strace $0x90000047  }
0x577: {  	s0 =	sadd.s32 @!p0 $0x100000, s1;
	[bflag:$0x2] =	sbarrier.arrive $0xFFFF  }
0x578: {  	[sflag:s0] =	ssyncadd.tile.s32 @!p0 $0x1;
	_ =	shalt  }
.Lfunc_end2:
_tile_overlayer_lowered:
.L_overlay_start_2:
0x579: {  	(tag) =	ssettag $0x2  }
0x57a: {  	s0 =	rddreg [dreg:$0x0];
	s2 =	stileid.u32  }
0x57b: {  	s1 =	rddreg [dreg:$0x1];
	p0 =	sne.s32 s2, $0x0  }
0x57c: {  	s3 =	rddreg [dreg:$0x2];
	[bflag:$0x3] =	sbarrier.arrive $0xFFFF;
	s2 =	simm.s32 @!p0 $0x1C01  }
0x57d: {  	[timem:s3], [sflag:s2] =	dma.local @!p0 [hbm:s0], s1  }
0x57e: {  	s0 =	simm.s32 @!p0 $0x1  }
0x57f: {  	_ =	swait.ge @!p0 [sflag:s0], s1  }
0x580: {  	s1 =	ssub.s32 @!p0 $0x0, s1;
	[sflag:s0] =	ssyncset.done @!p0 $0x0  }
0x581: {  	[sflag:s0] =	ssyncadd.s32 @!p0 s1  }
0x582: {  	[bflag:$0x3] =	sbarrier.arrive $0xFFFF  }
0x583: {  	_ =	shalt  }

</sc_bundles>
